<compile_context>
chip_gen: v7x
topology: tpu7x:2x2x1
jax: 0.10.2.dev20260603
libtpu: 0.0.44.dev20260713+nightly
codegen_flags: <defaults>
</compile_context>

<pallas_src>
import functools

import jax
import jax.numpy as jnp
from jax import lax
from jax.experimental import pallas as pl
from jax.experimental.pallas import tpu as pltpu
from jax.experimental.pallas import tpu_sc as plsc

N_ENT = 10000
N_EDGES = 320000
FEAT = 128

NC = 2
NS = 16
NW = NC * NS
CHUNK = 64
N_CHUNKS = 316
CH_A = 196
CH_B = N_CHUNKS - CH_A
E_PAD = CHUNK * N_CHUNKS * NS
AGG_ROWS = 10112
ROWS_PER_TILE = AGG_ROWS // NS
DEG_ROWS = 80
OUT_ROWS = AGG_ROWS + NS * DEG_ROWS


def _sc_body(idx_hbm, feat_hbm, rel_hbm, out_hbm,
             idx_v0, idx_v1,
             feat_v0, feat_v1, rel_v0, rel_v1, deg_v, agg_sh,
             sem_f0, sem_f1, sem_r0, sem_r1, sem_s0, sem_s1):
    cid = lax.axis_index("c")
    sid = lax.axis_index("s")
    w = cid * NS + sid

    idx_v = (idx_v0, idx_v1)
    feat_v = (feat_v0, feat_v1)
    rel_v = (rel_v0, rel_v1)
    sem_f = (sem_f0, sem_f1)
    sem_r = (sem_r0, sem_r1)
    sem_s = (sem_s0, sem_s1)

    zero16f = jnp.zeros((16,), jnp.float32)

    def zrow(r, _):
        for c in range(FEAT // 16):
            feat_v0[r, pl.ds(c * 16, 16)] = zero16f
        return 0
    lax.fori_loop(0, CHUNK, zrow, 0)
    base_row = sid * ROWS_PER_TILE
    for k in range(9):
        pltpu.sync_copy(feat_v0, agg_sh.at[pl.ds(base_row + k * CHUNK, CHUNK), :])
    pltpu.sync_copy(feat_v0.at[pl.ds(0, ROWS_PER_TILE - 9 * CHUNK), :],
                    agg_sh.at[pl.ds(base_row + 9 * CHUNK,
                                    ROWS_PER_TILE - 9 * CHUNK), :])

    def zdeg(r, _):
        for c in range(FEAT // 16):
            deg_v[r, pl.ds(c * 16, 16)] = zero16f
        return 0
    lax.fori_loop(0, DEG_ROWS, zdeg, 0)

    plsc.subcore_barrier()

    nch = lax.select(cid == 0, jnp.int32(CH_A), jnp.int32(CH_B))
    cbase = lax.select(cid == 0, sid * CH_A, NS * CH_A + sid * CH_B)

    def stage_in(i, p):
        pltpu.sync_copy(idx_hbm.at[cbase + i], idx_v[p])
        pltpu.async_copy(feat_hbm.at[idx_v[p].at[0]], feat_v[p], sem_f[p])
        pltpu.async_copy(rel_hbm.at[idx_v[p].at[1]], rel_v[p], sem_r[p])

    def wait_gathers(p):
        pltpu.make_async_copy(feat_hbm.at[idx_v[p].at[0]], feat_v[p],
                              sem_f[p]).wait()
        pltpu.make_async_copy(rel_hbm.at[idx_v[p].at[1]], rel_v[p],
                              sem_r[p]).wait()

    def wait_scatter(p):
        pltpu.make_async_copy(feat_v[p], agg_sh.at[idx_v[p].at[2]],
                              sem_s[p]).wait()

    def work(i, p):
        wait_gathers(p)

        def mrow(j, _):
            r = j * 8
            for dr in range(8):
                for c in range(FEAT // 16):
                    feat_v[p][r + dr, pl.ds(c * 16, 16)] = (
                        feat_v[p][r + dr, pl.ds(c * 16, 16)]
                        * rel_v[p][r + dr, pl.ds(c * 16, 16)])
            return 0
        lax.fori_loop(0, CHUNK // 8, mrow, 0)

        pltpu.async_copy(feat_v[p], agg_sh.at[idx_v[p].at[2]], sem_s[p], add=True)

        def drow(j, _):
            d16 = idx_v[p][2, pl.ds(j * 16, 16)]
            cnt, last = plsc.scan_count(d16)
            plsc.addupdate_scatter(
                deg_v,
                [lax.shift_right_logical(d16, 7),
                 lax.bitwise_and(d16, 127)],
                cnt.astype(jnp.float32), mask=last)
            return 0
        lax.fori_loop(0, CHUNK // 16, drow, 0)

    stage_in(0, 0)

    def outer(j, _):
        i0 = j * 2
        for p in (0, 1):
            i = i0 + p
            q = 1 - p

            @pl.when(i > 0)
            def _():
                wait_scatter(q)

            @pl.when(i < nch - 1)
            def _():
                stage_in(i + 1, q)

            work(i, p)
        return 0

    lax.fori_loop(0, lax.div(nch, jnp.int32(2)), outer, 0)
    wait_scatter(1)

    plsc.subcore_barrier()

    pltpu.sync_copy(agg_sh.at[pl.ds(base_row, ROWS_PER_TILE), :],
                    out_hbm.at[cid, pl.ds(base_row, ROWS_PER_TILE), :])

    plsc.subcore_barrier()

    stage = sid * DEG_ROWS
    pltpu.sync_copy(deg_v, agg_sh.at[pl.ds(stage, DEG_ROWS), :])
    pltpu.sync_copy(agg_sh.at[pl.ds(stage, DEG_ROWS), :],
                    out_hbm.at[cid, pl.ds(AGG_ROWS + stage, DEG_ROWS), :])


_sc_aggregate = functools.partial(
    pl.kernel,
    out_type=jax.ShapeDtypeStruct((NC, OUT_ROWS, FEAT), jnp.float32),
    mesh=plsc.VectorSubcoreMesh(core_axis_name="c", subcore_axis_name="s"),
    compiler_params=pltpu.CompilerParams(needs_layout_passes=False),
    scratch_types=(
        [pltpu.VMEM((3, CHUNK), jnp.int32)] * 2
        + [pltpu.VMEM((CHUNK, FEAT), jnp.float32)] * 4
        + [pltpu.VMEM((DEG_ROWS, FEAT), jnp.float32),
           pltpu.VMEM_SHARED((AGG_ROWS, FEAT), jnp.float32)]
        + [pltpu.SemaphoreType.DMA] * 6
    ),
)(_sc_body)


def _tc_body(part_ref, degs_ref, Wg_ref, bg_ref, W1_ref, b1_ref, g_ref,
             be_ref, W2_ref, b2_ref, out_ref):
    agg = part_ref[0, :N_ENT, :] + part_ref[1, :N_ENT, :]
    deg = jnp.sum(degs_ref[...], axis=1, keepdims=True)[:N_ENT]
    h = agg / jnp.maximum(deg, 1.0)
    h = jnp.dot(h, Wg_ref[...], preferred_element_type=jnp.float32,
                precision=lax.Precision.HIGHEST) + bg_ref[...]
    z = jnp.dot(h, W1_ref[...], preferred_element_type=jnp.float32,
                precision=lax.Precision.HIGHEST) + b1_ref[...]
    mean = jnp.mean(z, axis=0, keepdims=True)
    var = jnp.mean(jnp.square(z - mean), axis=0, keepdims=True)
    zn = g_ref[...] * (z - mean) / jnp.sqrt(var + 1e-5) + be_ref[...]
    zr = jnp.maximum(zn, 0.0)
    out_ref[...] = jnp.dot(zr, W2_ref[...], preferred_element_type=jnp.float32,
                           precision=lax.Precision.HIGHEST) + b2_ref[...]


def _tc_dense(partial, degs_t, W_gcn, b_gcn, Wp1, bp1, gamma, beta, Wp2, bp2):
    return pl.pallas_call(
        _tc_body,
        out_shape=jax.ShapeDtypeStruct((N_ENT, FEAT), jnp.float32),
    )(partial, degs_t, W_gcn, b_gcn, Wp1, bp1, gamma, beta, Wp2, bp2)


def kernel(initial_features, relation_embeddings, W_gcn, b_gcn, Wp1, bp1,
           gamma, beta, Wp2, bp2, edge_index, edge_type):
    src = edge_index[0].astype(jnp.int32)
    dst = edge_index[1].astype(jnp.int32)
    et = edge_type.astype(jnp.int32)
    pad = E_PAD - N_EDGES
    src = jnp.concatenate([src, jnp.zeros((pad,), jnp.int32)])
    dst = jnp.concatenate([dst, jnp.full((pad,), N_ENT, jnp.int32)])
    et = jnp.concatenate([et, jnp.zeros((pad,), jnp.int32)])
    idx = jnp.stack([src.reshape(-1, CHUNK), et.reshape(-1, CHUNK),
                     dst.reshape(-1, CHUNK)], axis=1)
    out = _sc_aggregate(idx, initial_features, relation_embeddings)
    partial = out[:, :AGG_ROWS, :]
    degs_t = out[:, AGG_ROWS:, :].reshape(NW, DEG_ROWS * FEAT).T
    return _tc_dense(partial, degs_t, W_gcn, b_gcn.reshape(1, FEAT), Wp1,
                     bp1.reshape(1, FEAT), gamma.reshape(1, FEAT),
                     beta.reshape(1, FEAT), Wp2, bp2.reshape(1, FEAT))

# --- scband reference (transcript-rebuilt; emitter-appended) ---
"""Pipeline reference for scband-decoupled-model-2662879724147 (READ-ONLY COPY).

The authoritative reference and input builder live on the scoring server;
editing this copy changes nothing except your own understanding.
"""

import jax, jax.numpy as jnp
import numpy as np

N_ENT = 10000
N_EDGES = 320000
TOTAL_RELS = 475
FEAT = 128
HID = 128
OUT = 128


def setup_inputs(seed: int = 0) -> dict:
    key = jax.random.key(seed)
    ks = jax.random.split(key, 12)
    edge_index = jax.random.randint(ks[0], (2, N_EDGES), 0, N_ENT, dtype=jnp.int64 if jax.config.jax_enable_x64 else jnp.int32)
    edge_type = jax.random.randint(ks[1], (N_EDGES,), 0, TOTAL_RELS, dtype=jnp.int64 if jax.config.jax_enable_x64 else jnp.int32)
    def xavier(k, shape):
        fan_in, fan_out = shape[0], shape[1]
        limit = float(np.sqrt(6.0 / (fan_in + fan_out)))
        return jax.random.uniform(k, shape, jnp.float32, -limit, limit)
    initial_features = xavier(ks[2], (N_ENT, FEAT))
    relation_embeddings = xavier(ks[3], (TOTAL_RELS, FEAT))
    W_gcn = xavier(ks[4], (FEAT, HID))
    b_gcn = jnp.zeros((HID,), jnp.float32)
    Wp1 = xavier(ks[5], (HID, HID))
    bp1 = jnp.zeros((HID,), jnp.float32)
    gamma = jnp.ones((HID,), jnp.float32)
    beta = jnp.zeros((HID,), jnp.float32)
    Wp2 = xavier(ks[6], (HID, OUT))
    bp2 = jnp.zeros((OUT,), jnp.float32)
    return {
        'initial_features': initial_features,
        'relation_embeddings': relation_embeddings,
        'W_gcn': W_gcn, 'b_gcn': b_gcn,
        'Wp1': Wp1, 'bp1': bp1,
        'gamma': gamma, 'beta': beta,
        'Wp2': Wp2, 'bp2': bp2,
        'edge_index': edge_index,
        'edge_type': edge_type,
    }


def reference(initial_features, relation_embeddings, W_gcn, b_gcn, Wp1, bp1, gamma, beta, Wp2, bp2, edge_index, edge_type):
    src = edge_index[0]
    dst = edge_index[1]
    # Relation-aware message: source features modulated by relation embedding
    msg = jnp.take(initial_features, src, axis=0) * jnp.take(relation_embeddings, edge_type, axis=0)
    agg = jax.ops.segment_sum(msg, dst, num_segments=N_ENT)
    deg = jax.ops.segment_sum(jnp.ones((msg.shape[0],), jnp.float32), dst, num_segments=N_ENT)
    h = agg / jnp.clip(deg, 1.0)[:, None]
    h = h @ W_gcn + b_gcn  # RelationGCNLayer linear
    # single struct layer -> no inter-layer activation/dropout applied
    # semantic projector: Linear -> BatchNorm1d (batch stats) -> ReLU -> Dropout(eval no-op) -> Linear
    z = h @ Wp1 + bp1
    mean = jnp.mean(z, axis=0)
    var = jnp.var(z, axis=0)
    z = gamma * (z - mean) / jnp.sqrt(var + 1e-5) + beta
    z = jax.nn.relu(z)
    out = z @ Wp2 + bp2
    return out

if __name__ == "__main__":
    import jax
    _d = setup_inputs()
    print(jax.jit(kernel)(*tuple(_d.values())))

</pallas_src>

<mosaic_0001>
#map = affine_map<(d0, d1) -> (0, 0, 0)>
#map1 = affine_map<(d0, d1) -> (0, 0)>
module attributes {stable_mosaic.version = 14 : i64} {
  func.func @_sc_body(%arg0: i32, %arg1: i32, %arg2: memref<5056x3x64xi32, #tpu.memory_space<hbm>>, %arg3: memref<10000x128xf32, #tpu.memory_space<hbm>>, %arg4: memref<475x128xf32, #tpu.memory_space<hbm>>, %arg5: memref<2x11392x128xf32, #tpu.memory_space<hbm>>, %arg6: memref<3x64xi32, #tpu.memory_space<vmem>>, %arg7: memref<3x64xi32, #tpu.memory_space<vmem>>, %arg8: memref<64x128xf32, #tpu.memory_space<vmem>>, %arg9: memref<64x128xf32, #tpu.memory_space<vmem>>, %arg10: memref<64x128xf32, #tpu.memory_space<vmem>>, %arg11: memref<64x128xf32, #tpu.memory_space<vmem>>, %arg12: memref<80x128xf32, #tpu.memory_space<vmem>>, %arg13: memref<10112x128xf32, #tpu.memory_space<vmem_shared>>, %arg14: memref<!tpu.dma_semaphore, #tpu.memory_space<semaphore_mem>>, %arg15: memref<!tpu.dma_semaphore, #tpu.memory_space<semaphore_mem>>, %arg16: memref<!tpu.dma_semaphore, #tpu.memory_space<semaphore_mem>>, %arg17: memref<!tpu.dma_semaphore, #tpu.memory_space<semaphore_mem>>, %arg18: memref<!tpu.dma_semaphore, #tpu.memory_space<semaphore_mem>>, %arg19: memref<!tpu.dma_semaphore, #tpu.memory_space<semaphore_mem>>) attributes {dimension_semantics = [#tpu.dimension_semantics<core_parallel>, #tpu.dimension_semantics<subcore_parallel>], iteration_bounds = array<i64: 2, 16>, scalar_prefetch = 0 : i64, scratch_operands = 14 : i64, tpu.core_type = #tpu.core_type<sc_vector_subcore>, window_params = [{transform_indices = #map}, {transform_indices = #map1}, {transform_indices = #map1}, {transform_indices = #map}]} {
    %mul3A = arith.constant 16 : i32
    %mul3A_0 = arith.muli %arg0, %mul3A : i32
    %add3A = arith.addi %mul3A_0, %arg1 : i32
    %broadcast_in_dim3A = arith.constant 0.000000e+00 : f32
    %broadcast_in_dim3A_1 = vector.broadcast %broadcast_in_dim3A : f32 to vector<16xf32>
    %scan3A = arith.constant 0 : i32
    %scan3A_2 = arith.constant 0 : i32
    %scan3A_3 = arith.constant 64 : i32
    %scan3A_4 = arith.addi %scan3A_2, %scan3A_3 : i32
    %scan3A_5 = arith.constant 1 : i32
    %scan3A_6 = scf.for %scan3A_88 = %scan3A_2 to %scan3A_4 step %scan3A_5 iter_args(%scan3A_89 = %scan3A) -> (i32)  : i32 {
      %swap3A = arith.index_cast %scan3A_88 : i32 to index
      %swap3A_90 = arith.constant 0 : index
      %swap3A_91 = tpu.vector_load %arg8[%swap3A, %swap3A_90] {strides = array<i32>} : memref<64x128xf32, #tpu.memory_space<vmem>>, vector<16xf32>,
      tpu.vector_store %arg8[%swap3A, %swap3A_90], %broadcast_in_dim3A_1 {strides = array<i32>} : memref<64x128xf32, #tpu.memory_space<vmem>>, vector<16xf32>,
      %swap3A_92 = arith.index_cast %scan3A_88 : i32 to index
      %swap3A_93 = arith.constant 16 : index
      %swap3A_94 = tpu.vector_load %arg8[%swap3A_92, %swap3A_93] {strides = array<i32>} : memref<64x128xf32, #tpu.memory_space<vmem>>, vector<16xf32>,
      tpu.vector_store %arg8[%swap3A_92, %swap3A_93], %broadcast_in_dim3A_1 {strides = array<i32>} : memref<64x128xf32, #tpu.memory_space<vmem>>, vector<16xf32>,
      %swap3A_95 = arith.index_cast %scan3A_88 : i32 to index
      %swap3A_96 = arith.constant 32 : index
      %swap3A_97 = tpu.vector_load %arg8[%swap3A_95, %swap3A_96] {strides = array<i32>} : memref<64x128xf32, #tpu.memory_space<vmem>>, vector<16xf32>,
      tpu.vector_store %arg8[%swap3A_95, %swap3A_96], %broadcast_in_dim3A_1 {strides = array<i32>} : memref<64x128xf32, #tpu.memory_space<vmem>>, vector<16xf32>,
      %swap3A_98 = arith.index_cast %scan3A_88 : i32 to index
      %swap3A_99 = arith.constant 48 : index
      %swap3A_100 = tpu.vector_load %arg8[%swap3A_98, %swap3A_99] {strides = array<i32>} : memref<64x128xf32, #tpu.memory_space<vmem>>, vector<16xf32>,
      tpu.vector_store %arg8[%swap3A_98, %swap3A_99], %broadcast_in_dim3A_1 {strides = array<i32>} : memref<64x128xf32, #tpu.memory_space<vmem>>, vector<16xf32>,
      %swap3A_101 = arith.index_cast %scan3A_88 : i32 to index
      %swap3A_102 = arith.constant 64 : index
      %swap3A_103 = tpu.vector_load %arg8[%swap3A_101, %swap3A_102] {strides = array<i32>} : memref<64x128xf32, #tpu.memory_space<vmem>>, vector<16xf32>,
      tpu.vector_store %arg8[%swap3A_101, %swap3A_102], %broadcast_in_dim3A_1 {strides = array<i32>} : memref<64x128xf32, #tpu.memory_space<vmem>>, vector<16xf32>,
      %swap3A_104 = arith.index_cast %scan3A_88 : i32 to index
      %swap3A_105 = arith.constant 80 : index
      %swap3A_106 = tpu.vector_load %arg8[%swap3A_104, %swap3A_105] {strides = array<i32>} : memref<64x128xf32, #tpu.memory_space<vmem>>, vector<16xf32>,
      tpu.vector_store %arg8[%swap3A_104, %swap3A_105], %broadcast_in_dim3A_1 {strides = array<i32>} : memref<64x128xf32, #tpu.memory_space<vmem>>, vector<16xf32>,
      %swap3A_107 = arith.index_cast %scan3A_88 : i32 to index
      %swap3A_108 = arith.constant 96 : index
      %swap3A_109 = tpu.vector_load %arg8[%swap3A_107, %swap3A_108] {strides = array<i32>} : memref<64x128xf32, #tpu.memory_space<vmem>>, vector<16xf32>,
      tpu.vector_store %arg8[%swap3A_107, %swap3A_108], %broadcast_in_dim3A_1 {strides = array<i32>} : memref<64x128xf32, #tpu.memory_space<vmem>>, vector<16xf32>,
      %swap3A_110 = arith.index_cast %scan3A_88 : i32 to index
      %swap3A_111 = arith.constant 112 : index
      %swap3A_112 = tpu.vector_load %arg8[%swap3A_110, %swap3A_111] {strides = array<i32>} : memref<64x128xf32, #tpu.memory_space<vmem>>, vector<16xf32>,
      tpu.vector_store %arg8[%swap3A_110, %swap3A_111], %broadcast_in_dim3A_1 {strides = array<i32>} : memref<64x128xf32, #tpu.memory_space<vmem>>, vector<16xf32>,
      %scan3A_113 = arith.constant 0 : i32
      scf.yield %scan3A_113 : i32
    }
    %scan3A_7 = arith.constant 64 : i32
    %mul3A_8 = arith.constant 632 : i32
    %mul3A_9 = arith.muli %arg1, %mul3A_8 : i32
    %add3A_10 = arith.constant 0 : i32
    %add3A_11 = arith.addi %mul3A_9, %add3A_10 : i32
    "tpu.region"() ({
      %run_scoped3A = tpu.sem_alloc : memref<!tpu.dma_semaphore, #tpu.memory_space<semaphore_mem>>
      %dma_start3A_88 = arith.constant 0 : i32
      %dma_start3A_89 = tpu.memref_slice %arg13[%add3A_11, %dma_start3A_88] : memref<10112x128xf32, #tpu.memory_space<vmem_shared>> -> memref<64x128xf32, #tpu.memory_space<vmem_shared>>
      %dma_start3A_90 = arith.constant 0 : i32
      %dma_start3A_91 = tpu.memref_slice %arg13[%add3A_11, %dma_start3A_90] : memref<10112x128xf32, #tpu.memory_space<vmem_shared>> -> memref<64x128xf32, #tpu.memory_space<vmem_shared>>
      tpu.enqueue_dma source(%arg8 : memref<64x128xf32, #tpu.memory_space<vmem>>) target(%dma_start3A_91 : memref<64x128xf32, #tpu.memory_space<vmem_shared>>) target_semaphore(%run_scoped3A : memref<!tpu.dma_semaphore, #tpu.memory_space<semaphore_mem>>)
      %dma_wait3A_92 = arith.constant 0 : i32
      %dma_wait3A_93 = tpu.memref_slice %arg13[%add3A_11, %dma_wait3A_92] : memref<10112x128xf32, #tpu.memory_space<vmem_shared>> -> memref<64x128xf32, #tpu.memory_space<vmem_shared>>
      %dma_wait3A_94 = arith.constant 0 : i32
      %dma_wait3A_95 = tpu.memref_slice %arg13[%add3A_11, %dma_wait3A_94] : memref<10112x128xf32, #tpu.memory_space<vmem_shared>> -> memref<64x128xf32, #tpu.memory_space<vmem_shared>>
      tpu.wait_dma2 semaphore(%run_scoped3A : memref<!tpu.dma_semaphore, #tpu.memory_space<semaphore_mem>>) src(%arg8 : memref<64x128xf32, #tpu.memory_space<vmem>>) dst(%dma_wait3A_95 : memref<64x128xf32, #tpu.memory_space<vmem_shared>>)
      tpu.yield
    }) : () -> ()
    %add3A_12 = arith.constant 64 : i32
    %add3A_13 = arith.addi %mul3A_9, %add3A_12 : i32
    "tpu.region"() ({
      %run_scoped3A = tpu.sem_alloc : memref<!tpu.dma_semaphore, #tpu.memory_space<semaphore_mem>>
      %dma_start3A_88 = arith.constant 0 : i32
      %dma_start3A_89 = tpu.memref_slice %arg13[%add3A_13, %dma_start3A_88] : memref<10112x128xf32, #tpu.memory_space<vmem_shared>> -> memref<64x128xf32, #tpu.memory_space<vmem_shared>>
      %dma_start3A_90 = arith.constant 0 : i32
      %dma_start3A_91 = tpu.memref_slice %arg13[%add3A_13, %dma_start3A_90] : memref<10112x128xf32, #tpu.memory_space<vmem_shared>> -> memref<64x128xf32, #tpu.memory_space<vmem_shared>>
      tpu.enqueue_dma source(%arg8 : memref<64x128xf32, #tpu.memory_space<vmem>>) target(%dma_start3A_91 : memref<64x128xf32, #tpu.memory_space<vmem_shared>>) target_semaphore(%run_scoped3A : memref<!tpu.dma_semaphore, #tpu.memory_space<semaphore_mem>>)
      %dma_wait3A_92 = arith.constant 0 : i32
      %dma_wait3A_93 = tpu.memref_slice %arg13[%add3A_13, %dma_wait3A_92] : memref<10112x128xf32, #tpu.memory_space<vmem_shared>> -> memref<64x128xf32, #tpu.memory_space<vmem_shared>>
      %dma_wait3A_94 = arith.constant 0 : i32
      %dma_wait3A_95 = tpu.memref_slice %arg13[%add3A_13, %dma_wait3A_94] : memref<10112x128xf32, #tpu.memory_space<vmem_shared>> -> memref<64x128xf32, #tpu.memory_space<vmem_shared>>
      tpu.wait_dma2 semaphore(%run_scoped3A : memref<!tpu.dma_semaphore, #tpu.memory_space<semaphore_mem>>) src(%arg8 : memref<64x128xf32, #tpu.memory_space<vmem>>) dst(%dma_wait3A_95 : memref<64x128xf32, #tpu.memory_space<vmem_shared>>)
      tpu.yield
    }) : () -> ()
    %add3A_14 = arith.constant 128 : i32
    %add3A_15 = arith.addi %mul3A_9, %add3A_14 : i32
    "tpu.region"() ({
      %run_scoped3A = tpu.sem_alloc : memref<!tpu.dma_semaphore, #tpu.memory_space<semaphore_mem>>
      %dma_start3A_88 = arith.constant 0 : i32
      %dma_start3A_89 = tpu.memref_slice %arg13[%add3A_15, %dma_start3A_88] : memref<10112x128xf32, #tpu.memory_space<vmem_shared>> -> memref<64x128xf32, #tpu.memory_space<vmem_shared>>
      %dma_start3A_90 = arith.constant 0 : i32
      %dma_start3A_91 = tpu.memref_slice %arg13[%add3A_15, %dma_start3A_90] : memref<10112x128xf32, #tpu.memory_space<vmem_shared>> -> memref<64x128xf32, #tpu.memory_space<vmem_shared>>
      tpu.enqueue_dma source(%arg8 : memref<64x128xf32, #tpu.memory_space<vmem>>) target(%dma_start3A_91 : memref<64x128xf32, #tpu.memory_space<vmem_shared>>) target_semaphore(%run_scoped3A : memref<!tpu.dma_semaphore, #tpu.memory_space<semaphore_mem>>)
      %dma_wait3A_92 = arith.constant 0 : i32
      %dma_wait3A_93 = tpu.memref_slice %arg13[%add3A_15, %dma_wait3A_92] : memref<10112x128xf32, #tpu.memory_space<vmem_shared>> -> memref<64x128xf32, #tpu.memory_space<vmem_shared>>
      %dma_wait3A_94 = arith.constant 0 : i32
      %dma_wait3A_95 = tpu.memref_slice %arg13[%add3A_15, %dma_wait3A_94] : memref<10112x128xf32, #tpu.memory_space<vmem_shared>> -> memref<64x128xf32, #tpu.memory_space<vmem_shared>>
      tpu.wait_dma2 semaphore(%run_scoped3A : memref<!tpu.dma_semaphore, #tpu.memory_space<semaphore_mem>>) src(%arg8 : memref<64x128xf32, #tpu.memory_space<vmem>>) dst(%dma_wait3A_95 : memref<64x128xf32, #tpu.memory_space<vmem_shared>>)
      tpu.yield
    }) : () -> ()
    %add3A_16 = arith.constant 192 : i32
    %add3A_17 = arith.addi %mul3A_9, %add3A_16 : i32
    "tpu.region"() ({
      %run_scoped3A = tpu.sem_alloc : memref<!tpu.dma_semaphore, #tpu.memory_space<semaphore_mem>>
      %dma_start3A_88 = arith.constant 0 : i32
      %dma_start3A_89 = tpu.memref_slice %arg13[%add3A_17, %dma_start3A_88] : memref<10112x128xf32, #tpu.memory_space<vmem_shared>> -> memref<64x128xf32, #tpu.memory_space<vmem_shared>>
      %dma_start3A_90 = arith.constant 0 : i32
      %dma_start3A_91 = tpu.memref_slice %arg13[%add3A_17, %dma_start3A_90] : memref<10112x128xf32, #tpu.memory_space<vmem_shared>> -> memref<64x128xf32, #tpu.memory_space<vmem_shared>>
      tpu.enqueue_dma source(%arg8 : memref<64x128xf32, #tpu.memory_space<vmem>>) target(%dma_start3A_91 : memref<64x128xf32, #tpu.memory_space<vmem_shared>>) target_semaphore(%run_scoped3A : memref<!tpu.dma_semaphore, #tpu.memory_space<semaphore_mem>>)
      %dma_wait3A_92 = arith.constant 0 : i32
      %dma_wait3A_93 = tpu.memref_slice %arg13[%add3A_17, %dma_wait3A_92] : memref<10112x128xf32, #tpu.memory_space<vmem_shared>> -> memref<64x128xf32, #tpu.memory_space<vmem_shared>>
      %dma_wait3A_94 = arith.constant 0 : i32
      %dma_wait3A_95 = tpu.memref_slice %arg13[%add3A_17, %dma_wait3A_94] : memref<10112x128xf32, #tpu.memory_space<vmem_shared>> -> memref<64x128xf32, #tpu.memory_space<vmem_shared>>
      tpu.wait_dma2 semaphore(%run_scoped3A : memref<!tpu.dma_semaphore, #tpu.memory_space<semaphore_mem>>) src(%arg8 : memref<64x128xf32, #tpu.memory_space<vmem>>) dst(%dma_wait3A_95 : memref<64x128xf32, #tpu.memory_space<vmem_shared>>)
      tpu.yield
    }) : () -> ()
    %add3A_18 = arith.constant 256 : i32
    %add3A_19 = arith.addi %mul3A_9, %add3A_18 : i32
    "tpu.region"() ({
      %run_scoped3A = tpu.sem_alloc : memref<!tpu.dma_semaphore, #tpu.memory_space<semaphore_mem>>
      %dma_start3A_88 = arith.constant 0 : i32
      %dma_start3A_89 = tpu.memref_slice %arg13[%add3A_19, %dma_start3A_88] : memref<10112x128xf32, #tpu.memory_space<vmem_shared>> -> memref<64x128xf32, #tpu.memory_space<vmem_shared>>
      %dma_start3A_90 = arith.constant 0 : i32
      %dma_start3A_91 = tpu.memref_slice %arg13[%add3A_19, %dma_start3A_90] : memref<10112x128xf32, #tpu.memory_space<vmem_shared>> -> memref<64x128xf32, #tpu.memory_space<vmem_shared>>
      tpu.enqueue_dma source(%arg8 : memref<64x128xf32, #tpu.memory_space<vmem>>) target(%dma_start3A_91 : memref<64x128xf32, #tpu.memory_space<vmem_shared>>) target_semaphore(%run_scoped3A : memref<!tpu.dma_semaphore, #tpu.memory_space<semaphore_mem>>)
      %dma_wait3A_92 = arith.constant 0 : i32
      %dma_wait3A_93 = tpu.memref_slice %arg13[%add3A_19, %dma_wait3A_92] : memref<10112x128xf32, #tpu.memory_space<vmem_shared>> -> memref<64x128xf32, #tpu.memory_space<vmem_shared>>
      %dma_wait3A_94 = arith.constant 0 : i32
      %dma_wait3A_95 = tpu.memref_slice %arg13[%add3A_19, %dma_wait3A_94] : memref<10112x128xf32, #tpu.memory_space<vmem_shared>> -> memref<64x128xf32, #tpu.memory_space<vmem_shared>>
      tpu.wait_dma2 semaphore(%run_scoped3A : memref<!tpu.dma_semaphore, #tpu.memory_space<semaphore_mem>>) src(%arg8 : memref<64x128xf32, #tpu.memory_space<vmem>>) dst(%dma_wait3A_95 : memref<64x128xf32, #tpu.memory_space<vmem_shared>>)
      tpu.yield
    }) : () -> ()
    %add3A_20 = arith.constant 320 : i32
    %add3A_21 = arith.addi %mul3A_9, %add3A_20 : i32
    "tpu.region"() ({
      %run_scoped3A = tpu.sem_alloc : memref<!tpu.dma_semaphore, #tpu.memory_space<semaphore_mem>>
      %dma_start3A_88 = arith.constant 0 : i32
      %dma_start3A_89 = tpu.memref_slice %arg13[%add3A_21, %dma_start3A_88] : memref<10112x128xf32, #tpu.memory_space<vmem_shared>> -> memref<64x128xf32, #tpu.memory_space<vmem_shared>>
      %dma_start3A_90 = arith.constant 0 : i32
      %dma_start3A_91 = tpu.memref_slice %arg13[%add3A_21, %dma_start3A_90] : memref<10112x128xf32, #tpu.memory_space<vmem_shared>> -> memref<64x128xf32, #tpu.memory_space<vmem_shared>>
      tpu.enqueue_dma source(%arg8 : memref<64x128xf32, #tpu.memory_space<vmem>>) target(%dma_start3A_91 : memref<64x128xf32, #tpu.memory_space<vmem_shared>>) target_semaphore(%run_scoped3A : memref<!tpu.dma_semaphore, #tpu.memory_space<semaphore_mem>>)
      %dma_wait3A_92 = arith.constant 0 : i32
      %dma_wait3A_93 = tpu.memref_slice %arg13[%add3A_21, %dma_wait3A_92] : memref<10112x128xf32, #tpu.memory_space<vmem_shared>> -> memref<64x128xf32, #tpu.memory_space<vmem_shared>>
      %dma_wait3A_94 = arith.constant 0 : i32
      %dma_wait3A_95 = tpu.memref_slice %arg13[%add3A_21, %dma_wait3A_94] : memref<10112x128xf32, #tpu.memory_space<vmem_shared>> -> memref<64x128xf32, #tpu.memory_space<vmem_shared>>
      tpu.wait_dma2 semaphore(%run_scoped3A : memref<!tpu.dma_semaphore, #tpu.memory_space<semaphore_mem>>) src(%arg8 : memref<64x128xf32, #tpu.memory_space<vmem>>) dst(%dma_wait3A_95 : memref<64x128xf32, #tpu.memory_space<vmem_shared>>)
      tpu.yield
    }) : () -> ()
    %add3A_22 = arith.constant 384 : i32
    %add3A_23 = arith.addi %mul3A_9, %add3A_22 : i32
    "tpu.region"() ({
      %run_scoped3A = tpu.sem_alloc : memref<!tpu.dma_semaphore, #tpu.memory_space<semaphore_mem>>
      %dma_start3A_88 = arith.constant 0 : i32
      %dma_start3A_89 = tpu.memref_slice %arg13[%add3A_23, %dma_start3A_88] : memref<10112x128xf32, #tpu.memory_space<vmem_shared>> -> memref<64x128xf32, #tpu.memory_space<vmem_shared>>
      %dma_start3A_90 = arith.constant 0 : i32
      %dma_start3A_91 = tpu.memref_slice %arg13[%add3A_23, %dma_start3A_90] : memref<10112x128xf32, #tpu.memory_space<vmem_shared>> -> memref<64x128xf32, #tpu.memory_space<vmem_shared>>
      tpu.enqueue_dma source(%arg8 : memref<64x128xf32, #tpu.memory_space<vmem>>) target(%dma_start3A_91 : memref<64x128xf32, #tpu.memory_space<vmem_shared>>) target_semaphore(%run_scoped3A : memref<!tpu.dma_semaphore, #tpu.memory_space<semaphore_mem>>)
      %dma_wait3A_92 = arith.constant 0 : i32
      %dma_wait3A_93 = tpu.memref_slice %arg13[%add3A_23, %dma_wait3A_92] : memref<10112x128xf32, #tpu.memory_space<vmem_shared>> -> memref<64x128xf32, #tpu.memory_space<vmem_shared>>
      %dma_wait3A_94 = arith.constant 0 : i32
      %dma_wait3A_95 = tpu.memref_slice %arg13[%add3A_23, %dma_wait3A_94] : memref<10112x128xf32, #tpu.memory_space<vmem_shared>> -> memref<64x128xf32, #tpu.memory_space<vmem_shared>>
      tpu.wait_dma2 semaphore(%run_scoped3A : memref<!tpu.dma_semaphore, #tpu.memory_space<semaphore_mem>>) src(%arg8 : memref<64x128xf32, #tpu.memory_space<vmem>>) dst(%dma_wait3A_95 : memref<64x128xf32, #tpu.memory_space<vmem_shared>>)
      tpu.yield
    }) : () -> ()
    %add3A_24 = arith.constant 448 : i32
    %add3A_25 = arith.addi %mul3A_9, %add3A_24 : i32
    "tpu.region"() ({
      %run_scoped3A = tpu.sem_alloc : memref<!tpu.dma_semaphore, #tpu.memory_space<semaphore_mem>>
      %dma_start3A_88 = arith.constant 0 : i32
      %dma_start3A_89 = tpu.memref_slice %arg13[%add3A_25, %dma_start3A_88] : memref<10112x128xf32, #tpu.memory_space<vmem_shared>> -> memref<64x128xf32, #tpu.memory_space<vmem_shared>>
      %dma_start3A_90 = arith.constant 0 : i32
      %dma_start3A_91 = tpu.memref_slice %arg13[%add3A_25, %dma_start3A_90] : memref<10112x128xf32, #tpu.memory_space<vmem_shared>> -> memref<64x128xf32, #tpu.memory_space<vmem_shared>>
      tpu.enqueue_dma source(%arg8 : memref<64x128xf32, #tpu.memory_space<vmem>>) target(%dma_start3A_91 : memref<64x128xf32, #tpu.memory_space<vmem_shared>>) target_semaphore(%run_scoped3A : memref<!tpu.dma_semaphore, #tpu.memory_space<semaphore_mem>>)
      %dma_wait3A_92 = arith.constant 0 : i32
      %dma_wait3A_93 = tpu.memref_slice %arg13[%add3A_25, %dma_wait3A_92] : memref<10112x128xf32, #tpu.memory_space<vmem_shared>> -> memref<64x128xf32, #tpu.memory_space<vmem_shared>>
      %dma_wait3A_94 = arith.constant 0 : i32
      %dma_wait3A_95 = tpu.memref_slice %arg13[%add3A_25, %dma_wait3A_94] : memref<10112x128xf32, #tpu.memory_space<vmem_shared>> -> memref<64x128xf32, #tpu.memory_space<vmem_shared>>
      tpu.wait_dma2 semaphore(%run_scoped3A : memref<!tpu.dma_semaphore, #tpu.memory_space<semaphore_mem>>) src(%arg8 : memref<64x128xf32, #tpu.memory_space<vmem>>) dst(%dma_wait3A_95 : memref<64x128xf32, #tpu.memory_space<vmem_shared>>)
      tpu.yield
    }) : () -> ()
    %add3A_26 = arith.constant 512 : i32
    %add3A_27 = arith.addi %mul3A_9, %add3A_26 : i32
    "tpu.region"() ({
      %run_scoped3A = tpu.sem_alloc : memref<!tpu.dma_semaphore, #tpu.memory_space<semaphore_mem>>
      %dma_start3A_88 = arith.constant 0 : i32
      %dma_start3A_89 = tpu.memref_slice %arg13[%add3A_27, %dma_start3A_88] : memref<10112x128xf32, #tpu.memory_space<vmem_shared>> -> memref<64x128xf32, #tpu.memory_space<vmem_shared>>
      %dma_start3A_90 = arith.constant 0 : i32
      %dma_start3A_91 = tpu.memref_slice %arg13[%add3A_27, %dma_start3A_90] : memref<10112x128xf32, #tpu.memory_space<vmem_shared>> -> memref<64x128xf32, #tpu.memory_space<vmem_shared>>
      tpu.enqueue_dma source(%arg8 : memref<64x128xf32, #tpu.memory_space<vmem>>) target(%dma_start3A_91 : memref<64x128xf32, #tpu.memory_space<vmem_shared>>) target_semaphore(%run_scoped3A : memref<!tpu.dma_semaphore, #tpu.memory_space<semaphore_mem>>)
      %dma_wait3A_92 = arith.constant 0 : i32
      %dma_wait3A_93 = tpu.memref_slice %arg13[%add3A_27, %dma_wait3A_92] : memref<10112x128xf32, #tpu.memory_space<vmem_shared>> -> memref<64x128xf32, #tpu.memory_space<vmem_shared>>
      %dma_wait3A_94 = arith.constant 0 : i32
      %dma_wait3A_95 = tpu.memref_slice %arg13[%add3A_27, %dma_wait3A_94] : memref<10112x128xf32, #tpu.memory_space<vmem_shared>> -> memref<64x128xf32, #tpu.memory_space<vmem_shared>>
      tpu.wait_dma2 semaphore(%run_scoped3A : memref<!tpu.dma_semaphore, #tpu.memory_space<semaphore_mem>>) src(%arg8 : memref<64x128xf32, #tpu.memory_space<vmem>>) dst(%dma_wait3A_95 : memref<64x128xf32, #tpu.memory_space<vmem_shared>>)
      tpu.yield
    }) : () -> ()
    %add3A_28 = arith.constant 576 : i32
    %add3A_29 = arith.addi %mul3A_9, %add3A_28 : i32
    "tpu.region"() ({
      %run_scoped3A = tpu.sem_alloc : memref<!tpu.dma_semaphore, #tpu.memory_space<semaphore_mem>>
      %dma_start3A_88 = arith.constant 0 : i32
      %dma_start3A_89 = arith.constant 0 : i32
      %dma_start3A_90 = tpu.memref_slice %arg8[%dma_start3A_88, %dma_start3A_89] : memref<64x128xf32, #tpu.memory_space<vmem>> -> memref<56x128xf32, #tpu.memory_space<vmem>>
      %dma_start3A_91 = arith.constant 0 : i32
      %dma_start3A_92 = tpu.memref_slice %arg13[%add3A_29, %dma_start3A_91] : memref<10112x128xf32, #tpu.memory_space<vmem_shared>> -> memref<56x128xf32, #tpu.memory_space<vmem_shared>>
      %dma_start3A_93 = arith.constant 0 : i32
      %dma_start3A_94 = tpu.memref_slice %arg13[%add3A_29, %dma_start3A_93] : memref<10112x128xf32, #tpu.memory_space<vmem_shared>> -> memref<56x128xf32, #tpu.memory_space<vmem_shared>>
      %dma_start3A_95 = arith.constant 0 : i32
      %dma_start3A_96 = arith.constant 0 : i32
      %dma_start3A_97 = tpu.memref_slice %arg8[%dma_start3A_95, %dma_start3A_96] : memref<64x128xf32, #tpu.memory_space<vmem>> -> memref<56x128xf32, #tpu.memory_space<vmem>>
      tpu.enqueue_dma source(%dma_start3A_97 : memref<56x128xf32, #tpu.memory_space<vmem>>) target(%dma_start3A_94 : memref<56x128xf32, #tpu.memory_space<vmem_shared>>) target_semaphore(%run_scoped3A : memref<!tpu.dma_semaphore, #tpu.memory_space<semaphore_mem>>)
      %dma_wait3A_98 = arith.constant 0 : i32
      %dma_wait3A_99 = arith.constant 0 : i32
      %dma_wait3A_100 = tpu.memref_slice %arg8[%dma_wait3A_98, %dma_wait3A_99] : memref<64x128xf32, #tpu.memory_space<vmem>> -> memref<56x128xf32, #tpu.memory_space<vmem>>
      %dma_wait3A_101 = arith.constant 0 : i32
      %dma_wait3A_102 = tpu.memref_slice %arg13[%add3A_29, %dma_wait3A_101] : memref<10112x128xf32, #tpu.memory_space<vmem_shared>> -> memref<56x128xf32, #tpu.memory_space<vmem_shared>>
      %dma_wait3A_103 = arith.constant 0 : i32
      %dma_wait3A_104 = tpu.memref_slice %arg13[%add3A_29, %dma_wait3A_103] : memref<10112x128xf32, #tpu.memory_space<vmem_shared>> -> memref<56x128xf32, #tpu.memory_space<vmem_shared>>
      %dma_wait3A_105 = arith.constant 0 : i32
      %dma_wait3A_106 = arith.constant 0 : i32
      %dma_wait3A_107 = tpu.memref_slice %arg8[%dma_wait3A_105, %dma_wait3A_106] : memref<64x128xf32, #tpu.memory_space<vmem>> -> memref<56x128xf32, #tpu.memory_space<vmem>>
      tpu.wait_dma2 semaphore(%run_scoped3A : memref<!tpu.dma_semaphore, #tpu.memory_space<semaphore_mem>>) src(%dma_wait3A_107 : memref<56x128xf32, #tpu.memory_space<vmem>>) dst(%dma_wait3A_104 : memref<56x128xf32, #tpu.memory_space<vmem_shared>>)
      tpu.yield
    }) : () -> ()
    %scan3A_30 = arith.constant 0 : i32
    %scan3A_31 = arith.constant 0 : i32
    %scan3A_32 = arith.constant 80 : i32
    %scan3A_33 = arith.addi %scan3A_31, %scan3A_32 : i32
    %scan3A_34 = arith.constant 1 : i32
    %scan3A_35 = scf.for %scan3A_88 = %scan3A_31 to %scan3A_33 step %scan3A_34 iter_args(%scan3A_89 = %scan3A_30) -> (i32)  : i32 {
      %swap3A = arith.index_cast %scan3A_88 : i32 to index
      %swap3A_90 = arith.constant 0 : index
      %swap3A_91 = tpu.vector_load %arg12[%swap3A, %swap3A_90] {strides = array<i32>} : memref<80x128xf32, #tpu.memory_space<vmem>>, vector<16xf32>,
      tpu.vector_store %arg12[%swap3A, %swap3A_90], %broadcast_in_dim3A_1 {strides = array<i32>} : memref<80x128xf32, #tpu.memory_space<vmem>>, vector<16xf32>,
      %swap3A_92 = arith.index_cast %scan3A_88 : i32 to index
      %swap3A_93 = arith.constant 16 : index
      %swap3A_94 = tpu.vector_load %arg12[%swap3A_92, %swap3A_93] {strides = array<i32>} : memref<80x128xf32, #tpu.memory_space<vmem>>, vector<16xf32>,
      tpu.vector_store %arg12[%swap3A_92, %swap3A_93], %broadcast_in_dim3A_1 {strides = array<i32>} : memref<80x128xf32, #tpu.memory_space<vmem>>, vector<16xf32>,
      %swap3A_95 = arith.index_cast %scan3A_88 : i32 to index
      %swap3A_96 = arith.constant 32 : index
      %swap3A_97 = tpu.vector_load %arg12[%swap3A_95, %swap3A_96] {strides = array<i32>} : memref<80x128xf32, #tpu.memory_space<vmem>>, vector<16xf32>,
      tpu.vector_store %arg12[%swap3A_95, %swap3A_96], %broadcast_in_dim3A_1 {strides = array<i32>} : memref<80x128xf32, #tpu.memory_space<vmem>>, vector<16xf32>,
      %swap3A_98 = arith.index_cast %scan3A_88 : i32 to index
      %swap3A_99 = arith.constant 48 : index
      %swap3A_100 = tpu.vector_load %arg12[%swap3A_98, %swap3A_99] {strides = array<i32>} : memref<80x128xf32, #tpu.memory_space<vmem>>, vector<16xf32>,
      tpu.vector_store %arg12[%swap3A_98, %swap3A_99], %broadcast_in_dim3A_1 {strides = array<i32>} : memref<80x128xf32, #tpu.memory_space<vmem>>, vector<16xf32>,
      %swap3A_101 = arith.index_cast %scan3A_88 : i32 to index
      %swap3A_102 = arith.constant 64 : index
      %swap3A_103 = tpu.vector_load %arg12[%swap3A_101, %swap3A_102] {strides = array<i32>} : memref<80x128xf32, #tpu.memory_space<vmem>>, vector<16xf32>,
      tpu.vector_store %arg12[%swap3A_101, %swap3A_102], %broadcast_in_dim3A_1 {strides = array<i32>} : memref<80x128xf32, #tpu.memory_space<vmem>>, vector<16xf32>,
      %swap3A_104 = arith.index_cast %scan3A_88 : i32 to index
      %swap3A_105 = arith.constant 80 : index
      %swap3A_106 = tpu.vector_load %arg12[%swap3A_104, %swap3A_105] {strides = array<i32>} : memref<80x128xf32, #tpu.memory_space<vmem>>, vector<16xf32>,
      tpu.vector_store %arg12[%swap3A_104, %swap3A_105], %broadcast_in_dim3A_1 {strides = array<i32>} : memref<80x128xf32, #tpu.memory_space<vmem>>, vector<16xf32>,
      %swap3A_107 = arith.index_cast %scan3A_88 : i32 to index
      %swap3A_108 = arith.constant 96 : index
      %swap3A_109 = tpu.vector_load %arg12[%swap3A_107, %swap3A_108] {strides = array<i32>} : memref<80x128xf32, #tpu.memory_space<vmem>>, vector<16xf32>,
      tpu.vector_store %arg12[%swap3A_107, %swap3A_108], %broadcast_in_dim3A_1 {strides = array<i32>} : memref<80x128xf32, #tpu.memory_space<vmem>>, vector<16xf32>,
      %swap3A_110 = arith.index_cast %scan3A_88 : i32 to index
      %swap3A_111 = arith.constant 112 : index
      %swap3A_112 = tpu.vector_load %arg12[%swap3A_110, %swap3A_111] {strides = array<i32>} : memref<80x128xf32, #tpu.memory_space<vmem>>, vector<16xf32>,
      tpu.vector_store %arg12[%swap3A_110, %swap3A_111], %broadcast_in_dim3A_1 {strides = array<i32>} : memref<80x128xf32, #tpu.memory_space<vmem>>, vector<16xf32>,
      %scan3A_113 = arith.constant 0 : i32
      scf.yield %scan3A_113 : i32
    }
    %scan3A_36 = arith.constant 80 : i32
    %barrier3A = arith.constant 0 : index
    tpu.barrier barrier_id(%barrier3A)
    %eq3A = arith.constant 0 : i32
    %eq3A_37 = arith.cmpi eq, %arg0, %eq3A : i32
    %select_n3A = arith.constant 120 : i32
    %select_n3A_38 = arith.constant 196 : i32
    %select_n3A_39 = arith.select %eq3A_37, %select_n3A_38, %select_n3A : i32
    %eq3A_40 = arith.constant 0 : i32
    %eq3A_41 = arith.cmpi eq, %arg0, %eq3A_40 : i32
    %mul3A_42 = arith.constant 196 : i32
    %mul3A_43 = arith.muli %arg1, %mul3A_42 : i32
    %mul3A_44 = arith.constant 120 : i32
    %mul3A_45 = arith.muli %arg1, %mul3A_44 : i32
    %add3A_46 = arith.constant 3136 : i32
    %add3A_47 = arith.addi %add3A_46, %mul3A_45 : i32
    %select_n3A_48 = arith.select %eq3A_41, %mul3A_43, %add3A_47 : i32
    %add3A_49 = arith.constant 0 : i32
    %add3A_50 = arith.addi %select_n3A_48, %add3A_49 : i32
    "tpu.region"() ({
      %run_scoped3A = tpu.sem_alloc : memref<!tpu.dma_semaphore, #tpu.memory_space<semaphore_mem>>
      %dma_start3A_88 = arith.constant 0 : i32
      %dma_start3A_89 = arith.constant 0 : i32
      %dma_start3A_90 = tpu.memref_slice %arg2[%add3A_50, %dma_start3A_88, %dma_start3A_89] : memref<5056x3x64xi32, #tpu.memory_space<hbm>> -> memref<1x3x64xi32, #tpu.memory_space<hbm>>
      %dma_start3A_91 = tpu.memref_squeeze %dma_start3A_90 : memref<1x3x64xi32, #tpu.memory_space<hbm>> -> memref<3x64xi32, #tpu.memory_space<hbm>>
      %dma_start3A_92 = arith.constant 0 : i32
      %dma_start3A_93 = arith.constant 0 : i32
      %dma_start3A_94 = tpu.memref_slice %arg2[%add3A_50, %dma_start3A_92, %dma_start3A_93] : memref<5056x3x64xi32, #tpu.memory_space<hbm>> -> memref<1x3x64xi32, #tpu.memory_space<hbm>>
      %dma_start3A_95 = tpu.memref_squeeze %dma_start3A_94 : memref<1x3x64xi32, #tpu.memory_space<hbm>> -> memref<3x64xi32, #tpu.memory_space<hbm>>
      tpu.enqueue_dma source(%dma_start3A_95 : memref<3x64xi32, #tpu.memory_space<hbm>>) target(%arg6 : memref<3x64xi32, #tpu.memory_space<vmem>>) target_semaphore(%run_scoped3A : memref<!tpu.dma_semaphore, #tpu.memory_space<semaphore_mem>>)
      %dma_wait3A_96 = arith.constant 0 : i32
      %dma_wait3A_97 = arith.constant 0 : i32
      %dma_wait3A_98 = tpu.memref_slice %arg2[%add3A_50, %dma_wait3A_96, %dma_wait3A_97] : memref<5056x3x64xi32, #tpu.memory_space<hbm>> -> memref<1x3x64xi32, #tpu.memory_space<hbm>>
      %dma_wait3A_99 = tpu.memref_squeeze %dma_wait3A_98 : memref<1x3x64xi32, #tpu.memory_space<hbm>> -> memref<3x64xi32, #tpu.memory_space<hbm>>
      %dma_wait3A_100 = arith.constant 0 : i32
      %dma_wait3A_101 = arith.constant 0 : i32
      %dma_wait3A_102 = tpu.memref_slice %arg2[%add3A_50, %dma_wait3A_100, %dma_wait3A_101] : memref<5056x3x64xi32, #tpu.memory_space<hbm>> -> memref<1x3x64xi32, #tpu.memory_space<hbm>>
      %dma_wait3A_103 = tpu.memref_squeeze %dma_wait3A_102 : memref<1x3x64xi32, #tpu.memory_space<hbm>> -> memref<3x64xi32, #tpu.memory_space<hbm>>
      tpu.wait_dma2 semaphore(%run_scoped3A : memref<!tpu.dma_semaphore, #tpu.memory_space<semaphore_mem>>) src(%dma_wait3A_103 : memref<3x64xi32, #tpu.memory_space<hbm>>) dst(%arg6 : memref<3x64xi32, #tpu.memory_space<vmem>>)
      tpu.yield
    }) : () -> ()
    %dma_start3A = arith.constant 0 : i32
    %dma_start3A_51 = arith.constant 0 : i32
    %dma_start3A_52 = tpu.memref_slice %arg6[%dma_start3A, %dma_start3A_51] : memref<3x64xi32, #tpu.memory_space<vmem>> -> memref<1x64xi32, #tpu.memory_space<vmem>>
    %dma_start3A_53 = tpu.memref_squeeze %dma_start3A_52 : memref<1x64xi32, #tpu.memory_space<vmem>> -> memref<64xi32, #tpu.memory_space<vmem>>
    %dma_start3A_54 = arith.constant 0 : i32
    %dma_start3A_55 = arith.constant 0 : i32
    %dma_start3A_56 = tpu.memref_slice %arg3[%dma_start3A_54, %dma_start3A_55] : memref<10000x128xf32, #tpu.memory_space<hbm>> -> memref<10000x128xf32, #tpu.memory_space<hbm>>
    tpu.enqueue_indirect_dma source(%dma_start3A_56 : memref<10000x128xf32, #tpu.memory_space<hbm>>) target(%arg8 : memref<64x128xf32, #tpu.memory_space<vmem>>) offsets(%dma_start3A_53 : memref<64xi32, #tpu.memory_space<vmem>>) semaphore(%arg14 : memref<!tpu.dma_semaphore, #tpu.memory_space<semaphore_mem>>)
    %dma_start3A_57 = arith.constant 1 : i32
    %dma_start3A_58 = arith.constant 0 : i32
    %dma_start3A_59 = tpu.memref_slice %arg6[%dma_start3A_57, %dma_start3A_58] : memref<3x64xi32, #tpu.memory_space<vmem>> -> memref<1x64xi32, #tpu.memory_space<vmem>>
    %dma_start3A_60 = tpu.memref_squeeze %dma_start3A_59 : memref<1x64xi32, #tpu.memory_space<vmem>> -> memref<64xi32, #tpu.memory_space<vmem>>
    %dma_start3A_61 = arith.constant 0 : i32
    %dma_start3A_62 = arith.constant 0 : i32
    %dma_start3A_63 = tpu.memref_slice %arg4[%dma_start3A_61, %dma_start3A_62] : memref<475x128xf32, #tpu.memory_space<hbm>> -> memref<475x128xf32, #tpu.memory_space<hbm>>
    tpu.enqueue_indirect_dma source(%dma_start3A_63 : memref<475x128xf32, #tpu.memory_space<hbm>>) target(%arg10 : memref<64x128xf32, #tpu.memory_space<vmem>>) offsets(%dma_start3A_60 : memref<64xi32, #tpu.memory_space<vmem>>) semaphore(%arg16 : memref<!tpu.dma_semaphore, #tpu.memory_space<semaphore_mem>>)
    %div3A = arith.constant 2 : i32
    %div3A_64 = arith.divsi %select_n3A_39, %div3A : i32
    %while3A = arith.constant 0 : i32
    %while3A_65 = arith.constant 0 : i32
    %while3A_66 = arith.subi %div3A_64, %while3A : i32
    %while3A_67 = arith.addi %while3A, %while3A_66 : i32
    %while3A_68 = arith.constant 1 : i32
    %while3A_69 = arith.divsi %while3A_66, %while3A_68 : i32
    %while3A_70 = arith.muli %while3A_69, %while3A_68 : i32
    %while3A_71 = arith.addi %while3A, %while3A_70 : i32
    %while3A_72 = arith.constant 1 : i32
    %while3A_73 = scf.for %while3A_88 = %while3A to %while3A_71 step %while3A_72 iter_args(%while3A_89 = %while3A_65) -> (i32)  : i32 {
      %mul3A_90 = arith.constant 2 : i32
      %mul3A_91 = arith.muli %while3A_88, %mul3A_90 : i32
      %add3A_92 = arith.constant 0 : i32
      %add3A_93 = arith.addi %mul3A_91, %add3A_92 : i32
      %gt3A = arith.constant 0 : i32
      %gt3A_94 = arith.cmpi sgt, %add3A_93, %gt3A : i32
      %convert_element_type3A = arith.extui %gt3A_94 : i1 to i32
      %cond3A = arith.constant 0 : i32
      %cond3A_95 = arith.cmpi ne, %convert_element_type3A, %cond3A : i32
      scf.if %cond3A_95 {
        %dma_wait3A_184 = arith.constant 2 : i32
        %dma_wait3A_185 = arith.constant 0 : i32
        %dma_wait3A_186 = tpu.memref_slice %arg7[%dma_wait3A_184, %dma_wait3A_185] : memref<3x64xi32, #tpu.memory_space<vmem>> -> memref<1x64xi32, #tpu.memory_space<vmem>>
        %dma_wait3A_187 = tpu.memref_squeeze %dma_wait3A_186 : memref<1x64xi32, #tpu.memory_space<vmem>> -> memref<64xi32, #tpu.memory_space<vmem>>
        %dma_wait3A_188 = arith.constant 0 : i32
        %dma_wait3A_189 = arith.constant 0 : i32
        %dma_wait3A_190 = tpu.memref_slice %arg13[%dma_wait3A_188, %dma_wait3A_189] : memref<10112x128xf32, #tpu.memory_space<vmem_shared>> -> memref<10112x128xf32, #tpu.memory_space<vmem_shared>>
        tpu.wait_indirect_dma semaphore(%arg19 : memref<!tpu.dma_semaphore, #tpu.memory_space<semaphore_mem>>) src(%arg9 : memref<64x128xf32, #tpu.memory_space<vmem>>) dst(%dma_wait3A_190 : memref<10112x128xf32, #tpu.memory_space<vmem_shared>>)
      } else {
      }
      %sub3A = arith.constant 1 : i32
      %sub3A_96 = arith.subi %select_n3A_39, %sub3A : i32
      %lt3A = arith.cmpi slt, %add3A_93, %sub3A_96 : i32
      %convert_element_type3A_97 = arith.extui %lt3A : i1 to i32
      %cond3A_98 = arith.constant 0 : i32
      %cond3A_99 = arith.cmpi ne, %convert_element_type3A_97, %cond3A_98 : i32
      scf.if %cond3A_99 {
        %add3A_184 = arith.constant 1 : i32
        %add3A_185 = arith.addi %add3A_93, %add3A_184 : i32
        %add3A_186 = arith.addi %select_n3A_48, %add3A_185 : i32
        "tpu.region"() ({
          %run_scoped3A = tpu.sem_alloc : memref<!tpu.dma_semaphore, #tpu.memory_space<semaphore_mem>>
          %dma_start3A_201 = arith.constant 0 : i32
          %dma_start3A_202 = arith.constant 0 : i32
          %dma_start3A_203 = tpu.memref_slice %arg2[%add3A_186, %dma_start3A_201, %dma_start3A_202] : memref<5056x3x64xi32, #tpu.memory_space<hbm>> -> memref<1x3x64xi32, #tpu.memory_space<hbm>>
          %dma_start3A_204 = tpu.memref_squeeze %dma_start3A_203 : memref<1x3x64xi32, #tpu.memory_space<hbm>> -> memref<3x64xi32, #tpu.memory_space<hbm>>
          %dma_start3A_205 = arith.constant 0 : i32
          %dma_start3A_206 = arith.constant 0 : i32
          %dma_start3A_207 = tpu.memref_slice %arg2[%add3A_186, %dma_start3A_205, %dma_start3A_206] : memref<5056x3x64xi32, #tpu.memory_space<hbm>> -> memref<1x3x64xi32, #tpu.memory_space<hbm>>
          %dma_start3A_208 = tpu.memref_squeeze %dma_start3A_207 : memref<1x3x64xi32, #tpu.memory_space<hbm>> -> memref<3x64xi32, #tpu.memory_space<hbm>>
          tpu.enqueue_dma source(%dma_start3A_208 : memref<3x64xi32, #tpu.memory_space<hbm>>) target(%arg7 : memref<3x64xi32, #tpu.memory_space<vmem>>) target_semaphore(%run_scoped3A : memref<!tpu.dma_semaphore, #tpu.memory_space<semaphore_mem>>)
          %dma_wait3A_209 = arith.constant 0 : i32
          %dma_wait3A_210 = arith.constant 0 : i32
          %dma_wait3A_211 = tpu.memref_slice %arg2[%add3A_186, %dma_wait3A_209, %dma_wait3A_210] : memref<5056x3x64xi32, #tpu.memory_space<hbm>> -> memref<1x3x64xi32, #tpu.memory_space<hbm>>
          %dma_wait3A_212 = tpu.memref_squeeze %dma_wait3A_211 : memref<1x3x64xi32, #tpu.memory_space<hbm>> -> memref<3x64xi32, #tpu.memory_space<hbm>>
          %dma_wait3A_213 = arith.constant 0 : i32
          %dma_wait3A_214 = arith.constant 0 : i32
          %dma_wait3A_215 = tpu.memref_slice %arg2[%add3A_186, %dma_wait3A_213, %dma_wait3A_214] : memref<5056x3x64xi32, #tpu.memory_space<hbm>> -> memref<1x3x64xi32, #tpu.memory_space<hbm>>
          %dma_wait3A_216 = tpu.memref_squeeze %dma_wait3A_215 : memref<1x3x64xi32, #tpu.memory_space<hbm>> -> memref<3x64xi32, #tpu.memory_space<hbm>>
          tpu.wait_dma2 semaphore(%run_scoped3A : memref<!tpu.dma_semaphore, #tpu.memory_space<semaphore_mem>>) src(%dma_wait3A_216 : memref<3x64xi32, #tpu.memory_space<hbm>>) dst(%arg7 : memref<3x64xi32, #tpu.memory_space<vmem>>)
          tpu.yield
        }) : () -> ()
        %dma_start3A_187 = arith.constant 0 : i32
        %dma_start3A_188 = arith.constant 0 : i32
        %dma_start3A_189 = tpu.memref_slice %arg7[%dma_start3A_187, %dma_start3A_188] : memref<3x64xi32, #tpu.memory_space<vmem>> -> memref<1x64xi32, #tpu.memory_space<vmem>>
        %dma_start3A_190 = tpu.memref_squeeze %dma_start3A_189 : memref<1x64xi32, #tpu.memory_space<vmem>> -> memref<64xi32, #tpu.memory_space<vmem>>
        %dma_start3A_191 = arith.constant 0 : i32
        %dma_start3A_192 = arith.constant 0 : i32
        %dma_start3A_193 = tpu.memref_slice %arg3[%dma_start3A_191, %dma_start3A_192] : memref<10000x128xf32, #tpu.memory_space<hbm>> -> memref<10000x128xf32, #tpu.memory_space<hbm>>
        tpu.enqueue_indirect_dma source(%dma_start3A_193 : memref<10000x128xf32, #tpu.memory_space<hbm>>) target(%arg9 : memref<64x128xf32, #tpu.memory_space<vmem>>) offsets(%dma_start3A_190 : memref<64xi32, #tpu.memory_space<vmem>>) semaphore(%arg15 : memref<!tpu.dma_semaphore, #tpu.memory_space<semaphore_mem>>)
        %dma_start3A_194 = arith.constant 1 : i32
        %dma_start3A_195 = arith.constant 0 : i32
        %dma_start3A_196 = tpu.memref_slice %arg7[%dma_start3A_194, %dma_start3A_195] : memref<3x64xi32, #tpu.memory_space<vmem>> -> memref<1x64xi32, #tpu.memory_space<vmem>>
        %dma_start3A_197 = tpu.memref_squeeze %dma_start3A_196 : memref<1x64xi32, #tpu.memory_space<vmem>> -> memref<64xi32, #tpu.memory_space<vmem>>
        %dma_start3A_198 = arith.constant 0 : i32
        %dma_start3A_199 = arith.constant 0 : i32
        %dma_start3A_200 = tpu.memref_slice %arg4[%dma_start3A_198, %dma_start3A_199] : memref<475x128xf32, #tpu.memory_space<hbm>> -> memref<475x128xf32, #tpu.memory_space<hbm>>
        tpu.enqueue_indirect_dma source(%dma_start3A_200 : memref<475x128xf32, #tpu.memory_space<hbm>>) target(%arg11 : memref<64x128xf32, #tpu.memory_space<vmem>>) offsets(%dma_start3A_197 : memref<64xi32, #tpu.memory_space<vmem>>) semaphore(%arg17 : memref<!tpu.dma_semaphore, #tpu.memory_space<semaphore_mem>>)
      } else {
      }
      %dma_wait3A_100 = arith.constant 0 : i32
      %dma_wait3A_101 = arith.constant 0 : i32
      %dma_wait3A_102 = tpu.memref_slice %arg6[%dma_wait3A_100, %dma_wait3A_101] : memref<3x64xi32, #tpu.memory_space<vmem>> -> memref<1x64xi32, #tpu.memory_space<vmem>>
      %dma_wait3A_103 = tpu.memref_squeeze %dma_wait3A_102 : memref<1x64xi32, #tpu.memory_space<vmem>> -> memref<64xi32, #tpu.memory_space<vmem>>
      %dma_wait3A_104 = arith.constant 0 : i32
      %dma_wait3A_105 = arith.constant 0 : i32
      %dma_wait3A_106 = tpu.memref_slice %arg3[%dma_wait3A_104, %dma_wait3A_105] : memref<10000x128xf32, #tpu.memory_space<hbm>> -> memref<10000x128xf32, #tpu.memory_space<hbm>>
      tpu.wait_indirect_dma semaphore(%arg14 : memref<!tpu.dma_semaphore, #tpu.memory_space<semaphore_mem>>) src(%dma_wait3A_106 : memref<10000x128xf32, #tpu.memory_space<hbm>>) dst(%arg8 : memref<64x128xf32, #tpu.memory_space<vmem>>)
      %dma_wait3A_107 = arith.constant 1 : i32
      %dma_wait3A_108 = arith.constant 0 : i32
      %dma_wait3A_109 = tpu.memref_slice %arg6[%dma_wait3A_107, %dma_wait3A_108] : memref<3x64xi32, #tpu.memory_space<vmem>> -> memref<1x64xi32, #tpu.memory_space<vmem>>
      %dma_wait3A_110 = tpu.memref_squeeze %dma_wait3A_109 : memref<1x64xi32, #tpu.memory_space<vmem>> -> memref<64xi32, #tpu.memory_space<vmem>>
      %dma_wait3A_111 = arith.constant 0 : i32
      %dma_wait3A_112 = arith.constant 0 : i32
      %dma_wait3A_113 = tpu.memref_slice %arg4[%dma_wait3A_111, %dma_wait3A_112] : memref<475x128xf32, #tpu.memory_space<hbm>> -> memref<475x128xf32, #tpu.memory_space<hbm>>
      tpu.wait_indirect_dma semaphore(%arg16 : memref<!tpu.dma_semaphore, #tpu.memory_space<semaphore_mem>>) src(%dma_wait3A_113 : memref<475x128xf32, #tpu.memory_space<hbm>>) dst(%arg10 : memref<64x128xf32, #tpu.memory_space<vmem>>)
      %scan3A_114 = arith.constant 0 : i32
      %scan3A_115 = arith.constant 0 : i32
      %scan3A_116 = arith.constant 8 : i32
      %scan3A_117 = arith.addi %scan3A_115, %scan3A_116 : i32
      %scan3A_118 = arith.constant 1 : i32
      %scan3A_119 = scf.for %scan3A_184 = %scan3A_115 to %scan3A_117 step %scan3A_118 iter_args(%scan3A_185 = %scan3A_114) -> (i32)  : i32 {
        %mul3A_186 = arith.constant 8 : i32
        %mul3A_187 = arith.muli %scan3A_184, %mul3A_186 : i32
        %add3A_188 = arith.constant 0 : i32
        %add3A_189 = arith.addi %mul3A_187, %add3A_188 : i32
        %get3A = arith.index_cast %add3A_189 : i32 to index
        %get3A_190 = arith.constant 0 : index
        %get3A_191 = tpu.vector_load %arg8[%get3A, %get3A_190] {strides = array<i32>} : memref<64x128xf32, #tpu.memory_space<vmem>>, vector<16xf32>,
        %add3A_192 = arith.constant 0 : i32
        %add3A_193 = arith.addi %mul3A_187, %add3A_192 : i32
        %get3A_194 = arith.index_cast %add3A_193 : i32 to index
        %get3A_195 = arith.constant 0 : index
        %get3A_196 = tpu.vector_load %arg10[%get3A_194, %get3A_195] {strides = array<i32>} : memref<64x128xf32, #tpu.memory_space<vmem>>, vector<16xf32>,
        %mul3A_197 = arith.mulf %get3A_191, %get3A_196 : vector<16xf32>
        %add3A_198 = arith.constant 0 : i32
        %add3A_199 = arith.addi %mul3A_187, %add3A_198 : i32
        %swap3A = arith.index_cast %add3A_199 : i32 to index
        %swap3A_200 = arith.constant 0 : index
        %swap3A_201 = tpu.vector_load %arg8[%swap3A, %swap3A_200] {strides = array<i32>} : memref<64x128xf32, #tpu.memory_space<vmem>>, vector<16xf32>,
        tpu.vector_store %arg8[%swap3A, %swap3A_200], %mul3A_197 {strides = array<i32>} : memref<64x128xf32, #tpu.memory_space<vmem>>, vector<16xf32>,
        %add3A_202 = arith.constant 0 : i32
        %add3A_203 = arith.addi %mul3A_187, %add3A_202 : i32
        %get3A_204 = arith.index_cast %add3A_203 : i32 to index
        %get3A_205 = arith.constant 16 : index
        %get3A_206 = tpu.vector_load %arg8[%get3A_204, %get3A_205] {strides = array<i32>} : memref<64x128xf32, #tpu.memory_space<vmem>>, vector<16xf32>,
        %add3A_207 = arith.constant 0 : i32
        %add3A_208 = arith.addi %mul3A_187, %add3A_207 : i32
        %get3A_209 = arith.index_cast %add3A_208 : i32 to index
        %get3A_210 = arith.constant 16 : index
        %get3A_211 = tpu.vector_load %arg10[%get3A_209, %get3A_210] {strides = array<i32>} : memref<64x128xf32, #tpu.memory_space<vmem>>, vector<16xf32>,
        %mul3A_212 = arith.mulf %get3A_206, %get3A_211 : vector<16xf32>
        %add3A_213 = arith.constant 0 : i32
        %add3A_214 = arith.addi %mul3A_187, %add3A_213 : i32
        %swap3A_215 = arith.index_cast %add3A_214 : i32 to index
        %swap3A_216 = arith.constant 16 : index
        %swap3A_217 = tpu.vector_load %arg8[%swap3A_215, %swap3A_216] {strides = array<i32>} : memref<64x128xf32, #tpu.memory_space<vmem>>, vector<16xf32>,
        tpu.vector_store %arg8[%swap3A_215, %swap3A_216], %mul3A_212 {strides = array<i32>} : memref<64x128xf32, #tpu.memory_space<vmem>>, vector<16xf32>,
        %add3A_218 = arith.constant 0 : i32
        %add3A_219 = arith.addi %mul3A_187, %add3A_218 : i32
        %get3A_220 = arith.index_cast %add3A_219 : i32 to index
        %get3A_221 = arith.constant 32 : index
        %get3A_222 = tpu.vector_load %arg8[%get3A_220, %get3A_221] {strides = array<i32>} : memref<64x128xf32, #tpu.memory_space<vmem>>, vector<16xf32>,
        %add3A_223 = arith.constant 0 : i32
        %add3A_224 = arith.addi %mul3A_187, %add3A_223 : i32
        %get3A_225 = arith.index_cast %add3A_224 : i32 to index
        %get3A_226 = arith.constant 32 : index
        %get3A_227 = tpu.vector_load %arg10[%get3A_225, %get3A_226] {strides = array<i32>} : memref<64x128xf32, #tpu.memory_space<vmem>>, vector<16xf32>,
        %mul3A_228 = arith.mulf %get3A_222, %get3A_227 : vector<16xf32>
        %add3A_229 = arith.constant 0 : i32
        %add3A_230 = arith.addi %mul3A_187, %add3A_229 : i32
        %swap3A_231 = arith.index_cast %add3A_230 : i32 to index
        %swap3A_232 = arith.constant 32 : index
        %swap3A_233 = tpu.vector_load %arg8[%swap3A_231, %swap3A_232] {strides = array<i32>} : memref<64x128xf32, #tpu.memory_space<vmem>>, vector<16xf32>,
        tpu.vector_store %arg8[%swap3A_231, %swap3A_232], %mul3A_228 {strides = array<i32>} : memref<64x128xf32, #tpu.memory_space<vmem>>, vector<16xf32>,
        %add3A_234 = arith.constant 0 : i32
        %add3A_235 = arith.addi %mul3A_187, %add3A_234 : i32
        %get3A_236 = arith.index_cast %add3A_235 : i32 to index
        %get3A_237 = arith.constant 48 : index
        %get3A_238 = tpu.vector_load %arg8[%get3A_236, %get3A_237] {strides = array<i32>} : memref<64x128xf32, #tpu.memory_space<vmem>>, vector<16xf32>,
        %add3A_239 = arith.constant 0 : i32
        %add3A_240 = arith.addi %mul3A_187, %add3A_239 : i32
        %get3A_241 = arith.index_cast %add3A_240 : i32 to index
        %get3A_242 = arith.constant 48 : index
        %get3A_243 = tpu.vector_load %arg10[%get3A_241, %get3A_242] {strides = array<i32>} : memref<64x128xf32, #tpu.memory_space<vmem>>, vector<16xf32>,
        %mul3A_244 = arith.mulf %get3A_238, %get3A_243 : vector<16xf32>
        %add3A_245 = arith.constant 0 : i32
        %add3A_246 = arith.addi %mul3A_187, %add3A_245 : i32
        %swap3A_247 = arith.index_cast %add3A_246 : i32 to index
        %swap3A_248 = arith.constant 48 : index
        %swap3A_249 = tpu.vector_load %arg8[%swap3A_247, %swap3A_248] {strides = array<i32>} : memref<64x128xf32, #tpu.memory_space<vmem>>, vector<16xf32>,
        tpu.vector_store %arg8[%swap3A_247, %swap3A_248], %mul3A_244 {strides = array<i32>} : memref<64x128xf32, #tpu.memory_space<vmem>>, vector<16xf32>,
        %add3A_250 = arith.constant 0 : i32
        %add3A_251 = arith.addi %mul3A_187, %add3A_250 : i32
        %get3A_252 = arith.index_cast %add3A_251 : i32 to index
        %get3A_253 = arith.constant 64 : index
        %get3A_254 = tpu.vector_load %arg8[%get3A_252, %get3A_253] {strides = array<i32>} : memref<64x128xf32, #tpu.memory_space<vmem>>, vector<16xf32>,
        %add3A_255 = arith.constant 0 : i32
        %add3A_256 = arith.addi %mul3A_187, %add3A_255 : i32
        %get3A_257 = arith.index_cast %add3A_256 : i32 to index
        %get3A_258 = arith.constant 64 : index
        %get3A_259 = tpu.vector_load %arg10[%get3A_257, %get3A_258] {strides = array<i32>} : memref<64x128xf32, #tpu.memory_space<vmem>>, vector<16xf32>,
        %mul3A_260 = arith.mulf %get3A_254, %get3A_259 : vector<16xf32>
        %add3A_261 = arith.constant 0 : i32
        %add3A_262 = arith.addi %mul3A_187, %add3A_261 : i32
        %swap3A_263 = arith.index_cast %add3A_262 : i32 to index
        %swap3A_264 = arith.constant 64 : index
        %swap3A_265 = tpu.vector_load %arg8[%swap3A_263, %swap3A_264] {strides = array<i32>} : memref<64x128xf32, #tpu.memory_space<vmem>>, vector<16xf32>,
        tpu.vector_store %arg8[%swap3A_263, %swap3A_264], %mul3A_260 {strides = array<i32>} : memref<64x128xf32, #tpu.memory_space<vmem>>, vector<16xf32>,
        %add3A_266 = arith.constant 0 : i32
        %add3A_267 = arith.addi %mul3A_187, %add3A_266 : i32
        %get3A_268 = arith.index_cast %add3A_267 : i32 to index
        %get3A_269 = arith.constant 80 : index
        %get3A_270 = tpu.vector_load %arg8[%get3A_268, %get3A_269] {strides = array<i32>} : memref<64x128xf32, #tpu.memory_space<vmem>>, vector<16xf32>,
        %add3A_271 = arith.constant 0 : i32
        %add3A_272 = arith.addi %mul3A_187, %add3A_271 : i32
        %get3A_273 = arith.index_cast %add3A_272 : i32 to index
        %get3A_274 = arith.constant 80 : index
        %get3A_275 = tpu.vector_load %arg10[%get3A_273, %get3A_274] {strides = array<i32>} : memref<64x128xf32, #tpu.memory_space<vmem>>, vector<16xf32>,
        %mul3A_276 = arith.mulf %get3A_270, %get3A_275 : vector<16xf32>
        %add3A_277 = arith.constant 0 : i32
        %add3A_278 = arith.addi %mul3A_187, %add3A_277 : i32
        %swap3A_279 = arith.index_cast %add3A_278 : i32 to index
        %swap3A_280 = arith.constant 80 : index
        %swap3A_281 = tpu.vector_load %arg8[%swap3A_279, %swap3A_280] {strides = array<i32>} : memref<64x128xf32, #tpu.memory_space<vmem>>, vector<16xf32>,
        tpu.vector_store %arg8[%swap3A_279, %swap3A_280], %mul3A_276 {strides = array<i32>} : memref<64x128xf32, #tpu.memory_space<vmem>>, vector<16xf32>,
        %add3A_282 = arith.constant 0 : i32
        %add3A_283 = arith.addi %mul3A_187, %add3A_282 : i32
        %get3A_284 = arith.index_cast %add3A_283 : i32 to index
        %get3A_285 = arith.constant 96 : index
        %get3A_286 = tpu.vector_load %arg8[%get3A_284, %get3A_285] {strides = array<i32>} : memref<64x128xf32, #tpu.memory_space<vmem>>, vector<16xf32>,
        %add3A_287 = arith.constant 0 : i32
        %add3A_288 = arith.addi %mul3A_187, %add3A_287 : i32
        %get3A_289 = arith.index_cast %add3A_288 : i32 to index
        %get3A_290 = arith.constant 96 : index
        %get3A_291 = tpu.vector_load %arg10[%get3A_289, %get3A_290] {strides = array<i32>} : memref<64x128xf32, #tpu.memory_space<vmem>>, vector<16xf32>,
        %mul3A_292 = arith.mulf %get3A_286, %get3A_291 : vector<16xf32>
        %add3A_293 = arith.constant 0 : i32
        %add3A_294 = arith.addi %mul3A_187, %add3A_293 : i32
        %swap3A_295 = arith.index_cast %add3A_294 : i32 to index
        %swap3A_296 = arith.constant 96 : index
        %swap3A_297 = tpu.vector_load %arg8[%swap3A_295, %swap3A_296] {strides = array<i32>} : memref<64x128xf32, #tpu.memory_space<vmem>>, vector<16xf32>,
        tpu.vector_store %arg8[%swap3A_295, %swap3A_296], %mul3A_292 {strides = array<i32>} : memref<64x128xf32, #tpu.memory_space<vmem>>, vector<16xf32>,
        %add3A_298 = arith.constant 0 : i32
        %add3A_299 = arith.addi %mul3A_187, %add3A_298 : i32
        %get3A_300 = arith.index_cast %add3A_299 : i32 to index
        %get3A_301 = arith.constant 112 : index
        %get3A_302 = tpu.vector_load %arg8[%get3A_300, %get3A_301] {strides = array<i32>} : memref<64x128xf32, #tpu.memory_space<vmem>>, vector<16xf32>,
        %add3A_303 = arith.constant 0 : i32
        %add3A_304 = arith.addi %mul3A_187, %add3A_303 : i32
        %get3A_305 = arith.index_cast %add3A_304 : i32 to index
        %get3A_306 = arith.constant 112 : index
        %get3A_307 = tpu.vector_load %arg10[%get3A_305, %get3A_306] {strides = array<i32>} : memref<64x128xf32, #tpu.memory_space<vmem>>, vector<16xf32>,
        %mul3A_308 = arith.mulf %get3A_302, %get3A_307 : vector<16xf32>
        %add3A_309 = arith.constant 0 : i32
        %add3A_310 = arith.addi %mul3A_187, %add3A_309 : i32
        %swap3A_311 = arith.index_cast %add3A_310 : i32 to index
        %swap3A_312 = arith.constant 112 : index
        %swap3A_313 = tpu.vector_load %arg8[%swap3A_311, %swap3A_312] {strides = array<i32>} : memref<64x128xf32, #tpu.memory_space<vmem>>, vector<16xf32>,
        tpu.vector_store %arg8[%swap3A_311, %swap3A_312], %mul3A_308 {strides = array<i32>} : memref<64x128xf32, #tpu.memory_space<vmem>>, vector<16xf32>,
        %add3A_314 = arith.constant 1 : i32
        %add3A_315 = arith.addi %mul3A_187, %add3A_314 : i32
        %get3A_316 = arith.index_cast %add3A_315 : i32 to index
        %get3A_317 = arith.constant 0 : index
        %get3A_318 = tpu.vector_load %arg8[%get3A_316, %get3A_317] {strides = array<i32>} : memref<64x128xf32, #tpu.memory_space<vmem>>, vector<16xf32>,
        %add3A_319 = arith.constant 1 : i32
        %add3A_320 = arith.addi %mul3A_187, %add3A_319 : i32
        %get3A_321 = arith.index_cast %add3A_320 : i32 to index
        %get3A_322 = arith.constant 0 : index
        %get3A_323 = tpu.vector_load %arg10[%get3A_321, %get3A_322] {strides = array<i32>} : memref<64x128xf32, #tpu.memory_space<vmem>>, vector<16xf32>,
        %mul3A_324 = arith.mulf %get3A_318, %get3A_323 : vector<16xf32>
        %add3A_325 = arith.constant 1 : i32
        %add3A_326 = arith.addi %mul3A_187, %add3A_325 : i32
        %swap3A_327 = arith.index_cast %add3A_326 : i32 to index
        %swap3A_328 = arith.constant 0 : index
        %swap3A_329 = tpu.vector_load %arg8[%swap3A_327, %swap3A_328] {strides = array<i32>} : memref<64x128xf32, #tpu.memory_space<vmem>>, vector<16xf32>,
        tpu.vector_store %arg8[%swap3A_327, %swap3A_328], %mul3A_324 {strides = array<i32>} : memref<64x128xf32, #tpu.memory_space<vmem>>, vector<16xf32>,
        %add3A_330 = arith.constant 1 : i32
        %add3A_331 = arith.addi %mul3A_187, %add3A_330 : i32
        %get3A_332 = arith.index_cast %add3A_331 : i32 to index
        %get3A_333 = arith.constant 16 : index
        %get3A_334 = tpu.vector_load %arg8[%get3A_332, %get3A_333] {strides = array<i32>} : memref<64x128xf32, #tpu.memory_space<vmem>>, vector<16xf32>,
        %add3A_335 = arith.constant 1 : i32
        %add3A_336 = arith.addi %mul3A_187, %add3A_335 : i32
        %get3A_337 = arith.index_cast %add3A_336 : i32 to index
        %get3A_338 = arith.constant 16 : index
        %get3A_339 = tpu.vector_load %arg10[%get3A_337, %get3A_338] {strides = array<i32>} : memref<64x128xf32, #tpu.memory_space<vmem>>, vector<16xf32>,
        %mul3A_340 = arith.mulf %get3A_334, %get3A_339 : vector<16xf32>
        %add3A_341 = arith.constant 1 : i32
        %add3A_342 = arith.addi %mul3A_187, %add3A_341 : i32
        %swap3A_343 = arith.index_cast %add3A_342 : i32 to index
        %swap3A_344 = arith.constant 16 : index
        %swap3A_345 = tpu.vector_load %arg8[%swap3A_343, %swap3A_344] {strides = array<i32>} : memref<64x128xf32, #tpu.memory_space<vmem>>, vector<16xf32>,
        tpu.vector_store %arg8[%swap3A_343, %swap3A_344], %mul3A_340 {strides = array<i32>} : memref<64x128xf32, #tpu.memory_space<vmem>>, vector<16xf32>,
        %add3A_346 = arith.constant 1 : i32
        %add3A_347 = arith.addi %mul3A_187, %add3A_346 : i32
        %get3A_348 = arith.index_cast %add3A_347 : i32 to index
        %get3A_349 = arith.constant 32 : index
        %get3A_350 = tpu.vector_load %arg8[%get3A_348, %get3A_349] {strides = array<i32>} : memref<64x128xf32, #tpu.memory_space<vmem>>, vector<16xf32>,
        %add3A_351 = arith.constant 1 : i32
        %add3A_352 = arith.addi %mul3A_187, %add3A_351 : i32
        %get3A_353 = arith.index_cast %add3A_352 : i32 to index
        %get3A_354 = arith.constant 32 : index
        %get3A_355 = tpu.vector_load %arg10[%get3A_353, %get3A_354] {strides = array<i32>} : memref<64x128xf32, #tpu.memory_space<vmem>>, vector<16xf32>,
        %mul3A_356 = arith.mulf %get3A_350, %get3A_355 : vector<16xf32>
        %add3A_357 = arith.constant 1 : i32
        %add3A_358 = arith.addi %mul3A_187, %add3A_357 : i32
        %swap3A_359 = arith.index_cast %add3A_358 : i32 to index
        %swap3A_360 = arith.constant 32 : index
        %swap3A_361 = tpu.vector_load %arg8[%swap3A_359, %swap3A_360] {strides = array<i32>} : memref<64x128xf32, #tpu.memory_space<vmem>>, vector<16xf32>,
        tpu.vector_store %arg8[%swap3A_359, %swap3A_360], %mul3A_356 {strides = array<i32>} : memref<64x128xf32, #tpu.memory_space<vmem>>, vector<16xf32>,
        %add3A_362 = arith.constant 1 : i32
        %add3A_363 = arith.addi %mul3A_187, %add3A_362 : i32
        %get3A_364 = arith.index_cast %add3A_363 : i32 to index
        %get3A_365 = arith.constant 48 : index
        %get3A_366 = tpu.vector_load %arg8[%get3A_364, %get3A_365] {strides = array<i32>} : memref<64x128xf32, #tpu.memory_space<vmem>>, vector<16xf32>,
        %add3A_367 = arith.constant 1 : i32
        %add3A_368 = arith.addi %mul3A_187, %add3A_367 : i32
        %get3A_369 = arith.index_cast %add3A_368 : i32 to index
        %get3A_370 = arith.constant 48 : index
        %get3A_371 = tpu.vector_load %arg10[%get3A_369, %get3A_370] {strides = array<i32>} : memref<64x128xf32, #tpu.memory_space<vmem>>, vector<16xf32>,
        %mul3A_372 = arith.mulf %get3A_366, %get3A_371 : vector<16xf32>
        %add3A_373 = arith.constant 1 : i32
        %add3A_374 = arith.addi %mul3A_187, %add3A_373 : i32
        %swap3A_375 = arith.index_cast %add3A_374 : i32 to index
        %swap3A_376 = arith.constant 48 : index
        %swap3A_377 = tpu.vector_load %arg8[%swap3A_375, %swap3A_376] {strides = array<i32>} : memref<64x128xf32, #tpu.memory_space<vmem>>, vector<16xf32>,
        tpu.vector_store %arg8[%swap3A_375, %swap3A_376], %mul3A_372 {strides = array<i32>} : memref<64x128xf32, #tpu.memory_space<vmem>>, vector<16xf32>,
        %add3A_378 = arith.constant 1 : i32
        %add3A_379 = arith.addi %mul3A_187, %add3A_378 : i32
        %get3A_380 = arith.index_cast %add3A_379 : i32 to index
        %get3A_381 = arith.constant 64 : index
        %get3A_382 = tpu.vector_load %arg8[%get3A_380, %get3A_381] {strides = array<i32>} : memref<64x128xf32, #tpu.memory_space<vmem>>, vector<16xf32>,
        %add3A_383 = arith.constant 1 : i32
        %add3A_384 = arith.addi %mul3A_187, %add3A_383 : i32
        %get3A_385 = arith.index_cast %add3A_384 : i32 to index
        %get3A_386 = arith.constant 64 : index
        %get3A_387 = tpu.vector_load %arg10[%get3A_385, %get3A_386] {strides = array<i32>} : memref<64x128xf32, #tpu.memory_space<vmem>>, vector<16xf32>,
        %mul3A_388 = arith.mulf %get3A_382, %get3A_387 : vector<16xf32>
        %add3A_389 = arith.constant 1 : i32
        %add3A_390 = arith.addi %mul3A_187, %add3A_389 : i32
        %swap3A_391 = arith.index_cast %add3A_390 : i32 to index
        %swap3A_392 = arith.constant 64 : index
        %swap3A_393 = tpu.vector_load %arg8[%swap3A_391, %swap3A_392] {strides = array<i32>} : memref<64x128xf32, #tpu.memory_space<vmem>>, vector<16xf32>,
        tpu.vector_store %arg8[%swap3A_391, %swap3A_392], %mul3A_388 {strides = array<i32>} : memref<64x128xf32, #tpu.memory_space<vmem>>, vector<16xf32>,
        %add3A_394 = arith.constant 1 : i32
        %add3A_395 = arith.addi %mul3A_187, %add3A_394 : i32
        %get3A_396 = arith.index_cast %add3A_395 : i32 to index
        %get3A_397 = arith.constant 80 : index
        %get3A_398 = tpu.vector_load %arg8[%get3A_396, %get3A_397] {strides = array<i32>} : memref<64x128xf32, #tpu.memory_space<vmem>>, vector<16xf32>,
        %add3A_399 = arith.constant 1 : i32
        %add3A_400 = arith.addi %mul3A_187, %add3A_399 : i32
        %get3A_401 = arith.index_cast %add3A_400 : i32 to index
        %get3A_402 = arith.constant 80 : index
        %get3A_403 = tpu.vector_load %arg10[%get3A_401, %get3A_402] {strides = array<i32>} : memref<64x128xf32, #tpu.memory_space<vmem>>, vector<16xf32>,
        %mul3A_404 = arith.mulf %get3A_398, %get3A_403 : vector<16xf32>
        %add3A_405 = arith.constant 1 : i32
        %add3A_406 = arith.addi %mul3A_187, %add3A_405 : i32
        %swap3A_407 = arith.index_cast %add3A_406 : i32 to index
        %swap3A_408 = arith.constant 80 : index
        %swap3A_409 = tpu.vector_load %arg8[%swap3A_407, %swap3A_408] {strides = array<i32>} : memref<64x128xf32, #tpu.memory_space<vmem>>, vector<16xf32>,
        tpu.vector_store %arg8[%swap3A_407, %swap3A_408], %mul3A_404 {strides = array<i32>} : memref<64x128xf32, #tpu.memory_space<vmem>>, vector<16xf32>,
        %add3A_410 = arith.constant 1 : i32
        %add3A_411 = arith.addi %mul3A_187, %add3A_410 : i32
        %get3A_412 = arith.index_cast %add3A_411 : i32 to index
        %get3A_413 = arith.constant 96 : index
        %get3A_414 = tpu.vector_load %arg8[%get3A_412, %get3A_413] {strides = array<i32>} : memref<64x128xf32, #tpu.memory_space<vmem>>, vector<16xf32>,
        %add3A_415 = arith.constant 1 : i32
        %add3A_416 = arith.addi %mul3A_187, %add3A_415 : i32
        %get3A_417 = arith.index_cast %add3A_416 : i32 to index
        %get3A_418 = arith.constant 96 : index
        %get3A_419 = tpu.vector_load %arg10[%get3A_417, %get3A_418] {strides = array<i32>} : memref<64x128xf32, #tpu.memory_space<vmem>>, vector<16xf32>,
        %mul3A_420 = arith.mulf %get3A_414, %get3A_419 : vector<16xf32>
        %add3A_421 = arith.constant 1 : i32
        %add3A_422 = arith.addi %mul3A_187, %add3A_421 : i32
        %swap3A_423 = arith.index_cast %add3A_422 : i32 to index
        %swap3A_424 = arith.constant 96 : index
        %swap3A_425 = tpu.vector_load %arg8[%swap3A_423, %swap3A_424] {strides = array<i32>} : memref<64x128xf32, #tpu.memory_space<vmem>>, vector<16xf32>,
        tpu.vector_store %arg8[%swap3A_423, %swap3A_424], %mul3A_420 {strides = array<i32>} : memref<64x128xf32, #tpu.memory_space<vmem>>, vector<16xf32>,
        %add3A_426 = arith.constant 1 : i32
        %add3A_427 = arith.addi %mul3A_187, %add3A_426 : i32
        %get3A_428 = arith.index_cast %add3A_427 : i32 to index
        %get3A_429 = arith.constant 112 : index
        %get3A_430 = tpu.vector_load %arg8[%get3A_428, %get3A_429] {strides = array<i32>} : memref<64x128xf32, #tpu.memory_space<vmem>>, vector<16xf32>,
        %add3A_431 = arith.constant 1 : i32
        %add3A_432 = arith.addi %mul3A_187, %add3A_431 : i32
        %get3A_433 = arith.index_cast %add3A_432 : i32 to index
        %get3A_434 = arith.constant 112 : index
        %get3A_435 = tpu.vector_load %arg10[%get3A_433, %get3A_434] {strides = array<i32>} : memref<64x128xf32, #tpu.memory_space<vmem>>, vector<16xf32>,
        %mul3A_436 = arith.mulf %get3A_430, %get3A_435 : vector<16xf32>
        %add3A_437 = arith.constant 1 : i32
        %add3A_438 = arith.addi %mul3A_187, %add3A_437 : i32
        %swap3A_439 = arith.index_cast %add3A_438 : i32 to index
        %swap3A_440 = arith.constant 112 : index
        %swap3A_441 = tpu.vector_load %arg8[%swap3A_439, %swap3A_440] {strides = array<i32>} : memref<64x128xf32, #tpu.memory_space<vmem>>, vector<16xf32>,
        tpu.vector_store %arg8[%swap3A_439, %swap3A_440], %mul3A_436 {strides = array<i32>} : memref<64x128xf32, #tpu.memory_space<vmem>>, vector<16xf32>,
        %add3A_442 = arith.constant 2 : i32
        %add3A_443 = arith.addi %mul3A_187, %add3A_442 : i32
        %get3A_444 = arith.index_cast %add3A_443 : i32 to index
        %get3A_445 = arith.constant 0 : index
        %get3A_446 = tpu.vector_load %arg8[%get3A_444, %get3A_445] {strides = array<i32>} : memref<64x128xf32, #tpu.memory_space<vmem>>, vector<16xf32>,
        %add3A_447 = arith.constant 2 : i32
        %add3A_448 = arith.addi %mul3A_187, %add3A_447 : i32
        %get3A_449 = arith.index_cast %add3A_448 : i32 to index
        %get3A_450 = arith.constant 0 : index
        %get3A_451 = tpu.vector_load %arg10[%get3A_449, %get3A_450] {strides = array<i32>} : memref<64x128xf32, #tpu.memory_space<vmem>>, vector<16xf32>,
        %mul3A_452 = arith.mulf %get3A_446, %get3A_451 : vector<16xf32>
        %add3A_453 = arith.constant 2 : i32
        %add3A_454 = arith.addi %mul3A_187, %add3A_453 : i32
        %swap3A_455 = arith.index_cast %add3A_454 : i32 to index
        %swap3A_456 = arith.constant 0 : index
        %swap3A_457 = tpu.vector_load %arg8[%swap3A_455, %swap3A_456] {strides = array<i32>} : memref<64x128xf32, #tpu.memory_space<vmem>>, vector<16xf32>,
        tpu.vector_store %arg8[%swap3A_455, %swap3A_456], %mul3A_452 {strides = array<i32>} : memref<64x128xf32, #tpu.memory_space<vmem>>, vector<16xf32>,
        %add3A_458 = arith.constant 2 : i32
        %add3A_459 = arith.addi %mul3A_187, %add3A_458 : i32
        %get3A_460 = arith.index_cast %add3A_459 : i32 to index
        %get3A_461 = arith.constant 16 : index
        %get3A_462 = tpu.vector_load %arg8[%get3A_460, %get3A_461] {strides = array<i32>} : memref<64x128xf32, #tpu.memory_space<vmem>>, vector<16xf32>,
        %add3A_463 = arith.constant 2 : i32
        %add3A_464 = arith.addi %mul3A_187, %add3A_463 : i32
        %get3A_465 = arith.index_cast %add3A_464 : i32 to index
        %get3A_466 = arith.constant 16 : index
        %get3A_467 = tpu.vector_load %arg10[%get3A_465, %get3A_466] {strides = array<i32>} : memref<64x128xf32, #tpu.memory_space<vmem>>, vector<16xf32>,
        %mul3A_468 = arith.mulf %get3A_462, %get3A_467 : vector<16xf32>
        %add3A_469 = arith.constant 2 : i32
        %add3A_470 = arith.addi %mul3A_187, %add3A_469 : i32
        %swap3A_471 = arith.index_cast %add3A_470 : i32 to index
        %swap3A_472 = arith.constant 16 : index
        %swap3A_473 = tpu.vector_load %arg8[%swap3A_471, %swap3A_472] {strides = array<i32>} : memref<64x128xf32, #tpu.memory_space<vmem>>, vector<16xf32>,
        tpu.vector_store %arg8[%swap3A_471, %swap3A_472], %mul3A_468 {strides = array<i32>} : memref<64x128xf32, #tpu.memory_space<vmem>>, vector<16xf32>,
        %add3A_474 = arith.constant 2 : i32
        %add3A_475 = arith.addi %mul3A_187, %add3A_474 : i32
        %get3A_476 = arith.index_cast %add3A_475 : i32 to index
        %get3A_477 = arith.constant 32 : index
        %get3A_478 = tpu.vector_load %arg8[%get3A_476, %get3A_477] {strides = array<i32>} : memref<64x128xf32, #tpu.memory_space<vmem>>, vector<16xf32>,
        %add3A_479 = arith.constant 2 : i32
        %add3A_480 = arith.addi %mul3A_187, %add3A_479 : i32
        %get3A_481 = arith.index_cast %add3A_480 : i32 to index
        %get3A_482 = arith.constant 32 : index
        %get3A_483 = tpu.vector_load %arg10[%get3A_481, %get3A_482] {strides = array<i32>} : memref<64x128xf32, #tpu.memory_space<vmem>>, vector<16xf32>,
        %mul3A_484 = arith.mulf %get3A_478, %get3A_483 : vector<16xf32>
        %add3A_485 = arith.constant 2 : i32
        %add3A_486 = arith.addi %mul3A_187, %add3A_485 : i32
        %swap3A_487 = arith.index_cast %add3A_486 : i32 to index
        %swap3A_488 = arith.constant 32 : index
        %swap3A_489 = tpu.vector_load %arg8[%swap3A_487, %swap3A_488] {strides = array<i32>} : memref<64x128xf32, #tpu.memory_space<vmem>>, vector<16xf32>,
        tpu.vector_store %arg8[%swap3A_487, %swap3A_488], %mul3A_484 {strides = array<i32>} : memref<64x128xf32, #tpu.memory_space<vmem>>, vector<16xf32>,
        %add3A_490 = arith.constant 2 : i32
        %add3A_491 = arith.addi %mul3A_187, %add3A_490 : i32
        %get3A_492 = arith.index_cast %add3A_491 : i32 to index
        %get3A_493 = arith.constant 48 : index
        %get3A_494 = tpu.vector_load %arg8[%get3A_492, %get3A_493] {strides = array<i32>} : memref<64x128xf32, #tpu.memory_space<vmem>>, vector<16xf32>,
        %add3A_495 = arith.constant 2 : i32
        %add3A_496 = arith.addi %mul3A_187, %add3A_495 : i32
        %get3A_497 = arith.index_cast %add3A_496 : i32 to index
        %get3A_498 = arith.constant 48 : index
        %get3A_499 = tpu.vector_load %arg10[%get3A_497, %get3A_498] {strides = array<i32>} : memref<64x128xf32, #tpu.memory_space<vmem>>, vector<16xf32>,
        %mul3A_500 = arith.mulf %get3A_494, %get3A_499 : vector<16xf32>
        %add3A_501 = arith.constant 2 : i32
        %add3A_502 = arith.addi %mul3A_187, %add3A_501 : i32
        %swap3A_503 = arith.index_cast %add3A_502 : i32 to index
        %swap3A_504 = arith.constant 48 : index
        %swap3A_505 = tpu.vector_load %arg8[%swap3A_503, %swap3A_504] {strides = array<i32>} : memref<64x128xf32, #tpu.memory_space<vmem>>, vector<16xf32>,
        tpu.vector_store %arg8[%swap3A_503, %swap3A_504], %mul3A_500 {strides = array<i32>} : memref<64x128xf32, #tpu.memory_space<vmem>>, vector<16xf32>,
        %add3A_506 = arith.constant 2 : i32
        %add3A_507 = arith.addi %mul3A_187, %add3A_506 : i32
        %get3A_508 = arith.index_cast %add3A_507 : i32 to index
        %get3A_509 = arith.constant 64 : index
        %get3A_510 = tpu.vector_load %arg8[%get3A_508, %get3A_509] {strides = array<i32>} : memref<64x128xf32, #tpu.memory_space<vmem>>, vector<16xf32>,
        %add3A_511 = arith.constant 2 : i32
        %add3A_512 = arith.addi %mul3A_187, %add3A_511 : i32
        %get3A_513 = arith.index_cast %add3A_512 : i32 to index
        %get3A_514 = arith.constant 64 : index
        %get3A_515 = tpu.vector_load %arg10[%get3A_513, %get3A_514] {strides = array<i32>} : memref<64x128xf32, #tpu.memory_space<vmem>>, vector<16xf32>,
        %mul3A_516 = arith.mulf %get3A_510, %get3A_515 : vector<16xf32>
        %add3A_517 = arith.constant 2 : i32
        %add3A_518 = arith.addi %mul3A_187, %add3A_517 : i32
        %swap3A_519 = arith.index_cast %add3A_518 : i32 to index
        %swap3A_520 = arith.constant 64 : index
        %swap3A_521 = tpu.vector_load %arg8[%swap3A_519, %swap3A_520] {strides = array<i32>} : memref<64x128xf32, #tpu.memory_space<vmem>>, vector<16xf32>,
        tpu.vector_store %arg8[%swap3A_519, %swap3A_520], %mul3A_516 {strides = array<i32>} : memref<64x128xf32, #tpu.memory_space<vmem>>, vector<16xf32>,
        %add3A_522 = arith.constant 2 : i32
        %add3A_523 = arith.addi %mul3A_187, %add3A_522 : i32
        %get3A_524 = arith.index_cast %add3A_523 : i32 to index
        %get3A_525 = arith.constant 80 : index
        %get3A_526 = tpu.vector_load %arg8[%get3A_524, %get3A_525] {strides = array<i32>} : memref<64x128xf32, #tpu.memory_space<vmem>>, vector<16xf32>,
        %add3A_527 = arith.constant 2 : i32
        %add3A_528 = arith.addi %mul3A_187, %add3A_527 : i32
        %get3A_529 = arith.index_cast %add3A_528 : i32 to index
        %get3A_530 = arith.constant 80 : index
        %get3A_531 = tpu.vector_load %arg10[%get3A_529, %get3A_530] {strides = array<i32>} : memref<64x128xf32, #tpu.memory_space<vmem>>, vector<16xf32>,
        %mul3A_532 = arith.mulf %get3A_526, %get3A_531 : vector<16xf32>
        %add3A_533 = arith.constant 2 : i32
        %add3A_534 = arith.addi %mul3A_187, %add3A_533 : i32
        %swap3A_535 = arith.index_cast %add3A_534 : i32 to index
        %swap3A_536 = arith.constant 80 : index
        %swap3A_537 = tpu.vector_load %arg8[%swap3A_535, %swap3A_536] {strides = array<i32>} : memref<64x128xf32, #tpu.memory_space<vmem>>, vector<16xf32>,
        tpu.vector_store %arg8[%swap3A_535, %swap3A_536], %mul3A_532 {strides = array<i32>} : memref<64x128xf32, #tpu.memory_space<vmem>>, vector<16xf32>,
        %add3A_538 = arith.constant 2 : i32
        %add3A_539 = arith.addi %mul3A_187, %add3A_538 : i32
        %get3A_540 = arith.index_cast %add3A_539 : i32 to index
        %get3A_541 = arith.constant 96 : index
        %get3A_542 = tpu.vector_load %arg8[%get3A_540, %get3A_541] {strides = array<i32>} : memref<64x128xf32, #tpu.memory_space<vmem>>, vector<16xf32>,
        %add3A_543 = arith.constant 2 : i32
        %add3A_544 = arith.addi %mul3A_187, %add3A_543 : i32
        %get3A_545 = arith.index_cast %add3A_544 : i32 to index
        %get3A_546 = arith.constant 96 : index
        %get3A_547 = tpu.vector_load %arg10[%get3A_545, %get3A_546] {strides = array<i32>} : memref<64x128xf32, #tpu.memory_space<vmem>>, vector<16xf32>,
        %mul3A_548 = arith.mulf %get3A_542, %get3A_547 : vector<16xf32>
        %add3A_549 = arith.constant 2 : i32
        %add3A_550 = arith.addi %mul3A_187, %add3A_549 : i32
        %swap3A_551 = arith.index_cast %add3A_550 : i32 to index
        %swap3A_552 = arith.constant 96 : index
        %swap3A_553 = tpu.vector_load %arg8[%swap3A_551, %swap3A_552] {strides = array<i32>} : memref<64x128xf32, #tpu.memory_space<vmem>>, vector<16xf32>,
        tpu.vector_store %arg8[%swap3A_551, %swap3A_552], %mul3A_548 {strides = array<i32>} : memref<64x128xf32, #tpu.memory_space<vmem>>, vector<16xf32>,
        %add3A_554 = arith.constant 2 : i32
        %add3A_555 = arith.addi %mul3A_187, %add3A_554 : i32
        %get3A_556 = arith.index_cast %add3A_555 : i32 to index
        %get3A_557 = arith.constant 112 : index
        %get3A_558 = tpu.vector_load %arg8[%get3A_556, %get3A_557] {strides = array<i32>} : memref<64x128xf32, #tpu.memory_space<vmem>>, vector<16xf32>,
        %add3A_559 = arith.constant 2 : i32
        %add3A_560 = arith.addi %mul3A_187, %add3A_559 : i32
        %get3A_561 = arith.index_cast %add3A_560 : i32 to index
        %get3A_562 = arith.constant 112 : index
        %get3A_563 = tpu.vector_load %arg10[%get3A_561, %get3A_562] {strides = array<i32>} : memref<64x128xf32, #tpu.memory_space<vmem>>, vector<16xf32>,
        %mul3A_564 = arith.mulf %get3A_558, %get3A_563 : vector<16xf32>
        %add3A_565 = arith.constant 2 : i32
        %add3A_566 = arith.addi %mul3A_187, %add3A_565 : i32
        %swap3A_567 = arith.index_cast %add3A_566 : i32 to index
        %swap3A_568 = arith.constant 112 : index
        %swap3A_569 = tpu.vector_load %arg8[%swap3A_567, %swap3A_568] {strides = array<i32>} : memref<64x128xf32, #tpu.memory_space<vmem>>, vector<16xf32>,
        tpu.vector_store %arg8[%swap3A_567, %swap3A_568], %mul3A_564 {strides = array<i32>} : memref<64x128xf32, #tpu.memory_space<vmem>>, vector<16xf32>,
        %add3A_570 = arith.constant 3 : i32
        %add3A_571 = arith.addi %mul3A_187, %add3A_570 : i32
        %get3A_572 = arith.index_cast %add3A_571 : i32 to index
        %get3A_573 = arith.constant 0 : index
        %get3A_574 = tpu.vector_load %arg8[%get3A_572, %get3A_573] {strides = array<i32>} : memref<64x128xf32, #tpu.memory_space<vmem>>, vector<16xf32>,
        %add3A_575 = arith.constant 3 : i32
        %add3A_576 = arith.addi %mul3A_187, %add3A_575 : i32
        %get3A_577 = arith.index_cast %add3A_576 : i32 to index
        %get3A_578 = arith.constant 0 : index
        %get3A_579 = tpu.vector_load %arg10[%get3A_577, %get3A_578] {strides = array<i32>} : memref<64x128xf32, #tpu.memory_space<vmem>>, vector<16xf32>,
        %mul3A_580 = arith.mulf %get3A_574, %get3A_579 : vector<16xf32>
        %add3A_581 = arith.constant 3 : i32
        %add3A_582 = arith.addi %mul3A_187, %add3A_581 : i32
        %swap3A_583 = arith.index_cast %add3A_582 : i32 to index
        %swap3A_584 = arith.constant 0 : index
        %swap3A_585 = tpu.vector_load %arg8[%swap3A_583, %swap3A_584] {strides = array<i32>} : memref<64x128xf32, #tpu.memory_space<vmem>>, vector<16xf32>,
        tpu.vector_store %arg8[%swap3A_583, %swap3A_584], %mul3A_580 {strides = array<i32>} : memref<64x128xf32, #tpu.memory_space<vmem>>, vector<16xf32>,
        %add3A_586 = arith.constant 3 : i32
        %add3A_587 = arith.addi %mul3A_187, %add3A_586 : i32
        %get3A_588 = arith.index_cast %add3A_587 : i32 to index
        %get3A_589 = arith.constant 16 : index
        %get3A_590 = tpu.vector_load %arg8[%get3A_588, %get3A_589] {strides = array<i32>} : memref<64x128xf32, #tpu.memory_space<vmem>>, vector<16xf32>,
        %add3A_591 = arith.constant 3 : i32
        %add3A_592 = arith.addi %mul3A_187, %add3A_591 : i32
        %get3A_593 = arith.index_cast %add3A_592 : i32 to index
        %get3A_594 = arith.constant 16 : index
        %get3A_595 = tpu.vector_load %arg10[%get3A_593, %get3A_594] {strides = array<i32>} : memref<64x128xf32, #tpu.memory_space<vmem>>, vector<16xf32>,
        %mul3A_596 = arith.mulf %get3A_590, %get3A_595 : vector<16xf32>
        %add3A_597 = arith.constant 3 : i32
        %add3A_598 = arith.addi %mul3A_187, %add3A_597 : i32
        %swap3A_599 = arith.index_cast %add3A_598 : i32 to index
        %swap3A_600 = arith.constant 16 : index
        %swap3A_601 = tpu.vector_load %arg8[%swap3A_599, %swap3A_600] {strides = array<i32>} : memref<64x128xf32, #tpu.memory_space<vmem>>, vector<16xf32>,
        tpu.vector_store %arg8[%swap3A_599, %swap3A_600], %mul3A_596 {strides = array<i32>} : memref<64x128xf32, #tpu.memory_space<vmem>>, vector<16xf32>,
        %add3A_602 = arith.constant 3 : i32
        %add3A_603 = arith.addi %mul3A_187, %add3A_602 : i32
        %get3A_604 = arith.index_cast %add3A_603 : i32 to index
        %get3A_605 = arith.constant 32 : index
        %get3A_606 = tpu.vector_load %arg8[%get3A_604, %get3A_605] {strides = array<i32>} : memref<64x128xf32, #tpu.memory_space<vmem>>, vector<16xf32>,
        %add3A_607 = arith.constant 3 : i32
        %add3A_608 = arith.addi %mul3A_187, %add3A_607 : i32
        %get3A_609 = arith.index_cast %add3A_608 : i32 to index
        %get3A_610 = arith.constant 32 : index
        %get3A_611 = tpu.vector_load %arg10[%get3A_609, %get3A_610] {strides = array<i32>} : memref<64x128xf32, #tpu.memory_space<vmem>>, vector<16xf32>,
        %mul3A_612 = arith.mulf %get3A_606, %get3A_611 : vector<16xf32>
        %add3A_613 = arith.constant 3 : i32
        %add3A_614 = arith.addi %mul3A_187, %add3A_613 : i32
        %swap3A_615 = arith.index_cast %add3A_614 : i32 to index
        %swap3A_616 = arith.constant 32 : index
        %swap3A_617 = tpu.vector_load %arg8[%swap3A_615, %swap3A_616] {strides = array<i32>} : memref<64x128xf32, #tpu.memory_space<vmem>>, vector<16xf32>,
        tpu.vector_store %arg8[%swap3A_615, %swap3A_616], %mul3A_612 {strides = array<i32>} : memref<64x128xf32, #tpu.memory_space<vmem>>, vector<16xf32>,
        %add3A_618 = arith.constant 3 : i32
        %add3A_619 = arith.addi %mul3A_187, %add3A_618 : i32
        %get3A_620 = arith.index_cast %add3A_619 : i32 to index
        %get3A_621 = arith.constant 48 : index
        %get3A_622 = tpu.vector_load %arg8[%get3A_620, %get3A_621] {strides = array<i32>} : memref<64x128xf32, #tpu.memory_space<vmem>>, vector<16xf32>,
        %add3A_623 = arith.constant 3 : i32
        %add3A_624 = arith.addi %mul3A_187, %add3A_623 : i32
        %get3A_625 = arith.index_cast %add3A_624 : i32 to index
        %get3A_626 = arith.constant 48 : index
        %get3A_627 = tpu.vector_load %arg10[%get3A_625, %get3A_626] {strides = array<i32>} : memref<64x128xf32, #tpu.memory_space<vmem>>, vector<16xf32>,
        %mul3A_628 = arith.mulf %get3A_622, %get3A_627 : vector<16xf32>
        %add3A_629 = arith.constant 3 : i32
        %add3A_630 = arith.addi %mul3A_187, %add3A_629 : i32
        %swap3A_631 = arith.index_cast %add3A_630 : i32 to index
        %swap3A_632 = arith.constant 48 : index
        %swap3A_633 = tpu.vector_load %arg8[%swap3A_631, %swap3A_632] {strides = array<i32>} : memref<64x128xf32, #tpu.memory_space<vmem>>, vector<16xf32>,
        tpu.vector_store %arg8[%swap3A_631, %swap3A_632], %mul3A_628 {strides = array<i32>} : memref<64x128xf32, #tpu.memory_space<vmem>>, vector<16xf32>,
        %add3A_634 = arith.constant 3 : i32
        %add3A_635 = arith.addi %mul3A_187, %add3A_634 : i32
        %get3A_636 = arith.index_cast %add3A_635 : i32 to index
        %get3A_637 = arith.constant 64 : index
        %get3A_638 = tpu.vector_load %arg8[%get3A_636, %get3A_637] {strides = array<i32>} : memref<64x128xf32, #tpu.memory_space<vmem>>, vector<16xf32>,
        %add3A_639 = arith.constant 3 : i32
        %add3A_640 = arith.addi %mul3A_187, %add3A_639 : i32
        %get3A_641 = arith.index_cast %add3A_640 : i32 to index
        %get3A_642 = arith.constant 64 : index
        %get3A_643 = tpu.vector_load %arg10[%get3A_641, %get3A_642] {strides = array<i32>} : memref<64x128xf32, #tpu.memory_space<vmem>>, vector<16xf32>,
        %mul3A_644 = arith.mulf %get3A_638, %get3A_643 : vector<16xf32>
        %add3A_645 = arith.constant 3 : i32
        %add3A_646 = arith.addi %mul3A_187, %add3A_645 : i32
        %swap3A_647 = arith.index_cast %add3A_646 : i32 to index
        %swap3A_648 = arith.constant 64 : index
        %swap3A_649 = tpu.vector_load %arg8[%swap3A_647, %swap3A_648] {strides = array<i32>} : memref<64x128xf32, #tpu.memory_space<vmem>>, vector<16xf32>,
        tpu.vector_store %arg8[%swap3A_647, %swap3A_648], %mul3A_644 {strides = array<i32>} : memref<64x128xf32, #tpu.memory_space<vmem>>, vector<16xf32>,
        %add3A_650 = arith.constant 3 : i32
        %add3A_651 = arith.addi %mul3A_187, %add3A_650 : i32
        %get3A_652 = arith.index_cast %add3A_651 : i32 to index
        %get3A_653 = arith.constant 80 : index
        %get3A_654 = tpu.vector_load %arg8[%get3A_652, %get3A_653] {strides = array<i32>} : memref<64x128xf32, #tpu.memory_space<vmem>>, vector<16xf32>,
        %add3A_655 = arith.constant 3 : i32
        %add3A_656 = arith.addi %mul3A_187, %add3A_655 : i32
        %get3A_657 = arith.index_cast %add3A_656 : i32 to index
        %get3A_658 = arith.constant 80 : index
        %get3A_659 = tpu.vector_load %arg10[%get3A_657, %get3A_658] {strides = array<i32>} : memref<64x128xf32, #tpu.memory_space<vmem>>, vector<16xf32>,
        %mul3A_660 = arith.mulf %get3A_654, %get3A_659 : vector<16xf32>
        %add3A_661 = arith.constant 3 : i32
        %add3A_662 = arith.addi %mul3A_187, %add3A_661 : i32
        %swap3A_663 = arith.index_cast %add3A_662 : i32 to index
        %swap3A_664 = arith.constant 80 : index
        %swap3A_665 = tpu.vector_load %arg8[%swap3A_663, %swap3A_664] {strides = array<i32>} : memref<64x128xf32, #tpu.memory_space<vmem>>, vector<16xf32>,
        tpu.vector_store %arg8[%swap3A_663, %swap3A_664], %mul3A_660 {strides = array<i32>} : memref<64x128xf32, #tpu.memory_space<vmem>>, vector<16xf32>,
        %add3A_666 = arith.constant 3 : i32
        %add3A_667 = arith.addi %mul3A_187, %add3A_666 : i32
        %get3A_668 = arith.index_cast %add3A_667 : i32 to index
        %get3A_669 = arith.constant 96 : index
        %get3A_670 = tpu.vector_load %arg8[%get3A_668, %get3A_669] {strides = array<i32>} : memref<64x128xf32, #tpu.memory_space<vmem>>, vector<16xf32>,
        %add3A_671 = arith.constant 3 : i32
        %add3A_672 = arith.addi %mul3A_187, %add3A_671 : i32
        %get3A_673 = arith.index_cast %add3A_672 : i32 to index
        %get3A_674 = arith.constant 96 : index
        %get3A_675 = tpu.vector_load %arg10[%get3A_673, %get3A_674] {strides = array<i32>} : memref<64x128xf32, #tpu.memory_space<vmem>>, vector<16xf32>,
        %mul3A_676 = arith.mulf %get3A_670, %get3A_675 : vector<16xf32>
        %add3A_677 = arith.constant 3 : i32
        %add3A_678 = arith.addi %mul3A_187, %add3A_677 : i32
        %swap3A_679 = arith.index_cast %add3A_678 : i32 to index
        %swap3A_680 = arith.constant 96 : index
        %swap3A_681 = tpu.vector_load %arg8[%swap3A_679, %swap3A_680] {strides = array<i32>} : memref<64x128xf32, #tpu.memory_space<vmem>>, vector<16xf32>,
        tpu.vector_store %arg8[%swap3A_679, %swap3A_680], %mul3A_676 {strides = array<i32>} : memref<64x128xf32, #tpu.memory_space<vmem>>, vector<16xf32>,
        %add3A_682 = arith.constant 3 : i32
        %add3A_683 = arith.addi %mul3A_187, %add3A_682 : i32
        %get3A_684 = arith.index_cast %add3A_683 : i32 to index
        %get3A_685 = arith.constant 112 : index
        %get3A_686 = tpu.vector_load %arg8[%get3A_684, %get3A_685] {strides = array<i32>} : memref<64x128xf32, #tpu.memory_space<vmem>>, vector<16xf32>,
        %add3A_687 = arith.constant 3 : i32
        %add3A_688 = arith.addi %mul3A_187, %add3A_687 : i32
        %get3A_689 = arith.index_cast %add3A_688 : i32 to index
        %get3A_690 = arith.constant 112 : index
        %get3A_691 = tpu.vector_load %arg10[%get3A_689, %get3A_690] {strides = array<i32>} : memref<64x128xf32, #tpu.memory_space<vmem>>, vector<16xf32>,
        %mul3A_692 = arith.mulf %get3A_686, %get3A_691 : vector<16xf32>
        %add3A_693 = arith.constant 3 : i32
        %add3A_694 = arith.addi %mul3A_187, %add3A_693 : i32
        %swap3A_695 = arith.index_cast %add3A_694 : i32 to index
        %swap3A_696 = arith.constant 112 : index
        %swap3A_697 = tpu.vector_load %arg8[%swap3A_695, %swap3A_696] {strides = array<i32>} : memref<64x128xf32, #tpu.memory_space<vmem>>, vector<16xf32>,
        tpu.vector_store %arg8[%swap3A_695, %swap3A_696], %mul3A_692 {strides = array<i32>} : memref<64x128xf32, #tpu.memory_space<vmem>>, vector<16xf32>,
        %add3A_698 = arith.constant 4 : i32
        %add3A_699 = arith.addi %mul3A_187, %add3A_698 : i32
        %get3A_700 = arith.index_cast %add3A_699 : i32 to index
        %get3A_701 = arith.constant 0 : index
        %get3A_702 = tpu.vector_load %arg8[%get3A_700, %get3A_701] {strides = array<i32>} : memref<64x128xf32, #tpu.memory_space<vmem>>, vector<16xf32>,
        %add3A_703 = arith.constant 4 : i32
        %add3A_704 = arith.addi %mul3A_187, %add3A_703 : i32
        %get3A_705 = arith.index_cast %add3A_704 : i32 to index
        %get3A_706 = arith.constant 0 : index
        %get3A_707 = tpu.vector_load %arg10[%get3A_705, %get3A_706] {strides = array<i32>} : memref<64x128xf32, #tpu.memory_space<vmem>>, vector<16xf32>,
        %mul3A_708 = arith.mulf %get3A_702, %get3A_707 : vector<16xf32>
        %add3A_709 = arith.constant 4 : i32
        %add3A_710 = arith.addi %mul3A_187, %add3A_709 : i32
        %swap3A_711 = arith.index_cast %add3A_710 : i32 to index
        %swap3A_712 = arith.constant 0 : index
        %swap3A_713 = tpu.vector_load %arg8[%swap3A_711, %swap3A_712] {strides = array<i32>} : memref<64x128xf32, #tpu.memory_space<vmem>>, vector<16xf32>,
        tpu.vector_store %arg8[%swap3A_711, %swap3A_712], %mul3A_708 {strides = array<i32>} : memref<64x128xf32, #tpu.memory_space<vmem>>, vector<16xf32>,
        %add3A_714 = arith.constant 4 : i32
        %add3A_715 = arith.addi %mul3A_187, %add3A_714 : i32
        %get3A_716 = arith.index_cast %add3A_715 : i32 to index
        %get3A_717 = arith.constant 16 : index
        %get3A_718 = tpu.vector_load %arg8[%get3A_716, %get3A_717] {strides = array<i32>} : memref<64x128xf32, #tpu.memory_space<vmem>>, vector<16xf32>,
        %add3A_719 = arith.constant 4 : i32
        %add3A_720 = arith.addi %mul3A_187, %add3A_719 : i32
        %get3A_721 = arith.index_cast %add3A_720 : i32 to index
        %get3A_722 = arith.constant 16 : index
        %get3A_723 = tpu.vector_load %arg10[%get3A_721, %get3A_722] {strides = array<i32>} : memref<64x128xf32, #tpu.memory_space<vmem>>, vector<16xf32>,
        %mul3A_724 = arith.mulf %get3A_718, %get3A_723 : vector<16xf32>
        %add3A_725 = arith.constant 4 : i32
        %add3A_726 = arith.addi %mul3A_187, %add3A_725 : i32
        %swap3A_727 = arith.index_cast %add3A_726 : i32 to index
        %swap3A_728 = arith.constant 16 : index
        %swap3A_729 = tpu.vector_load %arg8[%swap3A_727, %swap3A_728] {strides = array<i32>} : memref<64x128xf32, #tpu.memory_space<vmem>>, vector<16xf32>,
        tpu.vector_store %arg8[%swap3A_727, %swap3A_728], %mul3A_724 {strides = array<i32>} : memref<64x128xf32, #tpu.memory_space<vmem>>, vector<16xf32>,
        %add3A_730 = arith.constant 4 : i32
        %add3A_731 = arith.addi %mul3A_187, %add3A_730 : i32
        %get3A_732 = arith.index_cast %add3A_731 : i32 to index
        %get3A_733 = arith.constant 32 : index
        %get3A_734 = tpu.vector_load %arg8[%get3A_732, %get3A_733] {strides = array<i32>} : memref<64x128xf32, #tpu.memory_space<vmem>>, vector<16xf32>,
        %add3A_735 = arith.constant 4 : i32
        %add3A_736 = arith.addi %mul3A_187, %add3A_735 : i32
        %get3A_737 = arith.index_cast %add3A_736 : i32 to index
        %get3A_738 = arith.constant 32 : index
        %get3A_739 = tpu.vector_load %arg10[%get3A_737, %get3A_738] {strides = array<i32>} : memref<64x128xf32, #tpu.memory_space<vmem>>, vector<16xf32>,
        %mul3A_740 = arith.mulf %get3A_734, %get3A_739 : vector<16xf32>
        %add3A_741 = arith.constant 4 : i32
        %add3A_742 = arith.addi %mul3A_187, %add3A_741 : i32
        %swap3A_743 = arith.index_cast %add3A_742 : i32 to index
        %swap3A_744 = arith.constant 32 : index
        %swap3A_745 = tpu.vector_load %arg8[%swap3A_743, %swap3A_744] {strides = array<i32>} : memref<64x128xf32, #tpu.memory_space<vmem>>, vector<16xf32>,
        tpu.vector_store %arg8[%swap3A_743, %swap3A_744], %mul3A_740 {strides = array<i32>} : memref<64x128xf32, #tpu.memory_space<vmem>>, vector<16xf32>,
        %add3A_746 = arith.constant 4 : i32
        %add3A_747 = arith.addi %mul3A_187, %add3A_746 : i32
        %get3A_748 = arith.index_cast %add3A_747 : i32 to index
        %get3A_749 = arith.constant 48 : index
        %get3A_750 = tpu.vector_load %arg8[%get3A_748, %get3A_749] {strides = array<i32>} : memref<64x128xf32, #tpu.memory_space<vmem>>, vector<16xf32>,
        %add3A_751 = arith.constant 4 : i32
        %add3A_752 = arith.addi %mul3A_187, %add3A_751 : i32
        %get3A_753 = arith.index_cast %add3A_752 : i32 to index
        %get3A_754 = arith.constant 48 : index
        %get3A_755 = tpu.vector_load %arg10[%get3A_753, %get3A_754] {strides = array<i32>} : memref<64x128xf32, #tpu.memory_space<vmem>>, vector<16xf32>,
        %mul3A_756 = arith.mulf %get3A_750, %get3A_755 : vector<16xf32>
        %add3A_757 = arith.constant 4 : i32
        %add3A_758 = arith.addi %mul3A_187, %add3A_757 : i32
        %swap3A_759 = arith.index_cast %add3A_758 : i32 to index
        %swap3A_760 = arith.constant 48 : index
        %swap3A_761 = tpu.vector_load %arg8[%swap3A_759, %swap3A_760] {strides = array<i32>} : memref<64x128xf32, #tpu.memory_space<vmem>>, vector<16xf32>,
        tpu.vector_store %arg8[%swap3A_759, %swap3A_760], %mul3A_756 {strides = array<i32>} : memref<64x128xf32, #tpu.memory_space<vmem>>, vector<16xf32>,
        %add3A_762 = arith.constant 4 : i32
        %add3A_763 = arith.addi %mul3A_187, %add3A_762 : i32
        %get3A_764 = arith.index_cast %add3A_763 : i32 to index
        %get3A_765 = arith.constant 64 : index
        %get3A_766 = tpu.vector_load %arg8[%get3A_764, %get3A_765] {strides = array<i32>} : memref<64x128xf32, #tpu.memory_space<vmem>>, vector<16xf32>,
        %add3A_767 = arith.constant 4 : i32
        %add3A_768 = arith.addi %mul3A_187, %add3A_767 : i32
        %get3A_769 = arith.index_cast %add3A_768 : i32 to index
        %get3A_770 = arith.constant 64 : index
        %get3A_771 = tpu.vector_load %arg10[%get3A_769, %get3A_770] {strides = array<i32>} : memref<64x128xf32, #tpu.memory_space<vmem>>, vector<16xf32>,
        %mul3A_772 = arith.mulf %get3A_766, %get3A_771 : vector<16xf32>
        %add3A_773 = arith.constant 4 : i32
        %add3A_774 = arith.addi %mul3A_187, %add3A_773 : i32
        %swap3A_775 = arith.index_cast %add3A_774 : i32 to index
        %swap3A_776 = arith.constant 64 : index
        %swap3A_777 = tpu.vector_load %arg8[%swap3A_775, %swap3A_776] {strides = array<i32>} : memref<64x128xf32, #tpu.memory_space<vmem>>, vector<16xf32>,
        tpu.vector_store %arg8[%swap3A_775, %swap3A_776], %mul3A_772 {strides = array<i32>} : memref<64x128xf32, #tpu.memory_space<vmem>>, vector<16xf32>,
        %add3A_778 = arith.constant 4 : i32
        %add3A_779 = arith.addi %mul3A_187, %add3A_778 : i32
        %get3A_780 = arith.index_cast %add3A_779 : i32 to index
        %get3A_781 = arith.constant 80 : index
        %get3A_782 = tpu.vector_load %arg8[%get3A_780, %get3A_781] {strides = array<i32>} : memref<64x128xf32, #tpu.memory_space<vmem>>, vector<16xf32>,
        %add3A_783 = arith.constant 4 : i32
        %add3A_784 = arith.addi %mul3A_187, %add3A_783 : i32
        %get3A_785 = arith.index_cast %add3A_784 : i32 to index
        %get3A_786 = arith.constant 80 : index
        %get3A_787 = tpu.vector_load %arg10[%get3A_785, %get3A_786] {strides = array<i32>} : memref<64x128xf32, #tpu.memory_space<vmem>>, vector<16xf32>,
        %mul3A_788 = arith.mulf %get3A_782, %get3A_787 : vector<16xf32>
        %add3A_789 = arith.constant 4 : i32
        %add3A_790 = arith.addi %mul3A_187, %add3A_789 : i32
        %swap3A_791 = arith.index_cast %add3A_790 : i32 to index
        %swap3A_792 = arith.constant 80 : index
        %swap3A_793 = tpu.vector_load %arg8[%swap3A_791, %swap3A_792] {strides = array<i32>} : memref<64x128xf32, #tpu.memory_space<vmem>>, vector<16xf32>,
        tpu.vector_store %arg8[%swap3A_791, %swap3A_792], %mul3A_788 {strides = array<i32>} : memref<64x128xf32, #tpu.memory_space<vmem>>, vector<16xf32>,
        %add3A_794 = arith.constant 4 : i32
        %add3A_795 = arith.addi %mul3A_187, %add3A_794 : i32
        %get3A_796 = arith.index_cast %add3A_795 : i32 to index
        %get3A_797 = arith.constant 96 : index
        %get3A_798 = tpu.vector_load %arg8[%get3A_796, %get3A_797] {strides = array<i32>} : memref<64x128xf32, #tpu.memory_space<vmem>>, vector<16xf32>,
        %add3A_799 = arith.constant 4 : i32
        %add3A_800 = arith.addi %mul3A_187, %add3A_799 : i32
        %get3A_801 = arith.index_cast %add3A_800 : i32 to index
        %get3A_802 = arith.constant 96 : index
        %get3A_803 = tpu.vector_load %arg10[%get3A_801, %get3A_802] {strides = array<i32>} : memref<64x128xf32, #tpu.memory_space<vmem>>, vector<16xf32>,
        %mul3A_804 = arith.mulf %get3A_798, %get3A_803 : vector<16xf32>
        %add3A_805 = arith.constant 4 : i32
        %add3A_806 = arith.addi %mul3A_187, %add3A_805 : i32
        %swap3A_807 = arith.index_cast %add3A_806 : i32 to index
        %swap3A_808 = arith.constant 96 : index
        %swap3A_809 = tpu.vector_load %arg8[%swap3A_807, %swap3A_808] {strides = array<i32>} : memref<64x128xf32, #tpu.memory_space<vmem>>, vector<16xf32>,
        tpu.vector_store %arg8[%swap3A_807, %swap3A_808], %mul3A_804 {strides = array<i32>} : memref<64x128xf32, #tpu.memory_space<vmem>>, vector<16xf32>,
        %add3A_810 = arith.constant 4 : i32
        %add3A_811 = arith.addi %mul3A_187, %add3A_810 : i32
        %get3A_812 = arith.index_cast %add3A_811 : i32 to index
        %get3A_813 = arith.constant 112 : index
        %get3A_814 = tpu.vector_load %arg8[%get3A_812, %get3A_813] {strides = array<i32>} : memref<64x128xf32, #tpu.memory_space<vmem>>, vector<16xf32>,
        %add3A_815 = arith.constant 4 : i32
        %add3A_816 = arith.addi %mul3A_187, %add3A_815 : i32
        %get3A_817 = arith.index_cast %add3A_816 : i32 to index
        %get3A_818 = arith.constant 112 : index
        %get3A_819 = tpu.vector_load %arg10[%get3A_817, %get3A_818] {strides = array<i32>} : memref<64x128xf32, #tpu.memory_space<vmem>>, vector<16xf32>,
        %mul3A_820 = arith.mulf %get3A_814, %get3A_819 : vector<16xf32>
        %add3A_821 = arith.constant 4 : i32
        %add3A_822 = arith.addi %mul3A_187, %add3A_821 : i32
        %swap3A_823 = arith.index_cast %add3A_822 : i32 to index
        %swap3A_824 = arith.constant 112 : index
        %swap3A_825 = tpu.vector_load %arg8[%swap3A_823, %swap3A_824] {strides = array<i32>} : memref<64x128xf32, #tpu.memory_space<vmem>>, vector<16xf32>,
        tpu.vector_store %arg8[%swap3A_823, %swap3A_824], %mul3A_820 {strides = array<i32>} : memref<64x128xf32, #tpu.memory_space<vmem>>, vector<16xf32>,
        %add3A_826 = arith.constant 5 : i32
        %add3A_827 = arith.addi %mul3A_187, %add3A_826 : i32
        %get3A_828 = arith.index_cast %add3A_827 : i32 to index
        %get3A_829 = arith.constant 0 : index
        %get3A_830 = tpu.vector_load %arg8[%get3A_828, %get3A_829] {strides = array<i32>} : memref<64x128xf32, #tpu.memory_space<vmem>>, vector<16xf32>,
        %add3A_831 = arith.constant 5 : i32
        %add3A_832 = arith.addi %mul3A_187, %add3A_831 : i32
        %get3A_833 = arith.index_cast %add3A_832 : i32 to index
        %get3A_834 = arith.constant 0 : index
        %get3A_835 = tpu.vector_load %arg10[%get3A_833, %get3A_834] {strides = array<i32>} : memref<64x128xf32, #tpu.memory_space<vmem>>, vector<16xf32>,
        %mul3A_836 = arith.mulf %get3A_830, %get3A_835 : vector<16xf32>
        %add3A_837 = arith.constant 5 : i32
        %add3A_838 = arith.addi %mul3A_187, %add3A_837 : i32
        %swap3A_839 = arith.index_cast %add3A_838 : i32 to index
        %swap3A_840 = arith.constant 0 : index
        %swap3A_841 = tpu.vector_load %arg8[%swap3A_839, %swap3A_840] {strides = array<i32>} : memref<64x128xf32, #tpu.memory_space<vmem>>, vector<16xf32>,
        tpu.vector_store %arg8[%swap3A_839, %swap3A_840], %mul3A_836 {strides = array<i32>} : memref<64x128xf32, #tpu.memory_space<vmem>>, vector<16xf32>,
        %add3A_842 = arith.constant 5 : i32
        %add3A_843 = arith.addi %mul3A_187, %add3A_842 : i32
        %get3A_844 = arith.index_cast %add3A_843 : i32 to index
        %get3A_845 = arith.constant 16 : index
        %get3A_846 = tpu.vector_load %arg8[%get3A_844, %get3A_845] {strides = array<i32>} : memref<64x128xf32, #tpu.memory_space<vmem>>, vector<16xf32>,
        %add3A_847 = arith.constant 5 : i32
        %add3A_848 = arith.addi %mul3A_187, %add3A_847 : i32
        %get3A_849 = arith.index_cast %add3A_848 : i32 to index
        %get3A_850 = arith.constant 16 : index
        %get3A_851 = tpu.vector_load %arg10[%get3A_849, %get3A_850] {strides = array<i32>} : memref<64x128xf32, #tpu.memory_space<vmem>>, vector<16xf32>,
        %mul3A_852 = arith.mulf %get3A_846, %get3A_851 : vector<16xf32>
        %add3A_853 = arith.constant 5 : i32
        %add3A_854 = arith.addi %mul3A_187, %add3A_853 : i32
        %swap3A_855 = arith.index_cast %add3A_854 : i32 to index
        %swap3A_856 = arith.constant 16 : index
        %swap3A_857 = tpu.vector_load %arg8[%swap3A_855, %swap3A_856] {strides = array<i32>} : memref<64x128xf32, #tpu.memory_space<vmem>>, vector<16xf32>,
        tpu.vector_store %arg8[%swap3A_855, %swap3A_856], %mul3A_852 {strides = array<i32>} : memref<64x128xf32, #tpu.memory_space<vmem>>, vector<16xf32>,
        %add3A_858 = arith.constant 5 : i32
        %add3A_859 = arith.addi %mul3A_187, %add3A_858 : i32
        %get3A_860 = arith.index_cast %add3A_859 : i32 to index
        %get3A_861 = arith.constant 32 : index
        %get3A_862 = tpu.vector_load %arg8[%get3A_860, %get3A_861] {strides = array<i32>} : memref<64x128xf32, #tpu.memory_space<vmem>>, vector<16xf32>,
        %add3A_863 = arith.constant 5 : i32
        %add3A_864 = arith.addi %mul3A_187, %add3A_863 : i32
        %get3A_865 = arith.index_cast %add3A_864 : i32 to index
        %get3A_866 = arith.constant 32 : index
        %get3A_867 = tpu.vector_load %arg10[%get3A_865, %get3A_866] {strides = array<i32>} : memref<64x128xf32, #tpu.memory_space<vmem>>, vector<16xf32>,
        %mul3A_868 = arith.mulf %get3A_862, %get3A_867 : vector<16xf32>
        %add3A_869 = arith.constant 5 : i32
        %add3A_870 = arith.addi %mul3A_187, %add3A_869 : i32
        %swap3A_871 = arith.index_cast %add3A_870 : i32 to index
        %swap3A_872 = arith.constant 32 : index
        %swap3A_873 = tpu.vector_load %arg8[%swap3A_871, %swap3A_872] {strides = array<i32>} : memref<64x128xf32, #tpu.memory_space<vmem>>, vector<16xf32>,
        tpu.vector_store %arg8[%swap3A_871, %swap3A_872], %mul3A_868 {strides = array<i32>} : memref<64x128xf32, #tpu.memory_space<vmem>>, vector<16xf32>,
        %add3A_874 = arith.constant 5 : i32
        %add3A_875 = arith.addi %mul3A_187, %add3A_874 : i32
        %get3A_876 = arith.index_cast %add3A_875 : i32 to index
        %get3A_877 = arith.constant 48 : index
        %get3A_878 = tpu.vector_load %arg8[%get3A_876, %get3A_877] {strides = array<i32>} : memref<64x128xf32, #tpu.memory_space<vmem>>, vector<16xf32>,
        %add3A_879 = arith.constant 5 : i32
        %add3A_880 = arith.addi %mul3A_187, %add3A_879 : i32
        %get3A_881 = arith.index_cast %add3A_880 : i32 to index
        %get3A_882 = arith.constant 48 : index
        %get3A_883 = tpu.vector_load %arg10[%get3A_881, %get3A_882] {strides = array<i32>} : memref<64x128xf32, #tpu.memory_space<vmem>>, vector<16xf32>,
        %mul3A_884 = arith.mulf %get3A_878, %get3A_883 : vector<16xf32>
        %add3A_885 = arith.constant 5 : i32
        %add3A_886 = arith.addi %mul3A_187, %add3A_885 : i32
        %swap3A_887 = arith.index_cast %add3A_886 : i32 to index
        %swap3A_888 = arith.constant 48 : index
        %swap3A_889 = tpu.vector_load %arg8[%swap3A_887, %swap3A_888] {strides = array<i32>} : memref<64x128xf32, #tpu.memory_space<vmem>>, vector<16xf32>,
        tpu.vector_store %arg8[%swap3A_887, %swap3A_888], %mul3A_884 {strides = array<i32>} : memref<64x128xf32, #tpu.memory_space<vmem>>, vector<16xf32>,
        %add3A_890 = arith.constant 5 : i32
        %add3A_891 = arith.addi %mul3A_187, %add3A_890 : i32
        %get3A_892 = arith.index_cast %add3A_891 : i32 to index
        %get3A_893 = arith.constant 64 : index
        %get3A_894 = tpu.vector_load %arg8[%get3A_892, %get3A_893] {strides = array<i32>} : memref<64x128xf32, #tpu.memory_space<vmem>>, vector<16xf32>,
        %add3A_895 = arith.constant 5 : i32
        %add3A_896 = arith.addi %mul3A_187, %add3A_895 : i32
        %get3A_897 = arith.index_cast %add3A_896 : i32 to index
        %get3A_898 = arith.constant 64 : index
        %get3A_899 = tpu.vector_load %arg10[%get3A_897, %get3A_898] {strides = array<i32>} : memref<64x128xf32, #tpu.memory_space<vmem>>, vector<16xf32>,
        %mul3A_900 = arith.mulf %get3A_894, %get3A_899 : vector<16xf32>
        %add3A_901 = arith.constant 5 : i32
        %add3A_902 = arith.addi %mul3A_187, %add3A_901 : i32
        %swap3A_903 = arith.index_cast %add3A_902 : i32 to index
        %swap3A_904 = arith.constant 64 : index
        %swap3A_905 = tpu.vector_load %arg8[%swap3A_903, %swap3A_904] {strides = array<i32>} : memref<64x128xf32, #tpu.memory_space<vmem>>, vector<16xf32>,
        tpu.vector_store %arg8[%swap3A_903, %swap3A_904], %mul3A_900 {strides = array<i32>} : memref<64x128xf32, #tpu.memory_space<vmem>>, vector<16xf32>,
        %add3A_906 = arith.constant 5 : i32
        %add3A_907 = arith.addi %mul3A_187, %add3A_906 : i32
        %get3A_908 = arith.index_cast %add3A_907 : i32 to index
        %get3A_909 = arith.constant 80 : index
        %get3A_910 = tpu.vector_load %arg8[%get3A_908, %get3A_909] {strides = array<i32>} : memref<64x128xf32, #tpu.memory_space<vmem>>, vector<16xf32>,
        %add3A_911 = arith.constant 5 : i32
        %add3A_912 = arith.addi %mul3A_187, %add3A_911 : i32
        %get3A_913 = arith.index_cast %add3A_912 : i32 to index
        %get3A_914 = arith.constant 80 : index
        %get3A_915 = tpu.vector_load %arg10[%get3A_913, %get3A_914] {strides = array<i32>} : memref<64x128xf32, #tpu.memory_space<vmem>>, vector<16xf32>,
        %mul3A_916 = arith.mulf %get3A_910, %get3A_915 : vector<16xf32>
        %add3A_917 = arith.constant 5 : i32
        %add3A_918 = arith.addi %mul3A_187, %add3A_917 : i32
        %swap3A_919 = arith.index_cast %add3A_918 : i32 to index
        %swap3A_920 = arith.constant 80 : index
        %swap3A_921 = tpu.vector_load %arg8[%swap3A_919, %swap3A_920] {strides = array<i32>} : memref<64x128xf32, #tpu.memory_space<vmem>>, vector<16xf32>,
        tpu.vector_store %arg8[%swap3A_919, %swap3A_920], %mul3A_916 {strides = array<i32>} : memref<64x128xf32, #tpu.memory_space<vmem>>, vector<16xf32>,
        %add3A_922 = arith.constant 5 : i32
        %add3A_923 = arith.addi %mul3A_187, %add3A_922 : i32
        %get3A_924 = arith.index_cast %add3A_923 : i32 to index
        %get3A_925 = arith.constant 96 : index
        %get3A_926 = tpu.vector_load %arg8[%get3A_924, %get3A_925] {strides = array<i32>} : memref<64x128xf32, #tpu.memory_space<vmem>>, vector<16xf32>,
        %add3A_927 = arith.constant 5 : i32
        %add3A_928 = arith.addi %mul3A_187, %add3A_927 : i32
        %get3A_929 = arith.index_cast %add3A_928 : i32 to index
        %get3A_930 = arith.constant 96 : index
        %get3A_931 = tpu.vector_load %arg10[%get3A_929, %get3A_930] {strides = array<i32>} : memref<64x128xf32, #tpu.memory_space<vmem>>, vector<16xf32>,
        %mul3A_932 = arith.mulf %get3A_926, %get3A_931 : vector<16xf32>
        %add3A_933 = arith.constant 5 : i32
        %add3A_934 = arith.addi %mul3A_187, %add3A_933 : i32
        %swap3A_935 = arith.index_cast %add3A_934 : i32 to index
        %swap3A_936 = arith.constant 96 : index
        %swap3A_937 = tpu.vector_load %arg8[%swap3A_935, %swap3A_936] {strides = array<i32>} : memref<64x128xf32, #tpu.memory_space<vmem>>, vector<16xf32>,
        tpu.vector_store %arg8[%swap3A_935, %swap3A_936], %mul3A_932 {strides = array<i32>} : memref<64x128xf32, #tpu.memory_space<vmem>>, vector<16xf32>,
        %add3A_938 = arith.constant 5 : i32
        %add3A_939 = arith.addi %mul3A_187, %add3A_938 : i32
        %get3A_940 = arith.index_cast %add3A_939 : i32 to index
        %get3A_941 = arith.constant 112 : index
        %get3A_942 = tpu.vector_load %arg8[%get3A_940, %get3A_941] {strides = array<i32>} : memref<64x128xf32, #tpu.memory_space<vmem>>, vector<16xf32>,
        %add3A_943 = arith.constant 5 : i32
        %add3A_944 = arith.addi %mul3A_187, %add3A_943 : i32
        %get3A_945 = arith.index_cast %add3A_944 : i32 to index
        %get3A_946 = arith.constant 112 : index
        %get3A_947 = tpu.vector_load %arg10[%get3A_945, %get3A_946] {strides = array<i32>} : memref<64x128xf32, #tpu.memory_space<vmem>>, vector<16xf32>,
        %mul3A_948 = arith.mulf %get3A_942, %get3A_947 : vector<16xf32>
        %add3A_949 = arith.constant 5 : i32
        %add3A_950 = arith.addi %mul3A_187, %add3A_949 : i32
        %swap3A_951 = arith.index_cast %add3A_950 : i32 to index
        %swap3A_952 = arith.constant 112 : index
        %swap3A_953 = tpu.vector_load %arg8[%swap3A_951, %swap3A_952] {strides = array<i32>} : memref<64x128xf32, #tpu.memory_space<vmem>>, vector<16xf32>,
        tpu.vector_store %arg8[%swap3A_951, %swap3A_952], %mul3A_948 {strides = array<i32>} : memref<64x128xf32, #tpu.memory_space<vmem>>, vector<16xf32>,
        %add3A_954 = arith.constant 6 : i32
        %add3A_955 = arith.addi %mul3A_187, %add3A_954 : i32
        %get3A_956 = arith.index_cast %add3A_955 : i32 to index
        %get3A_957 = arith.constant 0 : index
        %get3A_958 = tpu.vector_load %arg8[%get3A_956, %get3A_957] {strides = array<i32>} : memref<64x128xf32, #tpu.memory_space<vmem>>, vector<16xf32>,
        %add3A_959 = arith.constant 6 : i32
        %add3A_960 = arith.addi %mul3A_187, %add3A_959 : i32
        %get3A_961 = arith.index_cast %add3A_960 : i32 to index
        %get3A_962 = arith.constant 0 : index
        %get3A_963 = tpu.vector_load %arg10[%get3A_961, %get3A_962] {strides = array<i32>} : memref<64x128xf32, #tpu.memory_space<vmem>>, vector<16xf32>,
        %mul3A_964 = arith.mulf %get3A_958, %get3A_963 : vector<16xf32>
        %add3A_965 = arith.constant 6 : i32
        %add3A_966 = arith.addi %mul3A_187, %add3A_965 : i32
        %swap3A_967 = arith.index_cast %add3A_966 : i32 to index
        %swap3A_968 = arith.constant 0 : index
        %swap3A_969 = tpu.vector_load %arg8[%swap3A_967, %swap3A_968] {strides = array<i32>} : memref<64x128xf32, #tpu.memory_space<vmem>>, vector<16xf32>,
        tpu.vector_store %arg8[%swap3A_967, %swap3A_968], %mul3A_964 {strides = array<i32>} : memref<64x128xf32, #tpu.memory_space<vmem>>, vector<16xf32>,
        %add3A_970 = arith.constant 6 : i32
        %add3A_971 = arith.addi %mul3A_187, %add3A_970 : i32
        %get3A_972 = arith.index_cast %add3A_971 : i32 to index
        %get3A_973 = arith.constant 16 : index
        %get3A_974 = tpu.vector_load %arg8[%get3A_972, %get3A_973] {strides = array<i32>} : memref<64x128xf32, #tpu.memory_space<vmem>>, vector<16xf32>,
        %add3A_975 = arith.constant 6 : i32
        %add3A_976 = arith.addi %mul3A_187, %add3A_975 : i32
        %get3A_977 = arith.index_cast %add3A_976 : i32 to index
        %get3A_978 = arith.constant 16 : index
        %get3A_979 = tpu.vector_load %arg10[%get3A_977, %get3A_978] {strides = array<i32>} : memref<64x128xf32, #tpu.memory_space<vmem>>, vector<16xf32>,
        %mul3A_980 = arith.mulf %get3A_974, %get3A_979 : vector<16xf32>
        %add3A_981 = arith.constant 6 : i32
        %add3A_982 = arith.addi %mul3A_187, %add3A_981 : i32
        %swap3A_983 = arith.index_cast %add3A_982 : i32 to index
        %swap3A_984 = arith.constant 16 : index
        %swap3A_985 = tpu.vector_load %arg8[%swap3A_983, %swap3A_984] {strides = array<i32>} : memref<64x128xf32, #tpu.memory_space<vmem>>, vector<16xf32>,
        tpu.vector_store %arg8[%swap3A_983, %swap3A_984], %mul3A_980 {strides = array<i32>} : memref<64x128xf32, #tpu.memory_space<vmem>>, vector<16xf32>,
        %add3A_986 = arith.constant 6 : i32
        %add3A_987 = arith.addi %mul3A_187, %add3A_986 : i32
        %get3A_988 = arith.index_cast %add3A_987 : i32 to index
        %get3A_989 = arith.constant 32 : index
        %get3A_990 = tpu.vector_load %arg8[%get3A_988, %get3A_989] {strides = array<i32>} : memref<64x128xf32, #tpu.memory_space<vmem>>, vector<16xf32>,
        %add3A_991 = arith.constant 6 : i32
        %add3A_992 = arith.addi %mul3A_187, %add3A_991 : i32
        %get3A_993 = arith.index_cast %add3A_992 : i32 to index
        %get3A_994 = arith.constant 32 : index
        %get3A_995 = tpu.vector_load %arg10[%get3A_993, %get3A_994] {strides = array<i32>} : memref<64x128xf32, #tpu.memory_space<vmem>>, vector<16xf32>,
        %mul3A_996 = arith.mulf %get3A_990, %get3A_995 : vector<16xf32>
        %add3A_997 = arith.constant 6 : i32
        %add3A_998 = arith.addi %mul3A_187, %add3A_997 : i32
        %swap3A_999 = arith.index_cast %add3A_998 : i32 to index
        %swap3A_1000 = arith.constant 32 : index
        %swap3A_1001 = tpu.vector_load %arg8[%swap3A_999, %swap3A_1000] {strides = array<i32>} : memref<64x128xf32, #tpu.memory_space<vmem>>, vector<16xf32>,
        tpu.vector_store %arg8[%swap3A_999, %swap3A_1000], %mul3A_996 {strides = array<i32>} : memref<64x128xf32, #tpu.memory_space<vmem>>, vector<16xf32>,
        %add3A_1002 = arith.constant 6 : i32
        %add3A_1003 = arith.addi %mul3A_187, %add3A_1002 : i32
        %get3A_1004 = arith.index_cast %add3A_1003 : i32 to index
        %get3A_1005 = arith.constant 48 : index
        %get3A_1006 = tpu.vector_load %arg8[%get3A_1004, %get3A_1005] {strides = array<i32>} : memref<64x128xf32, #tpu.memory_space<vmem>>, vector<16xf32>,
        %add3A_1007 = arith.constant 6 : i32
        %add3A_1008 = arith.addi %mul3A_187, %add3A_1007 : i32
        %get3A_1009 = arith.index_cast %add3A_1008 : i32 to index
        %get3A_1010 = arith.constant 48 : index
        %get3A_1011 = tpu.vector_load %arg10[%get3A_1009, %get3A_1010] {strides = array<i32>} : memref<64x128xf32, #tpu.memory_space<vmem>>, vector<16xf32>,
        %mul3A_1012 = arith.mulf %get3A_1006, %get3A_1011 : vector<16xf32>
        %add3A_1013 = arith.constant 6 : i32
        %add3A_1014 = arith.addi %mul3A_187, %add3A_1013 : i32
        %swap3A_1015 = arith.index_cast %add3A_1014 : i32 to index
        %swap3A_1016 = arith.constant 48 : index
        %swap3A_1017 = tpu.vector_load %arg8[%swap3A_1015, %swap3A_1016] {strides = array<i32>} : memref<64x128xf32, #tpu.memory_space<vmem>>, vector<16xf32>,
        tpu.vector_store %arg8[%swap3A_1015, %swap3A_1016], %mul3A_1012 {strides = array<i32>} : memref<64x128xf32, #tpu.memory_space<vmem>>, vector<16xf32>,
        %add3A_1018 = arith.constant 6 : i32
        %add3A_1019 = arith.addi %mul3A_187, %add3A_1018 : i32
        %get3A_1020 = arith.index_cast %add3A_1019 : i32 to index
        %get3A_1021 = arith.constant 64 : index
        %get3A_1022 = tpu.vector_load %arg8[%get3A_1020, %get3A_1021] {strides = array<i32>} : memref<64x128xf32, #tpu.memory_space<vmem>>, vector<16xf32>,
        %add3A_1023 = arith.constant 6 : i32
        %add3A_1024 = arith.addi %mul3A_187, %add3A_1023 : i32
        %get3A_1025 = arith.index_cast %add3A_1024 : i32 to index
        %get3A_1026 = arith.constant 64 : index
        %get3A_1027 = tpu.vector_load %arg10[%get3A_1025, %get3A_1026] {strides = array<i32>} : memref<64x128xf32, #tpu.memory_space<vmem>>, vector<16xf32>,
        %mul3A_1028 = arith.mulf %get3A_1022, %get3A_1027 : vector<16xf32>
        %add3A_1029 = arith.constant 6 : i32
        %add3A_1030 = arith.addi %mul3A_187, %add3A_1029 : i32
        %swap3A_1031 = arith.index_cast %add3A_1030 : i32 to index
        %swap3A_1032 = arith.constant 64 : index
        %swap3A_1033 = tpu.vector_load %arg8[%swap3A_1031, %swap3A_1032] {strides = array<i32>} : memref<64x128xf32, #tpu.memory_space<vmem>>, vector<16xf32>,
        tpu.vector_store %arg8[%swap3A_1031, %swap3A_1032], %mul3A_1028 {strides = array<i32>} : memref<64x128xf32, #tpu.memory_space<vmem>>, vector<16xf32>,
        %add3A_1034 = arith.constant 6 : i32
        %add3A_1035 = arith.addi %mul3A_187, %add3A_1034 : i32
        %get3A_1036 = arith.index_cast %add3A_1035 : i32 to index
        %get3A_1037 = arith.constant 80 : index
        %get3A_1038 = tpu.vector_load %arg8[%get3A_1036, %get3A_1037] {strides = array<i32>} : memref<64x128xf32, #tpu.memory_space<vmem>>, vector<16xf32>,
        %add3A_1039 = arith.constant 6 : i32
        %add3A_1040 = arith.addi %mul3A_187, %add3A_1039 : i32
        %get3A_1041 = arith.index_cast %add3A_1040 : i32 to index
        %get3A_1042 = arith.constant 80 : index
        %get3A_1043 = tpu.vector_load %arg10[%get3A_1041, %get3A_1042] {strides = array<i32>} : memref<64x128xf32, #tpu.memory_space<vmem>>, vector<16xf32>,
        %mul3A_1044 = arith.mulf %get3A_1038, %get3A_1043 : vector<16xf32>
        %add3A_1045 = arith.constant 6 : i32
        %add3A_1046 = arith.addi %mul3A_187, %add3A_1045 : i32
        %swap3A_1047 = arith.index_cast %add3A_1046 : i32 to index
        %swap3A_1048 = arith.constant 80 : index
        %swap3A_1049 = tpu.vector_load %arg8[%swap3A_1047, %swap3A_1048] {strides = array<i32>} : memref<64x128xf32, #tpu.memory_space<vmem>>, vector<16xf32>,
        tpu.vector_store %arg8[%swap3A_1047, %swap3A_1048], %mul3A_1044 {strides = array<i32>} : memref<64x128xf32, #tpu.memory_space<vmem>>, vector<16xf32>,
        %add3A_1050 = arith.constant 6 : i32
        %add3A_1051 = arith.addi %mul3A_187, %add3A_1050 : i32
        %get3A_1052 = arith.index_cast %add3A_1051 : i32 to index
        %get3A_1053 = arith.constant 96 : index
        %get3A_1054 = tpu.vector_load %arg8[%get3A_1052, %get3A_1053] {strides = array<i32>} : memref<64x128xf32, #tpu.memory_space<vmem>>, vector<16xf32>,
        %add3A_1055 = arith.constant 6 : i32
        %add3A_1056 = arith.addi %mul3A_187, %add3A_1055 : i32
        %get3A_1057 = arith.index_cast %add3A_1056 : i32 to index
        %get3A_1058 = arith.constant 96 : index
        %get3A_1059 = tpu.vector_load %arg10[%get3A_1057, %get3A_1058] {strides = array<i32>} : memref<64x128xf32, #tpu.memory_space<vmem>>, vector<16xf32>,
        %mul3A_1060 = arith.mulf %get3A_1054, %get3A_1059 : vector<16xf32>
        %add3A_1061 = arith.constant 6 : i32
        %add3A_1062 = arith.addi %mul3A_187, %add3A_1061 : i32
        %swap3A_1063 = arith.index_cast %add3A_1062 : i32 to index
        %swap3A_1064 = arith.constant 96 : index
        %swap3A_1065 = tpu.vector_load %arg8[%swap3A_1063, %swap3A_1064] {strides = array<i32>} : memref<64x128xf32, #tpu.memory_space<vmem>>, vector<16xf32>,
        tpu.vector_store %arg8[%swap3A_1063, %swap3A_1064], %mul3A_1060 {strides = array<i32>} : memref<64x128xf32, #tpu.memory_space<vmem>>, vector<16xf32>,
        %add3A_1066 = arith.constant 6 : i32
        %add3A_1067 = arith.addi %mul3A_187, %add3A_1066 : i32
        %get3A_1068 = arith.index_cast %add3A_1067 : i32 to index
        %get3A_1069 = arith.constant 112 : index
        %get3A_1070 = tpu.vector_load %arg8[%get3A_1068, %get3A_1069] {strides = array<i32>} : memref<64x128xf32, #tpu.memory_space<vmem>>, vector<16xf32>,
        %add3A_1071 = arith.constant 6 : i32
        %add3A_1072 = arith.addi %mul3A_187, %add3A_1071 : i32
        %get3A_1073 = arith.index_cast %add3A_1072 : i32 to index
        %get3A_1074 = arith.constant 112 : index
        %get3A_1075 = tpu.vector_load %arg10[%get3A_1073, %get3A_1074] {strides = array<i32>} : memref<64x128xf32, #tpu.memory_space<vmem>>, vector<16xf32>,
        %mul3A_1076 = arith.mulf %get3A_1070, %get3A_1075 : vector<16xf32>
        %add3A_1077 = arith.constant 6 : i32
        %add3A_1078 = arith.addi %mul3A_187, %add3A_1077 : i32
        %swap3A_1079 = arith.index_cast %add3A_1078 : i32 to index
        %swap3A_1080 = arith.constant 112 : index
        %swap3A_1081 = tpu.vector_load %arg8[%swap3A_1079, %swap3A_1080] {strides = array<i32>} : memref<64x128xf32, #tpu.memory_space<vmem>>, vector<16xf32>,
        tpu.vector_store %arg8[%swap3A_1079, %swap3A_1080], %mul3A_1076 {strides = array<i32>} : memref<64x128xf32, #tpu.memory_space<vmem>>, vector<16xf32>,
        %add3A_1082 = arith.constant 7 : i32
        %add3A_1083 = arith.addi %mul3A_187, %add3A_1082 : i32
        %get3A_1084 = arith.index_cast %add3A_1083 : i32 to index
        %get3A_1085 = arith.constant 0 : index
        %get3A_1086 = tpu.vector_load %arg8[%get3A_1084, %get3A_1085] {strides = array<i32>} : memref<64x128xf32, #tpu.memory_space<vmem>>, vector<16xf32>,
        %add3A_1087 = arith.constant 7 : i32
        %add3A_1088 = arith.addi %mul3A_187, %add3A_1087 : i32
        %get3A_1089 = arith.index_cast %add3A_1088 : i32 to index
        %get3A_1090 = arith.constant 0 : index
        %get3A_1091 = tpu.vector_load %arg10[%get3A_1089, %get3A_1090] {strides = array<i32>} : memref<64x128xf32, #tpu.memory_space<vmem>>, vector<16xf32>,
        %mul3A_1092 = arith.mulf %get3A_1086, %get3A_1091 : vector<16xf32>
        %add3A_1093 = arith.constant 7 : i32
        %add3A_1094 = arith.addi %mul3A_187, %add3A_1093 : i32
        %swap3A_1095 = arith.index_cast %add3A_1094 : i32 to index
        %swap3A_1096 = arith.constant 0 : index
        %swap3A_1097 = tpu.vector_load %arg8[%swap3A_1095, %swap3A_1096] {strides = array<i32>} : memref<64x128xf32, #tpu.memory_space<vmem>>, vector<16xf32>,
        tpu.vector_store %arg8[%swap3A_1095, %swap3A_1096], %mul3A_1092 {strides = array<i32>} : memref<64x128xf32, #tpu.memory_space<vmem>>, vector<16xf32>,
        %add3A_1098 = arith.constant 7 : i32
        %add3A_1099 = arith.addi %mul3A_187, %add3A_1098 : i32
        %get3A_1100 = arith.index_cast %add3A_1099 : i32 to index
        %get3A_1101 = arith.constant 16 : index
        %get3A_1102 = tpu.vector_load %arg8[%get3A_1100, %get3A_1101] {strides = array<i32>} : memref<64x128xf32, #tpu.memory_space<vmem>>, vector<16xf32>,
        %add3A_1103 = arith.constant 7 : i32
        %add3A_1104 = arith.addi %mul3A_187, %add3A_1103 : i32
        %get3A_1105 = arith.index_cast %add3A_1104 : i32 to index
        %get3A_1106 = arith.constant 16 : index
        %get3A_1107 = tpu.vector_load %arg10[%get3A_1105, %get3A_1106] {strides = array<i32>} : memref<64x128xf32, #tpu.memory_space<vmem>>, vector<16xf32>,
        %mul3A_1108 = arith.mulf %get3A_1102, %get3A_1107 : vector<16xf32>
        %add3A_1109 = arith.constant 7 : i32
        %add3A_1110 = arith.addi %mul3A_187, %add3A_1109 : i32
        %swap3A_1111 = arith.index_cast %add3A_1110 : i32 to index
        %swap3A_1112 = arith.constant 16 : index
        %swap3A_1113 = tpu.vector_load %arg8[%swap3A_1111, %swap3A_1112] {strides = array<i32>} : memref<64x128xf32, #tpu.memory_space<vmem>>, vector<16xf32>,
        tpu.vector_store %arg8[%swap3A_1111, %swap3A_1112], %mul3A_1108 {strides = array<i32>} : memref<64x128xf32, #tpu.memory_space<vmem>>, vector<16xf32>,
        %add3A_1114 = arith.constant 7 : i32
        %add3A_1115 = arith.addi %mul3A_187, %add3A_1114 : i32
        %get3A_1116 = arith.index_cast %add3A_1115 : i32 to index
        %get3A_1117 = arith.constant 32 : index
        %get3A_1118 = tpu.vector_load %arg8[%get3A_1116, %get3A_1117] {strides = array<i32>} : memref<64x128xf32, #tpu.memory_space<vmem>>, vector<16xf32>,
        %add3A_1119 = arith.constant 7 : i32
        %add3A_1120 = arith.addi %mul3A_187, %add3A_1119 : i32
        %get3A_1121 = arith.index_cast %add3A_1120 : i32 to index
        %get3A_1122 = arith.constant 32 : index
        %get3A_1123 = tpu.vector_load %arg10[%get3A_1121, %get3A_1122] {strides = array<i32>} : memref<64x128xf32, #tpu.memory_space<vmem>>, vector<16xf32>,
        %mul3A_1124 = arith.mulf %get3A_1118, %get3A_1123 : vector<16xf32>
        %add3A_1125 = arith.constant 7 : i32
        %add3A_1126 = arith.addi %mul3A_187, %add3A_1125 : i32
        %swap3A_1127 = arith.index_cast %add3A_1126 : i32 to index
        %swap3A_1128 = arith.constant 32 : index
        %swap3A_1129 = tpu.vector_load %arg8[%swap3A_1127, %swap3A_1128] {strides = array<i32>} : memref<64x128xf32, #tpu.memory_space<vmem>>, vector<16xf32>,
        tpu.vector_store %arg8[%swap3A_1127, %swap3A_1128], %mul3A_1124 {strides = array<i32>} : memref<64x128xf32, #tpu.memory_space<vmem>>, vector<16xf32>,
        %add3A_1130 = arith.constant 7 : i32
        %add3A_1131 = arith.addi %mul3A_187, %add3A_1130 : i32
        %get3A_1132 = arith.index_cast %add3A_1131 : i32 to index
        %get3A_1133 = arith.constant 48 : index
        %get3A_1134 = tpu.vector_load %arg8[%get3A_1132, %get3A_1133] {strides = array<i32>} : memref<64x128xf32, #tpu.memory_space<vmem>>, vector<16xf32>,
        %add3A_1135 = arith.constant 7 : i32
        %add3A_1136 = arith.addi %mul3A_187, %add3A_1135 : i32
        %get3A_1137 = arith.index_cast %add3A_1136 : i32 to index
        %get3A_1138 = arith.constant 48 : index
        %get3A_1139 = tpu.vector_load %arg10[%get3A_1137, %get3A_1138] {strides = array<i32>} : memref<64x128xf32, #tpu.memory_space<vmem>>, vector<16xf32>,
        %mul3A_1140 = arith.mulf %get3A_1134, %get3A_1139 : vector<16xf32>
        %add3A_1141 = arith.constant 7 : i32
        %add3A_1142 = arith.addi %mul3A_187, %add3A_1141 : i32
        %swap3A_1143 = arith.index_cast %add3A_1142 : i32 to index
        %swap3A_1144 = arith.constant 48 : index
        %swap3A_1145 = tpu.vector_load %arg8[%swap3A_1143, %swap3A_1144] {strides = array<i32>} : memref<64x128xf32, #tpu.memory_space<vmem>>, vector<16xf32>,
        tpu.vector_store %arg8[%swap3A_1143, %swap3A_1144], %mul3A_1140 {strides = array<i32>} : memref<64x128xf32, #tpu.memory_space<vmem>>, vector<16xf32>,
        %add3A_1146 = arith.constant 7 : i32
        %add3A_1147 = arith.addi %mul3A_187, %add3A_1146 : i32
        %get3A_1148 = arith.index_cast %add3A_1147 : i32 to index
        %get3A_1149 = arith.constant 64 : index
        %get3A_1150 = tpu.vector_load %arg8[%get3A_1148, %get3A_1149] {strides = array<i32>} : memref<64x128xf32, #tpu.memory_space<vmem>>, vector<16xf32>,
        %add3A_1151 = arith.constant 7 : i32
        %add3A_1152 = arith.addi %mul3A_187, %add3A_1151 : i32
        %get3A_1153 = arith.index_cast %add3A_1152 : i32 to index
        %get3A_1154 = arith.constant 64 : index
        %get3A_1155 = tpu.vector_load %arg10[%get3A_1153, %get3A_1154] {strides = array<i32>} : memref<64x128xf32, #tpu.memory_space<vmem>>, vector<16xf32>,
        %mul3A_1156 = arith.mulf %get3A_1150, %get3A_1155 : vector<16xf32>
        %add3A_1157 = arith.constant 7 : i32
        %add3A_1158 = arith.addi %mul3A_187, %add3A_1157 : i32
        %swap3A_1159 = arith.index_cast %add3A_1158 : i32 to index
        %swap3A_1160 = arith.constant 64 : index
        %swap3A_1161 = tpu.vector_load %arg8[%swap3A_1159, %swap3A_1160] {strides = array<i32>} : memref<64x128xf32, #tpu.memory_space<vmem>>, vector<16xf32>,
        tpu.vector_store %arg8[%swap3A_1159, %swap3A_1160], %mul3A_1156 {strides = array<i32>} : memref<64x128xf32, #tpu.memory_space<vmem>>, vector<16xf32>,
        %add3A_1162 = arith.constant 7 : i32
        %add3A_1163 = arith.addi %mul3A_187, %add3A_1162 : i32
        %get3A_1164 = arith.index_cast %add3A_1163 : i32 to index
        %get3A_1165 = arith.constant 80 : index
        %get3A_1166 = tpu.vector_load %arg8[%get3A_1164, %get3A_1165] {strides = array<i32>} : memref<64x128xf32, #tpu.memory_space<vmem>>, vector<16xf32>,
        %add3A_1167 = arith.constant 7 : i32
        %add3A_1168 = arith.addi %mul3A_187, %add3A_1167 : i32
        %get3A_1169 = arith.index_cast %add3A_1168 : i32 to index
        %get3A_1170 = arith.constant 80 : index
        %get3A_1171 = tpu.vector_load %arg10[%get3A_1169, %get3A_1170] {strides = array<i32>} : memref<64x128xf32, #tpu.memory_space<vmem>>, vector<16xf32>,
        %mul3A_1172 = arith.mulf %get3A_1166, %get3A_1171 : vector<16xf32>
        %add3A_1173 = arith.constant 7 : i32
        %add3A_1174 = arith.addi %mul3A_187, %add3A_1173 : i32
        %swap3A_1175 = arith.index_cast %add3A_1174 : i32 to index
        %swap3A_1176 = arith.constant 80 : index
        %swap3A_1177 = tpu.vector_load %arg8[%swap3A_1175, %swap3A_1176] {strides = array<i32>} : memref<64x128xf32, #tpu.memory_space<vmem>>, vector<16xf32>,
        tpu.vector_store %arg8[%swap3A_1175, %swap3A_1176], %mul3A_1172 {strides = array<i32>} : memref<64x128xf32, #tpu.memory_space<vmem>>, vector<16xf32>,
        %add3A_1178 = arith.constant 7 : i32
        %add3A_1179 = arith.addi %mul3A_187, %add3A_1178 : i32
        %get3A_1180 = arith.index_cast %add3A_1179 : i32 to index
        %get3A_1181 = arith.constant 96 : index
        %get3A_1182 = tpu.vector_load %arg8[%get3A_1180, %get3A_1181] {strides = array<i32>} : memref<64x128xf32, #tpu.memory_space<vmem>>, vector<16xf32>,
        %add3A_1183 = arith.constant 7 : i32
        %add3A_1184 = arith.addi %mul3A_187, %add3A_1183 : i32
        %get3A_1185 = arith.index_cast %add3A_1184 : i32 to index
        %get3A_1186 = arith.constant 96 : index
        %get3A_1187 = tpu.vector_load %arg10[%get3A_1185, %get3A_1186] {strides = array<i32>} : memref<64x128xf32, #tpu.memory_space<vmem>>, vector<16xf32>,
        %mul3A_1188 = arith.mulf %get3A_1182, %get3A_1187 : vector<16xf32>
        %add3A_1189 = arith.constant 7 : i32
        %add3A_1190 = arith.addi %mul3A_187, %add3A_1189 : i32
        %swap3A_1191 = arith.index_cast %add3A_1190 : i32 to index
        %swap3A_1192 = arith.constant 96 : index
        %swap3A_1193 = tpu.vector_load %arg8[%swap3A_1191, %swap3A_1192] {strides = array<i32>} : memref<64x128xf32, #tpu.memory_space<vmem>>, vector<16xf32>,
        tpu.vector_store %arg8[%swap3A_1191, %swap3A_1192], %mul3A_1188 {strides = array<i32>} : memref<64x128xf32, #tpu.memory_space<vmem>>, vector<16xf32>,
        %add3A_1194 = arith.constant 7 : i32
        %add3A_1195 = arith.addi %mul3A_187, %add3A_1194 : i32
        %get3A_1196 = arith.index_cast %add3A_1195 : i32 to index
        %get3A_1197 = arith.constant 112 : index
        %get3A_1198 = tpu.vector_load %arg8[%get3A_1196, %get3A_1197] {strides = array<i32>} : memref<64x128xf32, #tpu.memory_space<vmem>>, vector<16xf32>,
        %add3A_1199 = arith.constant 7 : i32
        %add3A_1200 = arith.addi %mul3A_187, %add3A_1199 : i32
        %get3A_1201 = arith.index_cast %add3A_1200 : i32 to index
        %get3A_1202 = arith.constant 112 : index
        %get3A_1203 = tpu.vector_load %arg10[%get3A_1201, %get3A_1202] {strides = array<i32>} : memref<64x128xf32, #tpu.memory_space<vmem>>, vector<16xf32>,
        %mul3A_1204 = arith.mulf %get3A_1198, %get3A_1203 : vector<16xf32>
        %add3A_1205 = arith.constant 7 : i32
        %add3A_1206 = arith.addi %mul3A_187, %add3A_1205 : i32
        %swap3A_1207 = arith.index_cast %add3A_1206 : i32 to index
        %swap3A_1208 = arith.constant 112 : index
        %swap3A_1209 = tpu.vector_load %arg8[%swap3A_1207, %swap3A_1208] {strides = array<i32>} : memref<64x128xf32, #tpu.memory_space<vmem>>, vector<16xf32>,
        tpu.vector_store %arg8[%swap3A_1207, %swap3A_1208], %mul3A_1204 {strides = array<i32>} : memref<64x128xf32, #tpu.memory_space<vmem>>, vector<16xf32>,
        %scan3A_1210 = arith.constant 0 : i32
        scf.yield %scan3A_1210 : i32
      }
      %scan3A_120 = arith.constant 8 : i32
      %dma_start3A_121 = arith.constant 2 : i32
      %dma_start3A_122 = arith.constant 0 : i32
      %dma_start3A_123 = tpu.memref_slice %arg6[%dma_start3A_121, %dma_start3A_122] : memref<3x64xi32, #tpu.memory_space<vmem>> -> memref<1x64xi32, #tpu.memory_space<vmem>>
      %dma_start3A_124 = tpu.memref_squeeze %dma_start3A_123 : memref<1x64xi32, #tpu.memory_space<vmem>> -> memref<64xi32, #tpu.memory_space<vmem>>
      %dma_start3A_125 = arith.constant 0 : i32
      %dma_start3A_126 = arith.constant 0 : i32
      %dma_start3A_127 = tpu.memref_slice %arg13[%dma_start3A_125, %dma_start3A_126] : memref<10112x128xf32, #tpu.memory_space<vmem_shared>> -> memref<10112x128xf32, #tpu.memory_space<vmem_shared>>
      tpu.enqueue_indirect_dma source(%arg8 : memref<64x128xf32, #tpu.memory_space<vmem>>) target(%dma_start3A_127 : memref<10112x128xf32, #tpu.memory_space<vmem_shared>>) offsets(%dma_start3A_124 : memref<64xi32, #tpu.memory_space<vmem>>) semaphore(%arg18 : memref<!tpu.dma_semaphore, #tpu.memory_space<semaphore_mem>>) {add = true}
      %scan3A_128 = arith.constant 0 : i32
      %scan3A_129 = arith.constant 0 : i32
      %scan3A_130 = arith.constant 4 : i32
      %scan3A_131 = arith.addi %scan3A_129, %scan3A_130 : i32
      %scan3A_132 = arith.constant 1 : i32
      %scan3A_133 = scf.for %scan3A_184 = %scan3A_129 to %scan3A_131 step %scan3A_132 iter_args(%scan3A_185 = %scan3A_128) -> (i32)  : i32 {
        %mul3A_186 = arith.constant 16 : i32
        %mul3A_187 = arith.muli %scan3A_184, %mul3A_186 : i32
        %get3A = arith.constant 2 : i32
        %get3A_188 = arith.index_cast %get3A : i32 to index
        %get3A_189 = arith.index_cast %mul3A_187 : i32 to index
        %get3A_190 = tpu.vector_load %arg6[%get3A_188, %get3A_189] {strides = array<i32>} : memref<3x64xi32, #tpu.memory_space<vmem>>, vector<16xi32>,
        %broadcast_in_dim3A_191 = arith.constant true
        %broadcast_in_dim3A_192 = vector.broadcast %broadcast_in_dim3A_191 : i1 to vector<16xi1>
        %unique3A, %unique3A_193 = tpu.scan_count mask(%broadcast_in_dim3A_192 : vector<16xi1>) value(%get3A_190 : vector<16xi32>) : vector<16xi1>, vector<16xi32>
        %shift_right_logical3A = arith.constant 7 : i32
        %shift_right_logical3A_194 = vector.broadcast %shift_right_logical3A : i32 to vector<16xi32>
        %shift_right_logical3A_195 = arith.shrui %get3A_190, %shift_right_logical3A_194 : vector<16xi32>
        %and3A = arith.constant 127 : i32
        %and3A_196 = vector.broadcast %and3A : i32 to vector<16xi32>
        %and3A_197 = arith.andi %get3A_190, %and3A_196 : vector<16xi32>
        %convert_element_type3A_198 = arith.sitofp %unique3A_193 : vector<16xi32> to vector<16xf32>
        tpu.vector_store_idx %arg12[%shift_right_logical3A_195, %and3A_197], %convert_element_type3A_198 masked %unique3A {add = true} : memref<80x128xf32, #tpu.memory_space<vmem>>[vector<16xi32>, vector<16xi32>], vector<16xf32>, vector<16xi1>
        %scan3A_199 = arith.constant 0 : i32
        scf.yield %scan3A_199 : i32
      }
      %scan3A_134 = arith.constant 4 : i32
      %add3A_135 = arith.constant 1 : i32
      %add3A_136 = arith.addi %mul3A_91, %add3A_135 : i32
      %gt3A_137 = arith.constant 0 : i32
      %gt3A_138 = arith.cmpi sgt, %add3A_136, %gt3A_137 : i32
      %convert_element_type3A_139 = arith.extui %gt3A_138 : i1 to i32
      %cond3A_140 = arith.constant 0 : i32
      %cond3A_141 = arith.cmpi ne, %convert_element_type3A_139, %cond3A_140 : i32
      scf.if %cond3A_141 {
        %dma_wait3A_184 = arith.constant 2 : i32
        %dma_wait3A_185 = arith.constant 0 : i32
        %dma_wait3A_186 = tpu.memref_slice %arg6[%dma_wait3A_184, %dma_wait3A_185] : memref<3x64xi32, #tpu.memory_space<vmem>> -> memref<1x64xi32, #tpu.memory_space<vmem>>
        %dma_wait3A_187 = tpu.memref_squeeze %dma_wait3A_186 : memref<1x64xi32, #tpu.memory_space<vmem>> -> memref<64xi32, #tpu.memory_space<vmem>>
        %dma_wait3A_188 = arith.constant 0 : i32
        %dma_wait3A_189 = arith.constant 0 : i32
        %dma_wait3A_190 = tpu.memref_slice %arg13[%dma_wait3A_188, %dma_wait3A_189] : memref<10112x128xf32, #tpu.memory_space<vmem_shared>> -> memref<10112x128xf32, #tpu.memory_space<vmem_shared>>
        tpu.wait_indirect_dma semaphore(%arg18 : memref<!tpu.dma_semaphore, #tpu.memory_space<semaphore_mem>>) src(%arg8 : memref<64x128xf32, #tpu.memory_space<vmem>>) dst(%dma_wait3A_190 : memref<10112x128xf32, #tpu.memory_space<vmem_shared>>)
      } else {
      }
      %sub3A_142 = arith.constant 1 : i32
      %sub3A_143 = arith.subi %select_n3A_39, %sub3A_142 : i32
      %lt3A_144 = arith.cmpi slt, %add3A_136, %sub3A_143 : i32
      %convert_element_type3A_145 = arith.extui %lt3A_144 : i1 to i32
      %cond3A_146 = arith.constant 0 : i32
      %cond3A_147 = arith.cmpi ne, %convert_element_type3A_145, %cond3A_146 : i32
      scf.if %cond3A_147 {
        %add3A_184 = arith.constant 1 : i32
        %add3A_185 = arith.addi %add3A_136, %add3A_184 : i32
        %add3A_186 = arith.addi %select_n3A_48, %add3A_185 : i32
        "tpu.region"() ({
          %run_scoped3A = tpu.sem_alloc : memref<!tpu.dma_semaphore, #tpu.memory_space<semaphore_mem>>
          %dma_start3A_201 = arith.constant 0 : i32
          %dma_start3A_202 = arith.constant 0 : i32
          %dma_start3A_203 = tpu.memref_slice %arg2[%add3A_186, %dma_start3A_201, %dma_start3A_202] : memref<5056x3x64xi32, #tpu.memory_space<hbm>> -> memref<1x3x64xi32, #tpu.memory_space<hbm>>
          %dma_start3A_204 = tpu.memref_squeeze %dma_start3A_203 : memref<1x3x64xi32, #tpu.memory_space<hbm>> -> memref<3x64xi32, #tpu.memory_space<hbm>>
          %dma_start3A_205 = arith.constant 0 : i32
          %dma_start3A_206 = arith.constant 0 : i32
          %dma_start3A_207 = tpu.memref_slice %arg2[%add3A_186, %dma_start3A_205, %dma_start3A_206] : memref<5056x3x64xi32, #tpu.memory_space<hbm>> -> memref<1x3x64xi32, #tpu.memory_space<hbm>>
          %dma_start3A_208 = tpu.memref_squeeze %dma_start3A_207 : memref<1x3x64xi32, #tpu.memory_space<hbm>> -> memref<3x64xi32, #tpu.memory_space<hbm>>
          tpu.enqueue_dma source(%dma_start3A_208 : memref<3x64xi32, #tpu.memory_space<hbm>>) target(%arg6 : memref<3x64xi32, #tpu.memory_space<vmem>>) target_semaphore(%run_scoped3A : memref<!tpu.dma_semaphore, #tpu.memory_space<semaphore_mem>>)
          %dma_wait3A_209 = arith.constant 0 : i32
          %dma_wait3A_210 = arith.constant 0 : i32
          %dma_wait3A_211 = tpu.memref_slice %arg2[%add3A_186, %dma_wait3A_209, %dma_wait3A_210] : memref<5056x3x64xi32, #tpu.memory_space<hbm>> -> memref<1x3x64xi32, #tpu.memory_space<hbm>>
          %dma_wait3A_212 = tpu.memref_squeeze %dma_wait3A_211 : memref<1x3x64xi32, #tpu.memory_space<hbm>> -> memref<3x64xi32, #tpu.memory_space<hbm>>
          %dma_wait3A_213 = arith.constant 0 : i32
          %dma_wait3A_214 = arith.constant 0 : i32
          %dma_wait3A_215 = tpu.memref_slice %arg2[%add3A_186, %dma_wait3A_213, %dma_wait3A_214] : memref<5056x3x64xi32, #tpu.memory_space<hbm>> -> memref<1x3x64xi32, #tpu.memory_space<hbm>>
          %dma_wait3A_216 = tpu.memref_squeeze %dma_wait3A_215 : memref<1x3x64xi32, #tpu.memory_space<hbm>> -> memref<3x64xi32, #tpu.memory_space<hbm>>
          tpu.wait_dma2 semaphore(%run_scoped3A : memref<!tpu.dma_semaphore, #tpu.memory_space<semaphore_mem>>) src(%dma_wait3A_216 : memref<3x64xi32, #tpu.memory_space<hbm>>) dst(%arg6 : memref<3x64xi32, #tpu.memory_space<vmem>>)
          tpu.yield
        }) : () -> ()
        %dma_start3A_187 = arith.constant 0 : i32
        %dma_start3A_188 = arith.constant 0 : i32
        %dma_start3A_189 = tpu.memref_slice %arg6[%dma_start3A_187, %dma_start3A_188] : memref<3x64xi32, #tpu.memory_space<vmem>> -> memref<1x64xi32, #tpu.memory_space<vmem>>
        %dma_start3A_190 = tpu.memref_squeeze %dma_start3A_189 : memref<1x64xi32, #tpu.memory_space<vmem>> -> memref<64xi32, #tpu.memory_space<vmem>>
        %dma_start3A_191 = arith.constant 0 : i32
        %dma_start3A_192 = arith.constant 0 : i32
        %dma_start3A_193 = tpu.memref_slice %arg3[%dma_start3A_191, %dma_start3A_192] : memref<10000x128xf32, #tpu.memory_space<hbm>> -> memref<10000x128xf32, #tpu.memory_space<hbm>>
        tpu.enqueue_indirect_dma source(%dma_start3A_193 : memref<10000x128xf32, #tpu.memory_space<hbm>>) target(%arg8 : memref<64x128xf32, #tpu.memory_space<vmem>>) offsets(%dma_start3A_190 : memref<64xi32, #tpu.memory_space<vmem>>) semaphore(%arg14 : memref<!tpu.dma_semaphore, #tpu.memory_space<semaphore_mem>>)
        %dma_start3A_194 = arith.constant 1 : i32
        %dma_start3A_195 = arith.constant 0 : i32
        %dma_start3A_196 = tpu.memref_slice %arg6[%dma_start3A_194, %dma_start3A_195] : memref<3x64xi32, #tpu.memory_space<vmem>> -> memref<1x64xi32, #tpu.memory_space<vmem>>
        %dma_start3A_197 = tpu.memref_squeeze %dma_start3A_196 : memref<1x64xi32, #tpu.memory_space<vmem>> -> memref<64xi32, #tpu.memory_space<vmem>>
        %dma_start3A_198 = arith.constant 0 : i32
        %dma_start3A_199 = arith.constant 0 : i32
        %dma_start3A_200 = tpu.memref_slice %arg4[%dma_start3A_198, %dma_start3A_199] : memref<475x128xf32, #tpu.memory_space<hbm>> -> memref<475x128xf32, #tpu.memory_space<hbm>>
        tpu.enqueue_indirect_dma source(%dma_start3A_200 : memref<475x128xf32, #tpu.memory_space<hbm>>) target(%arg10 : memref<64x128xf32, #tpu.memory_space<vmem>>) offsets(%dma_start3A_197 : memref<64xi32, #tpu.memory_space<vmem>>) semaphore(%arg16 : memref<!tpu.dma_semaphore, #tpu.memory_space<semaphore_mem>>)
      } else {
      }
      %dma_wait3A_148 = arith.constant 0 : i32
      %dma_wait3A_149 = arith.constant 0 : i32
      %dma_wait3A_150 = tpu.memref_slice %arg7[%dma_wait3A_148, %dma_wait3A_149] : memref<3x64xi32, #tpu.memory_space<vmem>> -> memref<1x64xi32, #tpu.memory_space<vmem>>
      %dma_wait3A_151 = tpu.memref_squeeze %dma_wait3A_150 : memref<1x64xi32, #tpu.memory_space<vmem>> -> memref<64xi32, #tpu.memory_space<vmem>>
      %dma_wait3A_152 = arith.constant 0 : i32
      %dma_wait3A_153 = arith.constant 0 : i32
      %dma_wait3A_154 = tpu.memref_slice %arg3[%dma_wait3A_152, %dma_wait3A_153] : memref<10000x128xf32, #tpu.memory_space<hbm>> -> memref<10000x128xf32, #tpu.memory_space<hbm>>
      tpu.wait_indirect_dma semaphore(%arg15 : memref<!tpu.dma_semaphore, #tpu.memory_space<semaphore_mem>>) src(%dma_wait3A_154 : memref<10000x128xf32, #tpu.memory_space<hbm>>) dst(%arg9 : memref<64x128xf32, #tpu.memory_space<vmem>>)
      %dma_wait3A_155 = arith.constant 1 : i32
      %dma_wait3A_156 = arith.constant 0 : i32
      %dma_wait3A_157 = tpu.memref_slice %arg7[%dma_wait3A_155, %dma_wait3A_156] : memref<3x64xi32, #tpu.memory_space<vmem>> -> memref<1x64xi32, #tpu.memory_space<vmem>>
      %dma_wait3A_158 = tpu.memref_squeeze %dma_wait3A_157 : memref<1x64xi32, #tpu.memory_space<vmem>> -> memref<64xi32, #tpu.memory_space<vmem>>
      %dma_wait3A_159 = arith.constant 0 : i32
      %dma_wait3A_160 = arith.constant 0 : i32
      %dma_wait3A_161 = tpu.memref_slice %arg4[%dma_wait3A_159, %dma_wait3A_160] : memref<475x128xf32, #tpu.memory_space<hbm>> -> memref<475x128xf32, #tpu.memory_space<hbm>>
      tpu.wait_indirect_dma semaphore(%arg17 : memref<!tpu.dma_semaphore, #tpu.memory_space<semaphore_mem>>) src(%dma_wait3A_161 : memref<475x128xf32, #tpu.memory_space<hbm>>) dst(%arg11 : memref<64x128xf32, #tpu.memory_space<vmem>>)
      %scan3A_162 = arith.constant 0 : i32
      %scan3A_163 = arith.constant 0 : i32
      %scan3A_164 = arith.constant 8 : i32
      %scan3A_165 = arith.addi %scan3A_163, %scan3A_164 : i32
      %scan3A_166 = arith.constant 1 : i32
      %scan3A_167 = scf.for %scan3A_184 = %scan3A_163 to %scan3A_165 step %scan3A_166 iter_args(%scan3A_185 = %scan3A_162) -> (i32)  : i32 {
        %mul3A_186 = arith.constant 8 : i32
        %mul3A_187 = arith.muli %scan3A_184, %mul3A_186 : i32
        %add3A_188 = arith.constant 0 : i32
        %add3A_189 = arith.addi %mul3A_187, %add3A_188 : i32
        %get3A = arith.index_cast %add3A_189 : i32 to index
        %get3A_190 = arith.constant 0 : index
        %get3A_191 = tpu.vector_load %arg9[%get3A, %get3A_190] {strides = array<i32>} : memref<64x128xf32, #tpu.memory_space<vmem>>, vector<16xf32>,
        %add3A_192 = arith.constant 0 : i32
        %add3A_193 = arith.addi %mul3A_187, %add3A_192 : i32
        %get3A_194 = arith.index_cast %add3A_193 : i32 to index
        %get3A_195 = arith.constant 0 : index
        %get3A_196 = tpu.vector_load %arg11[%get3A_194, %get3A_195] {strides = array<i32>} : memref<64x128xf32, #tpu.memory_space<vmem>>, vector<16xf32>,
        %mul3A_197 = arith.mulf %get3A_191, %get3A_196 : vector<16xf32>
        %add3A_198 = arith.constant 0 : i32
        %add3A_199 = arith.addi %mul3A_187, %add3A_198 : i32
        %swap3A = arith.index_cast %add3A_199 : i32 to index
        %swap3A_200 = arith.constant 0 : index
        %swap3A_201 = tpu.vector_load %arg9[%swap3A, %swap3A_200] {strides = array<i32>} : memref<64x128xf32, #tpu.memory_space<vmem>>, vector<16xf32>,
        tpu.vector_store %arg9[%swap3A, %swap3A_200], %mul3A_197 {strides = array<i32>} : memref<64x128xf32, #tpu.memory_space<vmem>>, vector<16xf32>,
        %add3A_202 = arith.constant 0 : i32
        %add3A_203 = arith.addi %mul3A_187, %add3A_202 : i32
        %get3A_204 = arith.index_cast %add3A_203 : i32 to index
        %get3A_205 = arith.constant 16 : index
        %get3A_206 = tpu.vector_load %arg9[%get3A_204, %get3A_205] {strides = array<i32>} : memref<64x128xf32, #tpu.memory_space<vmem>>, vector<16xf32>,
        %add3A_207 = arith.constant 0 : i32
        %add3A_208 = arith.addi %mul3A_187, %add3A_207 : i32
        %get3A_209 = arith.index_cast %add3A_208 : i32 to index
        %get3A_210 = arith.constant 16 : index
        %get3A_211 = tpu.vector_load %arg11[%get3A_209, %get3A_210] {strides = array<i32>} : memref<64x128xf32, #tpu.memory_space<vmem>>, vector<16xf32>,
        %mul3A_212 = arith.mulf %get3A_206, %get3A_211 : vector<16xf32>
        %add3A_213 = arith.constant 0 : i32
        %add3A_214 = arith.addi %mul3A_187, %add3A_213 : i32
        %swap3A_215 = arith.index_cast %add3A_214 : i32 to index
        %swap3A_216 = arith.constant 16 : index
        %swap3A_217 = tpu.vector_load %arg9[%swap3A_215, %swap3A_216] {strides = array<i32>} : memref<64x128xf32, #tpu.memory_space<vmem>>, vector<16xf32>,
        tpu.vector_store %arg9[%swap3A_215, %swap3A_216], %mul3A_212 {strides = array<i32>} : memref<64x128xf32, #tpu.memory_space<vmem>>, vector<16xf32>,
        %add3A_218 = arith.constant 0 : i32
        %add3A_219 = arith.addi %mul3A_187, %add3A_218 : i32
        %get3A_220 = arith.index_cast %add3A_219 : i32 to index
        %get3A_221 = arith.constant 32 : index
        %get3A_222 = tpu.vector_load %arg9[%get3A_220, %get3A_221] {strides = array<i32>} : memref<64x128xf32, #tpu.memory_space<vmem>>, vector<16xf32>,
        %add3A_223 = arith.constant 0 : i32
        %add3A_224 = arith.addi %mul3A_187, %add3A_223 : i32
        %get3A_225 = arith.index_cast %add3A_224 : i32 to index
        %get3A_226 = arith.constant 32 : index
        %get3A_227 = tpu.vector_load %arg11[%get3A_225, %get3A_226] {strides = array<i32>} : memref<64x128xf32, #tpu.memory_space<vmem>>, vector<16xf32>,
        %mul3A_228 = arith.mulf %get3A_222, %get3A_227 : vector<16xf32>
        %add3A_229 = arith.constant 0 : i32
        %add3A_230 = arith.addi %mul3A_187, %add3A_229 : i32
        %swap3A_231 = arith.index_cast %add3A_230 : i32 to index
        %swap3A_232 = arith.constant 32 : index
        %swap3A_233 = tpu.vector_load %arg9[%swap3A_231, %swap3A_232] {strides = array<i32>} : memref<64x128xf32, #tpu.memory_space<vmem>>, vector<16xf32>,
        tpu.vector_store %arg9[%swap3A_231, %swap3A_232], %mul3A_228 {strides = array<i32>} : memref<64x128xf32, #tpu.memory_space<vmem>>, vector<16xf32>,
        %add3A_234 = arith.constant 0 : i32
        %add3A_235 = arith.addi %mul3A_187, %add3A_234 : i32
        %get3A_236 = arith.index_cast %add3A_235 : i32 to index
        %get3A_237 = arith.constant 48 : index
        %get3A_238 = tpu.vector_load %arg9[%get3A_236, %get3A_237] {strides = array<i32>} : memref<64x128xf32, #tpu.memory_space<vmem>>, vector<16xf32>,
        %add3A_239 = arith.constant 0 : i32
        %add3A_240 = arith.addi %mul3A_187, %add3A_239 : i32
        %get3A_241 = arith.index_cast %add3A_240 : i32 to index
        %get3A_242 = arith.constant 48 : index
        %get3A_243 = tpu.vector_load %arg11[%get3A_241, %get3A_242] {strides = array<i32>} : memref<64x128xf32, #tpu.memory_space<vmem>>, vector<16xf32>,
        %mul3A_244 = arith.mulf %get3A_238, %get3A_243 : vector<16xf32>
        %add3A_245 = arith.constant 0 : i32
        %add3A_246 = arith.addi %mul3A_187, %add3A_245 : i32
        %swap3A_247 = arith.index_cast %add3A_246 : i32 to index
        %swap3A_248 = arith.constant 48 : index
        %swap3A_249 = tpu.vector_load %arg9[%swap3A_247, %swap3A_248] {strides = array<i32>} : memref<64x128xf32, #tpu.memory_space<vmem>>, vector<16xf32>,
        tpu.vector_store %arg9[%swap3A_247, %swap3A_248], %mul3A_244 {strides = array<i32>} : memref<64x128xf32, #tpu.memory_space<vmem>>, vector<16xf32>,
        %add3A_250 = arith.constant 0 : i32
        %add3A_251 = arith.addi %mul3A_187, %add3A_250 : i32
        %get3A_252 = arith.index_cast %add3A_251 : i32 to index
        %get3A_253 = arith.constant 64 : index
        %get3A_254 = tpu.vector_load %arg9[%get3A_252, %get3A_253] {strides = array<i32>} : memref<64x128xf32, #tpu.memory_space<vmem>>, vector<16xf32>,
        %add3A_255 = arith.constant 0 : i32
        %add3A_256 = arith.addi %mul3A_187, %add3A_255 : i32
        %get3A_257 = arith.index_cast %add3A_256 : i32 to index
        %get3A_258 = arith.constant 64 : index
        %get3A_259 = tpu.vector_load %arg11[%get3A_257, %get3A_258] {strides = array<i32>} : memref<64x128xf32, #tpu.memory_space<vmem>>, vector<16xf32>,
        %mul3A_260 = arith.mulf %get3A_254, %get3A_259 : vector<16xf32>
        %add3A_261 = arith.constant 0 : i32
        %add3A_262 = arith.addi %mul3A_187, %add3A_261 : i32
        %swap3A_263 = arith.index_cast %add3A_262 : i32 to index
        %swap3A_264 = arith.constant 64 : index
        %swap3A_265 = tpu.vector_load %arg9[%swap3A_263, %swap3A_264] {strides = array<i32>} : memref<64x128xf32, #tpu.memory_space<vmem>>, vector<16xf32>,
        tpu.vector_store %arg9[%swap3A_263, %swap3A_264], %mul3A_260 {strides = array<i32>} : memref<64x128xf32, #tpu.memory_space<vmem>>, vector<16xf32>,
        %add3A_266 = arith.constant 0 : i32
        %add3A_267 = arith.addi %mul3A_187, %add3A_266 : i32
        %get3A_268 = arith.index_cast %add3A_267 : i32 to index
        %get3A_269 = arith.constant 80 : index
        %get3A_270 = tpu.vector_load %arg9[%get3A_268, %get3A_269] {strides = array<i32>} : memref<64x128xf32, #tpu.memory_space<vmem>>, vector<16xf32>,
        %add3A_271 = arith.constant 0 : i32
        %add3A_272 = arith.addi %mul3A_187, %add3A_271 : i32
        %get3A_273 = arith.index_cast %add3A_272 : i32 to index
        %get3A_274 = arith.constant 80 : index
        %get3A_275 = tpu.vector_load %arg11[%get3A_273, %get3A_274] {strides = array<i32>} : memref<64x128xf32, #tpu.memory_space<vmem>>, vector<16xf32>,
        %mul3A_276 = arith.mulf %get3A_270, %get3A_275 : vector<16xf32>
        %add3A_277 = arith.constant 0 : i32
        %add3A_278 = arith.addi %mul3A_187, %add3A_277 : i32
        %swap3A_279 = arith.index_cast %add3A_278 : i32 to index
        %swap3A_280 = arith.constant 80 : index
        %swap3A_281 = tpu.vector_load %arg9[%swap3A_279, %swap3A_280] {strides = array<i32>} : memref<64x128xf32, #tpu.memory_space<vmem>>, vector<16xf32>,
        tpu.vector_store %arg9[%swap3A_279, %swap3A_280], %mul3A_276 {strides = array<i32>} : memref<64x128xf32, #tpu.memory_space<vmem>>, vector<16xf32>,
        %add3A_282 = arith.constant 0 : i32
        %add3A_283 = arith.addi %mul3A_187, %add3A_282 : i32
        %get3A_284 = arith.index_cast %add3A_283 : i32 to index
        %get3A_285 = arith.constant 96 : index
        %get3A_286 = tpu.vector_load %arg9[%get3A_284, %get3A_285] {strides = array<i32>} : memref<64x128xf32, #tpu.memory_space<vmem>>, vector<16xf32>,
        %add3A_287 = arith.constant 0 : i32
        %add3A_288 = arith.addi %mul3A_187, %add3A_287 : i32
        %get3A_289 = arith.index_cast %add3A_288 : i32 to index
        %get3A_290 = arith.constant 96 : index
        %get3A_291 = tpu.vector_load %arg11[%get3A_289, %get3A_290] {strides = array<i32>} : memref<64x128xf32, #tpu.memory_space<vmem>>, vector<16xf32>,
        %mul3A_292 = arith.mulf %get3A_286, %get3A_291 : vector<16xf32>
        %add3A_293 = arith.constant 0 : i32
        %add3A_294 = arith.addi %mul3A_187, %add3A_293 : i32
        %swap3A_295 = arith.index_cast %add3A_294 : i32 to index
        %swap3A_296 = arith.constant 96 : index
        %swap3A_297 = tpu.vector_load %arg9[%swap3A_295, %swap3A_296] {strides = array<i32>} : memref<64x128xf32, #tpu.memory_space<vmem>>, vector<16xf32>,
        tpu.vector_store %arg9[%swap3A_295, %swap3A_296], %mul3A_292 {strides = array<i32>} : memref<64x128xf32, #tpu.memory_space<vmem>>, vector<16xf32>,
        %add3A_298 = arith.constant 0 : i32
        %add3A_299 = arith.addi %mul3A_187, %add3A_298 : i32
        %get3A_300 = arith.index_cast %add3A_299 : i32 to index
        %get3A_301 = arith.constant 112 : index
        %get3A_302 = tpu.vector_load %arg9[%get3A_300, %get3A_301] {strides = array<i32>} : memref<64x128xf32, #tpu.memory_space<vmem>>, vector<16xf32>,
        %add3A_303 = arith.constant 0 : i32
        %add3A_304 = arith.addi %mul3A_187, %add3A_303 : i32
        %get3A_305 = arith.index_cast %add3A_304 : i32 to index
        %get3A_306 = arith.constant 112 : index
        %get3A_307 = tpu.vector_load %arg11[%get3A_305, %get3A_306] {strides = array<i32>} : memref<64x128xf32, #tpu.memory_space<vmem>>, vector<16xf32>,
        %mul3A_308 = arith.mulf %get3A_302, %get3A_307 : vector<16xf32>
        %add3A_309 = arith.constant 0 : i32
        %add3A_310 = arith.addi %mul3A_187, %add3A_309 : i32
        %swap3A_311 = arith.index_cast %add3A_310 : i32 to index
        %swap3A_312 = arith.constant 112 : index
        %swap3A_313 = tpu.vector_load %arg9[%swap3A_311, %swap3A_312] {strides = array<i32>} : memref<64x128xf32, #tpu.memory_space<vmem>>, vector<16xf32>,
        tpu.vector_store %arg9[%swap3A_311, %swap3A_312], %mul3A_308 {strides = array<i32>} : memref<64x128xf32, #tpu.memory_space<vmem>>, vector<16xf32>,
        %add3A_314 = arith.constant 1 : i32
        %add3A_315 = arith.addi %mul3A_187, %add3A_314 : i32
        %get3A_316 = arith.index_cast %add3A_315 : i32 to index
        %get3A_317 = arith.constant 0 : index
        %get3A_318 = tpu.vector_load %arg9[%get3A_316, %get3A_317] {strides = array<i32>} : memref<64x128xf32, #tpu.memory_space<vmem>>, vector<16xf32>,
        %add3A_319 = arith.constant 1 : i32
        %add3A_320 = arith.addi %mul3A_187, %add3A_319 : i32
        %get3A_321 = arith.index_cast %add3A_320 : i32 to index
        %get3A_322 = arith.constant 0 : index
        %get3A_323 = tpu.vector_load %arg11[%get3A_321, %get3A_322] {strides = array<i32>} : memref<64x128xf32, #tpu.memory_space<vmem>>, vector<16xf32>,
        %mul3A_324 = arith.mulf %get3A_318, %get3A_323 : vector<16xf32>
        %add3A_325 = arith.constant 1 : i32
        %add3A_326 = arith.addi %mul3A_187, %add3A_325 : i32
        %swap3A_327 = arith.index_cast %add3A_326 : i32 to index
        %swap3A_328 = arith.constant 0 : index
        %swap3A_329 = tpu.vector_load %arg9[%swap3A_327, %swap3A_328] {strides = array<i32>} : memref<64x128xf32, #tpu.memory_space<vmem>>, vector<16xf32>,
        tpu.vector_store %arg9[%swap3A_327, %swap3A_328], %mul3A_324 {strides = array<i32>} : memref<64x128xf32, #tpu.memory_space<vmem>>, vector<16xf32>,
        %add3A_330 = arith.constant 1 : i32
        %add3A_331 = arith.addi %mul3A_187, %add3A_330 : i32
        %get3A_332 = arith.index_cast %add3A_331 : i32 to index
        %get3A_333 = arith.constant 16 : index
        %get3A_334 = tpu.vector_load %arg9[%get3A_332, %get3A_333] {strides = array<i32>} : memref<64x128xf32, #tpu.memory_space<vmem>>, vector<16xf32>,
        %add3A_335 = arith.constant 1 : i32
        %add3A_336 = arith.addi %mul3A_187, %add3A_335 : i32
        %get3A_337 = arith.index_cast %add3A_336 : i32 to index
        %get3A_338 = arith.constant 16 : index
        %get3A_339 = tpu.vector_load %arg11[%get3A_337, %get3A_338] {strides = array<i32>} : memref<64x128xf32, #tpu.memory_space<vmem>>, vector<16xf32>,
        %mul3A_340 = arith.mulf %get3A_334, %get3A_339 : vector<16xf32>
        %add3A_341 = arith.constant 1 : i32
        %add3A_342 = arith.addi %mul3A_187, %add3A_341 : i32
        %swap3A_343 = arith.index_cast %add3A_342 : i32 to index
        %swap3A_344 = arith.constant 16 : index
        %swap3A_345 = tpu.vector_load %arg9[%swap3A_343, %swap3A_344] {strides = array<i32>} : memref<64x128xf32, #tpu.memory_space<vmem>>, vector<16xf32>,
        tpu.vector_store %arg9[%swap3A_343, %swap3A_344], %mul3A_340 {strides = array<i32>} : memref<64x128xf32, #tpu.memory_space<vmem>>, vector<16xf32>,
        %add3A_346 = arith.constant 1 : i32
        %add3A_347 = arith.addi %mul3A_187, %add3A_346 : i32
        %get3A_348 = arith.index_cast %add3A_347 : i32 to index
        %get3A_349 = arith.constant 32 : index
        %get3A_350 = tpu.vector_load %arg9[%get3A_348, %get3A_349] {strides = array<i32>} : memref<64x128xf32, #tpu.memory_space<vmem>>, vector<16xf32>,
        %add3A_351 = arith.constant 1 : i32
        %add3A_352 = arith.addi %mul3A_187, %add3A_351 : i32
        %get3A_353 = arith.index_cast %add3A_352 : i32 to index
        %get3A_354 = arith.constant 32 : index
        %get3A_355 = tpu.vector_load %arg11[%get3A_353, %get3A_354] {strides = array<i32>} : memref<64x128xf32, #tpu.memory_space<vmem>>, vector<16xf32>,
        %mul3A_356 = arith.mulf %get3A_350, %get3A_355 : vector<16xf32>
        %add3A_357 = arith.constant 1 : i32
        %add3A_358 = arith.addi %mul3A_187, %add3A_357 : i32
        %swap3A_359 = arith.index_cast %add3A_358 : i32 to index
        %swap3A_360 = arith.constant 32 : index
        %swap3A_361 = tpu.vector_load %arg9[%swap3A_359, %swap3A_360] {strides = array<i32>} : memref<64x128xf32, #tpu.memory_space<vmem>>, vector<16xf32>,
        tpu.vector_store %arg9[%swap3A_359, %swap3A_360], %mul3A_356 {strides = array<i32>} : memref<64x128xf32, #tpu.memory_space<vmem>>, vector<16xf32>,
        %add3A_362 = arith.constant 1 : i32
        %add3A_363 = arith.addi %mul3A_187, %add3A_362 : i32
        %get3A_364 = arith.index_cast %add3A_363 : i32 to index
        %get3A_365 = arith.constant 48 : index
        %get3A_366 = tpu.vector_load %arg9[%get3A_364, %get3A_365] {strides = array<i32>} : memref<64x128xf32, #tpu.memory_space<vmem>>, vector<16xf32>,
        %add3A_367 = arith.constant 1 : i32
        %add3A_368 = arith.addi %mul3A_187, %add3A_367 : i32
        %get3A_369 = arith.index_cast %add3A_368 : i32 to index
        %get3A_370 = arith.constant 48 : index
        %get3A_371 = tpu.vector_load %arg11[%get3A_369, %get3A_370] {strides = array<i32>} : memref<64x128xf32, #tpu.memory_space<vmem>>, vector<16xf32>,
        %mul3A_372 = arith.mulf %get3A_366, %get3A_371 : vector<16xf32>
        %add3A_373 = arith.constant 1 : i32
        %add3A_374 = arith.addi %mul3A_187, %add3A_373 : i32
        %swap3A_375 = arith.index_cast %add3A_374 : i32 to index
        %swap3A_376 = arith.constant 48 : index
        %swap3A_377 = tpu.vector_load %arg9[%swap3A_375, %swap3A_376] {strides = array<i32>} : memref<64x128xf32, #tpu.memory_space<vmem>>, vector<16xf32>,
        tpu.vector_store %arg9[%swap3A_375, %swap3A_376], %mul3A_372 {strides = array<i32>} : memref<64x128xf32, #tpu.memory_space<vmem>>, vector<16xf32>,
        %add3A_378 = arith.constant 1 : i32
        %add3A_379 = arith.addi %mul3A_187, %add3A_378 : i32
        %get3A_380 = arith.index_cast %add3A_379 : i32 to index
        %get3A_381 = arith.constant 64 : index
        %get3A_382 = tpu.vector_load %arg9[%get3A_380, %get3A_381] {strides = array<i32>} : memref<64x128xf32, #tpu.memory_space<vmem>>, vector<16xf32>,
        %add3A_383 = arith.constant 1 : i32
        %add3A_384 = arith.addi %mul3A_187, %add3A_383 : i32
        %get3A_385 = arith.index_cast %add3A_384 : i32 to index
        %get3A_386 = arith.constant 64 : index
        %get3A_387 = tpu.vector_load %arg11[%get3A_385, %get3A_386] {strides = array<i32>} : memref<64x128xf32, #tpu.memory_space<vmem>>, vector<16xf32>,
        %mul3A_388 = arith.mulf %get3A_382, %get3A_387 : vector<16xf32>
        %add3A_389 = arith.constant 1 : i32
        %add3A_390 = arith.addi %mul3A_187, %add3A_389 : i32
        %swap3A_391 = arith.index_cast %add3A_390 : i32 to index
        %swap3A_392 = arith.constant 64 : index
        %swap3A_393 = tpu.vector_load %arg9[%swap3A_391, %swap3A_392] {strides = array<i32>} : memref<64x128xf32, #tpu.memory_space<vmem>>, vector<16xf32>,
        tpu.vector_store %arg9[%swap3A_391, %swap3A_392], %mul3A_388 {strides = array<i32>} : memref<64x128xf32, #tpu.memory_space<vmem>>, vector<16xf32>,
        %add3A_394 = arith.constant 1 : i32
        %add3A_395 = arith.addi %mul3A_187, %add3A_394 : i32
        %get3A_396 = arith.index_cast %add3A_395 : i32 to index
        %get3A_397 = arith.constant 80 : index
        %get3A_398 = tpu.vector_load %arg9[%get3A_396, %get3A_397] {strides = array<i32>} : memref<64x128xf32, #tpu.memory_space<vmem>>, vector<16xf32>,
        %add3A_399 = arith.constant 1 : i32
        %add3A_400 = arith.addi %mul3A_187, %add3A_399 : i32
        %get3A_401 = arith.index_cast %add3A_400 : i32 to index
        %get3A_402 = arith.constant 80 : index
        %get3A_403 = tpu.vector_load %arg11[%get3A_401, %get3A_402] {strides = array<i32>} : memref<64x128xf32, #tpu.memory_space<vmem>>, vector<16xf32>,
        %mul3A_404 = arith.mulf %get3A_398, %get3A_403 : vector<16xf32>
        %add3A_405 = arith.constant 1 : i32
        %add3A_406 = arith.addi %mul3A_187, %add3A_405 : i32
        %swap3A_407 = arith.index_cast %add3A_406 : i32 to index
        %swap3A_408 = arith.constant 80 : index
        %swap3A_409 = tpu.vector_load %arg9[%swap3A_407, %swap3A_408] {strides = array<i32>} : memref<64x128xf32, #tpu.memory_space<vmem>>, vector<16xf32>,
        tpu.vector_store %arg9[%swap3A_407, %swap3A_408], %mul3A_404 {strides = array<i32>} : memref<64x128xf32, #tpu.memory_space<vmem>>, vector<16xf32>,
        %add3A_410 = arith.constant 1 : i32
        %add3A_411 = arith.addi %mul3A_187, %add3A_410 : i32
        %get3A_412 = arith.index_cast %add3A_411 : i32 to index
        %get3A_413 = arith.constant 96 : index
        %get3A_414 = tpu.vector_load %arg9[%get3A_412, %get3A_413] {strides = array<i32>} : memref<64x128xf32, #tpu.memory_space<vmem>>, vector<16xf32>,
        %add3A_415 = arith.constant 1 : i32
        %add3A_416 = arith.addi %mul3A_187, %add3A_415 : i32
        %get3A_417 = arith.index_cast %add3A_416 : i32 to index
        %get3A_418 = arith.constant 96 : index
        %get3A_419 = tpu.vector_load %arg11[%get3A_417, %get3A_418] {strides = array<i32>} : memref<64x128xf32, #tpu.memory_space<vmem>>, vector<16xf32>,
        %mul3A_420 = arith.mulf %get3A_414, %get3A_419 : vector<16xf32>
        %add3A_421 = arith.constant 1 : i32
        %add3A_422 = arith.addi %mul3A_187, %add3A_421 : i32
        %swap3A_423 = arith.index_cast %add3A_422 : i32 to index
        %swap3A_424 = arith.constant 96 : index
        %swap3A_425 = tpu.vector_load %arg9[%swap3A_423, %swap3A_424] {strides = array<i32>} : memref<64x128xf32, #tpu.memory_space<vmem>>, vector<16xf32>,
        tpu.vector_store %arg9[%swap3A_423, %swap3A_424], %mul3A_420 {strides = array<i32>} : memref<64x128xf32, #tpu.memory_space<vmem>>, vector<16xf32>,
        %add3A_426 = arith.constant 1 : i32
        %add3A_427 = arith.addi %mul3A_187, %add3A_426 : i32
        %get3A_428 = arith.index_cast %add3A_427 : i32 to index
        %get3A_429 = arith.constant 112 : index
        %get3A_430 = tpu.vector_load %arg9[%get3A_428, %get3A_429] {strides = array<i32>} : memref<64x128xf32, #tpu.memory_space<vmem>>, vector<16xf32>,
        %add3A_431 = arith.constant 1 : i32
        %add3A_432 = arith.addi %mul3A_187, %add3A_431 : i32
        %get3A_433 = arith.index_cast %add3A_432 : i32 to index
        %get3A_434 = arith.constant 112 : index
        %get3A_435 = tpu.vector_load %arg11[%get3A_433, %get3A_434] {strides = array<i32>} : memref<64x128xf32, #tpu.memory_space<vmem>>, vector<16xf32>,
        %mul3A_436 = arith.mulf %get3A_430, %get3A_435 : vector<16xf32>
        %add3A_437 = arith.constant 1 : i32
        %add3A_438 = arith.addi %mul3A_187, %add3A_437 : i32
        %swap3A_439 = arith.index_cast %add3A_438 : i32 to index
        %swap3A_440 = arith.constant 112 : index
        %swap3A_441 = tpu.vector_load %arg9[%swap3A_439, %swap3A_440] {strides = array<i32>} : memref<64x128xf32, #tpu.memory_space<vmem>>, vector<16xf32>,
        tpu.vector_store %arg9[%swap3A_439, %swap3A_440], %mul3A_436 {strides = array<i32>} : memref<64x128xf32, #tpu.memory_space<vmem>>, vector<16xf32>,
        %add3A_442 = arith.constant 2 : i32
        %add3A_443 = arith.addi %mul3A_187, %add3A_442 : i32
        %get3A_444 = arith.index_cast %add3A_443 : i32 to index
        %get3A_445 = arith.constant 0 : index
        %get3A_446 = tpu.vector_load %arg9[%get3A_444, %get3A_445] {strides = array<i32>} : memref<64x128xf32, #tpu.memory_space<vmem>>, vector<16xf32>,
        %add3A_447 = arith.constant 2 : i32
        %add3A_448 = arith.addi %mul3A_187, %add3A_447 : i32
        %get3A_449 = arith.index_cast %add3A_448 : i32 to index
        %get3A_450 = arith.constant 0 : index
        %get3A_451 = tpu.vector_load %arg11[%get3A_449, %get3A_450] {strides = array<i32>} : memref<64x128xf32, #tpu.memory_space<vmem>>, vector<16xf32>,
        %mul3A_452 = arith.mulf %get3A_446, %get3A_451 : vector<16xf32>
        %add3A_453 = arith.constant 2 : i32
        %add3A_454 = arith.addi %mul3A_187, %add3A_453 : i32
        %swap3A_455 = arith.index_cast %add3A_454 : i32 to index
        %swap3A_456 = arith.constant 0 : index
        %swap3A_457 = tpu.vector_load %arg9[%swap3A_455, %swap3A_456] {strides = array<i32>} : memref<64x128xf32, #tpu.memory_space<vmem>>, vector<16xf32>,
        tpu.vector_store %arg9[%swap3A_455, %swap3A_456], %mul3A_452 {strides = array<i32>} : memref<64x128xf32, #tpu.memory_space<vmem>>, vector<16xf32>,
        %add3A_458 = arith.constant 2 : i32
        %add3A_459 = arith.addi %mul3A_187, %add3A_458 : i32
        %get3A_460 = arith.index_cast %add3A_459 : i32 to index
        %get3A_461 = arith.constant 16 : index
        %get3A_462 = tpu.vector_load %arg9[%get3A_460, %get3A_461] {strides = array<i32>} : memref<64x128xf32, #tpu.memory_space<vmem>>, vector<16xf32>,
        %add3A_463 = arith.constant 2 : i32
        %add3A_464 = arith.addi %mul3A_187, %add3A_463 : i32
        %get3A_465 = arith.index_cast %add3A_464 : i32 to index
        %get3A_466 = arith.constant 16 : index
        %get3A_467 = tpu.vector_load %arg11[%get3A_465, %get3A_466] {strides = array<i32>} : memref<64x128xf32, #tpu.memory_space<vmem>>, vector<16xf32>,
        %mul3A_468 = arith.mulf %get3A_462, %get3A_467 : vector<16xf32>
        %add3A_469 = arith.constant 2 : i32
        %add3A_470 = arith.addi %mul3A_187, %add3A_469 : i32
        %swap3A_471 = arith.index_cast %add3A_470 : i32 to index
        %swap3A_472 = arith.constant 16 : index
        %swap3A_473 = tpu.vector_load %arg9[%swap3A_471, %swap3A_472] {strides = array<i32>} : memref<64x128xf32, #tpu.memory_space<vmem>>, vector<16xf32>,
        tpu.vector_store %arg9[%swap3A_471, %swap3A_472], %mul3A_468 {strides = array<i32>} : memref<64x128xf32, #tpu.memory_space<vmem>>, vector<16xf32>,
        %add3A_474 = arith.constant 2 : i32
        %add3A_475 = arith.addi %mul3A_187, %add3A_474 : i32
        %get3A_476 = arith.index_cast %add3A_475 : i32 to index
        %get3A_477 = arith.constant 32 : index
        %get3A_478 = tpu.vector_load %arg9[%get3A_476, %get3A_477] {strides = array<i32>} : memref<64x128xf32, #tpu.memory_space<vmem>>, vector<16xf32>,
        %add3A_479 = arith.constant 2 : i32
        %add3A_480 = arith.addi %mul3A_187, %add3A_479 : i32
        %get3A_481 = arith.index_cast %add3A_480 : i32 to index
        %get3A_482 = arith.constant 32 : index
        %get3A_483 = tpu.vector_load %arg11[%get3A_481, %get3A_482] {strides = array<i32>} : memref<64x128xf32, #tpu.memory_space<vmem>>, vector<16xf32>,
        %mul3A_484 = arith.mulf %get3A_478, %get3A_483 : vector<16xf32>
        %add3A_485 = arith.constant 2 : i32
        %add3A_486 = arith.addi %mul3A_187, %add3A_485 : i32
        %swap3A_487 = arith.index_cast %add3A_486 : i32 to index
        %swap3A_488 = arith.constant 32 : index
        %swap3A_489 = tpu.vector_load %arg9[%swap3A_487, %swap3A_488] {strides = array<i32>} : memref<64x128xf32, #tpu.memory_space<vmem>>, vector<16xf32>,
        tpu.vector_store %arg9[%swap3A_487, %swap3A_488], %mul3A_484 {strides = array<i32>} : memref<64x128xf32, #tpu.memory_space<vmem>>, vector<16xf32>,
        %add3A_490 = arith.constant 2 : i32
        %add3A_491 = arith.addi %mul3A_187, %add3A_490 : i32
        %get3A_492 = arith.index_cast %add3A_491 : i32 to index
        %get3A_493 = arith.constant 48 : index
        %get3A_494 = tpu.vector_load %arg9[%get3A_492, %get3A_493] {strides = array<i32>} : memref<64x128xf32, #tpu.memory_space<vmem>>, vector<16xf32>,
        %add3A_495 = arith.constant 2 : i32
        %add3A_496 = arith.addi %mul3A_187, %add3A_495 : i32
        %get3A_497 = arith.index_cast %add3A_496 : i32 to index
        %get3A_498 = arith.constant 48 : index
        %get3A_499 = tpu.vector_load %arg11[%get3A_497, %get3A_498] {strides = array<i32>} : memref<64x128xf32, #tpu.memory_space<vmem>>, vector<16xf32>,
        %mul3A_500 = arith.mulf %get3A_494, %get3A_499 : vector<16xf32>
        %add3A_501 = arith.constant 2 : i32
        %add3A_502 = arith.addi %mul3A_187, %add3A_501 : i32
        %swap3A_503 = arith.index_cast %add3A_502 : i32 to index
        %swap3A_504 = arith.constant 48 : index
        %swap3A_505 = tpu.vector_load %arg9[%swap3A_503, %swap3A_504] {strides = array<i32>} : memref<64x128xf32, #tpu.memory_space<vmem>>, vector<16xf32>,
        tpu.vector_store %arg9[%swap3A_503, %swap3A_504], %mul3A_500 {strides = array<i32>} : memref<64x128xf32, #tpu.memory_space<vmem>>, vector<16xf32>,
        %add3A_506 = arith.constant 2 : i32
        %add3A_507 = arith.addi %mul3A_187, %add3A_506 : i32
        %get3A_508 = arith.index_cast %add3A_507 : i32 to index
        %get3A_509 = arith.constant 64 : index
        %get3A_510 = tpu.vector_load %arg9[%get3A_508, %get3A_509] {strides = array<i32>} : memref<64x128xf32, #tpu.memory_space<vmem>>, vector<16xf32>,
        %add3A_511 = arith.constant 2 : i32
        %add3A_512 = arith.addi %mul3A_187, %add3A_511 : i32
        %get3A_513 = arith.index_cast %add3A_512 : i32 to index
        %get3A_514 = arith.constant 64 : index
        %get3A_515 = tpu.vector_load %arg11[%get3A_513, %get3A_514] {strides = array<i32>} : memref<64x128xf32, #tpu.memory_space<vmem>>, vector<16xf32>,
        %mul3A_516 = arith.mulf %get3A_510, %get3A_515 : vector<16xf32>
        %add3A_517 = arith.constant 2 : i32
        %add3A_518 = arith.addi %mul3A_187, %add3A_517 : i32
        %swap3A_519 = arith.index_cast %add3A_518 : i32 to index
        %swap3A_520 = arith.constant 64 : index
        %swap3A_521 = tpu.vector_load %arg9[%swap3A_519, %swap3A_520] {strides = array<i32>} : memref<64x128xf32, #tpu.memory_space<vmem>>, vector<16xf32>,
        tpu.vector_store %arg9[%swap3A_519, %swap3A_520], %mul3A_516 {strides = array<i32>} : memref<64x128xf32, #tpu.memory_space<vmem>>, vector<16xf32>,
        %add3A_522 = arith.constant 2 : i32
        %add3A_523 = arith.addi %mul3A_187, %add3A_522 : i32
        %get3A_524 = arith.index_cast %add3A_523 : i32 to index
        %get3A_525 = arith.constant 80 : index
        %get3A_526 = tpu.vector_load %arg9[%get3A_524, %get3A_525] {strides = array<i32>} : memref<64x128xf32, #tpu.memory_space<vmem>>, vector<16xf32>,
        %add3A_527 = arith.constant 2 : i32
        %add3A_528 = arith.addi %mul3A_187, %add3A_527 : i32
        %get3A_529 = arith.index_cast %add3A_528 : i32 to index
        %get3A_530 = arith.constant 80 : index
        %get3A_531 = tpu.vector_load %arg11[%get3A_529, %get3A_530] {strides = array<i32>} : memref<64x128xf32, #tpu.memory_space<vmem>>, vector<16xf32>,
        %mul3A_532 = arith.mulf %get3A_526, %get3A_531 : vector<16xf32>
        %add3A_533 = arith.constant 2 : i32
        %add3A_534 = arith.addi %mul3A_187, %add3A_533 : i32
        %swap3A_535 = arith.index_cast %add3A_534 : i32 to index
        %swap3A_536 = arith.constant 80 : index
        %swap3A_537 = tpu.vector_load %arg9[%swap3A_535, %swap3A_536] {strides = array<i32>} : memref<64x128xf32, #tpu.memory_space<vmem>>, vector<16xf32>,
        tpu.vector_store %arg9[%swap3A_535, %swap3A_536], %mul3A_532 {strides = array<i32>} : memref<64x128xf32, #tpu.memory_space<vmem>>, vector<16xf32>,
        %add3A_538 = arith.constant 2 : i32
        %add3A_539 = arith.addi %mul3A_187, %add3A_538 : i32
        %get3A_540 = arith.index_cast %add3A_539 : i32 to index
        %get3A_541 = arith.constant 96 : index
        %get3A_542 = tpu.vector_load %arg9[%get3A_540, %get3A_541] {strides = array<i32>} : memref<64x128xf32, #tpu.memory_space<vmem>>, vector<16xf32>,
        %add3A_543 = arith.constant 2 : i32
        %add3A_544 = arith.addi %mul3A_187, %add3A_543 : i32
        %get3A_545 = arith.index_cast %add3A_544 : i32 to index
        %get3A_546 = arith.constant 96 : index
        %get3A_547 = tpu.vector_load %arg11[%get3A_545, %get3A_546] {strides = array<i32>} : memref<64x128xf32, #tpu.memory_space<vmem>>, vector<16xf32>,
        %mul3A_548 = arith.mulf %get3A_542, %get3A_547 : vector<16xf32>
        %add3A_549 = arith.constant 2 : i32
        %add3A_550 = arith.addi %mul3A_187, %add3A_549 : i32
        %swap3A_551 = arith.index_cast %add3A_550 : i32 to index
        %swap3A_552 = arith.constant 96 : index
        %swap3A_553 = tpu.vector_load %arg9[%swap3A_551, %swap3A_552] {strides = array<i32>} : memref<64x128xf32, #tpu.memory_space<vmem>>, vector<16xf32>,
        tpu.vector_store %arg9[%swap3A_551, %swap3A_552], %mul3A_548 {strides = array<i32>} : memref<64x128xf32, #tpu.memory_space<vmem>>, vector<16xf32>,
        %add3A_554 = arith.constant 2 : i32
        %add3A_555 = arith.addi %mul3A_187, %add3A_554 : i32
        %get3A_556 = arith.index_cast %add3A_555 : i32 to index
        %get3A_557 = arith.constant 112 : index
        %get3A_558 = tpu.vector_load %arg9[%get3A_556, %get3A_557] {strides = array<i32>} : memref<64x128xf32, #tpu.memory_space<vmem>>, vector<16xf32>,
        %add3A_559 = arith.constant 2 : i32
        %add3A_560 = arith.addi %mul3A_187, %add3A_559 : i32
        %get3A_561 = arith.index_cast %add3A_560 : i32 to index
        %get3A_562 = arith.constant 112 : index
        %get3A_563 = tpu.vector_load %arg11[%get3A_561, %get3A_562] {strides = array<i32>} : memref<64x128xf32, #tpu.memory_space<vmem>>, vector<16xf32>,
        %mul3A_564 = arith.mulf %get3A_558, %get3A_563 : vector<16xf32>
        %add3A_565 = arith.constant 2 : i32
        %add3A_566 = arith.addi %mul3A_187, %add3A_565 : i32
        %swap3A_567 = arith.index_cast %add3A_566 : i32 to index
        %swap3A_568 = arith.constant 112 : index
        %swap3A_569 = tpu.vector_load %arg9[%swap3A_567, %swap3A_568] {strides = array<i32>} : memref<64x128xf32, #tpu.memory_space<vmem>>, vector<16xf32>,
        tpu.vector_store %arg9[%swap3A_567, %swap3A_568], %mul3A_564 {strides = array<i32>} : memref<64x128xf32, #tpu.memory_space<vmem>>, vector<16xf32>,
        %add3A_570 = arith.constant 3 : i32
        %add3A_571 = arith.addi %mul3A_187, %add3A_570 : i32
        %get3A_572 = arith.index_cast %add3A_571 : i32 to index
        %get3A_573 = arith.constant 0 : index
        %get3A_574 = tpu.vector_load %arg9[%get3A_572, %get3A_573] {strides = array<i32>} : memref<64x128xf32, #tpu.memory_space<vmem>>, vector<16xf32>,
        %add3A_575 = arith.constant 3 : i32
        %add3A_576 = arith.addi %mul3A_187, %add3A_575 : i32
        %get3A_577 = arith.index_cast %add3A_576 : i32 to index
        %get3A_578 = arith.constant 0 : index
        %get3A_579 = tpu.vector_load %arg11[%get3A_577, %get3A_578] {strides = array<i32>} : memref<64x128xf32, #tpu.memory_space<vmem>>, vector<16xf32>,
        %mul3A_580 = arith.mulf %get3A_574, %get3A_579 : vector<16xf32>
        %add3A_581 = arith.constant 3 : i32
        %add3A_582 = arith.addi %mul3A_187, %add3A_581 : i32
        %swap3A_583 = arith.index_cast %add3A_582 : i32 to index
        %swap3A_584 = arith.constant 0 : index
        %swap3A_585 = tpu.vector_load %arg9[%swap3A_583, %swap3A_584] {strides = array<i32>} : memref<64x128xf32, #tpu.memory_space<vmem>>, vector<16xf32>,
        tpu.vector_store %arg9[%swap3A_583, %swap3A_584], %mul3A_580 {strides = array<i32>} : memref<64x128xf32, #tpu.memory_space<vmem>>, vector<16xf32>,
        %add3A_586 = arith.constant 3 : i32
        %add3A_587 = arith.addi %mul3A_187, %add3A_586 : i32
        %get3A_588 = arith.index_cast %add3A_587 : i32 to index
        %get3A_589 = arith.constant 16 : index
        %get3A_590 = tpu.vector_load %arg9[%get3A_588, %get3A_589] {strides = array<i32>} : memref<64x128xf32, #tpu.memory_space<vmem>>, vector<16xf32>,
        %add3A_591 = arith.constant 3 : i32
        %add3A_592 = arith.addi %mul3A_187, %add3A_591 : i32
        %get3A_593 = arith.index_cast %add3A_592 : i32 to index
        %get3A_594 = arith.constant 16 : index
        %get3A_595 = tpu.vector_load %arg11[%get3A_593, %get3A_594] {strides = array<i32>} : memref<64x128xf32, #tpu.memory_space<vmem>>, vector<16xf32>,
        %mul3A_596 = arith.mulf %get3A_590, %get3A_595 : vector<16xf32>
        %add3A_597 = arith.constant 3 : i32
        %add3A_598 = arith.addi %mul3A_187, %add3A_597 : i32
        %swap3A_599 = arith.index_cast %add3A_598 : i32 to index
        %swap3A_600 = arith.constant 16 : index
        %swap3A_601 = tpu.vector_load %arg9[%swap3A_599, %swap3A_600] {strides = array<i32>} : memref<64x128xf32, #tpu.memory_space<vmem>>, vector<16xf32>,
        tpu.vector_store %arg9[%swap3A_599, %swap3A_600], %mul3A_596 {strides = array<i32>} : memref<64x128xf32, #tpu.memory_space<vmem>>, vector<16xf32>,
        %add3A_602 = arith.constant 3 : i32
        %add3A_603 = arith.addi %mul3A_187, %add3A_602 : i32
        %get3A_604 = arith.index_cast %add3A_603 : i32 to index
        %get3A_605 = arith.constant 32 : index
        %get3A_606 = tpu.vector_load %arg9[%get3A_604, %get3A_605] {strides = array<i32>} : memref<64x128xf32, #tpu.memory_space<vmem>>, vector<16xf32>,
        %add3A_607 = arith.constant 3 : i32
        %add3A_608 = arith.addi %mul3A_187, %add3A_607 : i32
        %get3A_609 = arith.index_cast %add3A_608 : i32 to index
        %get3A_610 = arith.constant 32 : index
        %get3A_611 = tpu.vector_load %arg11[%get3A_609, %get3A_610] {strides = array<i32>} : memref<64x128xf32, #tpu.memory_space<vmem>>, vector<16xf32>,
        %mul3A_612 = arith.mulf %get3A_606, %get3A_611 : vector<16xf32>
        %add3A_613 = arith.constant 3 : i32
        %add3A_614 = arith.addi %mul3A_187, %add3A_613 : i32
        %swap3A_615 = arith.index_cast %add3A_614 : i32 to index
        %swap3A_616 = arith.constant 32 : index
        %swap3A_617 = tpu.vector_load %arg9[%swap3A_615, %swap3A_616] {strides = array<i32>} : memref<64x128xf32, #tpu.memory_space<vmem>>, vector<16xf32>,
        tpu.vector_store %arg9[%swap3A_615, %swap3A_616], %mul3A_612 {strides = array<i32>} : memref<64x128xf32, #tpu.memory_space<vmem>>, vector<16xf32>,
        %add3A_618 = arith.constant 3 : i32
        %add3A_619 = arith.addi %mul3A_187, %add3A_618 : i32
        %get3A_620 = arith.index_cast %add3A_619 : i32 to index
        %get3A_621 = arith.constant 48 : index
        %get3A_622 = tpu.vector_load %arg9[%get3A_620, %get3A_621] {strides = array<i32>} : memref<64x128xf32, #tpu.memory_space<vmem>>, vector<16xf32>,
        %add3A_623 = arith.constant 3 : i32
        %add3A_624 = arith.addi %mul3A_187, %add3A_623 : i32
        %get3A_625 = arith.index_cast %add3A_624 : i32 to index
        %get3A_626 = arith.constant 48 : index
        %get3A_627 = tpu.vector_load %arg11[%get3A_625, %get3A_626] {strides = array<i32>} : memref<64x128xf32, #tpu.memory_space<vmem>>, vector<16xf32>,
        %mul3A_628 = arith.mulf %get3A_622, %get3A_627 : vector<16xf32>
        %add3A_629 = arith.constant 3 : i32
        %add3A_630 = arith.addi %mul3A_187, %add3A_629 : i32
        %swap3A_631 = arith.index_cast %add3A_630 : i32 to index
        %swap3A_632 = arith.constant 48 : index
        %swap3A_633 = tpu.vector_load %arg9[%swap3A_631, %swap3A_632] {strides = array<i32>} : memref<64x128xf32, #tpu.memory_space<vmem>>, vector<16xf32>,
        tpu.vector_store %arg9[%swap3A_631, %swap3A_632], %mul3A_628 {strides = array<i32>} : memref<64x128xf32, #tpu.memory_space<vmem>>, vector<16xf32>,
        %add3A_634 = arith.constant 3 : i32
        %add3A_635 = arith.addi %mul3A_187, %add3A_634 : i32
        %get3A_636 = arith.index_cast %add3A_635 : i32 to index
        %get3A_637 = arith.constant 64 : index
        %get3A_638 = tpu.vector_load %arg9[%get3A_636, %get3A_637] {strides = array<i32>} : memref<64x128xf32, #tpu.memory_space<vmem>>, vector<16xf32>,
        %add3A_639 = arith.constant 3 : i32
        %add3A_640 = arith.addi %mul3A_187, %add3A_639 : i32
        %get3A_641 = arith.index_cast %add3A_640 : i32 to index
        %get3A_642 = arith.constant 64 : index
        %get3A_643 = tpu.vector_load %arg11[%get3A_641, %get3A_642] {strides = array<i32>} : memref<64x128xf32, #tpu.memory_space<vmem>>, vector<16xf32>,
        %mul3A_644 = arith.mulf %get3A_638, %get3A_643 : vector<16xf32>
        %add3A_645 = arith.constant 3 : i32
        %add3A_646 = arith.addi %mul3A_187, %add3A_645 : i32
        %swap3A_647 = arith.index_cast %add3A_646 : i32 to index
        %swap3A_648 = arith.constant 64 : index
        %swap3A_649 = tpu.vector_load %arg9[%swap3A_647, %swap3A_648] {strides = array<i32>} : memref<64x128xf32, #tpu.memory_space<vmem>>, vector<16xf32>,
        tpu.vector_store %arg9[%swap3A_647, %swap3A_648], %mul3A_644 {strides = array<i32>} : memref<64x128xf32, #tpu.memory_space<vmem>>, vector<16xf32>,
        %add3A_650 = arith.constant 3 : i32
        %add3A_651 = arith.addi %mul3A_187, %add3A_650 : i32
        %get3A_652 = arith.index_cast %add3A_651 : i32 to index
        %get3A_653 = arith.constant 80 : index
        %get3A_654 = tpu.vector_load %arg9[%get3A_652, %get3A_653] {strides = array<i32>} : memref<64x128xf32, #tpu.memory_space<vmem>>, vector<16xf32>,
        %add3A_655 = arith.constant 3 : i32
        %add3A_656 = arith.addi %mul3A_187, %add3A_655 : i32
        %get3A_657 = arith.index_cast %add3A_656 : i32 to index
        %get3A_658 = arith.constant 80 : index
        %get3A_659 = tpu.vector_load %arg11[%get3A_657, %get3A_658] {strides = array<i32>} : memref<64x128xf32, #tpu.memory_space<vmem>>, vector<16xf32>,
        %mul3A_660 = arith.mulf %get3A_654, %get3A_659 : vector<16xf32>
        %add3A_661 = arith.constant 3 : i32
        %add3A_662 = arith.addi %mul3A_187, %add3A_661 : i32
        %swap3A_663 = arith.index_cast %add3A_662 : i32 to index
        %swap3A_664 = arith.constant 80 : index
        %swap3A_665 = tpu.vector_load %arg9[%swap3A_663, %swap3A_664] {strides = array<i32>} : memref<64x128xf32, #tpu.memory_space<vmem>>, vector<16xf32>,
        tpu.vector_store %arg9[%swap3A_663, %swap3A_664], %mul3A_660 {strides = array<i32>} : memref<64x128xf32, #tpu.memory_space<vmem>>, vector<16xf32>,
        %add3A_666 = arith.constant 3 : i32
        %add3A_667 = arith.addi %mul3A_187, %add3A_666 : i32
        %get3A_668 = arith.index_cast %add3A_667 : i32 to index
        %get3A_669 = arith.constant 96 : index
        %get3A_670 = tpu.vector_load %arg9[%get3A_668, %get3A_669] {strides = array<i32>} : memref<64x128xf32, #tpu.memory_space<vmem>>, vector<16xf32>,
        %add3A_671 = arith.constant 3 : i32
        %add3A_672 = arith.addi %mul3A_187, %add3A_671 : i32
        %get3A_673 = arith.index_cast %add3A_672 : i32 to index
        %get3A_674 = arith.constant 96 : index
        %get3A_675 = tpu.vector_load %arg11[%get3A_673, %get3A_674] {strides = array<i32>} : memref<64x128xf32, #tpu.memory_space<vmem>>, vector<16xf32>,
        %mul3A_676 = arith.mulf %get3A_670, %get3A_675 : vector<16xf32>
        %add3A_677 = arith.constant 3 : i32
        %add3A_678 = arith.addi %mul3A_187, %add3A_677 : i32
        %swap3A_679 = arith.index_cast %add3A_678 : i32 to index
        %swap3A_680 = arith.constant 96 : index
        %swap3A_681 = tpu.vector_load %arg9[%swap3A_679, %swap3A_680] {strides = array<i32>} : memref<64x128xf32, #tpu.memory_space<vmem>>, vector<16xf32>,
        tpu.vector_store %arg9[%swap3A_679, %swap3A_680], %mul3A_676 {strides = array<i32>} : memref<64x128xf32, #tpu.memory_space<vmem>>, vector<16xf32>,
        %add3A_682 = arith.constant 3 : i32
        %add3A_683 = arith.addi %mul3A_187, %add3A_682 : i32
        %get3A_684 = arith.index_cast %add3A_683 : i32 to index
        %get3A_685 = arith.constant 112 : index
        %get3A_686 = tpu.vector_load %arg9[%get3A_684, %get3A_685] {strides = array<i32>} : memref<64x128xf32, #tpu.memory_space<vmem>>, vector<16xf32>,
        %add3A_687 = arith.constant 3 : i32
        %add3A_688 = arith.addi %mul3A_187, %add3A_687 : i32
        %get3A_689 = arith.index_cast %add3A_688 : i32 to index
        %get3A_690 = arith.constant 112 : index
        %get3A_691 = tpu.vector_load %arg11[%get3A_689, %get3A_690] {strides = array<i32>} : memref<64x128xf32, #tpu.memory_space<vmem>>, vector<16xf32>,
        %mul3A_692 = arith.mulf %get3A_686, %get3A_691 : vector<16xf32>
        %add3A_693 = arith.constant 3 : i32
        %add3A_694 = arith.addi %mul3A_187, %add3A_693 : i32
        %swap3A_695 = arith.index_cast %add3A_694 : i32 to index
        %swap3A_696 = arith.constant 112 : index
        %swap3A_697 = tpu.vector_load %arg9[%swap3A_695, %swap3A_696] {strides = array<i32>} : memref<64x128xf32, #tpu.memory_space<vmem>>, vector<16xf32>,
        tpu.vector_store %arg9[%swap3A_695, %swap3A_696], %mul3A_692 {strides = array<i32>} : memref<64x128xf32, #tpu.memory_space<vmem>>, vector<16xf32>,
        %add3A_698 = arith.constant 4 : i32
        %add3A_699 = arith.addi %mul3A_187, %add3A_698 : i32
        %get3A_700 = arith.index_cast %add3A_699 : i32 to index
        %get3A_701 = arith.constant 0 : index
        %get3A_702 = tpu.vector_load %arg9[%get3A_700, %get3A_701] {strides = array<i32>} : memref<64x128xf32, #tpu.memory_space<vmem>>, vector<16xf32>,
        %add3A_703 = arith.constant 4 : i32
        %add3A_704 = arith.addi %mul3A_187, %add3A_703 : i32
        %get3A_705 = arith.index_cast %add3A_704 : i32 to index
        %get3A_706 = arith.constant 0 : index
        %get3A_707 = tpu.vector_load %arg11[%get3A_705, %get3A_706] {strides = array<i32>} : memref<64x128xf32, #tpu.memory_space<vmem>>, vector<16xf32>,
        %mul3A_708 = arith.mulf %get3A_702, %get3A_707 : vector<16xf32>
        %add3A_709 = arith.constant 4 : i32
        %add3A_710 = arith.addi %mul3A_187, %add3A_709 : i32
        %swap3A_711 = arith.index_cast %add3A_710 : i32 to index
        %swap3A_712 = arith.constant 0 : index
        %swap3A_713 = tpu.vector_load %arg9[%swap3A_711, %swap3A_712] {strides = array<i32>} : memref<64x128xf32, #tpu.memory_space<vmem>>, vector<16xf32>,
        tpu.vector_store %arg9[%swap3A_711, %swap3A_712], %mul3A_708 {strides = array<i32>} : memref<64x128xf32, #tpu.memory_space<vmem>>, vector<16xf32>,
        %add3A_714 = arith.constant 4 : i32
        %add3A_715 = arith.addi %mul3A_187, %add3A_714 : i32
        %get3A_716 = arith.index_cast %add3A_715 : i32 to index
        %get3A_717 = arith.constant 16 : index
        %get3A_718 = tpu.vector_load %arg9[%get3A_716, %get3A_717] {strides = array<i32>} : memref<64x128xf32, #tpu.memory_space<vmem>>, vector<16xf32>,
        %add3A_719 = arith.constant 4 : i32
        %add3A_720 = arith.addi %mul3A_187, %add3A_719 : i32
        %get3A_721 = arith.index_cast %add3A_720 : i32 to index
        %get3A_722 = arith.constant 16 : index
        %get3A_723 = tpu.vector_load %arg11[%get3A_721, %get3A_722] {strides = array<i32>} : memref<64x128xf32, #tpu.memory_space<vmem>>, vector<16xf32>,
        %mul3A_724 = arith.mulf %get3A_718, %get3A_723 : vector<16xf32>
        %add3A_725 = arith.constant 4 : i32
        %add3A_726 = arith.addi %mul3A_187, %add3A_725 : i32
        %swap3A_727 = arith.index_cast %add3A_726 : i32 to index
        %swap3A_728 = arith.constant 16 : index
        %swap3A_729 = tpu.vector_load %arg9[%swap3A_727, %swap3A_728] {strides = array<i32>} : memref<64x128xf32, #tpu.memory_space<vmem>>, vector<16xf32>,
        tpu.vector_store %arg9[%swap3A_727, %swap3A_728], %mul3A_724 {strides = array<i32>} : memref<64x128xf32, #tpu.memory_space<vmem>>, vector<16xf32>,
        %add3A_730 = arith.constant 4 : i32
        %add3A_731 = arith.addi %mul3A_187, %add3A_730 : i32
        %get3A_732 = arith.index_cast %add3A_731 : i32 to index
        %get3A_733 = arith.constant 32 : index
        %get3A_734 = tpu.vector_load %arg9[%get3A_732, %get3A_733] {strides = array<i32>} : memref<64x128xf32, #tpu.memory_space<vmem>>, vector<16xf32>,
        %add3A_735 = arith.constant 4 : i32
        %add3A_736 = arith.addi %mul3A_187, %add3A_735 : i32
        %get3A_737 = arith.index_cast %add3A_736 : i32 to index
        %get3A_738 = arith.constant 32 : index
        %get3A_739 = tpu.vector_load %arg11[%get3A_737, %get3A_738] {strides = array<i32>} : memref<64x128xf32, #tpu.memory_space<vmem>>, vector<16xf32>,
        %mul3A_740 = arith.mulf %get3A_734, %get3A_739 : vector<16xf32>
        %add3A_741 = arith.constant 4 : i32
        %add3A_742 = arith.addi %mul3A_187, %add3A_741 : i32
        %swap3A_743 = arith.index_cast %add3A_742 : i32 to index
        %swap3A_744 = arith.constant 32 : index
        %swap3A_745 = tpu.vector_load %arg9[%swap3A_743, %swap3A_744] {strides = array<i32>} : memref<64x128xf32, #tpu.memory_space<vmem>>, vector<16xf32>,
        tpu.vector_store %arg9[%swap3A_743, %swap3A_744], %mul3A_740 {strides = array<i32>} : memref<64x128xf32, #tpu.memory_space<vmem>>, vector<16xf32>,
        %add3A_746 = arith.constant 4 : i32
        %add3A_747 = arith.addi %mul3A_187, %add3A_746 : i32
        %get3A_748 = arith.index_cast %add3A_747 : i32 to index
        %get3A_749 = arith.constant 48 : index
        %get3A_750 = tpu.vector_load %arg9[%get3A_748, %get3A_749] {strides = array<i32>} : memref<64x128xf32, #tpu.memory_space<vmem>>, vector<16xf32>,
        %add3A_751 = arith.constant 4 : i32
        %add3A_752 = arith.addi %mul3A_187, %add3A_751 : i32
        %get3A_753 = arith.index_cast %add3A_752 : i32 to index
        %get3A_754 = arith.constant 48 : index
        %get3A_755 = tpu.vector_load %arg11[%get3A_753, %get3A_754] {strides = array<i32>} : memref<64x128xf32, #tpu.memory_space<vmem>>, vector<16xf32>,
        %mul3A_756 = arith.mulf %get3A_750, %get3A_755 : vector<16xf32>
        %add3A_757 = arith.constant 4 : i32
        %add3A_758 = arith.addi %mul3A_187, %add3A_757 : i32
        %swap3A_759 = arith.index_cast %add3A_758 : i32 to index
        %swap3A_760 = arith.constant 48 : index
        %swap3A_761 = tpu.vector_load %arg9[%swap3A_759, %swap3A_760] {strides = array<i32>} : memref<64x128xf32, #tpu.memory_space<vmem>>, vector<16xf32>,
        tpu.vector_store %arg9[%swap3A_759, %swap3A_760], %mul3A_756 {strides = array<i32>} : memref<64x128xf32, #tpu.memory_space<vmem>>, vector<16xf32>,
        %add3A_762 = arith.constant 4 : i32
        %add3A_763 = arith.addi %mul3A_187, %add3A_762 : i32
        %get3A_764 = arith.index_cast %add3A_763 : i32 to index
        %get3A_765 = arith.constant 64 : index
        %get3A_766 = tpu.vector_load %arg9[%get3A_764, %get3A_765] {strides = array<i32>} : memref<64x128xf32, #tpu.memory_space<vmem>>, vector<16xf32>,
        %add3A_767 = arith.constant 4 : i32
        %add3A_768 = arith.addi %mul3A_187, %add3A_767 : i32
        %get3A_769 = arith.index_cast %add3A_768 : i32 to index
        %get3A_770 = arith.constant 64 : index
        %get3A_771 = tpu.vector_load %arg11[%get3A_769, %get3A_770] {strides = array<i32>} : memref<64x128xf32, #tpu.memory_space<vmem>>, vector<16xf32>,
        %mul3A_772 = arith.mulf %get3A_766, %get3A_771 : vector<16xf32>
        %add3A_773 = arith.constant 4 : i32
        %add3A_774 = arith.addi %mul3A_187, %add3A_773 : i32
        %swap3A_775 = arith.index_cast %add3A_774 : i32 to index
        %swap3A_776 = arith.constant 64 : index
        %swap3A_777 = tpu.vector_load %arg9[%swap3A_775, %swap3A_776] {strides = array<i32>} : memref<64x128xf32, #tpu.memory_space<vmem>>, vector<16xf32>,
        tpu.vector_store %arg9[%swap3A_775, %swap3A_776], %mul3A_772 {strides = array<i32>} : memref<64x128xf32, #tpu.memory_space<vmem>>, vector<16xf32>,
        %add3A_778 = arith.constant 4 : i32
        %add3A_779 = arith.addi %mul3A_187, %add3A_778 : i32
        %get3A_780 = arith.index_cast %add3A_779 : i32 to index
        %get3A_781 = arith.constant 80 : index
        %get3A_782 = tpu.vector_load %arg9[%get3A_780, %get3A_781] {strides = array<i32>} : memref<64x128xf32, #tpu.memory_space<vmem>>, vector<16xf32>,
        %add3A_783 = arith.constant 4 : i32
        %add3A_784 = arith.addi %mul3A_187, %add3A_783 : i32
        %get3A_785 = arith.index_cast %add3A_784 : i32 to index
        %get3A_786 = arith.constant 80 : index
        %get3A_787 = tpu.vector_load %arg11[%get3A_785, %get3A_786] {strides = array<i32>} : memref<64x128xf32, #tpu.memory_space<vmem>>, vector<16xf32>,
        %mul3A_788 = arith.mulf %get3A_782, %get3A_787 : vector<16xf32>
        %add3A_789 = arith.constant 4 : i32
        %add3A_790 = arith.addi %mul3A_187, %add3A_789 : i32
        %swap3A_791 = arith.index_cast %add3A_790 : i32 to index
        %swap3A_792 = arith.constant 80 : index
        %swap3A_793 = tpu.vector_load %arg9[%swap3A_791, %swap3A_792] {strides = array<i32>} : memref<64x128xf32, #tpu.memory_space<vmem>>, vector<16xf32>,
        tpu.vector_store %arg9[%swap3A_791, %swap3A_792], %mul3A_788 {strides = array<i32>} : memref<64x128xf32, #tpu.memory_space<vmem>>, vector<16xf32>,
        %add3A_794 = arith.constant 4 : i32
        %add3A_795 = arith.addi %mul3A_187, %add3A_794 : i32
        %get3A_796 = arith.index_cast %add3A_795 : i32 to index
        %get3A_797 = arith.constant 96 : index
        %get3A_798 = tpu.vector_load %arg9[%get3A_796, %get3A_797] {strides = array<i32>} : memref<64x128xf32, #tpu.memory_space<vmem>>, vector<16xf32>,
        %add3A_799 = arith.constant 4 : i32
        %add3A_800 = arith.addi %mul3A_187, %add3A_799 : i32
        %get3A_801 = arith.index_cast %add3A_800 : i32 to index
        %get3A_802 = arith.constant 96 : index
        %get3A_803 = tpu.vector_load %arg11[%get3A_801, %get3A_802] {strides = array<i32>} : memref<64x128xf32, #tpu.memory_space<vmem>>, vector<16xf32>,
        %mul3A_804 = arith.mulf %get3A_798, %get3A_803 : vector<16xf32>
        %add3A_805 = arith.constant 4 : i32
        %add3A_806 = arith.addi %mul3A_187, %add3A_805 : i32
        %swap3A_807 = arith.index_cast %add3A_806 : i32 to index
        %swap3A_808 = arith.constant 96 : index
        %swap3A_809 = tpu.vector_load %arg9[%swap3A_807, %swap3A_808] {strides = array<i32>} : memref<64x128xf32, #tpu.memory_space<vmem>>, vector<16xf32>,
        tpu.vector_store %arg9[%swap3A_807, %swap3A_808], %mul3A_804 {strides = array<i32>} : memref<64x128xf32, #tpu.memory_space<vmem>>, vector<16xf32>,
        %add3A_810 = arith.constant 4 : i32
        %add3A_811 = arith.addi %mul3A_187, %add3A_810 : i32
        %get3A_812 = arith.index_cast %add3A_811 : i32 to index
        %get3A_813 = arith.constant 112 : index
        %get3A_814 = tpu.vector_load %arg9[%get3A_812, %get3A_813] {strides = array<i32>} : memref<64x128xf32, #tpu.memory_space<vmem>>, vector<16xf32>,
        %add3A_815 = arith.constant 4 : i32
        %add3A_816 = arith.addi %mul3A_187, %add3A_815 : i32
        %get3A_817 = arith.index_cast %add3A_816 : i32 to index
        %get3A_818 = arith.constant 112 : index
        %get3A_819 = tpu.vector_load %arg11[%get3A_817, %get3A_818] {strides = array<i32>} : memref<64x128xf32, #tpu.memory_space<vmem>>, vector<16xf32>,
        %mul3A_820 = arith.mulf %get3A_814, %get3A_819 : vector<16xf32>
        %add3A_821 = arith.constant 4 : i32
        %add3A_822 = arith.addi %mul3A_187, %add3A_821 : i32
        %swap3A_823 = arith.index_cast %add3A_822 : i32 to index
        %swap3A_824 = arith.constant 112 : index
        %swap3A_825 = tpu.vector_load %arg9[%swap3A_823, %swap3A_824] {strides = array<i32>} : memref<64x128xf32, #tpu.memory_space<vmem>>, vector<16xf32>,
        tpu.vector_store %arg9[%swap3A_823, %swap3A_824], %mul3A_820 {strides = array<i32>} : memref<64x128xf32, #tpu.memory_space<vmem>>, vector<16xf32>,
        %add3A_826 = arith.constant 5 : i32
        %add3A_827 = arith.addi %mul3A_187, %add3A_826 : i32
        %get3A_828 = arith.index_cast %add3A_827 : i32 to index
        %get3A_829 = arith.constant 0 : index
        %get3A_830 = tpu.vector_load %arg9[%get3A_828, %get3A_829] {strides = array<i32>} : memref<64x128xf32, #tpu.memory_space<vmem>>, vector<16xf32>,
        %add3A_831 = arith.constant 5 : i32
        %add3A_832 = arith.addi %mul3A_187, %add3A_831 : i32
        %get3A_833 = arith.index_cast %add3A_832 : i32 to index
        %get3A_834 = arith.constant 0 : index
        %get3A_835 = tpu.vector_load %arg11[%get3A_833, %get3A_834] {strides = array<i32>} : memref<64x128xf32, #tpu.memory_space<vmem>>, vector<16xf32>,
        %mul3A_836 = arith.mulf %get3A_830, %get3A_835 : vector<16xf32>
        %add3A_837 = arith.constant 5 : i32
        %add3A_838 = arith.addi %mul3A_187, %add3A_837 : i32
        %swap3A_839 = arith.index_cast %add3A_838 : i32 to index
        %swap3A_840 = arith.constant 0 : index
        %swap3A_841 = tpu.vector_load %arg9[%swap3A_839, %swap3A_840] {strides = array<i32>} : memref<64x128xf32, #tpu.memory_space<vmem>>, vector<16xf32>,
        tpu.vector_store %arg9[%swap3A_839, %swap3A_840], %mul3A_836 {strides = array<i32>} : memref<64x128xf32, #tpu.memory_space<vmem>>, vector<16xf32>,
        %add3A_842 = arith.constant 5 : i32
        %add3A_843 = arith.addi %mul3A_187, %add3A_842 : i32
        %get3A_844 = arith.index_cast %add3A_843 : i32 to index
        %get3A_845 = arith.constant 16 : index
        %get3A_846 = tpu.vector_load %arg9[%get3A_844, %get3A_845] {strides = array<i32>} : memref<64x128xf32, #tpu.memory_space<vmem>>, vector<16xf32>,
        %add3A_847 = arith.constant 5 : i32
        %add3A_848 = arith.addi %mul3A_187, %add3A_847 : i32
        %get3A_849 = arith.index_cast %add3A_848 : i32 to index
        %get3A_850 = arith.constant 16 : index
        %get3A_851 = tpu.vector_load %arg11[%get3A_849, %get3A_850] {strides = array<i32>} : memref<64x128xf32, #tpu.memory_space<vmem>>, vector<16xf32>,
        %mul3A_852 = arith.mulf %get3A_846, %get3A_851 : vector<16xf32>
        %add3A_853 = arith.constant 5 : i32
        %add3A_854 = arith.addi %mul3A_187, %add3A_853 : i32
        %swap3A_855 = arith.index_cast %add3A_854 : i32 to index
        %swap3A_856 = arith.constant 16 : index
        %swap3A_857 = tpu.vector_load %arg9[%swap3A_855, %swap3A_856] {strides = array<i32>} : memref<64x128xf32, #tpu.memory_space<vmem>>, vector<16xf32>,
        tpu.vector_store %arg9[%swap3A_855, %swap3A_856], %mul3A_852 {strides = array<i32>} : memref<64x128xf32, #tpu.memory_space<vmem>>, vector<16xf32>,
        %add3A_858 = arith.constant 5 : i32
        %add3A_859 = arith.addi %mul3A_187, %add3A_858 : i32
        %get3A_860 = arith.index_cast %add3A_859 : i32 to index
        %get3A_861 = arith.constant 32 : index
        %get3A_862 = tpu.vector_load %arg9[%get3A_860, %get3A_861] {strides = array<i32>} : memref<64x128xf32, #tpu.memory_space<vmem>>, vector<16xf32>,
        %add3A_863 = arith.constant 5 : i32
        %add3A_864 = arith.addi %mul3A_187, %add3A_863 : i32
        %get3A_865 = arith.index_cast %add3A_864 : i32 to index
        %get3A_866 = arith.constant 32 : index
        %get3A_867 = tpu.vector_load %arg11[%get3A_865, %get3A_866] {strides = array<i32>} : memref<64x128xf32, #tpu.memory_space<vmem>>, vector<16xf32>,
        %mul3A_868 = arith.mulf %get3A_862, %get3A_867 : vector<16xf32>
        %add3A_869 = arith.constant 5 : i32
        %add3A_870 = arith.addi %mul3A_187, %add3A_869 : i32
        %swap3A_871 = arith.index_cast %add3A_870 : i32 to index
        %swap3A_872 = arith.constant 32 : index
        %swap3A_873 = tpu.vector_load %arg9[%swap3A_871, %swap3A_872] {strides = array<i32>} : memref<64x128xf32, #tpu.memory_space<vmem>>, vector<16xf32>,
        tpu.vector_store %arg9[%swap3A_871, %swap3A_872], %mul3A_868 {strides = array<i32>} : memref<64x128xf32, #tpu.memory_space<vmem>>, vector<16xf32>,
        %add3A_874 = arith.constant 5 : i32
        %add3A_875 = arith.addi %mul3A_187, %add3A_874 : i32
        %get3A_876 = arith.index_cast %add3A_875 : i32 to index
        %get3A_877 = arith.constant 48 : index
        %get3A_878 = tpu.vector_load %arg9[%get3A_876, %get3A_877] {strides = array<i32>} : memref<64x128xf32, #tpu.memory_space<vmem>>, vector<16xf32>,
        %add3A_879 = arith.constant 5 : i32
        %add3A_880 = arith.addi %mul3A_187, %add3A_879 : i32
        %get3A_881 = arith.index_cast %add3A_880 : i32 to index
        %get3A_882 = arith.constant 48 : index
        %get3A_883 = tpu.vector_load %arg11[%get3A_881, %get3A_882] {strides = array<i32>} : memref<64x128xf32, #tpu.memory_space<vmem>>, vector<16xf32>,
        %mul3A_884 = arith.mulf %get3A_878, %get3A_883 : vector<16xf32>
        %add3A_885 = arith.constant 5 : i32
        %add3A_886 = arith.addi %mul3A_187, %add3A_885 : i32
        %swap3A_887 = arith.index_cast %add3A_886 : i32 to index
        %swap3A_888 = arith.constant 48 : index
        %swap3A_889 = tpu.vector_load %arg9[%swap3A_887, %swap3A_888] {strides = array<i32>} : memref<64x128xf32, #tpu.memory_space<vmem>>, vector<16xf32>,
        tpu.vector_store %arg9[%swap3A_887, %swap3A_888], %mul3A_884 {strides = array<i32>} : memref<64x128xf32, #tpu.memory_space<vmem>>, vector<16xf32>,
        %add3A_890 = arith.constant 5 : i32
        %add3A_891 = arith.addi %mul3A_187, %add3A_890 : i32
        %get3A_892 = arith.index_cast %add3A_891 : i32 to index
        %get3A_893 = arith.constant 64 : index
        %get3A_894 = tpu.vector_load %arg9[%get3A_892, %get3A_893] {strides = array<i32>} : memref<64x128xf32, #tpu.memory_space<vmem>>, vector<16xf32>,
        %add3A_895 = arith.constant 5 : i32
        %add3A_896 = arith.addi %mul3A_187, %add3A_895 : i32
        %get3A_897 = arith.index_cast %add3A_896 : i32 to index
        %get3A_898 = arith.constant 64 : index
        %get3A_899 = tpu.vector_load %arg11[%get3A_897, %get3A_898] {strides = array<i32>} : memref<64x128xf32, #tpu.memory_space<vmem>>, vector<16xf32>,
        %mul3A_900 = arith.mulf %get3A_894, %get3A_899 : vector<16xf32>
        %add3A_901 = arith.constant 5 : i32
        %add3A_902 = arith.addi %mul3A_187, %add3A_901 : i32
        %swap3A_903 = arith.index_cast %add3A_902 : i32 to index
        %swap3A_904 = arith.constant 64 : index
        %swap3A_905 = tpu.vector_load %arg9[%swap3A_903, %swap3A_904] {strides = array<i32>} : memref<64x128xf32, #tpu.memory_space<vmem>>, vector<16xf32>,
        tpu.vector_store %arg9[%swap3A_903, %swap3A_904], %mul3A_900 {strides = array<i32>} : memref<64x128xf32, #tpu.memory_space<vmem>>, vector<16xf32>,
        %add3A_906 = arith.constant 5 : i32
        %add3A_907 = arith.addi %mul3A_187, %add3A_906 : i32
        %get3A_908 = arith.index_cast %add3A_907 : i32 to index
        %get3A_909 = arith.constant 80 : index
        %get3A_910 = tpu.vector_load %arg9[%get3A_908, %get3A_909] {strides = array<i32>} : memref<64x128xf32, #tpu.memory_space<vmem>>, vector<16xf32>,
        %add3A_911 = arith.constant 5 : i32
        %add3A_912 = arith.addi %mul3A_187, %add3A_911 : i32
        %get3A_913 = arith.index_cast %add3A_912 : i32 to index
        %get3A_914 = arith.constant 80 : index
        %get3A_915 = tpu.vector_load %arg11[%get3A_913, %get3A_914] {strides = array<i32>} : memref<64x128xf32, #tpu.memory_space<vmem>>, vector<16xf32>,
        %mul3A_916 = arith.mulf %get3A_910, %get3A_915 : vector<16xf32>
        %add3A_917 = arith.constant 5 : i32
        %add3A_918 = arith.addi %mul3A_187, %add3A_917 : i32
        %swap3A_919 = arith.index_cast %add3A_918 : i32 to index
        %swap3A_920 = arith.constant 80 : index
        %swap3A_921 = tpu.vector_load %arg9[%swap3A_919, %swap3A_920] {strides = array<i32>} : memref<64x128xf32, #tpu.memory_space<vmem>>, vector<16xf32>,
        tpu.vector_store %arg9[%swap3A_919, %swap3A_920], %mul3A_916 {strides = array<i32>} : memref<64x128xf32, #tpu.memory_space<vmem>>, vector<16xf32>,
        %add3A_922 = arith.constant 5 : i32
        %add3A_923 = arith.addi %mul3A_187, %add3A_922 : i32
        %get3A_924 = arith.index_cast %add3A_923 : i32 to index
        %get3A_925 = arith.constant 96 : index
        %get3A_926 = tpu.vector_load %arg9[%get3A_924, %get3A_925] {strides = array<i32>} : memref<64x128xf32, #tpu.memory_space<vmem>>, vector<16xf32>,
        %add3A_927 = arith.constant 5 : i32
        %add3A_928 = arith.addi %mul3A_187, %add3A_927 : i32
        %get3A_929 = arith.index_cast %add3A_928 : i32 to index
        %get3A_930 = arith.constant 96 : index
        %get3A_931 = tpu.vector_load %arg11[%get3A_929, %get3A_930] {strides = array<i32>} : memref<64x128xf32, #tpu.memory_space<vmem>>, vector<16xf32>,
        %mul3A_932 = arith.mulf %get3A_926, %get3A_931 : vector<16xf32>
        %add3A_933 = arith.constant 5 : i32
        %add3A_934 = arith.addi %mul3A_187, %add3A_933 : i32
        %swap3A_935 = arith.index_cast %add3A_934 : i32 to index
        %swap3A_936 = arith.constant 96 : index
        %swap3A_937 = tpu.vector_load %arg9[%swap3A_935, %swap3A_936] {strides = array<i32>} : memref<64x128xf32, #tpu.memory_space<vmem>>, vector<16xf32>,
        tpu.vector_store %arg9[%swap3A_935, %swap3A_936], %mul3A_932 {strides = array<i32>} : memref<64x128xf32, #tpu.memory_space<vmem>>, vector<16xf32>,
        %add3A_938 = arith.constant 5 : i32
        %add3A_939 = arith.addi %mul3A_187, %add3A_938 : i32
        %get3A_940 = arith.index_cast %add3A_939 : i32 to index
        %get3A_941 = arith.constant 112 : index
        %get3A_942 = tpu.vector_load %arg9[%get3A_940, %get3A_941] {strides = array<i32>} : memref<64x128xf32, #tpu.memory_space<vmem>>, vector<16xf32>,
        %add3A_943 = arith.constant 5 : i32
        %add3A_944 = arith.addi %mul3A_187, %add3A_943 : i32
        %get3A_945 = arith.index_cast %add3A_944 : i32 to index
        %get3A_946 = arith.constant 112 : index
        %get3A_947 = tpu.vector_load %arg11[%get3A_945, %get3A_946] {strides = array<i32>} : memref<64x128xf32, #tpu.memory_space<vmem>>, vector<16xf32>,
        %mul3A_948 = arith.mulf %get3A_942, %get3A_947 : vector<16xf32>
        %add3A_949 = arith.constant 5 : i32
        %add3A_950 = arith.addi %mul3A_187, %add3A_949 : i32
        %swap3A_951 = arith.index_cast %add3A_950 : i32 to index
        %swap3A_952 = arith.constant 112 : index
        %swap3A_953 = tpu.vector_load %arg9[%swap3A_951, %swap3A_952] {strides = array<i32>} : memref<64x128xf32, #tpu.memory_space<vmem>>, vector<16xf32>,
        tpu.vector_store %arg9[%swap3A_951, %swap3A_952], %mul3A_948 {strides = array<i32>} : memref<64x128xf32, #tpu.memory_space<vmem>>, vector<16xf32>,
        %add3A_954 = arith.constant 6 : i32
        %add3A_955 = arith.addi %mul3A_187, %add3A_954 : i32
        %get3A_956 = arith.index_cast %add3A_955 : i32 to index
        %get3A_957 = arith.constant 0 : index
        %get3A_958 = tpu.vector_load %arg9[%get3A_956, %get3A_957] {strides = array<i32>} : memref<64x128xf32, #tpu.memory_space<vmem>>, vector<16xf32>,
        %add3A_959 = arith.constant 6 : i32
        %add3A_960 = arith.addi %mul3A_187, %add3A_959 : i32
        %get3A_961 = arith.index_cast %add3A_960 : i32 to index
        %get3A_962 = arith.constant 0 : index
        %get3A_963 = tpu.vector_load %arg11[%get3A_961, %get3A_962] {strides = array<i32>} : memref<64x128xf32, #tpu.memory_space<vmem>>, vector<16xf32>,
        %mul3A_964 = arith.mulf %get3A_958, %get3A_963 : vector<16xf32>
        %add3A_965 = arith.constant 6 : i32
        %add3A_966 = arith.addi %mul3A_187, %add3A_965 : i32
        %swap3A_967 = arith.index_cast %add3A_966 : i32 to index
        %swap3A_968 = arith.constant 0 : index
        %swap3A_969 = tpu.vector_load %arg9[%swap3A_967, %swap3A_968] {strides = array<i32>} : memref<64x128xf32, #tpu.memory_space<vmem>>, vector<16xf32>,
        tpu.vector_store %arg9[%swap3A_967, %swap3A_968], %mul3A_964 {strides = array<i32>} : memref<64x128xf32, #tpu.memory_space<vmem>>, vector<16xf32>,
        %add3A_970 = arith.constant 6 : i32
        %add3A_971 = arith.addi %mul3A_187, %add3A_970 : i32
        %get3A_972 = arith.index_cast %add3A_971 : i32 to index
        %get3A_973 = arith.constant 16 : index
        %get3A_974 = tpu.vector_load %arg9[%get3A_972, %get3A_973] {strides = array<i32>} : memref<64x128xf32, #tpu.memory_space<vmem>>, vector<16xf32>,
        %add3A_975 = arith.constant 6 : i32
        %add3A_976 = arith.addi %mul3A_187, %add3A_975 : i32
        %get3A_977 = arith.index_cast %add3A_976 : i32 to index
        %get3A_978 = arith.constant 16 : index
        %get3A_979 = tpu.vector_load %arg11[%get3A_977, %get3A_978] {strides = array<i32>} : memref<64x128xf32, #tpu.memory_space<vmem>>, vector<16xf32>,
        %mul3A_980 = arith.mulf %get3A_974, %get3A_979 : vector<16xf32>
        %add3A_981 = arith.constant 6 : i32
        %add3A_982 = arith.addi %mul3A_187, %add3A_981 : i32
        %swap3A_983 = arith.index_cast %add3A_982 : i32 to index
        %swap3A_984 = arith.constant 16 : index
        %swap3A_985 = tpu.vector_load %arg9[%swap3A_983, %swap3A_984] {strides = array<i32>} : memref<64x128xf32, #tpu.memory_space<vmem>>, vector<16xf32>,
        tpu.vector_store %arg9[%swap3A_983, %swap3A_984], %mul3A_980 {strides = array<i32>} : memref<64x128xf32, #tpu.memory_space<vmem>>, vector<16xf32>,
        %add3A_986 = arith.constant 6 : i32
        %add3A_987 = arith.addi %mul3A_187, %add3A_986 : i32
        %get3A_988 = arith.index_cast %add3A_987 : i32 to index
        %get3A_989 = arith.constant 32 : index
        %get3A_990 = tpu.vector_load %arg9[%get3A_988, %get3A_989] {strides = array<i32>} : memref<64x128xf32, #tpu.memory_space<vmem>>, vector<16xf32>,
        %add3A_991 = arith.constant 6 : i32
        %add3A_992 = arith.addi %mul3A_187, %add3A_991 : i32
        %get3A_993 = arith.index_cast %add3A_992 : i32 to index
        %get3A_994 = arith.constant 32 : index
        %get3A_995 = tpu.vector_load %arg11[%get3A_993, %get3A_994] {strides = array<i32>} : memref<64x128xf32, #tpu.memory_space<vmem>>, vector<16xf32>,
        %mul3A_996 = arith.mulf %get3A_990, %get3A_995 : vector<16xf32>
        %add3A_997 = arith.constant 6 : i32
        %add3A_998 = arith.addi %mul3A_187, %add3A_997 : i32
        %swap3A_999 = arith.index_cast %add3A_998 : i32 to index
        %swap3A_1000 = arith.constant 32 : index
        %swap3A_1001 = tpu.vector_load %arg9[%swap3A_999, %swap3A_1000] {strides = array<i32>} : memref<64x128xf32, #tpu.memory_space<vmem>>, vector<16xf32>,
        tpu.vector_store %arg9[%swap3A_999, %swap3A_1000], %mul3A_996 {strides = array<i32>} : memref<64x128xf32, #tpu.memory_space<vmem>>, vector<16xf32>,
        %add3A_1002 = arith.constant 6 : i32
        %add3A_1003 = arith.addi %mul3A_187, %add3A_1002 : i32
        %get3A_1004 = arith.index_cast %add3A_1003 : i32 to index
        %get3A_1005 = arith.constant 48 : index
        %get3A_1006 = tpu.vector_load %arg9[%get3A_1004, %get3A_1005] {strides = array<i32>} : memref<64x128xf32, #tpu.memory_space<vmem>>, vector<16xf32>,
        %add3A_1007 = arith.constant 6 : i32
        %add3A_1008 = arith.addi %mul3A_187, %add3A_1007 : i32
        %get3A_1009 = arith.index_cast %add3A_1008 : i32 to index
        %get3A_1010 = arith.constant 48 : index
        %get3A_1011 = tpu.vector_load %arg11[%get3A_1009, %get3A_1010] {strides = array<i32>} : memref<64x128xf32, #tpu.memory_space<vmem>>, vector<16xf32>,
        %mul3A_1012 = arith.mulf %get3A_1006, %get3A_1011 : vector<16xf32>
        %add3A_1013 = arith.constant 6 : i32
        %add3A_1014 = arith.addi %mul3A_187, %add3A_1013 : i32
        %swap3A_1015 = arith.index_cast %add3A_1014 : i32 to index
        %swap3A_1016 = arith.constant 48 : index
        %swap3A_1017 = tpu.vector_load %arg9[%swap3A_1015, %swap3A_1016] {strides = array<i32>} : memref<64x128xf32, #tpu.memory_space<vmem>>, vector<16xf32>,
        tpu.vector_store %arg9[%swap3A_1015, %swap3A_1016], %mul3A_1012 {strides = array<i32>} : memref<64x128xf32, #tpu.memory_space<vmem>>, vector<16xf32>,
        %add3A_1018 = arith.constant 6 : i32
        %add3A_1019 = arith.addi %mul3A_187, %add3A_1018 : i32
        %get3A_1020 = arith.index_cast %add3A_1019 : i32 to index
        %get3A_1021 = arith.constant 64 : index
        %get3A_1022 = tpu.vector_load %arg9[%get3A_1020, %get3A_1021] {strides = array<i32>} : memref<64x128xf32, #tpu.memory_space<vmem>>, vector<16xf32>,
        %add3A_1023 = arith.constant 6 : i32
        %add3A_1024 = arith.addi %mul3A_187, %add3A_1023 : i32
        %get3A_1025 = arith.index_cast %add3A_1024 : i32 to index
        %get3A_1026 = arith.constant 64 : index
        %get3A_1027 = tpu.vector_load %arg11[%get3A_1025, %get3A_1026] {strides = array<i32>} : memref<64x128xf32, #tpu.memory_space<vmem>>, vector<16xf32>,
        %mul3A_1028 = arith.mulf %get3A_1022, %get3A_1027 : vector<16xf32>
        %add3A_1029 = arith.constant 6 : i32
        %add3A_1030 = arith.addi %mul3A_187, %add3A_1029 : i32
        %swap3A_1031 = arith.index_cast %add3A_1030 : i32 to index
        %swap3A_1032 = arith.constant 64 : index
        %swap3A_1033 = tpu.vector_load %arg9[%swap3A_1031, %swap3A_1032] {strides = array<i32>} : memref<64x128xf32, #tpu.memory_space<vmem>>, vector<16xf32>,
        tpu.vector_store %arg9[%swap3A_1031, %swap3A_1032], %mul3A_1028 {strides = array<i32>} : memref<64x128xf32, #tpu.memory_space<vmem>>, vector<16xf32>,
        %add3A_1034 = arith.constant 6 : i32
        %add3A_1035 = arith.addi %mul3A_187, %add3A_1034 : i32
        %get3A_1036 = arith.index_cast %add3A_1035 : i32 to index
        %get3A_1037 = arith.constant 80 : index
        %get3A_1038 = tpu.vector_load %arg9[%get3A_1036, %get3A_1037] {strides = array<i32>} : memref<64x128xf32, #tpu.memory_space<vmem>>, vector<16xf32>,
        %add3A_1039 = arith.constant 6 : i32
        %add3A_1040 = arith.addi %mul3A_187, %add3A_1039 : i32
        %get3A_1041 = arith.index_cast %add3A_1040 : i32 to index
        %get3A_1042 = arith.constant 80 : index
        %get3A_1043 = tpu.vector_load %arg11[%get3A_1041, %get3A_1042] {strides = array<i32>} : memref<64x128xf32, #tpu.memory_space<vmem>>, vector<16xf32>,
        %mul3A_1044 = arith.mulf %get3A_1038, %get3A_1043 : vector<16xf32>
        %add3A_1045 = arith.constant 6 : i32
        %add3A_1046 = arith.addi %mul3A_187, %add3A_1045 : i32
        %swap3A_1047 = arith.index_cast %add3A_1046 : i32 to index
        %swap3A_1048 = arith.constant 80 : index
        %swap3A_1049 = tpu.vector_load %arg9[%swap3A_1047, %swap3A_1048] {strides = array<i32>} : memref<64x128xf32, #tpu.memory_space<vmem>>, vector<16xf32>,
        tpu.vector_store %arg9[%swap3A_1047, %swap3A_1048], %mul3A_1044 {strides = array<i32>} : memref<64x128xf32, #tpu.memory_space<vmem>>, vector<16xf32>,
        %add3A_1050 = arith.constant 6 : i32
        %add3A_1051 = arith.addi %mul3A_187, %add3A_1050 : i32
        %get3A_1052 = arith.index_cast %add3A_1051 : i32 to index
        %get3A_1053 = arith.constant 96 : index
        %get3A_1054 = tpu.vector_load %arg9[%get3A_1052, %get3A_1053] {strides = array<i32>} : memref<64x128xf32, #tpu.memory_space<vmem>>, vector<16xf32>,
        %add3A_1055 = arith.constant 6 : i32
        %add3A_1056 = arith.addi %mul3A_187, %add3A_1055 : i32
        %get3A_1057 = arith.index_cast %add3A_1056 : i32 to index
        %get3A_1058 = arith.constant 96 : index
        %get3A_1059 = tpu.vector_load %arg11[%get3A_1057, %get3A_1058] {strides = array<i32>} : memref<64x128xf32, #tpu.memory_space<vmem>>, vector<16xf32>,
        %mul3A_1060 = arith.mulf %get3A_1054, %get3A_1059 : vector<16xf32>
        %add3A_1061 = arith.constant 6 : i32
        %add3A_1062 = arith.addi %mul3A_187, %add3A_1061 : i32
        %swap3A_1063 = arith.index_cast %add3A_1062 : i32 to index
        %swap3A_1064 = arith.constant 96 : index
        %swap3A_1065 = tpu.vector_load %arg9[%swap3A_1063, %swap3A_1064] {strides = array<i32>} : memref<64x128xf32, #tpu.memory_space<vmem>>, vector<16xf32>,
        tpu.vector_store %arg9[%swap3A_1063, %swap3A_1064], %mul3A_1060 {strides = array<i32>} : memref<64x128xf32, #tpu.memory_space<vmem>>, vector<16xf32>,
        %add3A_1066 = arith.constant 6 : i32
        %add3A_1067 = arith.addi %mul3A_187, %add3A_1066 : i32
        %get3A_1068 = arith.index_cast %add3A_1067 : i32 to index
        %get3A_1069 = arith.constant 112 : index
        %get3A_1070 = tpu.vector_load %arg9[%get3A_1068, %get3A_1069] {strides = array<i32>} : memref<64x128xf32, #tpu.memory_space<vmem>>, vector<16xf32>,
        %add3A_1071 = arith.constant 6 : i32
        %add3A_1072 = arith.addi %mul3A_187, %add3A_1071 : i32
        %get3A_1073 = arith.index_cast %add3A_1072 : i32 to index
        %get3A_1074 = arith.constant 112 : index
        %get3A_1075 = tpu.vector_load %arg11[%get3A_1073, %get3A_1074] {strides = array<i32>} : memref<64x128xf32, #tpu.memory_space<vmem>>, vector<16xf32>,
        %mul3A_1076 = arith.mulf %get3A_1070, %get3A_1075 : vector<16xf32>
        %add3A_1077 = arith.constant 6 : i32
        %add3A_1078 = arith.addi %mul3A_187, %add3A_1077 : i32
        %swap3A_1079 = arith.index_cast %add3A_1078 : i32 to index
        %swap3A_1080 = arith.constant 112 : index
        %swap3A_1081 = tpu.vector_load %arg9[%swap3A_1079, %swap3A_1080] {strides = array<i32>} : memref<64x128xf32, #tpu.memory_space<vmem>>, vector<16xf32>,
        tpu.vector_store %arg9[%swap3A_1079, %swap3A_1080], %mul3A_1076 {strides = array<i32>} : memref<64x128xf32, #tpu.memory_space<vmem>>, vector<16xf32>,
        %add3A_1082 = arith.constant 7 : i32
        %add3A_1083 = arith.addi %mul3A_187, %add3A_1082 : i32
        %get3A_1084 = arith.index_cast %add3A_1083 : i32 to index
        %get3A_1085 = arith.constant 0 : index
        %get3A_1086 = tpu.vector_load %arg9[%get3A_1084, %get3A_1085] {strides = array<i32>} : memref<64x128xf32, #tpu.memory_space<vmem>>, vector<16xf32>,
        %add3A_1087 = arith.constant 7 : i32
        %add3A_1088 = arith.addi %mul3A_187, %add3A_1087 : i32
        %get3A_1089 = arith.index_cast %add3A_1088 : i32 to index
        %get3A_1090 = arith.constant 0 : index
        %get3A_1091 = tpu.vector_load %arg11[%get3A_1089, %get3A_1090] {strides = array<i32>} : memref<64x128xf32, #tpu.memory_space<vmem>>, vector<16xf32>,
        %mul3A_1092 = arith.mulf %get3A_1086, %get3A_1091 : vector<16xf32>
        %add3A_1093 = arith.constant 7 : i32
        %add3A_1094 = arith.addi %mul3A_187, %add3A_1093 : i32
        %swap3A_1095 = arith.index_cast %add3A_1094 : i32 to index
        %swap3A_1096 = arith.constant 0 : index
        %swap3A_1097 = tpu.vector_load %arg9[%swap3A_1095, %swap3A_1096] {strides = array<i32>} : memref<64x128xf32, #tpu.memory_space<vmem>>, vector<16xf32>,
        tpu.vector_store %arg9[%swap3A_1095, %swap3A_1096], %mul3A_1092 {strides = array<i32>} : memref<64x128xf32, #tpu.memory_space<vmem>>, vector<16xf32>,
        %add3A_1098 = arith.constant 7 : i32
        %add3A_1099 = arith.addi %mul3A_187, %add3A_1098 : i32
        %get3A_1100 = arith.index_cast %add3A_1099 : i32 to index
        %get3A_1101 = arith.constant 16 : index
        %get3A_1102 = tpu.vector_load %arg9[%get3A_1100, %get3A_1101] {strides = array<i32>} : memref<64x128xf32, #tpu.memory_space<vmem>>, vector<16xf32>,
        %add3A_1103 = arith.constant 7 : i32
        %add3A_1104 = arith.addi %mul3A_187, %add3A_1103 : i32
        %get3A_1105 = arith.index_cast %add3A_1104 : i32 to index
        %get3A_1106 = arith.constant 16 : index
        %get3A_1107 = tpu.vector_load %arg11[%get3A_1105, %get3A_1106] {strides = array<i32>} : memref<64x128xf32, #tpu.memory_space<vmem>>, vector<16xf32>,
        %mul3A_1108 = arith.mulf %get3A_1102, %get3A_1107 : vector<16xf32>
        %add3A_1109 = arith.constant 7 : i32
        %add3A_1110 = arith.addi %mul3A_187, %add3A_1109 : i32
        %swap3A_1111 = arith.index_cast %add3A_1110 : i32 to index
        %swap3A_1112 = arith.constant 16 : index
        %swap3A_1113 = tpu.vector_load %arg9[%swap3A_1111, %swap3A_1112] {strides = array<i32>} : memref<64x128xf32, #tpu.memory_space<vmem>>, vector<16xf32>,
        tpu.vector_store %arg9[%swap3A_1111, %swap3A_1112], %mul3A_1108 {strides = array<i32>} : memref<64x128xf32, #tpu.memory_space<vmem>>, vector<16xf32>,
        %add3A_1114 = arith.constant 7 : i32
        %add3A_1115 = arith.addi %mul3A_187, %add3A_1114 : i32
        %get3A_1116 = arith.index_cast %add3A_1115 : i32 to index
        %get3A_1117 = arith.constant 32 : index
        %get3A_1118 = tpu.vector_load %arg9[%get3A_1116, %get3A_1117] {strides = array<i32>} : memref<64x128xf32, #tpu.memory_space<vmem>>, vector<16xf32>,
        %add3A_1119 = arith.constant 7 : i32
        %add3A_1120 = arith.addi %mul3A_187, %add3A_1119 : i32
        %get3A_1121 = arith.index_cast %add3A_1120 : i32 to index
        %get3A_1122 = arith.constant 32 : index
        %get3A_1123 = tpu.vector_load %arg11[%get3A_1121, %get3A_1122] {strides = array<i32>} : memref<64x128xf32, #tpu.memory_space<vmem>>, vector<16xf32>,
        %mul3A_1124 = arith.mulf %get3A_1118, %get3A_1123 : vector<16xf32>
        %add3A_1125 = arith.constant 7 : i32
        %add3A_1126 = arith.addi %mul3A_187, %add3A_1125 : i32
        %swap3A_1127 = arith.index_cast %add3A_1126 : i32 to index
        %swap3A_1128 = arith.constant 32 : index
        %swap3A_1129 = tpu.vector_load %arg9[%swap3A_1127, %swap3A_1128] {strides = array<i32>} : memref<64x128xf32, #tpu.memory_space<vmem>>, vector<16xf32>,
        tpu.vector_store %arg9[%swap3A_1127, %swap3A_1128], %mul3A_1124 {strides = array<i32>} : memref<64x128xf32, #tpu.memory_space<vmem>>, vector<16xf32>,
        %add3A_1130 = arith.constant 7 : i32
        %add3A_1131 = arith.addi %mul3A_187, %add3A_1130 : i32
        %get3A_1132 = arith.index_cast %add3A_1131 : i32 to index
        %get3A_1133 = arith.constant 48 : index
        %get3A_1134 = tpu.vector_load %arg9[%get3A_1132, %get3A_1133] {strides = array<i32>} : memref<64x128xf32, #tpu.memory_space<vmem>>, vector<16xf32>,
        %add3A_1135 = arith.constant 7 : i32
        %add3A_1136 = arith.addi %mul3A_187, %add3A_1135 : i32
        %get3A_1137 = arith.index_cast %add3A_1136 : i32 to index
        %get3A_1138 = arith.constant 48 : index
        %get3A_1139 = tpu.vector_load %arg11[%get3A_1137, %get3A_1138] {strides = array<i32>} : memref<64x128xf32, #tpu.memory_space<vmem>>, vector<16xf32>,
        %mul3A_1140 = arith.mulf %get3A_1134, %get3A_1139 : vector<16xf32>
        %add3A_1141 = arith.constant 7 : i32
        %add3A_1142 = arith.addi %mul3A_187, %add3A_1141 : i32
        %swap3A_1143 = arith.index_cast %add3A_1142 : i32 to index
        %swap3A_1144 = arith.constant 48 : index
        %swap3A_1145 = tpu.vector_load %arg9[%swap3A_1143, %swap3A_1144] {strides = array<i32>} : memref<64x128xf32, #tpu.memory_space<vmem>>, vector<16xf32>,
        tpu.vector_store %arg9[%swap3A_1143, %swap3A_1144], %mul3A_1140 {strides = array<i32>} : memref<64x128xf32, #tpu.memory_space<vmem>>, vector<16xf32>,
        %add3A_1146 = arith.constant 7 : i32
        %add3A_1147 = arith.addi %mul3A_187, %add3A_1146 : i32
        %get3A_1148 = arith.index_cast %add3A_1147 : i32 to index
        %get3A_1149 = arith.constant 64 : index
        %get3A_1150 = tpu.vector_load %arg9[%get3A_1148, %get3A_1149] {strides = array<i32>} : memref<64x128xf32, #tpu.memory_space<vmem>>, vector<16xf32>,
        %add3A_1151 = arith.constant 7 : i32
        %add3A_1152 = arith.addi %mul3A_187, %add3A_1151 : i32
        %get3A_1153 = arith.index_cast %add3A_1152 : i32 to index
        %get3A_1154 = arith.constant 64 : index
        %get3A_1155 = tpu.vector_load %arg11[%get3A_1153, %get3A_1154] {strides = array<i32>} : memref<64x128xf32, #tpu.memory_space<vmem>>, vector<16xf32>,
        %mul3A_1156 = arith.mulf %get3A_1150, %get3A_1155 : vector<16xf32>
        %add3A_1157 = arith.constant 7 : i32
        %add3A_1158 = arith.addi %mul3A_187, %add3A_1157 : i32
        %swap3A_1159 = arith.index_cast %add3A_1158 : i32 to index
        %swap3A_1160 = arith.constant 64 : index
        %swap3A_1161 = tpu.vector_load %arg9[%swap3A_1159, %swap3A_1160] {strides = array<i32>} : memref<64x128xf32, #tpu.memory_space<vmem>>, vector<16xf32>,
        tpu.vector_store %arg9[%swap3A_1159, %swap3A_1160], %mul3A_1156 {strides = array<i32>} : memref<64x128xf32, #tpu.memory_space<vmem>>, vector<16xf32>,
        %add3A_1162 = arith.constant 7 : i32
        %add3A_1163 = arith.addi %mul3A_187, %add3A_1162 : i32
        %get3A_1164 = arith.index_cast %add3A_1163 : i32 to index
        %get3A_1165 = arith.constant 80 : index
        %get3A_1166 = tpu.vector_load %arg9[%get3A_1164, %get3A_1165] {strides = array<i32>} : memref<64x128xf32, #tpu.memory_space<vmem>>, vector<16xf32>,
        %add3A_1167 = arith.constant 7 : i32
        %add3A_1168 = arith.addi %mul3A_187, %add3A_1167 : i32
        %get3A_1169 = arith.index_cast %add3A_1168 : i32 to index
        %get3A_1170 = arith.constant 80 : index
        %get3A_1171 = tpu.vector_load %arg11[%get3A_1169, %get3A_1170] {strides = array<i32>} : memref<64x128xf32, #tpu.memory_space<vmem>>, vector<16xf32>,
        %mul3A_1172 = arith.mulf %get3A_1166, %get3A_1171 : vector<16xf32>
        %add3A_1173 = arith.constant 7 : i32
        %add3A_1174 = arith.addi %mul3A_187, %add3A_1173 : i32
        %swap3A_1175 = arith.index_cast %add3A_1174 : i32 to index
        %swap3A_1176 = arith.constant 80 : index
        %swap3A_1177 = tpu.vector_load %arg9[%swap3A_1175, %swap3A_1176] {strides = array<i32>} : memref<64x128xf32, #tpu.memory_space<vmem>>, vector<16xf32>,
        tpu.vector_store %arg9[%swap3A_1175, %swap3A_1176], %mul3A_1172 {strides = array<i32>} : memref<64x128xf32, #tpu.memory_space<vmem>>, vector<16xf32>,
        %add3A_1178 = arith.constant 7 : i32
        %add3A_1179 = arith.addi %mul3A_187, %add3A_1178 : i32
        %get3A_1180 = arith.index_cast %add3A_1179 : i32 to index
        %get3A_1181 = arith.constant 96 : index
        %get3A_1182 = tpu.vector_load %arg9[%get3A_1180, %get3A_1181] {strides = array<i32>} : memref<64x128xf32, #tpu.memory_space<vmem>>, vector<16xf32>,
        %add3A_1183 = arith.constant 7 : i32
        %add3A_1184 = arith.addi %mul3A_187, %add3A_1183 : i32
        %get3A_1185 = arith.index_cast %add3A_1184 : i32 to index
        %get3A_1186 = arith.constant 96 : index
        %get3A_1187 = tpu.vector_load %arg11[%get3A_1185, %get3A_1186] {strides = array<i32>} : memref<64x128xf32, #tpu.memory_space<vmem>>, vector<16xf32>,
        %mul3A_1188 = arith.mulf %get3A_1182, %get3A_1187 : vector<16xf32>
        %add3A_1189 = arith.constant 7 : i32
        %add3A_1190 = arith.addi %mul3A_187, %add3A_1189 : i32
        %swap3A_1191 = arith.index_cast %add3A_1190 : i32 to index
        %swap3A_1192 = arith.constant 96 : index
        %swap3A_1193 = tpu.vector_load %arg9[%swap3A_1191, %swap3A_1192] {strides = array<i32>} : memref<64x128xf32, #tpu.memory_space<vmem>>, vector<16xf32>,
        tpu.vector_store %arg9[%swap3A_1191, %swap3A_1192], %mul3A_1188 {strides = array<i32>} : memref<64x128xf32, #tpu.memory_space<vmem>>, vector<16xf32>,
        %add3A_1194 = arith.constant 7 : i32
        %add3A_1195 = arith.addi %mul3A_187, %add3A_1194 : i32
        %get3A_1196 = arith.index_cast %add3A_1195 : i32 to index
        %get3A_1197 = arith.constant 112 : index
        %get3A_1198 = tpu.vector_load %arg9[%get3A_1196, %get3A_1197] {strides = array<i32>} : memref<64x128xf32, #tpu.memory_space<vmem>>, vector<16xf32>,
        %add3A_1199 = arith.constant 7 : i32
        %add3A_1200 = arith.addi %mul3A_187, %add3A_1199 : i32
        %get3A_1201 = arith.index_cast %add3A_1200 : i32 to index
        %get3A_1202 = arith.constant 112 : index
        %get3A_1203 = tpu.vector_load %arg11[%get3A_1201, %get3A_1202] {strides = array<i32>} : memref<64x128xf32, #tpu.memory_space<vmem>>, vector<16xf32>,
        %mul3A_1204 = arith.mulf %get3A_1198, %get3A_1203 : vector<16xf32>
        %add3A_1205 = arith.constant 7 : i32
        %add3A_1206 = arith.addi %mul3A_187, %add3A_1205 : i32
        %swap3A_1207 = arith.index_cast %add3A_1206 : i32 to index
        %swap3A_1208 = arith.constant 112 : index
        %swap3A_1209 = tpu.vector_load %arg9[%swap3A_1207, %swap3A_1208] {strides = array<i32>} : memref<64x128xf32, #tpu.memory_space<vmem>>, vector<16xf32>,
        tpu.vector_store %arg9[%swap3A_1207, %swap3A_1208], %mul3A_1204 {strides = array<i32>} : memref<64x128xf32, #tpu.memory_space<vmem>>, vector<16xf32>,
        %scan3A_1210 = arith.constant 0 : i32
        scf.yield %scan3A_1210 : i32
      }
      %scan3A_168 = arith.constant 8 : i32
      %dma_start3A_169 = arith.constant 2 : i32
      %dma_start3A_170 = arith.constant 0 : i32
      %dma_start3A_171 = tpu.memref_slice %arg7[%dma_start3A_169, %dma_start3A_170] : memref<3x64xi32, #tpu.memory_space<vmem>> -> memref<1x64xi32, #tpu.memory_space<vmem>>
      %dma_start3A_172 = tpu.memref_squeeze %dma_start3A_171 : memref<1x64xi32, #tpu.memory_space<vmem>> -> memref<64xi32, #tpu.memory_space<vmem>>
      %dma_start3A_173 = arith.constant 0 : i32
      %dma_start3A_174 = arith.constant 0 : i32
      %dma_start3A_175 = tpu.memref_slice %arg13[%dma_start3A_173, %dma_start3A_174] : memref<10112x128xf32, #tpu.memory_space<vmem_shared>> -> memref<10112x128xf32, #tpu.memory_space<vmem_shared>>
      tpu.enqueue_indirect_dma source(%arg9 : memref<64x128xf32, #tpu.memory_space<vmem>>) target(%dma_start3A_175 : memref<10112x128xf32, #tpu.memory_space<vmem_shared>>) offsets(%dma_start3A_172 : memref<64xi32, #tpu.memory_space<vmem>>) semaphore(%arg19 : memref<!tpu.dma_semaphore, #tpu.memory_space<semaphore_mem>>) {add = true}
      %scan3A_176 = arith.constant 0 : i32
      %scan3A_177 = arith.constant 0 : i32
      %scan3A_178 = arith.constant 4 : i32
      %scan3A_179 = arith.addi %scan3A_177, %scan3A_178 : i32
      %scan3A_180 = arith.constant 1 : i32
      %scan3A_181 = scf.for %scan3A_184 = %scan3A_177 to %scan3A_179 step %scan3A_180 iter_args(%scan3A_185 = %scan3A_176) -> (i32)  : i32 {
        %mul3A_186 = arith.constant 16 : i32
        %mul3A_187 = arith.muli %scan3A_184, %mul3A_186 : i32
        %get3A = arith.constant 2 : i32
        %get3A_188 = arith.index_cast %get3A : i32 to index
        %get3A_189 = arith.index_cast %mul3A_187 : i32 to index
        %get3A_190 = tpu.vector_load %arg7[%get3A_188, %get3A_189] {strides = array<i32>} : memref<3x64xi32, #tpu.memory_space<vmem>>, vector<16xi32>,
        %broadcast_in_dim3A_191 = arith.constant true
        %broadcast_in_dim3A_192 = vector.broadcast %broadcast_in_dim3A_191 : i1 to vector<16xi1>
        %unique3A, %unique3A_193 = tpu.scan_count mask(%broadcast_in_dim3A_192 : vector<16xi1>) value(%get3A_190 : vector<16xi32>) : vector<16xi1>, vector<16xi32>
        %shift_right_logical3A = arith.constant 7 : i32
        %shift_right_logical3A_194 = vector.broadcast %shift_right_logical3A : i32 to vector<16xi32>
        %shift_right_logical3A_195 = arith.shrui %get3A_190, %shift_right_logical3A_194 : vector<16xi32>
        %and3A = arith.constant 127 : i32
        %and3A_196 = vector.broadcast %and3A : i32 to vector<16xi32>
        %and3A_197 = arith.andi %get3A_190, %and3A_196 : vector<16xi32>
        %convert_element_type3A_198 = arith.sitofp %unique3A_193 : vector<16xi32> to vector<16xf32>
        tpu.vector_store_idx %arg12[%shift_right_logical3A_195, %and3A_197], %convert_element_type3A_198 masked %unique3A {add = true} : memref<80x128xf32, #tpu.memory_space<vmem>>[vector<16xi32>, vector<16xi32>], vector<16xf32>, vector<16xi1>
        %scan3A_199 = arith.constant 0 : i32
        scf.yield %scan3A_199 : i32
      }
      %scan3A_182 = arith.constant 4 : i32
      %while3A_183 = arith.constant 0 : i32
      scf.yield %while3A_183 : i32
    }
    %while3A_74 = arith.constant 1 : i32
    %while3A_75 = scf.for %while3A_88 = %while3A_71 to %while3A_67 step %while3A_74 iter_args(%while3A_89 = %while3A_73) -> (i32)  : i32 {
      %mul3A_90 = arith.constant 2 : i32
      %mul3A_91 = arith.muli %while3A_88, %mul3A_90 : i32
      %add3A_92 = arith.constant 0 : i32
      %add3A_93 = arith.addi %mul3A_91, %add3A_92 : i32
      %gt3A = arith.constant 0 : i32
      %gt3A_94 = arith.cmpi sgt, %add3A_93, %gt3A : i32
      %convert_element_type3A = arith.extui %gt3A_94 : i1 to i32
      %cond3A = arith.constant 0 : i32
      %cond3A_95 = arith.cmpi ne, %convert_element_type3A, %cond3A : i32
      scf.if %cond3A_95 {
        %dma_wait3A_184 = arith.constant 2 : i32
        %dma_wait3A_185 = arith.constant 0 : i32
        %dma_wait3A_186 = tpu.memref_slice %arg7[%dma_wait3A_184, %dma_wait3A_185] : memref<3x64xi32, #tpu.memory_space<vmem>> -> memref<1x64xi32, #tpu.memory_space<vmem>>
        %dma_wait3A_187 = tpu.memref_squeeze %dma_wait3A_186 : memref<1x64xi32, #tpu.memory_space<vmem>> -> memref<64xi32, #tpu.memory_space<vmem>>
        %dma_wait3A_188 = arith.constant 0 : i32
        %dma_wait3A_189 = arith.constant 0 : i32
        %dma_wait3A_190 = tpu.memref_slice %arg13[%dma_wait3A_188, %dma_wait3A_189] : memref<10112x128xf32, #tpu.memory_space<vmem_shared>> -> memref<10112x128xf32, #tpu.memory_space<vmem_shared>>
        tpu.wait_indirect_dma semaphore(%arg19 : memref<!tpu.dma_semaphore, #tpu.memory_space<semaphore_mem>>) src(%arg9 : memref<64x128xf32, #tpu.memory_space<vmem>>) dst(%dma_wait3A_190 : memref<10112x128xf32, #tpu.memory_space<vmem_shared>>)
      } else {
      }
      %sub3A = arith.constant 1 : i32
      %sub3A_96 = arith.subi %select_n3A_39, %sub3A : i32
      %lt3A = arith.cmpi slt, %add3A_93, %sub3A_96 : i32
      %convert_element_type3A_97 = arith.extui %lt3A : i1 to i32
      %cond3A_98 = arith.constant 0 : i32
      %cond3A_99 = arith.cmpi ne, %convert_element_type3A_97, %cond3A_98 : i32
      scf.if %cond3A_99 {
        %add3A_184 = arith.constant 1 : i32
        %add3A_185 = arith.addi %add3A_93, %add3A_184 : i32
        %add3A_186 = arith.addi %select_n3A_48, %add3A_185 : i32
        "tpu.region"() ({
          %run_scoped3A = tpu.sem_alloc : memref<!tpu.dma_semaphore, #tpu.memory_space<semaphore_mem>>
          %dma_start3A_201 = arith.constant 0 : i32
          %dma_start3A_202 = arith.constant 0 : i32
          %dma_start3A_203 = tpu.memref_slice %arg2[%add3A_186, %dma_start3A_201, %dma_start3A_202] : memref<5056x3x64xi32, #tpu.memory_space<hbm>> -> memref<1x3x64xi32, #tpu.memory_space<hbm>>
          %dma_start3A_204 = tpu.memref_squeeze %dma_start3A_203 : memref<1x3x64xi32, #tpu.memory_space<hbm>> -> memref<3x64xi32, #tpu.memory_space<hbm>>
          %dma_start3A_205 = arith.constant 0 : i32
          %dma_start3A_206 = arith.constant 0 : i32
          %dma_start3A_207 = tpu.memref_slice %arg2[%add3A_186, %dma_start3A_205, %dma_start3A_206] : memref<5056x3x64xi32, #tpu.memory_space<hbm>> -> memref<1x3x64xi32, #tpu.memory_space<hbm>>
          %dma_start3A_208 = tpu.memref_squeeze %dma_start3A_207 : memref<1x3x64xi32, #tpu.memory_space<hbm>> -> memref<3x64xi32, #tpu.memory_space<hbm>>
          tpu.enqueue_dma source(%dma_start3A_208 : memref<3x64xi32, #tpu.memory_space<hbm>>) target(%arg7 : memref<3x64xi32, #tpu.memory_space<vmem>>) target_semaphore(%run_scoped3A : memref<!tpu.dma_semaphore, #tpu.memory_space<semaphore_mem>>)
          %dma_wait3A_209 = arith.constant 0 : i32
          %dma_wait3A_210 = arith.constant 0 : i32
          %dma_wait3A_211 = tpu.memref_slice %arg2[%add3A_186, %dma_wait3A_209, %dma_wait3A_210] : memref<5056x3x64xi32, #tpu.memory_space<hbm>> -> memref<1x3x64xi32, #tpu.memory_space<hbm>>
          %dma_wait3A_212 = tpu.memref_squeeze %dma_wait3A_211 : memref<1x3x64xi32, #tpu.memory_space<hbm>> -> memref<3x64xi32, #tpu.memory_space<hbm>>
          %dma_wait3A_213 = arith.constant 0 : i32
          %dma_wait3A_214 = arith.constant 0 : i32
          %dma_wait3A_215 = tpu.memref_slice %arg2[%add3A_186, %dma_wait3A_213, %dma_wait3A_214] : memref<5056x3x64xi32, #tpu.memory_space<hbm>> -> memref<1x3x64xi32, #tpu.memory_space<hbm>>
          %dma_wait3A_216 = tpu.memref_squeeze %dma_wait3A_215 : memref<1x3x64xi32, #tpu.memory_space<hbm>> -> memref<3x64xi32, #tpu.memory_space<hbm>>
          tpu.wait_dma2 semaphore(%run_scoped3A : memref<!tpu.dma_semaphore, #tpu.memory_space<semaphore_mem>>) src(%dma_wait3A_216 : memref<3x64xi32, #tpu.memory_space<hbm>>) dst(%arg7 : memref<3x64xi32, #tpu.memory_space<vmem>>)
          tpu.yield
        }) : () -> ()
        %dma_start3A_187 = arith.constant 0 : i32
        %dma_start3A_188 = arith.constant 0 : i32
        %dma_start3A_189 = tpu.memref_slice %arg7[%dma_start3A_187, %dma_start3A_188] : memref<3x64xi32, #tpu.memory_space<vmem>> -> memref<1x64xi32, #tpu.memory_space<vmem>>
        %dma_start3A_190 = tpu.memref_squeeze %dma_start3A_189 : memref<1x64xi32, #tpu.memory_space<vmem>> -> memref<64xi32, #tpu.memory_space<vmem>>
        %dma_start3A_191 = arith.constant 0 : i32
        %dma_start3A_192 = arith.constant 0 : i32
        %dma_start3A_193 = tpu.memref_slice %arg3[%dma_start3A_191, %dma_start3A_192] : memref<10000x128xf32, #tpu.memory_space<hbm>> -> memref<10000x128xf32, #tpu.memory_space<hbm>>
        tpu.enqueue_indirect_dma source(%dma_start3A_193 : memref<10000x128xf32, #tpu.memory_space<hbm>>) target(%arg9 : memref<64x128xf32, #tpu.memory_space<vmem>>) offsets(%dma_start3A_190 : memref<64xi32, #tpu.memory_space<vmem>>) semaphore(%arg15 : memref<!tpu.dma_semaphore, #tpu.memory_space<semaphore_mem>>)
        %dma_start3A_194 = arith.constant 1 : i32
        %dma_start3A_195 = arith.constant 0 : i32
        %dma_start3A_196 = tpu.memref_slice %arg7[%dma_start3A_194, %dma_start3A_195] : memref<3x64xi32, #tpu.memory_space<vmem>> -> memref<1x64xi32, #tpu.memory_space<vmem>>
        %dma_start3A_197 = tpu.memref_squeeze %dma_start3A_196 : memref<1x64xi32, #tpu.memory_space<vmem>> -> memref<64xi32, #tpu.memory_space<vmem>>
        %dma_start3A_198 = arith.constant 0 : i32
        %dma_start3A_199 = arith.constant 0 : i32
        %dma_start3A_200 = tpu.memref_slice %arg4[%dma_start3A_198, %dma_start3A_199] : memref<475x128xf32, #tpu.memory_space<hbm>> -> memref<475x128xf32, #tpu.memory_space<hbm>>
        tpu.enqueue_indirect_dma source(%dma_start3A_200 : memref<475x128xf32, #tpu.memory_space<hbm>>) target(%arg11 : memref<64x128xf32, #tpu.memory_space<vmem>>) offsets(%dma_start3A_197 : memref<64xi32, #tpu.memory_space<vmem>>) semaphore(%arg17 : memref<!tpu.dma_semaphore, #tpu.memory_space<semaphore_mem>>)
      } else {
      }
      %dma_wait3A_100 = arith.constant 0 : i32
      %dma_wait3A_101 = arith.constant 0 : i32
      %dma_wait3A_102 = tpu.memref_slice %arg6[%dma_wait3A_100, %dma_wait3A_101] : memref<3x64xi32, #tpu.memory_space<vmem>> -> memref<1x64xi32, #tpu.memory_space<vmem>>
      %dma_wait3A_103 = tpu.memref_squeeze %dma_wait3A_102 : memref<1x64xi32, #tpu.memory_space<vmem>> -> memref<64xi32, #tpu.memory_space<vmem>>
      %dma_wait3A_104 = arith.constant 0 : i32
      %dma_wait3A_105 = arith.constant 0 : i32
      %dma_wait3A_106 = tpu.memref_slice %arg3[%dma_wait3A_104, %dma_wait3A_105] : memref<10000x128xf32, #tpu.memory_space<hbm>> -> memref<10000x128xf32, #tpu.memory_space<hbm>>
      tpu.wait_indirect_dma semaphore(%arg14 : memref<!tpu.dma_semaphore, #tpu.memory_space<semaphore_mem>>) src(%dma_wait3A_106 : memref<10000x128xf32, #tpu.memory_space<hbm>>) dst(%arg8 : memref<64x128xf32, #tpu.memory_space<vmem>>)
      %dma_wait3A_107 = arith.constant 1 : i32
      %dma_wait3A_108 = arith.constant 0 : i32
      %dma_wait3A_109 = tpu.memref_slice %arg6[%dma_wait3A_107, %dma_wait3A_108] : memref<3x64xi32, #tpu.memory_space<vmem>> -> memref<1x64xi32, #tpu.memory_space<vmem>>
      %dma_wait3A_110 = tpu.memref_squeeze %dma_wait3A_109 : memref<1x64xi32, #tpu.memory_space<vmem>> -> memref<64xi32, #tpu.memory_space<vmem>>
      %dma_wait3A_111 = arith.constant 0 : i32
      %dma_wait3A_112 = arith.constant 0 : i32
      %dma_wait3A_113 = tpu.memref_slice %arg4[%dma_wait3A_111, %dma_wait3A_112] : memref<475x128xf32, #tpu.memory_space<hbm>> -> memref<475x128xf32, #tpu.memory_space<hbm>>
      tpu.wait_indirect_dma semaphore(%arg16 : memref<!tpu.dma_semaphore, #tpu.memory_space<semaphore_mem>>) src(%dma_wait3A_113 : memref<475x128xf32, #tpu.memory_space<hbm>>) dst(%arg10 : memref<64x128xf32, #tpu.memory_space<vmem>>)
      %scan3A_114 = arith.constant 0 : i32
      %scan3A_115 = arith.constant 0 : i32
      %scan3A_116 = arith.constant 8 : i32
      %scan3A_117 = arith.addi %scan3A_115, %scan3A_116 : i32
      %scan3A_118 = arith.constant 1 : i32
      %scan3A_119 = scf.for %scan3A_184 = %scan3A_115 to %scan3A_117 step %scan3A_118 iter_args(%scan3A_185 = %scan3A_114) -> (i32)  : i32 {
        %mul3A_186 = arith.constant 8 : i32
        %mul3A_187 = arith.muli %scan3A_184, %mul3A_186 : i32
        %add3A_188 = arith.constant 0 : i32
        %add3A_189 = arith.addi %mul3A_187, %add3A_188 : i32
        %get3A = arith.index_cast %add3A_189 : i32 to index
        %get3A_190 = arith.constant 0 : index
        %get3A_191 = tpu.vector_load %arg8[%get3A, %get3A_190] {strides = array<i32>} : memref<64x128xf32, #tpu.memory_space<vmem>>, vector<16xf32>,
        %add3A_192 = arith.constant 0 : i32
        %add3A_193 = arith.addi %mul3A_187, %add3A_192 : i32
        %get3A_194 = arith.index_cast %add3A_193 : i32 to index
        %get3A_195 = arith.constant 0 : index
        %get3A_196 = tpu.vector_load %arg10[%get3A_194, %get3A_195] {strides = array<i32>} : memref<64x128xf32, #tpu.memory_space<vmem>>, vector<16xf32>,
        %mul3A_197 = arith.mulf %get3A_191, %get3A_196 : vector<16xf32>
        %add3A_198 = arith.constant 0 : i32
        %add3A_199 = arith.addi %mul3A_187, %add3A_198 : i32
        %swap3A = arith.index_cast %add3A_199 : i32 to index
        %swap3A_200 = arith.constant 0 : index
        %swap3A_201 = tpu.vector_load %arg8[%swap3A, %swap3A_200] {strides = array<i32>} : memref<64x128xf32, #tpu.memory_space<vmem>>, vector<16xf32>,
        tpu.vector_store %arg8[%swap3A, %swap3A_200], %mul3A_197 {strides = array<i32>} : memref<64x128xf32, #tpu.memory_space<vmem>>, vector<16xf32>,
        %add3A_202 = arith.constant 0 : i32
        %add3A_203 = arith.addi %mul3A_187, %add3A_202 : i32
        %get3A_204 = arith.index_cast %add3A_203 : i32 to index
        %get3A_205 = arith.constant 16 : index
        %get3A_206 = tpu.vector_load %arg8[%get3A_204, %get3A_205] {strides = array<i32>} : memref<64x128xf32, #tpu.memory_space<vmem>>, vector<16xf32>,
        %add3A_207 = arith.constant 0 : i32
        %add3A_208 = arith.addi %mul3A_187, %add3A_207 : i32
        %get3A_209 = arith.index_cast %add3A_208 : i32 to index
        %get3A_210 = arith.constant 16 : index
        %get3A_211 = tpu.vector_load %arg10[%get3A_209, %get3A_210] {strides = array<i32>} : memref<64x128xf32, #tpu.memory_space<vmem>>, vector<16xf32>,
        %mul3A_212 = arith.mulf %get3A_206, %get3A_211 : vector<16xf32>
        %add3A_213 = arith.constant 0 : i32
        %add3A_214 = arith.addi %mul3A_187, %add3A_213 : i32
        %swap3A_215 = arith.index_cast %add3A_214 : i32 to index
        %swap3A_216 = arith.constant 16 : index
        %swap3A_217 = tpu.vector_load %arg8[%swap3A_215, %swap3A_216] {strides = array<i32>} : memref<64x128xf32, #tpu.memory_space<vmem>>, vector<16xf32>,
        tpu.vector_store %arg8[%swap3A_215, %swap3A_216], %mul3A_212 {strides = array<i32>} : memref<64x128xf32, #tpu.memory_space<vmem>>, vector<16xf32>,
        %add3A_218 = arith.constant 0 : i32
        %add3A_219 = arith.addi %mul3A_187, %add3A_218 : i32
        %get3A_220 = arith.index_cast %add3A_219 : i32 to index
        %get3A_221 = arith.constant 32 : index
        %get3A_222 = tpu.vector_load %arg8[%get3A_220, %get3A_221] {strides = array<i32>} : memref<64x128xf32, #tpu.memory_space<vmem>>, vector<16xf32>,
        %add3A_223 = arith.constant 0 : i32
        %add3A_224 = arith.addi %mul3A_187, %add3A_223 : i32
        %get3A_225 = arith.index_cast %add3A_224 : i32 to index
        %get3A_226 = arith.constant 32 : index
        %get3A_227 = tpu.vector_load %arg10[%get3A_225, %get3A_226] {strides = array<i32>} : memref<64x128xf32, #tpu.memory_space<vmem>>, vector<16xf32>,
        %mul3A_228 = arith.mulf %get3A_222, %get3A_227 : vector<16xf32>
        %add3A_229 = arith.constant 0 : i32
        %add3A_230 = arith.addi %mul3A_187, %add3A_229 : i32
        %swap3A_231 = arith.index_cast %add3A_230 : i32 to index
        %swap3A_232 = arith.constant 32 : index
        %swap3A_233 = tpu.vector_load %arg8[%swap3A_231, %swap3A_232] {strides = array<i32>} : memref<64x128xf32, #tpu.memory_space<vmem>>, vector<16xf32>,
        tpu.vector_store %arg8[%swap3A_231, %swap3A_232], %mul3A_228 {strides = array<i32>} : memref<64x128xf32, #tpu.memory_space<vmem>>, vector<16xf32>,
        %add3A_234 = arith.constant 0 : i32
        %add3A_235 = arith.addi %mul3A_187, %add3A_234 : i32
        %get3A_236 = arith.index_cast %add3A_235 : i32 to index
        %get3A_237 = arith.constant 48 : index
        %get3A_238 = tpu.vector_load %arg8[%get3A_236, %get3A_237] {strides = array<i32>} : memref<64x128xf32, #tpu.memory_space<vmem>>, vector<16xf32>,
        %add3A_239 = arith.constant 0 : i32
        %add3A_240 = arith.addi %mul3A_187, %add3A_239 : i32
        %get3A_241 = arith.index_cast %add3A_240 : i32 to index
        %get3A_242 = arith.constant 48 : index
        %get3A_243 = tpu.vector_load %arg10[%get3A_241, %get3A_242] {strides = array<i32>} : memref<64x128xf32, #tpu.memory_space<vmem>>, vector<16xf32>,
        %mul3A_244 = arith.mulf %get3A_238, %get3A_243 : vector<16xf32>
        %add3A_245 = arith.constant 0 : i32
        %add3A_246 = arith.addi %mul3A_187, %add3A_245 : i32
        %swap3A_247 = arith.index_cast %add3A_246 : i32 to index
        %swap3A_248 = arith.constant 48 : index
        %swap3A_249 = tpu.vector_load %arg8[%swap3A_247, %swap3A_248] {strides = array<i32>} : memref<64x128xf32, #tpu.memory_space<vmem>>, vector<16xf32>,
        tpu.vector_store %arg8[%swap3A_247, %swap3A_248], %mul3A_244 {strides = array<i32>} : memref<64x128xf32, #tpu.memory_space<vmem>>, vector<16xf32>,
        %add3A_250 = arith.constant 0 : i32
        %add3A_251 = arith.addi %mul3A_187, %add3A_250 : i32
        %get3A_252 = arith.index_cast %add3A_251 : i32 to index
        %get3A_253 = arith.constant 64 : index
        %get3A_254 = tpu.vector_load %arg8[%get3A_252, %get3A_253] {strides = array<i32>} : memref<64x128xf32, #tpu.memory_space<vmem>>, vector<16xf32>,
        %add3A_255 = arith.constant 0 : i32
        %add3A_256 = arith.addi %mul3A_187, %add3A_255 : i32
        %get3A_257 = arith.index_cast %add3A_256 : i32 to index
        %get3A_258 = arith.constant 64 : index
        %get3A_259 = tpu.vector_load %arg10[%get3A_257, %get3A_258] {strides = array<i32>} : memref<64x128xf32, #tpu.memory_space<vmem>>, vector<16xf32>,
        %mul3A_260 = arith.mulf %get3A_254, %get3A_259 : vector<16xf32>
        %add3A_261 = arith.constant 0 : i32
        %add3A_262 = arith.addi %mul3A_187, %add3A_261 : i32
        %swap3A_263 = arith.index_cast %add3A_262 : i32 to index
        %swap3A_264 = arith.constant 64 : index
        %swap3A_265 = tpu.vector_load %arg8[%swap3A_263, %swap3A_264] {strides = array<i32>} : memref<64x128xf32, #tpu.memory_space<vmem>>, vector<16xf32>,
        tpu.vector_store %arg8[%swap3A_263, %swap3A_264], %mul3A_260 {strides = array<i32>} : memref<64x128xf32, #tpu.memory_space<vmem>>, vector<16xf32>,
        %add3A_266 = arith.constant 0 : i32
        %add3A_267 = arith.addi %mul3A_187, %add3A_266 : i32
        %get3A_268 = arith.index_cast %add3A_267 : i32 to index
        %get3A_269 = arith.constant 80 : index
        %get3A_270 = tpu.vector_load %arg8[%get3A_268, %get3A_269] {strides = array<i32>} : memref<64x128xf32, #tpu.memory_space<vmem>>, vector<16xf32>,
        %add3A_271 = arith.constant 0 : i32
        %add3A_272 = arith.addi %mul3A_187, %add3A_271 : i32
        %get3A_273 = arith.index_cast %add3A_272 : i32 to index
        %get3A_274 = arith.constant 80 : index
        %get3A_275 = tpu.vector_load %arg10[%get3A_273, %get3A_274] {strides = array<i32>} : memref<64x128xf32, #tpu.memory_space<vmem>>, vector<16xf32>,
        %mul3A_276 = arith.mulf %get3A_270, %get3A_275 : vector<16xf32>
        %add3A_277 = arith.constant 0 : i32
        %add3A_278 = arith.addi %mul3A_187, %add3A_277 : i32
        %swap3A_279 = arith.index_cast %add3A_278 : i32 to index
        %swap3A_280 = arith.constant 80 : index
        %swap3A_281 = tpu.vector_load %arg8[%swap3A_279, %swap3A_280] {strides = array<i32>} : memref<64x128xf32, #tpu.memory_space<vmem>>, vector<16xf32>,
        tpu.vector_store %arg8[%swap3A_279, %swap3A_280], %mul3A_276 {strides = array<i32>} : memref<64x128xf32, #tpu.memory_space<vmem>>, vector<16xf32>,
        %add3A_282 = arith.constant 0 : i32
        %add3A_283 = arith.addi %mul3A_187, %add3A_282 : i32
        %get3A_284 = arith.index_cast %add3A_283 : i32 to index
        %get3A_285 = arith.constant 96 : index
        %get3A_286 = tpu.vector_load %arg8[%get3A_284, %get3A_285] {strides = array<i32>} : memref<64x128xf32, #tpu.memory_space<vmem>>, vector<16xf32>,
        %add3A_287 = arith.constant 0 : i32
        %add3A_288 = arith.addi %mul3A_187, %add3A_287 : i32
        %get3A_289 = arith.index_cast %add3A_288 : i32 to index
        %get3A_290 = arith.constant 96 : index
        %get3A_291 = tpu.vector_load %arg10[%get3A_289, %get3A_290] {strides = array<i32>} : memref<64x128xf32, #tpu.memory_space<vmem>>, vector<16xf32>,
        %mul3A_292 = arith.mulf %get3A_286, %get3A_291 : vector<16xf32>
        %add3A_293 = arith.constant 0 : i32
        %add3A_294 = arith.addi %mul3A_187, %add3A_293 : i32
        %swap3A_295 = arith.index_cast %add3A_294 : i32 to index
        %swap3A_296 = arith.constant 96 : index
        %swap3A_297 = tpu.vector_load %arg8[%swap3A_295, %swap3A_296] {strides = array<i32>} : memref<64x128xf32, #tpu.memory_space<vmem>>, vector<16xf32>,
        tpu.vector_store %arg8[%swap3A_295, %swap3A_296], %mul3A_292 {strides = array<i32>} : memref<64x128xf32, #tpu.memory_space<vmem>>, vector<16xf32>,
        %add3A_298 = arith.constant 0 : i32
        %add3A_299 = arith.addi %mul3A_187, %add3A_298 : i32
        %get3A_300 = arith.index_cast %add3A_299 : i32 to index
        %get3A_301 = arith.constant 112 : index
        %get3A_302 = tpu.vector_load %arg8[%get3A_300, %get3A_301] {strides = array<i32>} : memref<64x128xf32, #tpu.memory_space<vmem>>, vector<16xf32>,
        %add3A_303 = arith.constant 0 : i32
        %add3A_304 = arith.addi %mul3A_187, %add3A_303 : i32
        %get3A_305 = arith.index_cast %add3A_304 : i32 to index
        %get3A_306 = arith.constant 112 : index
        %get3A_307 = tpu.vector_load %arg10[%get3A_305, %get3A_306] {strides = array<i32>} : memref<64x128xf32, #tpu.memory_space<vmem>>, vector<16xf32>,
        %mul3A_308 = arith.mulf %get3A_302, %get3A_307 : vector<16xf32>
        %add3A_309 = arith.constant 0 : i32
        %add3A_310 = arith.addi %mul3A_187, %add3A_309 : i32
        %swap3A_311 = arith.index_cast %add3A_310 : i32 to index
        %swap3A_312 = arith.constant 112 : index
        %swap3A_313 = tpu.vector_load %arg8[%swap3A_311, %swap3A_312] {strides = array<i32>} : memref<64x128xf32, #tpu.memory_space<vmem>>, vector<16xf32>,
        tpu.vector_store %arg8[%swap3A_311, %swap3A_312], %mul3A_308 {strides = array<i32>} : memref<64x128xf32, #tpu.memory_space<vmem>>, vector<16xf32>,
        %add3A_314 = arith.constant 1 : i32
        %add3A_315 = arith.addi %mul3A_187, %add3A_314 : i32
        %get3A_316 = arith.index_cast %add3A_315 : i32 to index
        %get3A_317 = arith.constant 0 : index
        %get3A_318 = tpu.vector_load %arg8[%get3A_316, %get3A_317] {strides = array<i32>} : memref<64x128xf32, #tpu.memory_space<vmem>>, vector<16xf32>,
        %add3A_319 = arith.constant 1 : i32
        %add3A_320 = arith.addi %mul3A_187, %add3A_319 : i32
        %get3A_321 = arith.index_cast %add3A_320 : i32 to index
        %get3A_322 = arith.constant 0 : index
        %get3A_323 = tpu.vector_load %arg10[%get3A_321, %get3A_322] {strides = array<i32>} : memref<64x128xf32, #tpu.memory_space<vmem>>, vector<16xf32>,
        %mul3A_324 = arith.mulf %get3A_318, %get3A_323 : vector<16xf32>
        %add3A_325 = arith.constant 1 : i32
        %add3A_326 = arith.addi %mul3A_187, %add3A_325 : i32
        %swap3A_327 = arith.index_cast %add3A_326 : i32 to index
        %swap3A_328 = arith.constant 0 : index
        %swap3A_329 = tpu.vector_load %arg8[%swap3A_327, %swap3A_328] {strides = array<i32>} : memref<64x128xf32, #tpu.memory_space<vmem>>, vector<16xf32>,
        tpu.vector_store %arg8[%swap3A_327, %swap3A_328], %mul3A_324 {strides = array<i32>} : memref<64x128xf32, #tpu.memory_space<vmem>>, vector<16xf32>,
        %add3A_330 = arith.constant 1 : i32
        %add3A_331 = arith.addi %mul3A_187, %add3A_330 : i32
        %get3A_332 = arith.index_cast %add3A_331 : i32 to index
        %get3A_333 = arith.constant 16 : index
        %get3A_334 = tpu.vector_load %arg8[%get3A_332, %get3A_333] {strides = array<i32>} : memref<64x128xf32, #tpu.memory_space<vmem>>, vector<16xf32>,
        %add3A_335 = arith.constant 1 : i32
        %add3A_336 = arith.addi %mul3A_187, %add3A_335 : i32
        %get3A_337 = arith.index_cast %add3A_336 : i32 to index
        %get3A_338 = arith.constant 16 : index
        %get3A_339 = tpu.vector_load %arg10[%get3A_337, %get3A_338] {strides = array<i32>} : memref<64x128xf32, #tpu.memory_space<vmem>>, vector<16xf32>,
        %mul3A_340 = arith.mulf %get3A_334, %get3A_339 : vector<16xf32>
        %add3A_341 = arith.constant 1 : i32
        %add3A_342 = arith.addi %mul3A_187, %add3A_341 : i32
        %swap3A_343 = arith.index_cast %add3A_342 : i32 to index
        %swap3A_344 = arith.constant 16 : index
        %swap3A_345 = tpu.vector_load %arg8[%swap3A_343, %swap3A_344] {strides = array<i32>} : memref<64x128xf32, #tpu.memory_space<vmem>>, vector<16xf32>,
        tpu.vector_store %arg8[%swap3A_343, %swap3A_344], %mul3A_340 {strides = array<i32>} : memref<64x128xf32, #tpu.memory_space<vmem>>, vector<16xf32>,
        %add3A_346 = arith.constant 1 : i32
        %add3A_347 = arith.addi %mul3A_187, %add3A_346 : i32
        %get3A_348 = arith.index_cast %add3A_347 : i32 to index
        %get3A_349 = arith.constant 32 : index
        %get3A_350 = tpu.vector_load %arg8[%get3A_348, %get3A_349] {strides = array<i32>} : memref<64x128xf32, #tpu.memory_space<vmem>>, vector<16xf32>,
        %add3A_351 = arith.constant 1 : i32
        %add3A_352 = arith.addi %mul3A_187, %add3A_351 : i32
        %get3A_353 = arith.index_cast %add3A_352 : i32 to index
        %get3A_354 = arith.constant 32 : index
        %get3A_355 = tpu.vector_load %arg10[%get3A_353, %get3A_354] {strides = array<i32>} : memref<64x128xf32, #tpu.memory_space<vmem>>, vector<16xf32>,
        %mul3A_356 = arith.mulf %get3A_350, %get3A_355 : vector<16xf32>
        %add3A_357 = arith.constant 1 : i32
        %add3A_358 = arith.addi %mul3A_187, %add3A_357 : i32
        %swap3A_359 = arith.index_cast %add3A_358 : i32 to index
        %swap3A_360 = arith.constant 32 : index
        %swap3A_361 = tpu.vector_load %arg8[%swap3A_359, %swap3A_360] {strides = array<i32>} : memref<64x128xf32, #tpu.memory_space<vmem>>, vector<16xf32>,
        tpu.vector_store %arg8[%swap3A_359, %swap3A_360], %mul3A_356 {strides = array<i32>} : memref<64x128xf32, #tpu.memory_space<vmem>>, vector<16xf32>,
        %add3A_362 = arith.constant 1 : i32
        %add3A_363 = arith.addi %mul3A_187, %add3A_362 : i32
        %get3A_364 = arith.index_cast %add3A_363 : i32 to index
        %get3A_365 = arith.constant 48 : index
        %get3A_366 = tpu.vector_load %arg8[%get3A_364, %get3A_365] {strides = array<i32>} : memref<64x128xf32, #tpu.memory_space<vmem>>, vector<16xf32>,
        %add3A_367 = arith.constant 1 : i32
        %add3A_368 = arith.addi %mul3A_187, %add3A_367 : i32
        %get3A_369 = arith.index_cast %add3A_368 : i32 to index
        %get3A_370 = arith.constant 48 : index
        %get3A_371 = tpu.vector_load %arg10[%get3A_369, %get3A_370] {strides = array<i32>} : memref<64x128xf32, #tpu.memory_space<vmem>>, vector<16xf32>,
        %mul3A_372 = arith.mulf %get3A_366, %get3A_371 : vector<16xf32>
        %add3A_373 = arith.constant 1 : i32
        %add3A_374 = arith.addi %mul3A_187, %add3A_373 : i32
        %swap3A_375 = arith.index_cast %add3A_374 : i32 to index
        %swap3A_376 = arith.constant 48 : index
        %swap3A_377 = tpu.vector_load %arg8[%swap3A_375, %swap3A_376] {strides = array<i32>} : memref<64x128xf32, #tpu.memory_space<vmem>>, vector<16xf32>,
        tpu.vector_store %arg8[%swap3A_375, %swap3A_376], %mul3A_372 {strides = array<i32>} : memref<64x128xf32, #tpu.memory_space<vmem>>, vector<16xf32>,
        %add3A_378 = arith.constant 1 : i32
        %add3A_379 = arith.addi %mul3A_187, %add3A_378 : i32
        %get3A_380 = arith.index_cast %add3A_379 : i32 to index
        %get3A_381 = arith.constant 64 : index
        %get3A_382 = tpu.vector_load %arg8[%get3A_380, %get3A_381] {strides = array<i32>} : memref<64x128xf32, #tpu.memory_space<vmem>>, vector<16xf32>,
        %add3A_383 = arith.constant 1 : i32
        %add3A_384 = arith.addi %mul3A_187, %add3A_383 : i32
        %get3A_385 = arith.index_cast %add3A_384 : i32 to index
        %get3A_386 = arith.constant 64 : index
        %get3A_387 = tpu.vector_load %arg10[%get3A_385, %get3A_386] {strides = array<i32>} : memref<64x128xf32, #tpu.memory_space<vmem>>, vector<16xf32>,
        %mul3A_388 = arith.mulf %get3A_382, %get3A_387 : vector<16xf32>
        %add3A_389 = arith.constant 1 : i32
        %add3A_390 = arith.addi %mul3A_187, %add3A_389 : i32
        %swap3A_391 = arith.index_cast %add3A_390 : i32 to index
        %swap3A_392 = arith.constant 64 : index
        %swap3A_393 = tpu.vector_load %arg8[%swap3A_391, %swap3A_392] {strides = array<i32>} : memref<64x128xf32, #tpu.memory_space<vmem>>, vector<16xf32>,
        tpu.vector_store %arg8[%swap3A_391, %swap3A_392], %mul3A_388 {strides = array<i32>} : memref<64x128xf32, #tpu.memory_space<vmem>>, vector<16xf32>,
        %add3A_394 = arith.constant 1 : i32
        %add3A_395 = arith.addi %mul3A_187, %add3A_394 : i32
        %get3A_396 = arith.index_cast %add3A_395 : i32 to index
        %get3A_397 = arith.constant 80 : index
        %get3A_398 = tpu.vector_load %arg8[%get3A_396, %get3A_397] {strides = array<i32>} : memref<64x128xf32, #tpu.memory_space<vmem>>, vector<16xf32>,
        %add3A_399 = arith.constant 1 : i32
        %add3A_400 = arith.addi %mul3A_187, %add3A_399 : i32
        %get3A_401 = arith.index_cast %add3A_400 : i32 to index
        %get3A_402 = arith.constant 80 : index
        %get3A_403 = tpu.vector_load %arg10[%get3A_401, %get3A_402] {strides = array<i32>} : memref<64x128xf32, #tpu.memory_space<vmem>>, vector<16xf32>,
        %mul3A_404 = arith.mulf %get3A_398, %get3A_403 : vector<16xf32>
        %add3A_405 = arith.constant 1 : i32
        %add3A_406 = arith.addi %mul3A_187, %add3A_405 : i32
        %swap3A_407 = arith.index_cast %add3A_406 : i32 to index
        %swap3A_408 = arith.constant 80 : index
        %swap3A_409 = tpu.vector_load %arg8[%swap3A_407, %swap3A_408] {strides = array<i32>} : memref<64x128xf32, #tpu.memory_space<vmem>>, vector<16xf32>,
        tpu.vector_store %arg8[%swap3A_407, %swap3A_408], %mul3A_404 {strides = array<i32>} : memref<64x128xf32, #tpu.memory_space<vmem>>, vector<16xf32>,
        %add3A_410 = arith.constant 1 : i32
        %add3A_411 = arith.addi %mul3A_187, %add3A_410 : i32
        %get3A_412 = arith.index_cast %add3A_411 : i32 to index
        %get3A_413 = arith.constant 96 : index
        %get3A_414 = tpu.vector_load %arg8[%get3A_412, %get3A_413] {strides = array<i32>} : memref<64x128xf32, #tpu.memory_space<vmem>>, vector<16xf32>,
        %add3A_415 = arith.constant 1 : i32
        %add3A_416 = arith.addi %mul3A_187, %add3A_415 : i32
        %get3A_417 = arith.index_cast %add3A_416 : i32 to index
        %get3A_418 = arith.constant 96 : index
        %get3A_419 = tpu.vector_load %arg10[%get3A_417, %get3A_418] {strides = array<i32>} : memref<64x128xf32, #tpu.memory_space<vmem>>, vector<16xf32>,
        %mul3A_420 = arith.mulf %get3A_414, %get3A_419 : vector<16xf32>
        %add3A_421 = arith.constant 1 : i32
        %add3A_422 = arith.addi %mul3A_187, %add3A_421 : i32
        %swap3A_423 = arith.index_cast %add3A_422 : i32 to index
        %swap3A_424 = arith.constant 96 : index
        %swap3A_425 = tpu.vector_load %arg8[%swap3A_423, %swap3A_424] {strides = array<i32>} : memref<64x128xf32, #tpu.memory_space<vmem>>, vector<16xf32>,
        tpu.vector_store %arg8[%swap3A_423, %swap3A_424], %mul3A_420 {strides = array<i32>} : memref<64x128xf32, #tpu.memory_space<vmem>>, vector<16xf32>,
        %add3A_426 = arith.constant 1 : i32
        %add3A_427 = arith.addi %mul3A_187, %add3A_426 : i32
        %get3A_428 = arith.index_cast %add3A_427 : i32 to index
        %get3A_429 = arith.constant 112 : index
        %get3A_430 = tpu.vector_load %arg8[%get3A_428, %get3A_429] {strides = array<i32>} : memref<64x128xf32, #tpu.memory_space<vmem>>, vector<16xf32>,
        %add3A_431 = arith.constant 1 : i32
        %add3A_432 = arith.addi %mul3A_187, %add3A_431 : i32
        %get3A_433 = arith.index_cast %add3A_432 : i32 to index
        %get3A_434 = arith.constant 112 : index
        %get3A_435 = tpu.vector_load %arg10[%get3A_433, %get3A_434] {strides = array<i32>} : memref<64x128xf32, #tpu.memory_space<vmem>>, vector<16xf32>,
        %mul3A_436 = arith.mulf %get3A_430, %get3A_435 : vector<16xf32>
        %add3A_437 = arith.constant 1 : i32
        %add3A_438 = arith.addi %mul3A_187, %add3A_437 : i32
        %swap3A_439 = arith.index_cast %add3A_438 : i32 to index
        %swap3A_440 = arith.constant 112 : index
        %swap3A_441 = tpu.vector_load %arg8[%swap3A_439, %swap3A_440] {strides = array<i32>} : memref<64x128xf32, #tpu.memory_space<vmem>>, vector<16xf32>,
        tpu.vector_store %arg8[%swap3A_439, %swap3A_440], %mul3A_436 {strides = array<i32>} : memref<64x128xf32, #tpu.memory_space<vmem>>, vector<16xf32>,
        %add3A_442 = arith.constant 2 : i32
        %add3A_443 = arith.addi %mul3A_187, %add3A_442 : i32
        %get3A_444 = arith.index_cast %add3A_443 : i32 to index
        %get3A_445 = arith.constant 0 : index
        %get3A_446 = tpu.vector_load %arg8[%get3A_444, %get3A_445] {strides = array<i32>} : memref<64x128xf32, #tpu.memory_space<vmem>>, vector<16xf32>,
        %add3A_447 = arith.constant 2 : i32
        %add3A_448 = arith.addi %mul3A_187, %add3A_447 : i32
        %get3A_449 = arith.index_cast %add3A_448 : i32 to index
        %get3A_450 = arith.constant 0 : index
        %get3A_451 = tpu.vector_load %arg10[%get3A_449, %get3A_450] {strides = array<i32>} : memref<64x128xf32, #tpu.memory_space<vmem>>, vector<16xf32>,
        %mul3A_452 = arith.mulf %get3A_446, %get3A_451 : vector<16xf32>
        %add3A_453 = arith.constant 2 : i32
        %add3A_454 = arith.addi %mul3A_187, %add3A_453 : i32
        %swap3A_455 = arith.index_cast %add3A_454 : i32 to index
        %swap3A_456 = arith.constant 0 : index
        %swap3A_457 = tpu.vector_load %arg8[%swap3A_455, %swap3A_456] {strides = array<i32>} : memref<64x128xf32, #tpu.memory_space<vmem>>, vector<16xf32>,
        tpu.vector_store %arg8[%swap3A_455, %swap3A_456], %mul3A_452 {strides = array<i32>} : memref<64x128xf32, #tpu.memory_space<vmem>>, vector<16xf32>,
        %add3A_458 = arith.constant 2 : i32
        %add3A_459 = arith.addi %mul3A_187, %add3A_458 : i32
        %get3A_460 = arith.index_cast %add3A_459 : i32 to index
        %get3A_461 = arith.constant 16 : index
        %get3A_462 = tpu.vector_load %arg8[%get3A_460, %get3A_461] {strides = array<i32>} : memref<64x128xf32, #tpu.memory_space<vmem>>, vector<16xf32>,
        %add3A_463 = arith.constant 2 : i32
        %add3A_464 = arith.addi %mul3A_187, %add3A_463 : i32
        %get3A_465 = arith.index_cast %add3A_464 : i32 to index
        %get3A_466 = arith.constant 16 : index
        %get3A_467 = tpu.vector_load %arg10[%get3A_465, %get3A_466] {strides = array<i32>} : memref<64x128xf32, #tpu.memory_space<vmem>>, vector<16xf32>,
        %mul3A_468 = arith.mulf %get3A_462, %get3A_467 : vector<16xf32>
        %add3A_469 = arith.constant 2 : i32
        %add3A_470 = arith.addi %mul3A_187, %add3A_469 : i32
        %swap3A_471 = arith.index_cast %add3A_470 : i32 to index
        %swap3A_472 = arith.constant 16 : index
        %swap3A_473 = tpu.vector_load %arg8[%swap3A_471, %swap3A_472] {strides = array<i32>} : memref<64x128xf32, #tpu.memory_space<vmem>>, vector<16xf32>,
        tpu.vector_store %arg8[%swap3A_471, %swap3A_472], %mul3A_468 {strides = array<i32>} : memref<64x128xf32, #tpu.memory_space<vmem>>, vector<16xf32>,
        %add3A_474 = arith.constant 2 : i32
        %add3A_475 = arith.addi %mul3A_187, %add3A_474 : i32
        %get3A_476 = arith.index_cast %add3A_475 : i32 to index
        %get3A_477 = arith.constant 32 : index
        %get3A_478 = tpu.vector_load %arg8[%get3A_476, %get3A_477] {strides = array<i32>} : memref<64x128xf32, #tpu.memory_space<vmem>>, vector<16xf32>,
        %add3A_479 = arith.constant 2 : i32
        %add3A_480 = arith.addi %mul3A_187, %add3A_479 : i32
        %get3A_481 = arith.index_cast %add3A_480 : i32 to index
        %get3A_482 = arith.constant 32 : index
        %get3A_483 = tpu.vector_load %arg10[%get3A_481, %get3A_482] {strides = array<i32>} : memref<64x128xf32, #tpu.memory_space<vmem>>, vector<16xf32>,
        %mul3A_484 = arith.mulf %get3A_478, %get3A_483 : vector<16xf32>
        %add3A_485 = arith.constant 2 : i32
        %add3A_486 = arith.addi %mul3A_187, %add3A_485 : i32
        %swap3A_487 = arith.index_cast %add3A_486 : i32 to index
        %swap3A_488 = arith.constant 32 : index
        %swap3A_489 = tpu.vector_load %arg8[%swap3A_487, %swap3A_488] {strides = array<i32>} : memref<64x128xf32, #tpu.memory_space<vmem>>, vector<16xf32>,
        tpu.vector_store %arg8[%swap3A_487, %swap3A_488], %mul3A_484 {strides = array<i32>} : memref<64x128xf32, #tpu.memory_space<vmem>>, vector<16xf32>,
        %add3A_490 = arith.constant 2 : i32
        %add3A_491 = arith.addi %mul3A_187, %add3A_490 : i32
        %get3A_492 = arith.index_cast %add3A_491 : i32 to index
        %get3A_493 = arith.constant 48 : index
        %get3A_494 = tpu.vector_load %arg8[%get3A_492, %get3A_493] {strides = array<i32>} : memref<64x128xf32, #tpu.memory_space<vmem>>, vector<16xf32>,
        %add3A_495 = arith.constant 2 : i32
        %add3A_496 = arith.addi %mul3A_187, %add3A_495 : i32
        %get3A_497 = arith.index_cast %add3A_496 : i32 to index
        %get3A_498 = arith.constant 48 : index
        %get3A_499 = tpu.vector_load %arg10[%get3A_497, %get3A_498] {strides = array<i32>} : memref<64x128xf32, #tpu.memory_space<vmem>>, vector<16xf32>,
        %mul3A_500 = arith.mulf %get3A_494, %get3A_499 : vector<16xf32>
        %add3A_501 = arith.constant 2 : i32
        %add3A_502 = arith.addi %mul3A_187, %add3A_501 : i32
        %swap3A_503 = arith.index_cast %add3A_502 : i32 to index
        %swap3A_504 = arith.constant 48 : index
        %swap3A_505 = tpu.vector_load %arg8[%swap3A_503, %swap3A_504] {strides = array<i32>} : memref<64x128xf32, #tpu.memory_space<vmem>>, vector<16xf32>,
        tpu.vector_store %arg8[%swap3A_503, %swap3A_504], %mul3A_500 {strides = array<i32>} : memref<64x128xf32, #tpu.memory_space<vmem>>, vector<16xf32>,
        %add3A_506 = arith.constant 2 : i32
        %add3A_507 = arith.addi %mul3A_187, %add3A_506 : i32
        %get3A_508 = arith.index_cast %add3A_507 : i32 to index
        %get3A_509 = arith.constant 64 : index
        %get3A_510 = tpu.vector_load %arg8[%get3A_508, %get3A_509] {strides = array<i32>} : memref<64x128xf32, #tpu.memory_space<vmem>>, vector<16xf32>,
        %add3A_511 = arith.constant 2 : i32
        %add3A_512 = arith.addi %mul3A_187, %add3A_511 : i32
        %get3A_513 = arith.index_cast %add3A_512 : i32 to index
        %get3A_514 = arith.constant 64 : index
        %get3A_515 = tpu.vector_load %arg10[%get3A_513, %get3A_514] {strides = array<i32>} : memref<64x128xf32, #tpu.memory_space<vmem>>, vector<16xf32>,
        %mul3A_516 = arith.mulf %get3A_510, %get3A_515 : vector<16xf32>
        %add3A_517 = arith.constant 2 : i32
        %add3A_518 = arith.addi %mul3A_187, %add3A_517 : i32
        %swap3A_519 = arith.index_cast %add3A_518 : i32 to index
        %swap3A_520 = arith.constant 64 : index
        %swap3A_521 = tpu.vector_load %arg8[%swap3A_519, %swap3A_520] {strides = array<i32>} : memref<64x128xf32, #tpu.memory_space<vmem>>, vector<16xf32>,
        tpu.vector_store %arg8[%swap3A_519, %swap3A_520], %mul3A_516 {strides = array<i32>} : memref<64x128xf32, #tpu.memory_space<vmem>>, vector<16xf32>,
        %add3A_522 = arith.constant 2 : i32
        %add3A_523 = arith.addi %mul3A_187, %add3A_522 : i32
        %get3A_524 = arith.index_cast %add3A_523 : i32 to index
        %get3A_525 = arith.constant 80 : index
        %get3A_526 = tpu.vector_load %arg8[%get3A_524, %get3A_525] {strides = array<i32>} : memref<64x128xf32, #tpu.memory_space<vmem>>, vector<16xf32>,
        %add3A_527 = arith.constant 2 : i32
        %add3A_528 = arith.addi %mul3A_187, %add3A_527 : i32
        %get3A_529 = arith.index_cast %add3A_528 : i32 to index
        %get3A_530 = arith.constant 80 : index
        %get3A_531 = tpu.vector_load %arg10[%get3A_529, %get3A_530] {strides = array<i32>} : memref<64x128xf32, #tpu.memory_space<vmem>>, vector<16xf32>,
        %mul3A_532 = arith.mulf %get3A_526, %get3A_531 : vector<16xf32>
        %add3A_533 = arith.constant 2 : i32
        %add3A_534 = arith.addi %mul3A_187, %add3A_533 : i32
        %swap3A_535 = arith.index_cast %add3A_534 : i32 to index
        %swap3A_536 = arith.constant 80 : index
        %swap3A_537 = tpu.vector_load %arg8[%swap3A_535, %swap3A_536] {strides = array<i32>} : memref<64x128xf32, #tpu.memory_space<vmem>>, vector<16xf32>,
        tpu.vector_store %arg8[%swap3A_535, %swap3A_536], %mul3A_532 {strides = array<i32>} : memref<64x128xf32, #tpu.memory_space<vmem>>, vector<16xf32>,
        %add3A_538 = arith.constant 2 : i32
        %add3A_539 = arith.addi %mul3A_187, %add3A_538 : i32
        %get3A_540 = arith.index_cast %add3A_539 : i32 to index
        %get3A_541 = arith.constant 96 : index
        %get3A_542 = tpu.vector_load %arg8[%get3A_540, %get3A_541] {strides = array<i32>} : memref<64x128xf32, #tpu.memory_space<vmem>>, vector<16xf32>,
        %add3A_543 = arith.constant 2 : i32
        %add3A_544 = arith.addi %mul3A_187, %add3A_543 : i32
        %get3A_545 = arith.index_cast %add3A_544 : i32 to index
        %get3A_546 = arith.constant 96 : index
        %get3A_547 = tpu.vector_load %arg10[%get3A_545, %get3A_546] {strides = array<i32>} : memref<64x128xf32, #tpu.memory_space<vmem>>, vector<16xf32>,
        %mul3A_548 = arith.mulf %get3A_542, %get3A_547 : vector<16xf32>
        %add3A_549 = arith.constant 2 : i32
        %add3A_550 = arith.addi %mul3A_187, %add3A_549 : i32
        %swap3A_551 = arith.index_cast %add3A_550 : i32 to index
        %swap3A_552 = arith.constant 96 : index
        %swap3A_553 = tpu.vector_load %arg8[%swap3A_551, %swap3A_552] {strides = array<i32>} : memref<64x128xf32, #tpu.memory_space<vmem>>, vector<16xf32>,
        tpu.vector_store %arg8[%swap3A_551, %swap3A_552], %mul3A_548 {strides = array<i32>} : memref<64x128xf32, #tpu.memory_space<vmem>>, vector<16xf32>,
        %add3A_554 = arith.constant 2 : i32
        %add3A_555 = arith.addi %mul3A_187, %add3A_554 : i32
        %get3A_556 = arith.index_cast %add3A_555 : i32 to index
        %get3A_557 = arith.constant 112 : index
        %get3A_558 = tpu.vector_load %arg8[%get3A_556, %get3A_557] {strides = array<i32>} : memref<64x128xf32, #tpu.memory_space<vmem>>, vector<16xf32>,
        %add3A_559 = arith.constant 2 : i32
        %add3A_560 = arith.addi %mul3A_187, %add3A_559 : i32
        %get3A_561 = arith.index_cast %add3A_560 : i32 to index
        %get3A_562 = arith.constant 112 : index
        %get3A_563 = tpu.vector_load %arg10[%get3A_561, %get3A_562] {strides = array<i32>} : memref<64x128xf32, #tpu.memory_space<vmem>>, vector<16xf32>,
        %mul3A_564 = arith.mulf %get3A_558, %get3A_563 : vector<16xf32>
        %add3A_565 = arith.constant 2 : i32
        %add3A_566 = arith.addi %mul3A_187, %add3A_565 : i32
        %swap3A_567 = arith.index_cast %add3A_566 : i32 to index
        %swap3A_568 = arith.constant 112 : index
        %swap3A_569 = tpu.vector_load %arg8[%swap3A_567, %swap3A_568] {strides = array<i32>} : memref<64x128xf32, #tpu.memory_space<vmem>>, vector<16xf32>,
        tpu.vector_store %arg8[%swap3A_567, %swap3A_568], %mul3A_564 {strides = array<i32>} : memref<64x128xf32, #tpu.memory_space<vmem>>, vector<16xf32>,
        %add3A_570 = arith.constant 3 : i32
        %add3A_571 = arith.addi %mul3A_187, %add3A_570 : i32
        %get3A_572 = arith.index_cast %add3A_571 : i32 to index
        %get3A_573 = arith.constant 0 : index
        %get3A_574 = tpu.vector_load %arg8[%get3A_572, %get3A_573] {strides = array<i32>} : memref<64x128xf32, #tpu.memory_space<vmem>>, vector<16xf32>,
        %add3A_575 = arith.constant 3 : i32
        %add3A_576 = arith.addi %mul3A_187, %add3A_575 : i32
        %get3A_577 = arith.index_cast %add3A_576 : i32 to index
        %get3A_578 = arith.constant 0 : index
        %get3A_579 = tpu.vector_load %arg10[%get3A_577, %get3A_578] {strides = array<i32>} : memref<64x128xf32, #tpu.memory_space<vmem>>, vector<16xf32>,
        %mul3A_580 = arith.mulf %get3A_574, %get3A_579 : vector<16xf32>
        %add3A_581 = arith.constant 3 : i32
        %add3A_582 = arith.addi %mul3A_187, %add3A_581 : i32
        %swap3A_583 = arith.index_cast %add3A_582 : i32 to index
        %swap3A_584 = arith.constant 0 : index
        %swap3A_585 = tpu.vector_load %arg8[%swap3A_583, %swap3A_584] {strides = array<i32>} : memref<64x128xf32, #tpu.memory_space<vmem>>, vector<16xf32>,
        tpu.vector_store %arg8[%swap3A_583, %swap3A_584], %mul3A_580 {strides = array<i32>} : memref<64x128xf32, #tpu.memory_space<vmem>>, vector<16xf32>,
        %add3A_586 = arith.constant 3 : i32
        %add3A_587 = arith.addi %mul3A_187, %add3A_586 : i32
        %get3A_588 = arith.index_cast %add3A_587 : i32 to index
        %get3A_589 = arith.constant 16 : index
        %get3A_590 = tpu.vector_load %arg8[%get3A_588, %get3A_589] {strides = array<i32>} : memref<64x128xf32, #tpu.memory_space<vmem>>, vector<16xf32>,
        %add3A_591 = arith.constant 3 : i32
        %add3A_592 = arith.addi %mul3A_187, %add3A_591 : i32
        %get3A_593 = arith.index_cast %add3A_592 : i32 to index
        %get3A_594 = arith.constant 16 : index
        %get3A_595 = tpu.vector_load %arg10[%get3A_593, %get3A_594] {strides = array<i32>} : memref<64x128xf32, #tpu.memory_space<vmem>>, vector<16xf32>,
        %mul3A_596 = arith.mulf %get3A_590, %get3A_595 : vector<16xf32>
        %add3A_597 = arith.constant 3 : i32
        %add3A_598 = arith.addi %mul3A_187, %add3A_597 : i32
        %swap3A_599 = arith.index_cast %add3A_598 : i32 to index
        %swap3A_600 = arith.constant 16 : index
        %swap3A_601 = tpu.vector_load %arg8[%swap3A_599, %swap3A_600] {strides = array<i32>} : memref<64x128xf32, #tpu.memory_space<vmem>>, vector<16xf32>,
        tpu.vector_store %arg8[%swap3A_599, %swap3A_600], %mul3A_596 {strides = array<i32>} : memref<64x128xf32, #tpu.memory_space<vmem>>, vector<16xf32>,
        %add3A_602 = arith.constant 3 : i32
        %add3A_603 = arith.addi %mul3A_187, %add3A_602 : i32
        %get3A_604 = arith.index_cast %add3A_603 : i32 to index
        %get3A_605 = arith.constant 32 : index
        %get3A_606 = tpu.vector_load %arg8[%get3A_604, %get3A_605] {strides = array<i32>} : memref<64x128xf32, #tpu.memory_space<vmem>>, vector<16xf32>,
        %add3A_607 = arith.constant 3 : i32
        %add3A_608 = arith.addi %mul3A_187, %add3A_607 : i32
        %get3A_609 = arith.index_cast %add3A_608 : i32 to index
        %get3A_610 = arith.constant 32 : index
        %get3A_611 = tpu.vector_load %arg10[%get3A_609, %get3A_610] {strides = array<i32>} : memref<64x128xf32, #tpu.memory_space<vmem>>, vector<16xf32>,
        %mul3A_612 = arith.mulf %get3A_606, %get3A_611 : vector<16xf32>
        %add3A_613 = arith.constant 3 : i32
        %add3A_614 = arith.addi %mul3A_187, %add3A_613 : i32
        %swap3A_615 = arith.index_cast %add3A_614 : i32 to index
        %swap3A_616 = arith.constant 32 : index
        %swap3A_617 = tpu.vector_load %arg8[%swap3A_615, %swap3A_616] {strides = array<i32>} : memref<64x128xf32, #tpu.memory_space<vmem>>, vector<16xf32>,
        tpu.vector_store %arg8[%swap3A_615, %swap3A_616], %mul3A_612 {strides = array<i32>} : memref<64x128xf32, #tpu.memory_space<vmem>>, vector<16xf32>,
        %add3A_618 = arith.constant 3 : i32
        %add3A_619 = arith.addi %mul3A_187, %add3A_618 : i32
        %get3A_620 = arith.index_cast %add3A_619 : i32 to index
        %get3A_621 = arith.constant 48 : index
        %get3A_622 = tpu.vector_load %arg8[%get3A_620, %get3A_621] {strides = array<i32>} : memref<64x128xf32, #tpu.memory_space<vmem>>, vector<16xf32>,
        %add3A_623 = arith.constant 3 : i32
        %add3A_624 = arith.addi %mul3A_187, %add3A_623 : i32
        %get3A_625 = arith.index_cast %add3A_624 : i32 to index
        %get3A_626 = arith.constant 48 : index
        %get3A_627 = tpu.vector_load %arg10[%get3A_625, %get3A_626] {strides = array<i32>} : memref<64x128xf32, #tpu.memory_space<vmem>>, vector<16xf32>,
        %mul3A_628 = arith.mulf %get3A_622, %get3A_627 : vector<16xf32>
        %add3A_629 = arith.constant 3 : i32
        %add3A_630 = arith.addi %mul3A_187, %add3A_629 : i32
        %swap3A_631 = arith.index_cast %add3A_630 : i32 to index
        %swap3A_632 = arith.constant 48 : index
        %swap3A_633 = tpu.vector_load %arg8[%swap3A_631, %swap3A_632] {strides = array<i32>} : memref<64x128xf32, #tpu.memory_space<vmem>>, vector<16xf32>,
        tpu.vector_store %arg8[%swap3A_631, %swap3A_632], %mul3A_628 {strides = array<i32>} : memref<64x128xf32, #tpu.memory_space<vmem>>, vector<16xf32>,
        %add3A_634 = arith.constant 3 : i32
        %add3A_635 = arith.addi %mul3A_187, %add3A_634 : i32
        %get3A_636 = arith.index_cast %add3A_635 : i32 to index
        %get3A_637 = arith.constant 64 : index
        %get3A_638 = tpu.vector_load %arg8[%get3A_636, %get3A_637] {strides = array<i32>} : memref<64x128xf32, #tpu.memory_space<vmem>>, vector<16xf32>,
        %add3A_639 = arith.constant 3 : i32
        %add3A_640 = arith.addi %mul3A_187, %add3A_639 : i32
        %get3A_641 = arith.index_cast %add3A_640 : i32 to index
        %get3A_642 = arith.constant 64 : index
        %get3A_643 = tpu.vector_load %arg10[%get3A_641, %get3A_642] {strides = array<i32>} : memref<64x128xf32, #tpu.memory_space<vmem>>, vector<16xf32>,
        %mul3A_644 = arith.mulf %get3A_638, %get3A_643 : vector<16xf32>
        %add3A_645 = arith.constant 3 : i32
        %add3A_646 = arith.addi %mul3A_187, %add3A_645 : i32
        %swap3A_647 = arith.index_cast %add3A_646 : i32 to index
        %swap3A_648 = arith.constant 64 : index
        %swap3A_649 = tpu.vector_load %arg8[%swap3A_647, %swap3A_648] {strides = array<i32>} : memref<64x128xf32, #tpu.memory_space<vmem>>, vector<16xf32>,
        tpu.vector_store %arg8[%swap3A_647, %swap3A_648], %mul3A_644 {strides = array<i32>} : memref<64x128xf32, #tpu.memory_space<vmem>>, vector<16xf32>,
        %add3A_650 = arith.constant 3 : i32
        %add3A_651 = arith.addi %mul3A_187, %add3A_650 : i32
        %get3A_652 = arith.index_cast %add3A_651 : i32 to index
        %get3A_653 = arith.constant 80 : index
        %get3A_654 = tpu.vector_load %arg8[%get3A_652, %get3A_653] {strides = array<i32>} : memref<64x128xf32, #tpu.memory_space<vmem>>, vector<16xf32>,
        %add3A_655 = arith.constant 3 : i32
        %add3A_656 = arith.addi %mul3A_187, %add3A_655 : i32
        %get3A_657 = arith.index_cast %add3A_656 : i32 to index
        %get3A_658 = arith.constant 80 : index
        %get3A_659 = tpu.vector_load %arg10[%get3A_657, %get3A_658] {strides = array<i32>} : memref<64x128xf32, #tpu.memory_space<vmem>>, vector<16xf32>,
        %mul3A_660 = arith.mulf %get3A_654, %get3A_659 : vector<16xf32>
        %add3A_661 = arith.constant 3 : i32
        %add3A_662 = arith.addi %mul3A_187, %add3A_661 : i32
        %swap3A_663 = arith.index_cast %add3A_662 : i32 to index
        %swap3A_664 = arith.constant 80 : index
        %swap3A_665 = tpu.vector_load %arg8[%swap3A_663, %swap3A_664] {strides = array<i32>} : memref<64x128xf32, #tpu.memory_space<vmem>>, vector<16xf32>,
        tpu.vector_store %arg8[%swap3A_663, %swap3A_664], %mul3A_660 {strides = array<i32>} : memref<64x128xf32, #tpu.memory_space<vmem>>, vector<16xf32>,
        %add3A_666 = arith.constant 3 : i32
        %add3A_667 = arith.addi %mul3A_187, %add3A_666 : i32
        %get3A_668 = arith.index_cast %add3A_667 : i32 to index
        %get3A_669 = arith.constant 96 : index
        %get3A_670 = tpu.vector_load %arg8[%get3A_668, %get3A_669] {strides = array<i32>} : memref<64x128xf32, #tpu.memory_space<vmem>>, vector<16xf32>,
        %add3A_671 = arith.constant 3 : i32
        %add3A_672 = arith.addi %mul3A_187, %add3A_671 : i32
        %get3A_673 = arith.index_cast %add3A_672 : i32 to index
        %get3A_674 = arith.constant 96 : index
        %get3A_675 = tpu.vector_load %arg10[%get3A_673, %get3A_674] {strides = array<i32>} : memref<64x128xf32, #tpu.memory_space<vmem>>, vector<16xf32>,
        %mul3A_676 = arith.mulf %get3A_670, %get3A_675 : vector<16xf32>
        %add3A_677 = arith.constant 3 : i32
        %add3A_678 = arith.addi %mul3A_187, %add3A_677 : i32
        %swap3A_679 = arith.index_cast %add3A_678 : i32 to index
        %swap3A_680 = arith.constant 96 : index
        %swap3A_681 = tpu.vector_load %arg8[%swap3A_679, %swap3A_680] {strides = array<i32>} : memref<64x128xf32, #tpu.memory_space<vmem>>, vector<16xf32>,
        tpu.vector_store %arg8[%swap3A_679, %swap3A_680], %mul3A_676 {strides = array<i32>} : memref<64x128xf32, #tpu.memory_space<vmem>>, vector<16xf32>,
        %add3A_682 = arith.constant 3 : i32
        %add3A_683 = arith.addi %mul3A_187, %add3A_682 : i32
        %get3A_684 = arith.index_cast %add3A_683 : i32 to index
        %get3A_685 = arith.constant 112 : index
        %get3A_686 = tpu.vector_load %arg8[%get3A_684, %get3A_685] {strides = array<i32>} : memref<64x128xf32, #tpu.memory_space<vmem>>, vector<16xf32>,
        %add3A_687 = arith.constant 3 : i32
        %add3A_688 = arith.addi %mul3A_187, %add3A_687 : i32
        %get3A_689 = arith.index_cast %add3A_688 : i32 to index
        %get3A_690 = arith.constant 112 : index
        %get3A_691 = tpu.vector_load %arg10[%get3A_689, %get3A_690] {strides = array<i32>} : memref<64x128xf32, #tpu.memory_space<vmem>>, vector<16xf32>,
        %mul3A_692 = arith.mulf %get3A_686, %get3A_691 : vector<16xf32>
        %add3A_693 = arith.constant 3 : i32
        %add3A_694 = arith.addi %mul3A_187, %add3A_693 : i32
        %swap3A_695 = arith.index_cast %add3A_694 : i32 to index
        %swap3A_696 = arith.constant 112 : index
        %swap3A_697 = tpu.vector_load %arg8[%swap3A_695, %swap3A_696] {strides = array<i32>} : memref<64x128xf32, #tpu.memory_space<vmem>>, vector<16xf32>,
        tpu.vector_store %arg8[%swap3A_695, %swap3A_696], %mul3A_692 {strides = array<i32>} : memref<64x128xf32, #tpu.memory_space<vmem>>, vector<16xf32>,
        %add3A_698 = arith.constant 4 : i32
        %add3A_699 = arith.addi %mul3A_187, %add3A_698 : i32
        %get3A_700 = arith.index_cast %add3A_699 : i32 to index
        %get3A_701 = arith.constant 0 : index
        %get3A_702 = tpu.vector_load %arg8[%get3A_700, %get3A_701] {strides = array<i32>} : memref<64x128xf32, #tpu.memory_space<vmem>>, vector<16xf32>,
        %add3A_703 = arith.constant 4 : i32
        %add3A_704 = arith.addi %mul3A_187, %add3A_703 : i32
        %get3A_705 = arith.index_cast %add3A_704 : i32 to index
        %get3A_706 = arith.constant 0 : index
        %get3A_707 = tpu.vector_load %arg10[%get3A_705, %get3A_706] {strides = array<i32>} : memref<64x128xf32, #tpu.memory_space<vmem>>, vector<16xf32>,
        %mul3A_708 = arith.mulf %get3A_702, %get3A_707 : vector<16xf32>
        %add3A_709 = arith.constant 4 : i32
        %add3A_710 = arith.addi %mul3A_187, %add3A_709 : i32
        %swap3A_711 = arith.index_cast %add3A_710 : i32 to index
        %swap3A_712 = arith.constant 0 : index
        %swap3A_713 = tpu.vector_load %arg8[%swap3A_711, %swap3A_712] {strides = array<i32>} : memref<64x128xf32, #tpu.memory_space<vmem>>, vector<16xf32>,
        tpu.vector_store %arg8[%swap3A_711, %swap3A_712], %mul3A_708 {strides = array<i32>} : memref<64x128xf32, #tpu.memory_space<vmem>>, vector<16xf32>,
        %add3A_714 = arith.constant 4 : i32
        %add3A_715 = arith.addi %mul3A_187, %add3A_714 : i32
        %get3A_716 = arith.index_cast %add3A_715 : i32 to index
        %get3A_717 = arith.constant 16 : index
        %get3A_718 = tpu.vector_load %arg8[%get3A_716, %get3A_717] {strides = array<i32>} : memref<64x128xf32, #tpu.memory_space<vmem>>, vector<16xf32>,
        %add3A_719 = arith.constant 4 : i32
        %add3A_720 = arith.addi %mul3A_187, %add3A_719 : i32
        %get3A_721 = arith.index_cast %add3A_720 : i32 to index
        %get3A_722 = arith.constant 16 : index
        %get3A_723 = tpu.vector_load %arg10[%get3A_721, %get3A_722] {strides = array<i32>} : memref<64x128xf32, #tpu.memory_space<vmem>>, vector<16xf32>,
        %mul3A_724 = arith.mulf %get3A_718, %get3A_723 : vector<16xf32>
        %add3A_725 = arith.constant 4 : i32
        %add3A_726 = arith.addi %mul3A_187, %add3A_725 : i32
        %swap3A_727 = arith.index_cast %add3A_726 : i32 to index
        %swap3A_728 = arith.constant 16 : index
        %swap3A_729 = tpu.vector_load %arg8[%swap3A_727, %swap3A_728] {strides = array<i32>} : memref<64x128xf32, #tpu.memory_space<vmem>>, vector<16xf32>,
        tpu.vector_store %arg8[%swap3A_727, %swap3A_728], %mul3A_724 {strides = array<i32>} : memref<64x128xf32, #tpu.memory_space<vmem>>, vector<16xf32>,
        %add3A_730 = arith.constant 4 : i32
        %add3A_731 = arith.addi %mul3A_187, %add3A_730 : i32
        %get3A_732 = arith.index_cast %add3A_731 : i32 to index
        %get3A_733 = arith.constant 32 : index
        %get3A_734 = tpu.vector_load %arg8[%get3A_732, %get3A_733] {strides = array<i32>} : memref<64x128xf32, #tpu.memory_space<vmem>>, vector<16xf32>,
        %add3A_735 = arith.constant 4 : i32
        %add3A_736 = arith.addi %mul3A_187, %add3A_735 : i32
        %get3A_737 = arith.index_cast %add3A_736 : i32 to index
        %get3A_738 = arith.constant 32 : index
        %get3A_739 = tpu.vector_load %arg10[%get3A_737, %get3A_738] {strides = array<i32>} : memref<64x128xf32, #tpu.memory_space<vmem>>, vector<16xf32>,
        %mul3A_740 = arith.mulf %get3A_734, %get3A_739 : vector<16xf32>
        %add3A_741 = arith.constant 4 : i32
        %add3A_742 = arith.addi %mul3A_187, %add3A_741 : i32
        %swap3A_743 = arith.index_cast %add3A_742 : i32 to index
        %swap3A_744 = arith.constant 32 : index
        %swap3A_745 = tpu.vector_load %arg8[%swap3A_743, %swap3A_744] {strides = array<i32>} : memref<64x128xf32, #tpu.memory_space<vmem>>, vector<16xf32>,
        tpu.vector_store %arg8[%swap3A_743, %swap3A_744], %mul3A_740 {strides = array<i32>} : memref<64x128xf32, #tpu.memory_space<vmem>>, vector<16xf32>,
        %add3A_746 = arith.constant 4 : i32
        %add3A_747 = arith.addi %mul3A_187, %add3A_746 : i32
        %get3A_748 = arith.index_cast %add3A_747 : i32 to index
        %get3A_749 = arith.constant 48 : index
        %get3A_750 = tpu.vector_load %arg8[%get3A_748, %get3A_749] {strides = array<i32>} : memref<64x128xf32, #tpu.memory_space<vmem>>, vector<16xf32>,
        %add3A_751 = arith.constant 4 : i32
        %add3A_752 = arith.addi %mul3A_187, %add3A_751 : i32
        %get3A_753 = arith.index_cast %add3A_752 : i32 to index
        %get3A_754 = arith.constant 48 : index
        %get3A_755 = tpu.vector_load %arg10[%get3A_753, %get3A_754] {strides = array<i32>} : memref<64x128xf32, #tpu.memory_space<vmem>>, vector<16xf32>,
        %mul3A_756 = arith.mulf %get3A_750, %get3A_755 : vector<16xf32>
        %add3A_757 = arith.constant 4 : i32
        %add3A_758 = arith.addi %mul3A_187, %add3A_757 : i32
        %swap3A_759 = arith.index_cast %add3A_758 : i32 to index
        %swap3A_760 = arith.constant 48 : index
        %swap3A_761 = tpu.vector_load %arg8[%swap3A_759, %swap3A_760] {strides = array<i32>} : memref<64x128xf32, #tpu.memory_space<vmem>>, vector<16xf32>,
        tpu.vector_store %arg8[%swap3A_759, %swap3A_760], %mul3A_756 {strides = array<i32>} : memref<64x128xf32, #tpu.memory_space<vmem>>, vector<16xf32>,
        %add3A_762 = arith.constant 4 : i32
        %add3A_763 = arith.addi %mul3A_187, %add3A_762 : i32
        %get3A_764 = arith.index_cast %add3A_763 : i32 to index
        %get3A_765 = arith.constant 64 : index
        %get3A_766 = tpu.vector_load %arg8[%get3A_764, %get3A_765] {strides = array<i32>} : memref<64x128xf32, #tpu.memory_space<vmem>>, vector<16xf32>,
        %add3A_767 = arith.constant 4 : i32
        %add3A_768 = arith.addi %mul3A_187, %add3A_767 : i32
        %get3A_769 = arith.index_cast %add3A_768 : i32 to index
        %get3A_770 = arith.constant 64 : index
        %get3A_771 = tpu.vector_load %arg10[%get3A_769, %get3A_770] {strides = array<i32>} : memref<64x128xf32, #tpu.memory_space<vmem>>, vector<16xf32>,
        %mul3A_772 = arith.mulf %get3A_766, %get3A_771 : vector<16xf32>
        %add3A_773 = arith.constant 4 : i32
        %add3A_774 = arith.addi %mul3A_187, %add3A_773 : i32
        %swap3A_775 = arith.index_cast %add3A_774 : i32 to index
        %swap3A_776 = arith.constant 64 : index
        %swap3A_777 = tpu.vector_load %arg8[%swap3A_775, %swap3A_776] {strides = array<i32>} : memref<64x128xf32, #tpu.memory_space<vmem>>, vector<16xf32>,
        tpu.vector_store %arg8[%swap3A_775, %swap3A_776], %mul3A_772 {strides = array<i32>} : memref<64x128xf32, #tpu.memory_space<vmem>>, vector<16xf32>,
        %add3A_778 = arith.constant 4 : i32
        %add3A_779 = arith.addi %mul3A_187, %add3A_778 : i32
        %get3A_780 = arith.index_cast %add3A_779 : i32 to index
        %get3A_781 = arith.constant 80 : index
        %get3A_782 = tpu.vector_load %arg8[%get3A_780, %get3A_781] {strides = array<i32>} : memref<64x128xf32, #tpu.memory_space<vmem>>, vector<16xf32>,
        %add3A_783 = arith.constant 4 : i32
        %add3A_784 = arith.addi %mul3A_187, %add3A_783 : i32
        %get3A_785 = arith.index_cast %add3A_784 : i32 to index
        %get3A_786 = arith.constant 80 : index
        %get3A_787 = tpu.vector_load %arg10[%get3A_785, %get3A_786] {strides = array<i32>} : memref<64x128xf32, #tpu.memory_space<vmem>>, vector<16xf32>,
        %mul3A_788 = arith.mulf %get3A_782, %get3A_787 : vector<16xf32>
        %add3A_789 = arith.constant 4 : i32
        %add3A_790 = arith.addi %mul3A_187, %add3A_789 : i32
        %swap3A_791 = arith.index_cast %add3A_790 : i32 to index
        %swap3A_792 = arith.constant 80 : index
        %swap3A_793 = tpu.vector_load %arg8[%swap3A_791, %swap3A_792] {strides = array<i32>} : memref<64x128xf32, #tpu.memory_space<vmem>>, vector<16xf32>,
        tpu.vector_store %arg8[%swap3A_791, %swap3A_792], %mul3A_788 {strides = array<i32>} : memref<64x128xf32, #tpu.memory_space<vmem>>, vector<16xf32>,
        %add3A_794 = arith.constant 4 : i32
        %add3A_795 = arith.addi %mul3A_187, %add3A_794 : i32
        %get3A_796 = arith.index_cast %add3A_795 : i32 to index
        %get3A_797 = arith.constant 96 : index
        %get3A_798 = tpu.vector_load %arg8[%get3A_796, %get3A_797] {strides = array<i32>} : memref<64x128xf32, #tpu.memory_space<vmem>>, vector<16xf32>,
        %add3A_799 = arith.constant 4 : i32
        %add3A_800 = arith.addi %mul3A_187, %add3A_799 : i32
        %get3A_801 = arith.index_cast %add3A_800 : i32 to index
        %get3A_802 = arith.constant 96 : index
        %get3A_803 = tpu.vector_load %arg10[%get3A_801, %get3A_802] {strides = array<i32>} : memref<64x128xf32, #tpu.memory_space<vmem>>, vector<16xf32>,
        %mul3A_804 = arith.mulf %get3A_798, %get3A_803 : vector<16xf32>
        %add3A_805 = arith.constant 4 : i32
        %add3A_806 = arith.addi %mul3A_187, %add3A_805 : i32
        %swap3A_807 = arith.index_cast %add3A_806 : i32 to index
        %swap3A_808 = arith.constant 96 : index
        %swap3A_809 = tpu.vector_load %arg8[%swap3A_807, %swap3A_808] {strides = array<i32>} : memref<64x128xf32, #tpu.memory_space<vmem>>, vector<16xf32>,
        tpu.vector_store %arg8[%swap3A_807, %swap3A_808], %mul3A_804 {strides = array<i32>} : memref<64x128xf32, #tpu.memory_space<vmem>>, vector<16xf32>,
        %add3A_810 = arith.constant 4 : i32
        %add3A_811 = arith.addi %mul3A_187, %add3A_810 : i32
        %get3A_812 = arith.index_cast %add3A_811 : i32 to index
        %get3A_813 = arith.constant 112 : index
        %get3A_814 = tpu.vector_load %arg8[%get3A_812, %get3A_813] {strides = array<i32>} : memref<64x128xf32, #tpu.memory_space<vmem>>, vector<16xf32>,
        %add3A_815 = arith.constant 4 : i32
        %add3A_816 = arith.addi %mul3A_187, %add3A_815 : i32
        %get3A_817 = arith.index_cast %add3A_816 : i32 to index
        %get3A_818 = arith.constant 112 : index
        %get3A_819 = tpu.vector_load %arg10[%get3A_817, %get3A_818] {strides = array<i32>} : memref<64x128xf32, #tpu.memory_space<vmem>>, vector<16xf32>,
        %mul3A_820 = arith.mulf %get3A_814, %get3A_819 : vector<16xf32>
        %add3A_821 = arith.constant 4 : i32
        %add3A_822 = arith.addi %mul3A_187, %add3A_821 : i32
        %swap3A_823 = arith.index_cast %add3A_822 : i32 to index
        %swap3A_824 = arith.constant 112 : index
        %swap3A_825 = tpu.vector_load %arg8[%swap3A_823, %swap3A_824] {strides = array<i32>} : memref<64x128xf32, #tpu.memory_space<vmem>>, vector<16xf32>,
        tpu.vector_store %arg8[%swap3A_823, %swap3A_824], %mul3A_820 {strides = array<i32>} : memref<64x128xf32, #tpu.memory_space<vmem>>, vector<16xf32>,
        %add3A_826 = arith.constant 5 : i32
        %add3A_827 = arith.addi %mul3A_187, %add3A_826 : i32
        %get3A_828 = arith.index_cast %add3A_827 : i32 to index
        %get3A_829 = arith.constant 0 : index
        %get3A_830 = tpu.vector_load %arg8[%get3A_828, %get3A_829] {strides = array<i32>} : memref<64x128xf32, #tpu.memory_space<vmem>>, vector<16xf32>,
        %add3A_831 = arith.constant 5 : i32
        %add3A_832 = arith.addi %mul3A_187, %add3A_831 : i32
        %get3A_833 = arith.index_cast %add3A_832 : i32 to index
        %get3A_834 = arith.constant 0 : index
        %get3A_835 = tpu.vector_load %arg10[%get3A_833, %get3A_834] {strides = array<i32>} : memref<64x128xf32, #tpu.memory_space<vmem>>, vector<16xf32>,
        %mul3A_836 = arith.mulf %get3A_830, %get3A_835 : vector<16xf32>
        %add3A_837 = arith.constant 5 : i32
        %add3A_838 = arith.addi %mul3A_187, %add3A_837 : i32
        %swap3A_839 = arith.index_cast %add3A_838 : i32 to index
        %swap3A_840 = arith.constant 0 : index
        %swap3A_841 = tpu.vector_load %arg8[%swap3A_839, %swap3A_840] {strides = array<i32>} : memref<64x128xf32, #tpu.memory_space<vmem>>, vector<16xf32>,
        tpu.vector_store %arg8[%swap3A_839, %swap3A_840], %mul3A_836 {strides = array<i32>} : memref<64x128xf32, #tpu.memory_space<vmem>>, vector<16xf32>,
        %add3A_842 = arith.constant 5 : i32
        %add3A_843 = arith.addi %mul3A_187, %add3A_842 : i32
        %get3A_844 = arith.index_cast %add3A_843 : i32 to index
        %get3A_845 = arith.constant 16 : index
        %get3A_846 = tpu.vector_load %arg8[%get3A_844, %get3A_845] {strides = array<i32>} : memref<64x128xf32, #tpu.memory_space<vmem>>, vector<16xf32>,
        %add3A_847 = arith.constant 5 : i32
        %add3A_848 = arith.addi %mul3A_187, %add3A_847 : i32
        %get3A_849 = arith.index_cast %add3A_848 : i32 to index
        %get3A_850 = arith.constant 16 : index
        %get3A_851 = tpu.vector_load %arg10[%get3A_849, %get3A_850] {strides = array<i32>} : memref<64x128xf32, #tpu.memory_space<vmem>>, vector<16xf32>,
        %mul3A_852 = arith.mulf %get3A_846, %get3A_851 : vector<16xf32>
        %add3A_853 = arith.constant 5 : i32
        %add3A_854 = arith.addi %mul3A_187, %add3A_853 : i32
        %swap3A_855 = arith.index_cast %add3A_854 : i32 to index
        %swap3A_856 = arith.constant 16 : index
        %swap3A_857 = tpu.vector_load %arg8[%swap3A_855, %swap3A_856] {strides = array<i32>} : memref<64x128xf32, #tpu.memory_space<vmem>>, vector<16xf32>,
        tpu.vector_store %arg8[%swap3A_855, %swap3A_856], %mul3A_852 {strides = array<i32>} : memref<64x128xf32, #tpu.memory_space<vmem>>, vector<16xf32>,
        %add3A_858 = arith.constant 5 : i32
        %add3A_859 = arith.addi %mul3A_187, %add3A_858 : i32
        %get3A_860 = arith.index_cast %add3A_859 : i32 to index
        %get3A_861 = arith.constant 32 : index
        %get3A_862 = tpu.vector_load %arg8[%get3A_860, %get3A_861] {strides = array<i32>} : memref<64x128xf32, #tpu.memory_space<vmem>>, vector<16xf32>,
        %add3A_863 = arith.constant 5 : i32
        %add3A_864 = arith.addi %mul3A_187, %add3A_863 : i32
        %get3A_865 = arith.index_cast %add3A_864 : i32 to index
        %get3A_866 = arith.constant 32 : index
        %get3A_867 = tpu.vector_load %arg10[%get3A_865, %get3A_866] {strides = array<i32>} : memref<64x128xf32, #tpu.memory_space<vmem>>, vector<16xf32>,
        %mul3A_868 = arith.mulf %get3A_862, %get3A_867 : vector<16xf32>
        %add3A_869 = arith.constant 5 : i32
        %add3A_870 = arith.addi %mul3A_187, %add3A_869 : i32
        %swap3A_871 = arith.index_cast %add3A_870 : i32 to index
        %swap3A_872 = arith.constant 32 : index
        %swap3A_873 = tpu.vector_load %arg8[%swap3A_871, %swap3A_872] {strides = array<i32>} : memref<64x128xf32, #tpu.memory_space<vmem>>, vector<16xf32>,
        tpu.vector_store %arg8[%swap3A_871, %swap3A_872], %mul3A_868 {strides = array<i32>} : memref<64x128xf32, #tpu.memory_space<vmem>>, vector<16xf32>,
        %add3A_874 = arith.constant 5 : i32
        %add3A_875 = arith.addi %mul3A_187, %add3A_874 : i32
        %get3A_876 = arith.index_cast %add3A_875 : i32 to index
        %get3A_877 = arith.constant 48 : index
        %get3A_878 = tpu.vector_load %arg8[%get3A_876, %get3A_877] {strides = array<i32>} : memref<64x128xf32, #tpu.memory_space<vmem>>, vector<16xf32>,
        %add3A_879 = arith.constant 5 : i32
        %add3A_880 = arith.addi %mul3A_187, %add3A_879 : i32
        %get3A_881 = arith.index_cast %add3A_880 : i32 to index
        %get3A_882 = arith.constant 48 : index
        %get3A_883 = tpu.vector_load %arg10[%get3A_881, %get3A_882] {strides = array<i32>} : memref<64x128xf32, #tpu.memory_space<vmem>>, vector<16xf32>,
        %mul3A_884 = arith.mulf %get3A_878, %get3A_883 : vector<16xf32>
        %add3A_885 = arith.constant 5 : i32
        %add3A_886 = arith.addi %mul3A_187, %add3A_885 : i32
        %swap3A_887 = arith.index_cast %add3A_886 : i32 to index
        %swap3A_888 = arith.constant 48 : index
        %swap3A_889 = tpu.vector_load %arg8[%swap3A_887, %swap3A_888] {strides = array<i32>} : memref<64x128xf32, #tpu.memory_space<vmem>>, vector<16xf32>,
        tpu.vector_store %arg8[%swap3A_887, %swap3A_888], %mul3A_884 {strides = array<i32>} : memref<64x128xf32, #tpu.memory_space<vmem>>, vector<16xf32>,
        %add3A_890 = arith.constant 5 : i32
        %add3A_891 = arith.addi %mul3A_187, %add3A_890 : i32
        %get3A_892 = arith.index_cast %add3A_891 : i32 to index
        %get3A_893 = arith.constant 64 : index
        %get3A_894 = tpu.vector_load %arg8[%get3A_892, %get3A_893] {strides = array<i32>} : memref<64x128xf32, #tpu.memory_space<vmem>>, vector<16xf32>,
        %add3A_895 = arith.constant 5 : i32
        %add3A_896 = arith.addi %mul3A_187, %add3A_895 : i32
        %get3A_897 = arith.index_cast %add3A_896 : i32 to index
        %get3A_898 = arith.constant 64 : index
        %get3A_899 = tpu.vector_load %arg10[%get3A_897, %get3A_898] {strides = array<i32>} : memref<64x128xf32, #tpu.memory_space<vmem>>, vector<16xf32>,
        %mul3A_900 = arith.mulf %get3A_894, %get3A_899 : vector<16xf32>
        %add3A_901 = arith.constant 5 : i32
        %add3A_902 = arith.addi %mul3A_187, %add3A_901 : i32
        %swap3A_903 = arith.index_cast %add3A_902 : i32 to index
        %swap3A_904 = arith.constant 64 : index
        %swap3A_905 = tpu.vector_load %arg8[%swap3A_903, %swap3A_904] {strides = array<i32>} : memref<64x128xf32, #tpu.memory_space<vmem>>, vector<16xf32>,
        tpu.vector_store %arg8[%swap3A_903, %swap3A_904], %mul3A_900 {strides = array<i32>} : memref<64x128xf32, #tpu.memory_space<vmem>>, vector<16xf32>,
        %add3A_906 = arith.constant 5 : i32
        %add3A_907 = arith.addi %mul3A_187, %add3A_906 : i32
        %get3A_908 = arith.index_cast %add3A_907 : i32 to index
        %get3A_909 = arith.constant 80 : index
        %get3A_910 = tpu.vector_load %arg8[%get3A_908, %get3A_909] {strides = array<i32>} : memref<64x128xf32, #tpu.memory_space<vmem>>, vector<16xf32>,
        %add3A_911 = arith.constant 5 : i32
        %add3A_912 = arith.addi %mul3A_187, %add3A_911 : i32
        %get3A_913 = arith.index_cast %add3A_912 : i32 to index
        %get3A_914 = arith.constant 80 : index
        %get3A_915 = tpu.vector_load %arg10[%get3A_913, %get3A_914] {strides = array<i32>} : memref<64x128xf32, #tpu.memory_space<vmem>>, vector<16xf32>,
        %mul3A_916 = arith.mulf %get3A_910, %get3A_915 : vector<16xf32>
        %add3A_917 = arith.constant 5 : i32
        %add3A_918 = arith.addi %mul3A_187, %add3A_917 : i32
        %swap3A_919 = arith.index_cast %add3A_918 : i32 to index
        %swap3A_920 = arith.constant 80 : index
        %swap3A_921 = tpu.vector_load %arg8[%swap3A_919, %swap3A_920] {strides = array<i32>} : memref<64x128xf32, #tpu.memory_space<vmem>>, vector<16xf32>,
        tpu.vector_store %arg8[%swap3A_919, %swap3A_920], %mul3A_916 {strides = array<i32>} : memref<64x128xf32, #tpu.memory_space<vmem>>, vector<16xf32>,
        %add3A_922 = arith.constant 5 : i32
        %add3A_923 = arith.addi %mul3A_187, %add3A_922 : i32
        %get3A_924 = arith.index_cast %add3A_923 : i32 to index
        %get3A_925 = arith.constant 96 : index
        %get3A_926 = tpu.vector_load %arg8[%get3A_924, %get3A_925] {strides = array<i32>} : memref<64x128xf32, #tpu.memory_space<vmem>>, vector<16xf32>,
        %add3A_927 = arith.constant 5 : i32
        %add3A_928 = arith.addi %mul3A_187, %add3A_927 : i32
        %get3A_929 = arith.index_cast %add3A_928 : i32 to index
        %get3A_930 = arith.constant 96 : index
        %get3A_931 = tpu.vector_load %arg10[%get3A_929, %get3A_930] {strides = array<i32>} : memref<64x128xf32, #tpu.memory_space<vmem>>, vector<16xf32>,
        %mul3A_932 = arith.mulf %get3A_926, %get3A_931 : vector<16xf32>
        %add3A_933 = arith.constant 5 : i32
        %add3A_934 = arith.addi %mul3A_187, %add3A_933 : i32
        %swap3A_935 = arith.index_cast %add3A_934 : i32 to index
        %swap3A_936 = arith.constant 96 : index
        %swap3A_937 = tpu.vector_load %arg8[%swap3A_935, %swap3A_936] {strides = array<i32>} : memref<64x128xf32, #tpu.memory_space<vmem>>, vector<16xf32>,
        tpu.vector_store %arg8[%swap3A_935, %swap3A_936], %mul3A_932 {strides = array<i32>} : memref<64x128xf32, #tpu.memory_space<vmem>>, vector<16xf32>,
        %add3A_938 = arith.constant 5 : i32
        %add3A_939 = arith.addi %mul3A_187, %add3A_938 : i32
        %get3A_940 = arith.index_cast %add3A_939 : i32 to index
        %get3A_941 = arith.constant 112 : index
        %get3A_942 = tpu.vector_load %arg8[%get3A_940, %get3A_941] {strides = array<i32>} : memref<64x128xf32, #tpu.memory_space<vmem>>, vector<16xf32>,
        %add3A_943 = arith.constant 5 : i32
        %add3A_944 = arith.addi %mul3A_187, %add3A_943 : i32
        %get3A_945 = arith.index_cast %add3A_944 : i32 to index
        %get3A_946 = arith.constant 112 : index
        %get3A_947 = tpu.vector_load %arg10[%get3A_945, %get3A_946] {strides = array<i32>} : memref<64x128xf32, #tpu.memory_space<vmem>>, vector<16xf32>,
        %mul3A_948 = arith.mulf %get3A_942, %get3A_947 : vector<16xf32>
        %add3A_949 = arith.constant 5 : i32
        %add3A_950 = arith.addi %mul3A_187, %add3A_949 : i32
        %swap3A_951 = arith.index_cast %add3A_950 : i32 to index
        %swap3A_952 = arith.constant 112 : index
        %swap3A_953 = tpu.vector_load %arg8[%swap3A_951, %swap3A_952] {strides = array<i32>} : memref<64x128xf32, #tpu.memory_space<vmem>>, vector<16xf32>,
        tpu.vector_store %arg8[%swap3A_951, %swap3A_952], %mul3A_948 {strides = array<i32>} : memref<64x128xf32, #tpu.memory_space<vmem>>, vector<16xf32>,
        %add3A_954 = arith.constant 6 : i32
        %add3A_955 = arith.addi %mul3A_187, %add3A_954 : i32
        %get3A_956 = arith.index_cast %add3A_955 : i32 to index
        %get3A_957 = arith.constant 0 : index
        %get3A_958 = tpu.vector_load %arg8[%get3A_956, %get3A_957] {strides = array<i32>} : memref<64x128xf32, #tpu.memory_space<vmem>>, vector<16xf32>,
        %add3A_959 = arith.constant 6 : i32
        %add3A_960 = arith.addi %mul3A_187, %add3A_959 : i32
        %get3A_961 = arith.index_cast %add3A_960 : i32 to index
        %get3A_962 = arith.constant 0 : index
        %get3A_963 = tpu.vector_load %arg10[%get3A_961, %get3A_962] {strides = array<i32>} : memref<64x128xf32, #tpu.memory_space<vmem>>, vector<16xf32>,
        %mul3A_964 = arith.mulf %get3A_958, %get3A_963 : vector<16xf32>
        %add3A_965 = arith.constant 6 : i32
        %add3A_966 = arith.addi %mul3A_187, %add3A_965 : i32
        %swap3A_967 = arith.index_cast %add3A_966 : i32 to index
        %swap3A_968 = arith.constant 0 : index
        %swap3A_969 = tpu.vector_load %arg8[%swap3A_967, %swap3A_968] {strides = array<i32>} : memref<64x128xf32, #tpu.memory_space<vmem>>, vector<16xf32>,
        tpu.vector_store %arg8[%swap3A_967, %swap3A_968], %mul3A_964 {strides = array<i32>} : memref<64x128xf32, #tpu.memory_space<vmem>>, vector<16xf32>,
        %add3A_970 = arith.constant 6 : i32
        %add3A_971 = arith.addi %mul3A_187, %add3A_970 : i32
        %get3A_972 = arith.index_cast %add3A_971 : i32 to index
        %get3A_973 = arith.constant 16 : index
        %get3A_974 = tpu.vector_load %arg8[%get3A_972, %get3A_973] {strides = array<i32>} : memref<64x128xf32, #tpu.memory_space<vmem>>, vector<16xf32>,
        %add3A_975 = arith.constant 6 : i32
        %add3A_976 = arith.addi %mul3A_187, %add3A_975 : i32
        %get3A_977 = arith.index_cast %add3A_976 : i32 to index
        %get3A_978 = arith.constant 16 : index
        %get3A_979 = tpu.vector_load %arg10[%get3A_977, %get3A_978] {strides = array<i32>} : memref<64x128xf32, #tpu.memory_space<vmem>>, vector<16xf32>,
        %mul3A_980 = arith.mulf %get3A_974, %get3A_979 : vector<16xf32>
        %add3A_981 = arith.constant 6 : i32
        %add3A_982 = arith.addi %mul3A_187, %add3A_981 : i32
        %swap3A_983 = arith.index_cast %add3A_982 : i32 to index
        %swap3A_984 = arith.constant 16 : index
        %swap3A_985 = tpu.vector_load %arg8[%swap3A_983, %swap3A_984] {strides = array<i32>} : memref<64x128xf32, #tpu.memory_space<vmem>>, vector<16xf32>,
        tpu.vector_store %arg8[%swap3A_983, %swap3A_984], %mul3A_980 {strides = array<i32>} : memref<64x128xf32, #tpu.memory_space<vmem>>, vector<16xf32>,
        %add3A_986 = arith.constant 6 : i32
        %add3A_987 = arith.addi %mul3A_187, %add3A_986 : i32
        %get3A_988 = arith.index_cast %add3A_987 : i32 to index
        %get3A_989 = arith.constant 32 : index
        %get3A_990 = tpu.vector_load %arg8[%get3A_988, %get3A_989] {strides = array<i32>} : memref<64x128xf32, #tpu.memory_space<vmem>>, vector<16xf32>,
        %add3A_991 = arith.constant 6 : i32
        %add3A_992 = arith.addi %mul3A_187, %add3A_991 : i32
        %get3A_993 = arith.index_cast %add3A_992 : i32 to index
        %get3A_994 = arith.constant 32 : index
        %get3A_995 = tpu.vector_load %arg10[%get3A_993, %get3A_994] {strides = array<i32>} : memref<64x128xf32, #tpu.memory_space<vmem>>, vector<16xf32>,
        %mul3A_996 = arith.mulf %get3A_990, %get3A_995 : vector<16xf32>
        %add3A_997 = arith.constant 6 : i32
        %add3A_998 = arith.addi %mul3A_187, %add3A_997 : i32
        %swap3A_999 = arith.index_cast %add3A_998 : i32 to index
        %swap3A_1000 = arith.constant 32 : index
        %swap3A_1001 = tpu.vector_load %arg8[%swap3A_999, %swap3A_1000] {strides = array<i32>} : memref<64x128xf32, #tpu.memory_space<vmem>>, vector<16xf32>,
        tpu.vector_store %arg8[%swap3A_999, %swap3A_1000], %mul3A_996 {strides = array<i32>} : memref<64x128xf32, #tpu.memory_space<vmem>>, vector<16xf32>,
        %add3A_1002 = arith.constant 6 : i32
        %add3A_1003 = arith.addi %mul3A_187, %add3A_1002 : i32
        %get3A_1004 = arith.index_cast %add3A_1003 : i32 to index
        %get3A_1005 = arith.constant 48 : index
        %get3A_1006 = tpu.vector_load %arg8[%get3A_1004, %get3A_1005] {strides = array<i32>} : memref<64x128xf32, #tpu.memory_space<vmem>>, vector<16xf32>,
        %add3A_1007 = arith.constant 6 : i32
        %add3A_1008 = arith.addi %mul3A_187, %add3A_1007 : i32
        %get3A_1009 = arith.index_cast %add3A_1008 : i32 to index
        %get3A_1010 = arith.constant 48 : index
        %get3A_1011 = tpu.vector_load %arg10[%get3A_1009, %get3A_1010] {strides = array<i32>} : memref<64x128xf32, #tpu.memory_space<vmem>>, vector<16xf32>,
        %mul3A_1012 = arith.mulf %get3A_1006, %get3A_1011 : vector<16xf32>
        %add3A_1013 = arith.constant 6 : i32
        %add3A_1014 = arith.addi %mul3A_187, %add3A_1013 : i32
        %swap3A_1015 = arith.index_cast %add3A_1014 : i32 to index
        %swap3A_1016 = arith.constant 48 : index
        %swap3A_1017 = tpu.vector_load %arg8[%swap3A_1015, %swap3A_1016] {strides = array<i32>} : memref<64x128xf32, #tpu.memory_space<vmem>>, vector<16xf32>,
        tpu.vector_store %arg8[%swap3A_1015, %swap3A_1016], %mul3A_1012 {strides = array<i32>} : memref<64x128xf32, #tpu.memory_space<vmem>>, vector<16xf32>,
        %add3A_1018 = arith.constant 6 : i32
        %add3A_1019 = arith.addi %mul3A_187, %add3A_1018 : i32
        %get3A_1020 = arith.index_cast %add3A_1019 : i32 to index
        %get3A_1021 = arith.constant 64 : index
        %get3A_1022 = tpu.vector_load %arg8[%get3A_1020, %get3A_1021] {strides = array<i32>} : memref<64x128xf32, #tpu.memory_space<vmem>>, vector<16xf32>,
        %add3A_1023 = arith.constant 6 : i32
        %add3A_1024 = arith.addi %mul3A_187, %add3A_1023 : i32
        %get3A_1025 = arith.index_cast %add3A_1024 : i32 to index
        %get3A_1026 = arith.constant 64 : index
        %get3A_1027 = tpu.vector_load %arg10[%get3A_1025, %get3A_1026] {strides = array<i32>} : memref<64x128xf32, #tpu.memory_space<vmem>>, vector<16xf32>,
        %mul3A_1028 = arith.mulf %get3A_1022, %get3A_1027 : vector<16xf32>
        %add3A_1029 = arith.constant 6 : i32
        %add3A_1030 = arith.addi %mul3A_187, %add3A_1029 : i32
        %swap3A_1031 = arith.index_cast %add3A_1030 : i32 to index
        %swap3A_1032 = arith.constant 64 : index
        %swap3A_1033 = tpu.vector_load %arg8[%swap3A_1031, %swap3A_1032] {strides = array<i32>} : memref<64x128xf32, #tpu.memory_space<vmem>>, vector<16xf32>,
        tpu.vector_store %arg8[%swap3A_1031, %swap3A_1032], %mul3A_1028 {strides = array<i32>} : memref<64x128xf32, #tpu.memory_space<vmem>>, vector<16xf32>,
        %add3A_1034 = arith.constant 6 : i32
        %add3A_1035 = arith.addi %mul3A_187, %add3A_1034 : i32
        %get3A_1036 = arith.index_cast %add3A_1035 : i32 to index
        %get3A_1037 = arith.constant 80 : index
        %get3A_1038 = tpu.vector_load %arg8[%get3A_1036, %get3A_1037] {strides = array<i32>} : memref<64x128xf32, #tpu.memory_space<vmem>>, vector<16xf32>,
        %add3A_1039 = arith.constant 6 : i32
        %add3A_1040 = arith.addi %mul3A_187, %add3A_1039 : i32
        %get3A_1041 = arith.index_cast %add3A_1040 : i32 to index
        %get3A_1042 = arith.constant 80 : index
        %get3A_1043 = tpu.vector_load %arg10[%get3A_1041, %get3A_1042] {strides = array<i32>} : memref<64x128xf32, #tpu.memory_space<vmem>>, vector<16xf32>,
        %mul3A_1044 = arith.mulf %get3A_1038, %get3A_1043 : vector<16xf32>
        %add3A_1045 = arith.constant 6 : i32
        %add3A_1046 = arith.addi %mul3A_187, %add3A_1045 : i32
        %swap3A_1047 = arith.index_cast %add3A_1046 : i32 to index
        %swap3A_1048 = arith.constant 80 : index
        %swap3A_1049 = tpu.vector_load %arg8[%swap3A_1047, %swap3A_1048] {strides = array<i32>} : memref<64x128xf32, #tpu.memory_space<vmem>>, vector<16xf32>,
        tpu.vector_store %arg8[%swap3A_1047, %swap3A_1048], %mul3A_1044 {strides = array<i32>} : memref<64x128xf32, #tpu.memory_space<vmem>>, vector<16xf32>,
        %add3A_1050 = arith.constant 6 : i32
        %add3A_1051 = arith.addi %mul3A_187, %add3A_1050 : i32
        %get3A_1052 = arith.index_cast %add3A_1051 : i32 to index
        %get3A_1053 = arith.constant 96 : index
        %get3A_1054 = tpu.vector_load %arg8[%get3A_1052, %get3A_1053] {strides = array<i32>} : memref<64x128xf32, #tpu.memory_space<vmem>>, vector<16xf32>,
        %add3A_1055 = arith.constant 6 : i32
        %add3A_1056 = arith.addi %mul3A_187, %add3A_1055 : i32
        %get3A_1057 = arith.index_cast %add3A_1056 : i32 to index
        %get3A_1058 = arith.constant 96 : index
        %get3A_1059 = tpu.vector_load %arg10[%get3A_1057, %get3A_1058] {strides = array<i32>} : memref<64x128xf32, #tpu.memory_space<vmem>>, vector<16xf32>,
        %mul3A_1060 = arith.mulf %get3A_1054, %get3A_1059 : vector<16xf32>
        %add3A_1061 = arith.constant 6 : i32
        %add3A_1062 = arith.addi %mul3A_187, %add3A_1061 : i32
        %swap3A_1063 = arith.index_cast %add3A_1062 : i32 to index
        %swap3A_1064 = arith.constant 96 : index
        %swap3A_1065 = tpu.vector_load %arg8[%swap3A_1063, %swap3A_1064] {strides = array<i32>} : memref<64x128xf32, #tpu.memory_space<vmem>>, vector<16xf32>,
        tpu.vector_store %arg8[%swap3A_1063, %swap3A_1064], %mul3A_1060 {strides = array<i32>} : memref<64x128xf32, #tpu.memory_space<vmem>>, vector<16xf32>,
        %add3A_1066 = arith.constant 6 : i32
        %add3A_1067 = arith.addi %mul3A_187, %add3A_1066 : i32
        %get3A_1068 = arith.index_cast %add3A_1067 : i32 to index
        %get3A_1069 = arith.constant 112 : index
        %get3A_1070 = tpu.vector_load %arg8[%get3A_1068, %get3A_1069] {strides = array<i32>} : memref<64x128xf32, #tpu.memory_space<vmem>>, vector<16xf32>,
        %add3A_1071 = arith.constant 6 : i32
        %add3A_1072 = arith.addi %mul3A_187, %add3A_1071 : i32
        %get3A_1073 = arith.index_cast %add3A_1072 : i32 to index
        %get3A_1074 = arith.constant 112 : index
        %get3A_1075 = tpu.vector_load %arg10[%get3A_1073, %get3A_1074] {strides = array<i32>} : memref<64x128xf32, #tpu.memory_space<vmem>>, vector<16xf32>,
        %mul3A_1076 = arith.mulf %get3A_1070, %get3A_1075 : vector<16xf32>
        %add3A_1077 = arith.constant 6 : i32
        %add3A_1078 = arith.addi %mul3A_187, %add3A_1077 : i32
        %swap3A_1079 = arith.index_cast %add3A_1078 : i32 to index
        %swap3A_1080 = arith.constant 112 : index
        %swap3A_1081 = tpu.vector_load %arg8[%swap3A_1079, %swap3A_1080] {strides = array<i32>} : memref<64x128xf32, #tpu.memory_space<vmem>>, vector<16xf32>,
        tpu.vector_store %arg8[%swap3A_1079, %swap3A_1080], %mul3A_1076 {strides = array<i32>} : memref<64x128xf32, #tpu.memory_space<vmem>>, vector<16xf32>,
        %add3A_1082 = arith.constant 7 : i32
        %add3A_1083 = arith.addi %mul3A_187, %add3A_1082 : i32
        %get3A_1084 = arith.index_cast %add3A_1083 : i32 to index
        %get3A_1085 = arith.constant 0 : index
        %get3A_1086 = tpu.vector_load %arg8[%get3A_1084, %get3A_1085] {strides = array<i32>} : memref<64x128xf32, #tpu.memory_space<vmem>>, vector<16xf32>,
        %add3A_1087 = arith.constant 7 : i32
        %add3A_1088 = arith.addi %mul3A_187, %add3A_1087 : i32
        %get3A_1089 = arith.index_cast %add3A_1088 : i32 to index
        %get3A_1090 = arith.constant 0 : index
        %get3A_1091 = tpu.vector_load %arg10[%get3A_1089, %get3A_1090] {strides = array<i32>} : memref<64x128xf32, #tpu.memory_space<vmem>>, vector<16xf32>,
        %mul3A_1092 = arith.mulf %get3A_1086, %get3A_1091 : vector<16xf32>
        %add3A_1093 = arith.constant 7 : i32
        %add3A_1094 = arith.addi %mul3A_187, %add3A_1093 : i32
        %swap3A_1095 = arith.index_cast %add3A_1094 : i32 to index
        %swap3A_1096 = arith.constant 0 : index
        %swap3A_1097 = tpu.vector_load %arg8[%swap3A_1095, %swap3A_1096] {strides = array<i32>} : memref<64x128xf32, #tpu.memory_space<vmem>>, vector<16xf32>,
        tpu.vector_store %arg8[%swap3A_1095, %swap3A_1096], %mul3A_1092 {strides = array<i32>} : memref<64x128xf32, #tpu.memory_space<vmem>>, vector<16xf32>,
        %add3A_1098 = arith.constant 7 : i32
        %add3A_1099 = arith.addi %mul3A_187, %add3A_1098 : i32
        %get3A_1100 = arith.index_cast %add3A_1099 : i32 to index
        %get3A_1101 = arith.constant 16 : index
        %get3A_1102 = tpu.vector_load %arg8[%get3A_1100, %get3A_1101] {strides = array<i32>} : memref<64x128xf32, #tpu.memory_space<vmem>>, vector<16xf32>,
        %add3A_1103 = arith.constant 7 : i32
        %add3A_1104 = arith.addi %mul3A_187, %add3A_1103 : i32
        %get3A_1105 = arith.index_cast %add3A_1104 : i32 to index
        %get3A_1106 = arith.constant 16 : index
        %get3A_1107 = tpu.vector_load %arg10[%get3A_1105, %get3A_1106] {strides = array<i32>} : memref<64x128xf32, #tpu.memory_space<vmem>>, vector<16xf32>,
        %mul3A_1108 = arith.mulf %get3A_1102, %get3A_1107 : vector<16xf32>
        %add3A_1109 = arith.constant 7 : i32
        %add3A_1110 = arith.addi %mul3A_187, %add3A_1109 : i32
        %swap3A_1111 = arith.index_cast %add3A_1110 : i32 to index
        %swap3A_1112 = arith.constant 16 : index
        %swap3A_1113 = tpu.vector_load %arg8[%swap3A_1111, %swap3A_1112] {strides = array<i32>} : memref<64x128xf32, #tpu.memory_space<vmem>>, vector<16xf32>,
        tpu.vector_store %arg8[%swap3A_1111, %swap3A_1112], %mul3A_1108 {strides = array<i32>} : memref<64x128xf32, #tpu.memory_space<vmem>>, vector<16xf32>,
        %add3A_1114 = arith.constant 7 : i32
        %add3A_1115 = arith.addi %mul3A_187, %add3A_1114 : i32
        %get3A_1116 = arith.index_cast %add3A_1115 : i32 to index
        %get3A_1117 = arith.constant 32 : index
        %get3A_1118 = tpu.vector_load %arg8[%get3A_1116, %get3A_1117] {strides = array<i32>} : memref<64x128xf32, #tpu.memory_space<vmem>>, vector<16xf32>,
        %add3A_1119 = arith.constant 7 : i32
        %add3A_1120 = arith.addi %mul3A_187, %add3A_1119 : i32
        %get3A_1121 = arith.index_cast %add3A_1120 : i32 to index
        %get3A_1122 = arith.constant 32 : index
        %get3A_1123 = tpu.vector_load %arg10[%get3A_1121, %get3A_1122] {strides = array<i32>} : memref<64x128xf32, #tpu.memory_space<vmem>>, vector<16xf32>,
        %mul3A_1124 = arith.mulf %get3A_1118, %get3A_1123 : vector<16xf32>
        %add3A_1125 = arith.constant 7 : i32
        %add3A_1126 = arith.addi %mul3A_187, %add3A_1125 : i32
        %swap3A_1127 = arith.index_cast %add3A_1126 : i32 to index
        %swap3A_1128 = arith.constant 32 : index
        %swap3A_1129 = tpu.vector_load %arg8[%swap3A_1127, %swap3A_1128] {strides = array<i32>} : memref<64x128xf32, #tpu.memory_space<vmem>>, vector<16xf32>,
        tpu.vector_store %arg8[%swap3A_1127, %swap3A_1128], %mul3A_1124 {strides = array<i32>} : memref<64x128xf32, #tpu.memory_space<vmem>>, vector<16xf32>,
        %add3A_1130 = arith.constant 7 : i32
        %add3A_1131 = arith.addi %mul3A_187, %add3A_1130 : i32
        %get3A_1132 = arith.index_cast %add3A_1131 : i32 to index
        %get3A_1133 = arith.constant 48 : index
        %get3A_1134 = tpu.vector_load %arg8[%get3A_1132, %get3A_1133] {strides = array<i32>} : memref<64x128xf32, #tpu.memory_space<vmem>>, vector<16xf32>,
        %add3A_1135 = arith.constant 7 : i32
        %add3A_1136 = arith.addi %mul3A_187, %add3A_1135 : i32
        %get3A_1137 = arith.index_cast %add3A_1136 : i32 to index
        %get3A_1138 = arith.constant 48 : index
        %get3A_1139 = tpu.vector_load %arg10[%get3A_1137, %get3A_1138] {strides = array<i32>} : memref<64x128xf32, #tpu.memory_space<vmem>>, vector<16xf32>,
        %mul3A_1140 = arith.mulf %get3A_1134, %get3A_1139 : vector<16xf32>
        %add3A_1141 = arith.constant 7 : i32
        %add3A_1142 = arith.addi %mul3A_187, %add3A_1141 : i32
        %swap3A_1143 = arith.index_cast %add3A_1142 : i32 to index
        %swap3A_1144 = arith.constant 48 : index
        %swap3A_1145 = tpu.vector_load %arg8[%swap3A_1143, %swap3A_1144] {strides = array<i32>} : memref<64x128xf32, #tpu.memory_space<vmem>>, vector<16xf32>,
        tpu.vector_store %arg8[%swap3A_1143, %swap3A_1144], %mul3A_1140 {strides = array<i32>} : memref<64x128xf32, #tpu.memory_space<vmem>>, vector<16xf32>,
        %add3A_1146 = arith.constant 7 : i32
        %add3A_1147 = arith.addi %mul3A_187, %add3A_1146 : i32
        %get3A_1148 = arith.index_cast %add3A_1147 : i32 to index
        %get3A_1149 = arith.constant 64 : index
        %get3A_1150 = tpu.vector_load %arg8[%get3A_1148, %get3A_1149] {strides = array<i32>} : memref<64x128xf32, #tpu.memory_space<vmem>>, vector<16xf32>,
        %add3A_1151 = arith.constant 7 : i32
        %add3A_1152 = arith.addi %mul3A_187, %add3A_1151 : i32
        %get3A_1153 = arith.index_cast %add3A_1152 : i32 to index
        %get3A_1154 = arith.constant 64 : index
        %get3A_1155 = tpu.vector_load %arg10[%get3A_1153, %get3A_1154] {strides = array<i32>} : memref<64x128xf32, #tpu.memory_space<vmem>>, vector<16xf32>,
        %mul3A_1156 = arith.mulf %get3A_1150, %get3A_1155 : vector<16xf32>
        %add3A_1157 = arith.constant 7 : i32
        %add3A_1158 = arith.addi %mul3A_187, %add3A_1157 : i32
        %swap3A_1159 = arith.index_cast %add3A_1158 : i32 to index
        %swap3A_1160 = arith.constant 64 : index
        %swap3A_1161 = tpu.vector_load %arg8[%swap3A_1159, %swap3A_1160] {strides = array<i32>} : memref<64x128xf32, #tpu.memory_space<vmem>>, vector<16xf32>,
        tpu.vector_store %arg8[%swap3A_1159, %swap3A_1160], %mul3A_1156 {strides = array<i32>} : memref<64x128xf32, #tpu.memory_space<vmem>>, vector<16xf32>,
        %add3A_1162 = arith.constant 7 : i32
        %add3A_1163 = arith.addi %mul3A_187, %add3A_1162 : i32
        %get3A_1164 = arith.index_cast %add3A_1163 : i32 to index
        %get3A_1165 = arith.constant 80 : index
        %get3A_1166 = tpu.vector_load %arg8[%get3A_1164, %get3A_1165] {strides = array<i32>} : memref<64x128xf32, #tpu.memory_space<vmem>>, vector<16xf32>,
        %add3A_1167 = arith.constant 7 : i32
        %add3A_1168 = arith.addi %mul3A_187, %add3A_1167 : i32
        %get3A_1169 = arith.index_cast %add3A_1168 : i32 to index
        %get3A_1170 = arith.constant 80 : index
        %get3A_1171 = tpu.vector_load %arg10[%get3A_1169, %get3A_1170] {strides = array<i32>} : memref<64x128xf32, #tpu.memory_space<vmem>>, vector<16xf32>,
        %mul3A_1172 = arith.mulf %get3A_1166, %get3A_1171 : vector<16xf32>
        %add3A_1173 = arith.constant 7 : i32
        %add3A_1174 = arith.addi %mul3A_187, %add3A_1173 : i32
        %swap3A_1175 = arith.index_cast %add3A_1174 : i32 to index
        %swap3A_1176 = arith.constant 80 : index
        %swap3A_1177 = tpu.vector_load %arg8[%swap3A_1175, %swap3A_1176] {strides = array<i32>} : memref<64x128xf32, #tpu.memory_space<vmem>>, vector<16xf32>,
        tpu.vector_store %arg8[%swap3A_1175, %swap3A_1176], %mul3A_1172 {strides = array<i32>} : memref<64x128xf32, #tpu.memory_space<vmem>>, vector<16xf32>,
        %add3A_1178 = arith.constant 7 : i32
        %add3A_1179 = arith.addi %mul3A_187, %add3A_1178 : i32
        %get3A_1180 = arith.index_cast %add3A_1179 : i32 to index
        %get3A_1181 = arith.constant 96 : index
        %get3A_1182 = tpu.vector_load %arg8[%get3A_1180, %get3A_1181] {strides = array<i32>} : memref<64x128xf32, #tpu.memory_space<vmem>>, vector<16xf32>,
        %add3A_1183 = arith.constant 7 : i32
        %add3A_1184 = arith.addi %mul3A_187, %add3A_1183 : i32
        %get3A_1185 = arith.index_cast %add3A_1184 : i32 to index
        %get3A_1186 = arith.constant 96 : index
        %get3A_1187 = tpu.vector_load %arg10[%get3A_1185, %get3A_1186] {strides = array<i32>} : memref<64x128xf32, #tpu.memory_space<vmem>>, vector<16xf32>,
        %mul3A_1188 = arith.mulf %get3A_1182, %get3A_1187 : vector<16xf32>
        %add3A_1189 = arith.constant 7 : i32
        %add3A_1190 = arith.addi %mul3A_187, %add3A_1189 : i32
        %swap3A_1191 = arith.index_cast %add3A_1190 : i32 to index
        %swap3A_1192 = arith.constant 96 : index
        %swap3A_1193 = tpu.vector_load %arg8[%swap3A_1191, %swap3A_1192] {strides = array<i32>} : memref<64x128xf32, #tpu.memory_space<vmem>>, vector<16xf32>,
        tpu.vector_store %arg8[%swap3A_1191, %swap3A_1192], %mul3A_1188 {strides = array<i32>} : memref<64x128xf32, #tpu.memory_space<vmem>>, vector<16xf32>,
        %add3A_1194 = arith.constant 7 : i32
        %add3A_1195 = arith.addi %mul3A_187, %add3A_1194 : i32
        %get3A_1196 = arith.index_cast %add3A_1195 : i32 to index
        %get3A_1197 = arith.constant 112 : index
        %get3A_1198 = tpu.vector_load %arg8[%get3A_1196, %get3A_1197] {strides = array<i32>} : memref<64x128xf32, #tpu.memory_space<vmem>>, vector<16xf32>,
        %add3A_1199 = arith.constant 7 : i32
        %add3A_1200 = arith.addi %mul3A_187, %add3A_1199 : i32
        %get3A_1201 = arith.index_cast %add3A_1200 : i32 to index
        %get3A_1202 = arith.constant 112 : index
        %get3A_1203 = tpu.vector_load %arg10[%get3A_1201, %get3A_1202] {strides = array<i32>} : memref<64x128xf32, #tpu.memory_space<vmem>>, vector<16xf32>,
        %mul3A_1204 = arith.mulf %get3A_1198, %get3A_1203 : vector<16xf32>
        %add3A_1205 = arith.constant 7 : i32
        %add3A_1206 = arith.addi %mul3A_187, %add3A_1205 : i32
        %swap3A_1207 = arith.index_cast %add3A_1206 : i32 to index
        %swap3A_1208 = arith.constant 112 : index
        %swap3A_1209 = tpu.vector_load %arg8[%swap3A_1207, %swap3A_1208] {strides = array<i32>} : memref<64x128xf32, #tpu.memory_space<vmem>>, vector<16xf32>,
        tpu.vector_store %arg8[%swap3A_1207, %swap3A_1208], %mul3A_1204 {strides = array<i32>} : memref<64x128xf32, #tpu.memory_space<vmem>>, vector<16xf32>,
        %scan3A_1210 = arith.constant 0 : i32
        scf.yield %scan3A_1210 : i32
      }
      %scan3A_120 = arith.constant 8 : i32
      %dma_start3A_121 = arith.constant 2 : i32
      %dma_start3A_122 = arith.constant 0 : i32
      %dma_start3A_123 = tpu.memref_slice %arg6[%dma_start3A_121, %dma_start3A_122] : memref<3x64xi32, #tpu.memory_space<vmem>> -> memref<1x64xi32, #tpu.memory_space<vmem>>
      %dma_start3A_124 = tpu.memref_squeeze %dma_start3A_123 : memref<1x64xi32, #tpu.memory_space<vmem>> -> memref<64xi32, #tpu.memory_space<vmem>>
      %dma_start3A_125 = arith.constant 0 : i32
      %dma_start3A_126 = arith.constant 0 : i32
      %dma_start3A_127 = tpu.memref_slice %arg13[%dma_start3A_125, %dma_start3A_126] : memref<10112x128xf32, #tpu.memory_space<vmem_shared>> -> memref<10112x128xf32, #tpu.memory_space<vmem_shared>>
      tpu.enqueue_indirect_dma source(%arg8 : memref<64x128xf32, #tpu.memory_space<vmem>>) target(%dma_start3A_127 : memref<10112x128xf32, #tpu.memory_space<vmem_shared>>) offsets(%dma_start3A_124 : memref<64xi32, #tpu.memory_space<vmem>>) semaphore(%arg18 : memref<!tpu.dma_semaphore, #tpu.memory_space<semaphore_mem>>) {add = true}
      %scan3A_128 = arith.constant 0 : i32
      %scan3A_129 = arith.constant 0 : i32
      %scan3A_130 = arith.constant 4 : i32
      %scan3A_131 = arith.addi %scan3A_129, %scan3A_130 : i32
      %scan3A_132 = arith.constant 1 : i32
      %scan3A_133 = scf.for %scan3A_184 = %scan3A_129 to %scan3A_131 step %scan3A_132 iter_args(%scan3A_185 = %scan3A_128) -> (i32)  : i32 {
        %mul3A_186 = arith.constant 16 : i32
        %mul3A_187 = arith.muli %scan3A_184, %mul3A_186 : i32
        %get3A = arith.constant 2 : i32
        %get3A_188 = arith.index_cast %get3A : i32 to index
        %get3A_189 = arith.index_cast %mul3A_187 : i32 to index
        %get3A_190 = tpu.vector_load %arg6[%get3A_188, %get3A_189] {strides = array<i32>} : memref<3x64xi32, #tpu.memory_space<vmem>>, vector<16xi32>,
        %broadcast_in_dim3A_191 = arith.constant true
        %broadcast_in_dim3A_192 = vector.broadcast %broadcast_in_dim3A_191 : i1 to vector<16xi1>
        %unique3A, %unique3A_193 = tpu.scan_count mask(%broadcast_in_dim3A_192 : vector<16xi1>) value(%get3A_190 : vector<16xi32>) : vector<16xi1>, vector<16xi32>
        %shift_right_logical3A = arith.constant 7 : i32
        %shift_right_logical3A_194 = vector.broadcast %shift_right_logical3A : i32 to vector<16xi32>
        %shift_right_logical3A_195 = arith.shrui %get3A_190, %shift_right_logical3A_194 : vector<16xi32>
        %and3A = arith.constant 127 : i32
        %and3A_196 = vector.broadcast %and3A : i32 to vector<16xi32>
        %and3A_197 = arith.andi %get3A_190, %and3A_196 : vector<16xi32>
        %convert_element_type3A_198 = arith.sitofp %unique3A_193 : vector<16xi32> to vector<16xf32>
        tpu.vector_store_idx %arg12[%shift_right_logical3A_195, %and3A_197], %convert_element_type3A_198 masked %unique3A {add = true} : memref<80x128xf32, #tpu.memory_space<vmem>>[vector<16xi32>, vector<16xi32>], vector<16xf32>, vector<16xi1>
        %scan3A_199 = arith.constant 0 : i32
        scf.yield %scan3A_199 : i32
      }
      %scan3A_134 = arith.constant 4 : i32
      %add3A_135 = arith.constant 1 : i32
      %add3A_136 = arith.addi %mul3A_91, %add3A_135 : i32
      %gt3A_137 = arith.constant 0 : i32
      %gt3A_138 = arith.cmpi sgt, %add3A_136, %gt3A_137 : i32
      %convert_element_type3A_139 = arith.extui %gt3A_138 : i1 to i32
      %cond3A_140 = arith.constant 0 : i32
      %cond3A_141 = arith.cmpi ne, %convert_element_type3A_139, %cond3A_140 : i32
      scf.if %cond3A_141 {
        %dma_wait3A_184 = arith.constant 2 : i32
        %dma_wait3A_185 = arith.constant 0 : i32
        %dma_wait3A_186 = tpu.memref_slice %arg6[%dma_wait3A_184, %dma_wait3A_185] : memref<3x64xi32, #tpu.memory_space<vmem>> -> memref<1x64xi32, #tpu.memory_space<vmem>>
        %dma_wait3A_187 = tpu.memref_squeeze %dma_wait3A_186 : memref<1x64xi32, #tpu.memory_space<vmem>> -> memref<64xi32, #tpu.memory_space<vmem>>
        %dma_wait3A_188 = arith.constant 0 : i32
        %dma_wait3A_189 = arith.constant 0 : i32
        %dma_wait3A_190 = tpu.memref_slice %arg13[%dma_wait3A_188, %dma_wait3A_189] : memref<10112x128xf32, #tpu.memory_space<vmem_shared>> -> memref<10112x128xf32, #tpu.memory_space<vmem_shared>>
        tpu.wait_indirect_dma semaphore(%arg18 : memref<!tpu.dma_semaphore, #tpu.memory_space<semaphore_mem>>) src(%arg8 : memref<64x128xf32, #tpu.memory_space<vmem>>) dst(%dma_wait3A_190 : memref<10112x128xf32, #tpu.memory_space<vmem_shared>>)
      } else {
      }
      %sub3A_142 = arith.constant 1 : i32
      %sub3A_143 = arith.subi %select_n3A_39, %sub3A_142 : i32
      %lt3A_144 = arith.cmpi slt, %add3A_136, %sub3A_143 : i32
      %convert_element_type3A_145 = arith.extui %lt3A_144 : i1 to i32
      %cond3A_146 = arith.constant 0 : i32
      %cond3A_147 = arith.cmpi ne, %convert_element_type3A_145, %cond3A_146 : i32
      scf.if %cond3A_147 {
        %add3A_184 = arith.constant 1 : i32
        %add3A_185 = arith.addi %add3A_136, %add3A_184 : i32
        %add3A_186 = arith.addi %select_n3A_48, %add3A_185 : i32
        "tpu.region"() ({
          %run_scoped3A = tpu.sem_alloc : memref<!tpu.dma_semaphore, #tpu.memory_space<semaphore_mem>>
          %dma_start3A_201 = arith.constant 0 : i32
          %dma_start3A_202 = arith.constant 0 : i32
          %dma_start3A_203 = tpu.memref_slice %arg2[%add3A_186, %dma_start3A_201, %dma_start3A_202] : memref<5056x3x64xi32, #tpu.memory_space<hbm>> -> memref<1x3x64xi32, #tpu.memory_space<hbm>>
          %dma_start3A_204 = tpu.memref_squeeze %dma_start3A_203 : memref<1x3x64xi32, #tpu.memory_space<hbm>> -> memref<3x64xi32, #tpu.memory_space<hbm>>
          %dma_start3A_205 = arith.constant 0 : i32
          %dma_start3A_206 = arith.constant 0 : i32
          %dma_start3A_207 = tpu.memref_slice %arg2[%add3A_186, %dma_start3A_205, %dma_start3A_206] : memref<5056x3x64xi32, #tpu.memory_space<hbm>> -> memref<1x3x64xi32, #tpu.memory_space<hbm>>
          %dma_start3A_208 = tpu.memref_squeeze %dma_start3A_207 : memref<1x3x64xi32, #tpu.memory_space<hbm>> -> memref<3x64xi32, #tpu.memory_space<hbm>>
          tpu.enqueue_dma source(%dma_start3A_208 : memref<3x64xi32, #tpu.memory_space<hbm>>) target(%arg6 : memref<3x64xi32, #tpu.memory_space<vmem>>) target_semaphore(%run_scoped3A : memref<!tpu.dma_semaphore, #tpu.memory_space<semaphore_mem>>)
          %dma_wait3A_209 = arith.constant 0 : i32
          %dma_wait3A_210 = arith.constant 0 : i32
          %dma_wait3A_211 = tpu.memref_slice %arg2[%add3A_186, %dma_wait3A_209, %dma_wait3A_210] : memref<5056x3x64xi32, #tpu.memory_space<hbm>> -> memref<1x3x64xi32, #tpu.memory_space<hbm>>
          %dma_wait3A_212 = tpu.memref_squeeze %dma_wait3A_211 : memref<1x3x64xi32, #tpu.memory_space<hbm>> -> memref<3x64xi32, #tpu.memory_space<hbm>>
          %dma_wait3A_213 = arith.constant 0 : i32
          %dma_wait3A_214 = arith.constant 0 : i32
          %dma_wait3A_215 = tpu.memref_slice %arg2[%add3A_186, %dma_wait3A_213, %dma_wait3A_214] : memref<5056x3x64xi32, #tpu.memory_space<hbm>> -> memref<1x3x64xi32, #tpu.memory_space<hbm>>
          %dma_wait3A_216 = tpu.memref_squeeze %dma_wait3A_215 : memref<1x3x64xi32, #tpu.memory_space<hbm>> -> memref<3x64xi32, #tpu.memory_space<hbm>>
          tpu.wait_dma2 semaphore(%run_scoped3A : memref<!tpu.dma_semaphore, #tpu.memory_space<semaphore_mem>>) src(%dma_wait3A_216 : memref<3x64xi32, #tpu.memory_space<hbm>>) dst(%arg6 : memref<3x64xi32, #tpu.memory_space<vmem>>)
          tpu.yield
        }) : () -> ()
        %dma_start3A_187 = arith.constant 0 : i32
        %dma_start3A_188 = arith.constant 0 : i32
        %dma_start3A_189 = tpu.memref_slice %arg6[%dma_start3A_187, %dma_start3A_188] : memref<3x64xi32, #tpu.memory_space<vmem>> -> memref<1x64xi32, #tpu.memory_space<vmem>>
        %dma_start3A_190 = tpu.memref_squeeze %dma_start3A_189 : memref<1x64xi32, #tpu.memory_space<vmem>> -> memref<64xi32, #tpu.memory_space<vmem>>
        %dma_start3A_191 = arith.constant 0 : i32
        %dma_start3A_192 = arith.constant 0 : i32
        %dma_start3A_193 = tpu.memref_slice %arg3[%dma_start3A_191, %dma_start3A_192] : memref<10000x128xf32, #tpu.memory_space<hbm>> -> memref<10000x128xf32, #tpu.memory_space<hbm>>
        tpu.enqueue_indirect_dma source(%dma_start3A_193 : memref<10000x128xf32, #tpu.memory_space<hbm>>) target(%arg8 : memref<64x128xf32, #tpu.memory_space<vmem>>) offsets(%dma_start3A_190 : memref<64xi32, #tpu.memory_space<vmem>>) semaphore(%arg14 : memref<!tpu.dma_semaphore, #tpu.memory_space<semaphore_mem>>)
        %dma_start3A_194 = arith.constant 1 : i32
        %dma_start3A_195 = arith.constant 0 : i32
        %dma_start3A_196 = tpu.memref_slice %arg6[%dma_start3A_194, %dma_start3A_195] : memref<3x64xi32, #tpu.memory_space<vmem>> -> memref<1x64xi32, #tpu.memory_space<vmem>>
        %dma_start3A_197 = tpu.memref_squeeze %dma_start3A_196 : memref<1x64xi32, #tpu.memory_space<vmem>> -> memref<64xi32, #tpu.memory_space<vmem>>
        %dma_start3A_198 = arith.constant 0 : i32
        %dma_start3A_199 = arith.constant 0 : i32
        %dma_start3A_200 = tpu.memref_slice %arg4[%dma_start3A_198, %dma_start3A_199] : memref<475x128xf32, #tpu.memory_space<hbm>> -> memref<475x128xf32, #tpu.memory_space<hbm>>
        tpu.enqueue_indirect_dma source(%dma_start3A_200 : memref<475x128xf32, #tpu.memory_space<hbm>>) target(%arg10 : memref<64x128xf32, #tpu.memory_space<vmem>>) offsets(%dma_start3A_197 : memref<64xi32, #tpu.memory_space<vmem>>) semaphore(%arg16 : memref<!tpu.dma_semaphore, #tpu.memory_space<semaphore_mem>>)
      } else {
      }
      %dma_wait3A_148 = arith.constant 0 : i32
      %dma_wait3A_149 = arith.constant 0 : i32
      %dma_wait3A_150 = tpu.memref_slice %arg7[%dma_wait3A_148, %dma_wait3A_149] : memref<3x64xi32, #tpu.memory_space<vmem>> -> memref<1x64xi32, #tpu.memory_space<vmem>>
      %dma_wait3A_151 = tpu.memref_squeeze %dma_wait3A_150 : memref<1x64xi32, #tpu.memory_space<vmem>> -> memref<64xi32, #tpu.memory_space<vmem>>
      %dma_wait3A_152 = arith.constant 0 : i32
      %dma_wait3A_153 = arith.constant 0 : i32
      %dma_wait3A_154 = tpu.memref_slice %arg3[%dma_wait3A_152, %dma_wait3A_153] : memref<10000x128xf32, #tpu.memory_space<hbm>> -> memref<10000x128xf32, #tpu.memory_space<hbm>>
      tpu.wait_indirect_dma semaphore(%arg15 : memref<!tpu.dma_semaphore, #tpu.memory_space<semaphore_mem>>) src(%dma_wait3A_154 : memref<10000x128xf32, #tpu.memory_space<hbm>>) dst(%arg9 : memref<64x128xf32, #tpu.memory_space<vmem>>)
      %dma_wait3A_155 = arith.constant 1 : i32
      %dma_wait3A_156 = arith.constant 0 : i32
      %dma_wait3A_157 = tpu.memref_slice %arg7[%dma_wait3A_155, %dma_wait3A_156] : memref<3x64xi32, #tpu.memory_space<vmem>> -> memref<1x64xi32, #tpu.memory_space<vmem>>
      %dma_wait3A_158 = tpu.memref_squeeze %dma_wait3A_157 : memref<1x64xi32, #tpu.memory_space<vmem>> -> memref<64xi32, #tpu.memory_space<vmem>>
      %dma_wait3A_159 = arith.constant 0 : i32
      %dma_wait3A_160 = arith.constant 0 : i32
      %dma_wait3A_161 = tpu.memref_slice %arg4[%dma_wait3A_159, %dma_wait3A_160] : memref<475x128xf32, #tpu.memory_space<hbm>> -> memref<475x128xf32, #tpu.memory_space<hbm>>
      tpu.wait_indirect_dma semaphore(%arg17 : memref<!tpu.dma_semaphore, #tpu.memory_space<semaphore_mem>>) src(%dma_wait3A_161 : memref<475x128xf32, #tpu.memory_space<hbm>>) dst(%arg11 : memref<64x128xf32, #tpu.memory_space<vmem>>)
      %scan3A_162 = arith.constant 0 : i32
      %scan3A_163 = arith.constant 0 : i32
      %scan3A_164 = arith.constant 8 : i32
      %scan3A_165 = arith.addi %scan3A_163, %scan3A_164 : i32
      %scan3A_166 = arith.constant 1 : i32
      %scan3A_167 = scf.for %scan3A_184 = %scan3A_163 to %scan3A_165 step %scan3A_166 iter_args(%scan3A_185 = %scan3A_162) -> (i32)  : i32 {
        %mul3A_186 = arith.constant 8 : i32
        %mul3A_187 = arith.muli %scan3A_184, %mul3A_186 : i32
        %add3A_188 = arith.constant 0 : i32
        %add3A_189 = arith.addi %mul3A_187, %add3A_188 : i32
        %get3A = arith.index_cast %add3A_189 : i32 to index
        %get3A_190 = arith.constant 0 : index
        %get3A_191 = tpu.vector_load %arg9[%get3A, %get3A_190] {strides = array<i32>} : memref<64x128xf32, #tpu.memory_space<vmem>>, vector<16xf32>,
        %add3A_192 = arith.constant 0 : i32
        %add3A_193 = arith.addi %mul3A_187, %add3A_192 : i32
        %get3A_194 = arith.index_cast %add3A_193 : i32 to index
        %get3A_195 = arith.constant 0 : index
        %get3A_196 = tpu.vector_load %arg11[%get3A_194, %get3A_195] {strides = array<i32>} : memref<64x128xf32, #tpu.memory_space<vmem>>, vector<16xf32>,
        %mul3A_197 = arith.mulf %get3A_191, %get3A_196 : vector<16xf32>
        %add3A_198 = arith.constant 0 : i32
        %add3A_199 = arith.addi %mul3A_187, %add3A_198 : i32
        %swap3A = arith.index_cast %add3A_199 : i32 to index
        %swap3A_200 = arith.constant 0 : index
        %swap3A_201 = tpu.vector_load %arg9[%swap3A, %swap3A_200] {strides = array<i32>} : memref<64x128xf32, #tpu.memory_space<vmem>>, vector<16xf32>,
        tpu.vector_store %arg9[%swap3A, %swap3A_200], %mul3A_197 {strides = array<i32>} : memref<64x128xf32, #tpu.memory_space<vmem>>, vector<16xf32>,
        %add3A_202 = arith.constant 0 : i32
        %add3A_203 = arith.addi %mul3A_187, %add3A_202 : i32
        %get3A_204 = arith.index_cast %add3A_203 : i32 to index
        %get3A_205 = arith.constant 16 : index
        %get3A_206 = tpu.vector_load %arg9[%get3A_204, %get3A_205] {strides = array<i32>} : memref<64x128xf32, #tpu.memory_space<vmem>>, vector<16xf32>,
        %add3A_207 = arith.constant 0 : i32
        %add3A_208 = arith.addi %mul3A_187, %add3A_207 : i32
        %get3A_209 = arith.index_cast %add3A_208 : i32 to index
        %get3A_210 = arith.constant 16 : index
        %get3A_211 = tpu.vector_load %arg11[%get3A_209, %get3A_210] {strides = array<i32>} : memref<64x128xf32, #tpu.memory_space<vmem>>, vector<16xf32>,
        %mul3A_212 = arith.mulf %get3A_206, %get3A_211 : vector<16xf32>
        %add3A_213 = arith.constant 0 : i32
        %add3A_214 = arith.addi %mul3A_187, %add3A_213 : i32
        %swap3A_215 = arith.index_cast %add3A_214 : i32 to index
        %swap3A_216 = arith.constant 16 : index
        %swap3A_217 = tpu.vector_load %arg9[%swap3A_215, %swap3A_216] {strides = array<i32>} : memref<64x128xf32, #tpu.memory_space<vmem>>, vector<16xf32>,
        tpu.vector_store %arg9[%swap3A_215, %swap3A_216], %mul3A_212 {strides = array<i32>} : memref<64x128xf32, #tpu.memory_space<vmem>>, vector<16xf32>,
        %add3A_218 = arith.constant 0 : i32
        %add3A_219 = arith.addi %mul3A_187, %add3A_218 : i32
        %get3A_220 = arith.index_cast %add3A_219 : i32 to index
        %get3A_221 = arith.constant 32 : index
        %get3A_222 = tpu.vector_load %arg9[%get3A_220, %get3A_221] {strides = array<i32>} : memref<64x128xf32, #tpu.memory_space<vmem>>, vector<16xf32>,
        %add3A_223 = arith.constant 0 : i32
        %add3A_224 = arith.addi %mul3A_187, %add3A_223 : i32
        %get3A_225 = arith.index_cast %add3A_224 : i32 to index
        %get3A_226 = arith.constant 32 : index
        %get3A_227 = tpu.vector_load %arg11[%get3A_225, %get3A_226] {strides = array<i32>} : memref<64x128xf32, #tpu.memory_space<vmem>>, vector<16xf32>,
        %mul3A_228 = arith.mulf %get3A_222, %get3A_227 : vector<16xf32>
        %add3A_229 = arith.constant 0 : i32
        %add3A_230 = arith.addi %mul3A_187, %add3A_229 : i32
        %swap3A_231 = arith.index_cast %add3A_230 : i32 to index
        %swap3A_232 = arith.constant 32 : index
        %swap3A_233 = tpu.vector_load %arg9[%swap3A_231, %swap3A_232] {strides = array<i32>} : memref<64x128xf32, #tpu.memory_space<vmem>>, vector<16xf32>,
        tpu.vector_store %arg9[%swap3A_231, %swap3A_232], %mul3A_228 {strides = array<i32>} : memref<64x128xf32, #tpu.memory_space<vmem>>, vector<16xf32>,
        %add3A_234 = arith.constant 0 : i32
        %add3A_235 = arith.addi %mul3A_187, %add3A_234 : i32
        %get3A_236 = arith.index_cast %add3A_235 : i32 to index
        %get3A_237 = arith.constant 48 : index
        %get3A_238 = tpu.vector_load %arg9[%get3A_236, %get3A_237] {strides = array<i32>} : memref<64x128xf32, #tpu.memory_space<vmem>>, vector<16xf32>,
        %add3A_239 = arith.constant 0 : i32
        %add3A_240 = arith.addi %mul3A_187, %add3A_239 : i32
        %get3A_241 = arith.index_cast %add3A_240 : i32 to index
        %get3A_242 = arith.constant 48 : index
        %get3A_243 = tpu.vector_load %arg11[%get3A_241, %get3A_242] {strides = array<i32>} : memref<64x128xf32, #tpu.memory_space<vmem>>, vector<16xf32>,
        %mul3A_244 = arith.mulf %get3A_238, %get3A_243 : vector<16xf32>
        %add3A_245 = arith.constant 0 : i32
        %add3A_246 = arith.addi %mul3A_187, %add3A_245 : i32
        %swap3A_247 = arith.index_cast %add3A_246 : i32 to index
        %swap3A_248 = arith.constant 48 : index
        %swap3A_249 = tpu.vector_load %arg9[%swap3A_247, %swap3A_248] {strides = array<i32>} : memref<64x128xf32, #tpu.memory_space<vmem>>, vector<16xf32>,
        tpu.vector_store %arg9[%swap3A_247, %swap3A_248], %mul3A_244 {strides = array<i32>} : memref<64x128xf32, #tpu.memory_space<vmem>>, vector<16xf32>,
        %add3A_250 = arith.constant 0 : i32
        %add3A_251 = arith.addi %mul3A_187, %add3A_250 : i32
        %get3A_252 = arith.index_cast %add3A_251 : i32 to index
        %get3A_253 = arith.constant 64 : index
        %get3A_254 = tpu.vector_load %arg9[%get3A_252, %get3A_253] {strides = array<i32>} : memref<64x128xf32, #tpu.memory_space<vmem>>, vector<16xf32>,
        %add3A_255 = arith.constant 0 : i32
        %add3A_256 = arith.addi %mul3A_187, %add3A_255 : i32
        %get3A_257 = arith.index_cast %add3A_256 : i32 to index
        %get3A_258 = arith.constant 64 : index
        %get3A_259 = tpu.vector_load %arg11[%get3A_257, %get3A_258] {strides = array<i32>} : memref<64x128xf32, #tpu.memory_space<vmem>>, vector<16xf32>,
        %mul3A_260 = arith.mulf %get3A_254, %get3A_259 : vector<16xf32>
        %add3A_261 = arith.constant 0 : i32
        %add3A_262 = arith.addi %mul3A_187, %add3A_261 : i32
        %swap3A_263 = arith.index_cast %add3A_262 : i32 to index
        %swap3A_264 = arith.constant 64 : index
        %swap3A_265 = tpu.vector_load %arg9[%swap3A_263, %swap3A_264] {strides = array<i32>} : memref<64x128xf32, #tpu.memory_space<vmem>>, vector<16xf32>,
        tpu.vector_store %arg9[%swap3A_263, %swap3A_264], %mul3A_260 {strides = array<i32>} : memref<64x128xf32, #tpu.memory_space<vmem>>, vector<16xf32>,
        %add3A_266 = arith.constant 0 : i32
        %add3A_267 = arith.addi %mul3A_187, %add3A_266 : i32
        %get3A_268 = arith.index_cast %add3A_267 : i32 to index
        %get3A_269 = arith.constant 80 : index
        %get3A_270 = tpu.vector_load %arg9[%get3A_268, %get3A_269] {strides = array<i32>} : memref<64x128xf32, #tpu.memory_space<vmem>>, vector<16xf32>,
        %add3A_271 = arith.constant 0 : i32
        %add3A_272 = arith.addi %mul3A_187, %add3A_271 : i32
        %get3A_273 = arith.index_cast %add3A_272 : i32 to index
        %get3A_274 = arith.constant 80 : index
        %get3A_275 = tpu.vector_load %arg11[%get3A_273, %get3A_274] {strides = array<i32>} : memref<64x128xf32, #tpu.memory_space<vmem>>, vector<16xf32>,
        %mul3A_276 = arith.mulf %get3A_270, %get3A_275 : vector<16xf32>
        %add3A_277 = arith.constant 0 : i32
        %add3A_278 = arith.addi %mul3A_187, %add3A_277 : i32
        %swap3A_279 = arith.index_cast %add3A_278 : i32 to index
        %swap3A_280 = arith.constant 80 : index
        %swap3A_281 = tpu.vector_load %arg9[%swap3A_279, %swap3A_280] {strides = array<i32>} : memref<64x128xf32, #tpu.memory_space<vmem>>, vector<16xf32>,
        tpu.vector_store %arg9[%swap3A_279, %swap3A_280], %mul3A_276 {strides = array<i32>} : memref<64x128xf32, #tpu.memory_space<vmem>>, vector<16xf32>,
        %add3A_282 = arith.constant 0 : i32
        %add3A_283 = arith.addi %mul3A_187, %add3A_282 : i32
        %get3A_284 = arith.index_cast %add3A_283 : i32 to index
        %get3A_285 = arith.constant 96 : index
        %get3A_286 = tpu.vector_load %arg9[%get3A_284, %get3A_285] {strides = array<i32>} : memref<64x128xf32, #tpu.memory_space<vmem>>, vector<16xf32>,
        %add3A_287 = arith.constant 0 : i32
        %add3A_288 = arith.addi %mul3A_187, %add3A_287 : i32
        %get3A_289 = arith.index_cast %add3A_288 : i32 to index
        %get3A_290 = arith.constant 96 : index
        %get3A_291 = tpu.vector_load %arg11[%get3A_289, %get3A_290] {strides = array<i32>} : memref<64x128xf32, #tpu.memory_space<vmem>>, vector<16xf32>,
        %mul3A_292 = arith.mulf %get3A_286, %get3A_291 : vector<16xf32>
        %add3A_293 = arith.constant 0 : i32
        %add3A_294 = arith.addi %mul3A_187, %add3A_293 : i32
        %swap3A_295 = arith.index_cast %add3A_294 : i32 to index
        %swap3A_296 = arith.constant 96 : index
        %swap3A_297 = tpu.vector_load %arg9[%swap3A_295, %swap3A_296] {strides = array<i32>} : memref<64x128xf32, #tpu.memory_space<vmem>>, vector<16xf32>,
        tpu.vector_store %arg9[%swap3A_295, %swap3A_296], %mul3A_292 {strides = array<i32>} : memref<64x128xf32, #tpu.memory_space<vmem>>, vector<16xf32>,
        %add3A_298 = arith.constant 0 : i32
        %add3A_299 = arith.addi %mul3A_187, %add3A_298 : i32
        %get3A_300 = arith.index_cast %add3A_299 : i32 to index
        %get3A_301 = arith.constant 112 : index
        %get3A_302 = tpu.vector_load %arg9[%get3A_300, %get3A_301] {strides = array<i32>} : memref<64x128xf32, #tpu.memory_space<vmem>>, vector<16xf32>,
        %add3A_303 = arith.constant 0 : i32
        %add3A_304 = arith.addi %mul3A_187, %add3A_303 : i32
        %get3A_305 = arith.index_cast %add3A_304 : i32 to index
        %get3A_306 = arith.constant 112 : index
        %get3A_307 = tpu.vector_load %arg11[%get3A_305, %get3A_306] {strides = array<i32>} : memref<64x128xf32, #tpu.memory_space<vmem>>, vector<16xf32>,
        %mul3A_308 = arith.mulf %get3A_302, %get3A_307 : vector<16xf32>
        %add3A_309 = arith.constant 0 : i32
        %add3A_310 = arith.addi %mul3A_187, %add3A_309 : i32
        %swap3A_311 = arith.index_cast %add3A_310 : i32 to index
        %swap3A_312 = arith.constant 112 : index
        %swap3A_313 = tpu.vector_load %arg9[%swap3A_311, %swap3A_312] {strides = array<i32>} : memref<64x128xf32, #tpu.memory_space<vmem>>, vector<16xf32>,
        tpu.vector_store %arg9[%swap3A_311, %swap3A_312], %mul3A_308 {strides = array<i32>} : memref<64x128xf32, #tpu.memory_space<vmem>>, vector<16xf32>,
        %add3A_314 = arith.constant 1 : i32
        %add3A_315 = arith.addi %mul3A_187, %add3A_314 : i32
        %get3A_316 = arith.index_cast %add3A_315 : i32 to index
        %get3A_317 = arith.constant 0 : index
        %get3A_318 = tpu.vector_load %arg9[%get3A_316, %get3A_317] {strides = array<i32>} : memref<64x128xf32, #tpu.memory_space<vmem>>, vector<16xf32>,
        %add3A_319 = arith.constant 1 : i32
        %add3A_320 = arith.addi %mul3A_187, %add3A_319 : i32
        %get3A_321 = arith.index_cast %add3A_320 : i32 to index
        %get3A_322 = arith.constant 0 : index
        %get3A_323 = tpu.vector_load %arg11[%get3A_321, %get3A_322] {strides = array<i32>} : memref<64x128xf32, #tpu.memory_space<vmem>>, vector<16xf32>,
        %mul3A_324 = arith.mulf %get3A_318, %get3A_323 : vector<16xf32>
        %add3A_325 = arith.constant 1 : i32
        %add3A_326 = arith.addi %mul3A_187, %add3A_325 : i32
        %swap3A_327 = arith.index_cast %add3A_326 : i32 to index
        %swap3A_328 = arith.constant 0 : index
        %swap3A_329 = tpu.vector_load %arg9[%swap3A_327, %swap3A_328] {strides = array<i32>} : memref<64x128xf32, #tpu.memory_space<vmem>>, vector<16xf32>,
        tpu.vector_store %arg9[%swap3A_327, %swap3A_328], %mul3A_324 {strides = array<i32>} : memref<64x128xf32, #tpu.memory_space<vmem>>, vector<16xf32>,
        %add3A_330 = arith.constant 1 : i32
        %add3A_331 = arith.addi %mul3A_187, %add3A_330 : i32
        %get3A_332 = arith.index_cast %add3A_331 : i32 to index
        %get3A_333 = arith.constant 16 : index
        %get3A_334 = tpu.vector_load %arg9[%get3A_332, %get3A_333] {strides = array<i32>} : memref<64x128xf32, #tpu.memory_space<vmem>>, vector<16xf32>,
        %add3A_335 = arith.constant 1 : i32
        %add3A_336 = arith.addi %mul3A_187, %add3A_335 : i32
        %get3A_337 = arith.index_cast %add3A_336 : i32 to index
        %get3A_338 = arith.constant 16 : index
        %get3A_339 = tpu.vector_load %arg11[%get3A_337, %get3A_338] {strides = array<i32>} : memref<64x128xf32, #tpu.memory_space<vmem>>, vector<16xf32>,
        %mul3A_340 = arith.mulf %get3A_334, %get3A_339 : vector<16xf32>
        %add3A_341 = arith.constant 1 : i32
        %add3A_342 = arith.addi %mul3A_187, %add3A_341 : i32
        %swap3A_343 = arith.index_cast %add3A_342 : i32 to index
        %swap3A_344 = arith.constant 16 : index
        %swap3A_345 = tpu.vector_load %arg9[%swap3A_343, %swap3A_344] {strides = array<i32>} : memref<64x128xf32, #tpu.memory_space<vmem>>, vector<16xf32>,
        tpu.vector_store %arg9[%swap3A_343, %swap3A_344], %mul3A_340 {strides = array<i32>} : memref<64x128xf32, #tpu.memory_space<vmem>>, vector<16xf32>,
        %add3A_346 = arith.constant 1 : i32
        %add3A_347 = arith.addi %mul3A_187, %add3A_346 : i32
        %get3A_348 = arith.index_cast %add3A_347 : i32 to index
        %get3A_349 = arith.constant 32 : index
        %get3A_350 = tpu.vector_load %arg9[%get3A_348, %get3A_349] {strides = array<i32>} : memref<64x128xf32, #tpu.memory_space<vmem>>, vector<16xf32>,
        %add3A_351 = arith.constant 1 : i32
        %add3A_352 = arith.addi %mul3A_187, %add3A_351 : i32
        %get3A_353 = arith.index_cast %add3A_352 : i32 to index
        %get3A_354 = arith.constant 32 : index
        %get3A_355 = tpu.vector_load %arg11[%get3A_353, %get3A_354] {strides = array<i32>} : memref<64x128xf32, #tpu.memory_space<vmem>>, vector<16xf32>,
        %mul3A_356 = arith.mulf %get3A_350, %get3A_355 : vector<16xf32>
        %add3A_357 = arith.constant 1 : i32
        %add3A_358 = arith.addi %mul3A_187, %add3A_357 : i32
        %swap3A_359 = arith.index_cast %add3A_358 : i32 to index
        %swap3A_360 = arith.constant 32 : index
        %swap3A_361 = tpu.vector_load %arg9[%swap3A_359, %swap3A_360] {strides = array<i32>} : memref<64x128xf32, #tpu.memory_space<vmem>>, vector<16xf32>,
        tpu.vector_store %arg9[%swap3A_359, %swap3A_360], %mul3A_356 {strides = array<i32>} : memref<64x128xf32, #tpu.memory_space<vmem>>, vector<16xf32>,
        %add3A_362 = arith.constant 1 : i32
        %add3A_363 = arith.addi %mul3A_187, %add3A_362 : i32
        %get3A_364 = arith.index_cast %add3A_363 : i32 to index
        %get3A_365 = arith.constant 48 : index
        %get3A_366 = tpu.vector_load %arg9[%get3A_364, %get3A_365] {strides = array<i32>} : memref<64x128xf32, #tpu.memory_space<vmem>>, vector<16xf32>,
        %add3A_367 = arith.constant 1 : i32
        %add3A_368 = arith.addi %mul3A_187, %add3A_367 : i32
        %get3A_369 = arith.index_cast %add3A_368 : i32 to index
        %get3A_370 = arith.constant 48 : index
        %get3A_371 = tpu.vector_load %arg11[%get3A_369, %get3A_370] {strides = array<i32>} : memref<64x128xf32, #tpu.memory_space<vmem>>, vector<16xf32>,
        %mul3A_372 = arith.mulf %get3A_366, %get3A_371 : vector<16xf32>
        %add3A_373 = arith.constant 1 : i32
        %add3A_374 = arith.addi %mul3A_187, %add3A_373 : i32
        %swap3A_375 = arith.index_cast %add3A_374 : i32 to index
        %swap3A_376 = arith.constant 48 : index
        %swap3A_377 = tpu.vector_load %arg9[%swap3A_375, %swap3A_376] {strides = array<i32>} : memref<64x128xf32, #tpu.memory_space<vmem>>, vector<16xf32>,
        tpu.vector_store %arg9[%swap3A_375, %swap3A_376], %mul3A_372 {strides = array<i32>} : memref<64x128xf32, #tpu.memory_space<vmem>>, vector<16xf32>,
        %add3A_378 = arith.constant 1 : i32
        %add3A_379 = arith.addi %mul3A_187, %add3A_378 : i32
        %get3A_380 = arith.index_cast %add3A_379 : i32 to index
        %get3A_381 = arith.constant 64 : index
        %get3A_382 = tpu.vector_load %arg9[%get3A_380, %get3A_381] {strides = array<i32>} : memref<64x128xf32, #tpu.memory_space<vmem>>, vector<16xf32>,
        %add3A_383 = arith.constant 1 : i32
        %add3A_384 = arith.addi %mul3A_187, %add3A_383 : i32
        %get3A_385 = arith.index_cast %add3A_384 : i32 to index
        %get3A_386 = arith.constant 64 : index
        %get3A_387 = tpu.vector_load %arg11[%get3A_385, %get3A_386] {strides = array<i32>} : memref<64x128xf32, #tpu.memory_space<vmem>>, vector<16xf32>,
        %mul3A_388 = arith.mulf %get3A_382, %get3A_387 : vector<16xf32>
        %add3A_389 = arith.constant 1 : i32
        %add3A_390 = arith.addi %mul3A_187, %add3A_389 : i32
        %swap3A_391 = arith.index_cast %add3A_390 : i32 to index
        %swap3A_392 = arith.constant 64 : index
        %swap3A_393 = tpu.vector_load %arg9[%swap3A_391, %swap3A_392] {strides = array<i32>} : memref<64x128xf32, #tpu.memory_space<vmem>>, vector<16xf32>,
        tpu.vector_store %arg9[%swap3A_391, %swap3A_392], %mul3A_388 {strides = array<i32>} : memref<64x128xf32, #tpu.memory_space<vmem>>, vector<16xf32>,
        %add3A_394 = arith.constant 1 : i32
        %add3A_395 = arith.addi %mul3A_187, %add3A_394 : i32
        %get3A_396 = arith.index_cast %add3A_395 : i32 to index
        %get3A_397 = arith.constant 80 : index
        %get3A_398 = tpu.vector_load %arg9[%get3A_396, %get3A_397] {strides = array<i32>} : memref<64x128xf32, #tpu.memory_space<vmem>>, vector<16xf32>,
        %add3A_399 = arith.constant 1 : i32
        %add3A_400 = arith.addi %mul3A_187, %add3A_399 : i32
        %get3A_401 = arith.index_cast %add3A_400 : i32 to index
        %get3A_402 = arith.constant 80 : index
        %get3A_403 = tpu.vector_load %arg11[%get3A_401, %get3A_402] {strides = array<i32>} : memref<64x128xf32, #tpu.memory_space<vmem>>, vector<16xf32>,
        %mul3A_404 = arith.mulf %get3A_398, %get3A_403 : vector<16xf32>
        %add3A_405 = arith.constant 1 : i32
        %add3A_406 = arith.addi %mul3A_187, %add3A_405 : i32
        %swap3A_407 = arith.index_cast %add3A_406 : i32 to index
        %swap3A_408 = arith.constant 80 : index
        %swap3A_409 = tpu.vector_load %arg9[%swap3A_407, %swap3A_408] {strides = array<i32>} : memref<64x128xf32, #tpu.memory_space<vmem>>, vector<16xf32>,
        tpu.vector_store %arg9[%swap3A_407, %swap3A_408], %mul3A_404 {strides = array<i32>} : memref<64x128xf32, #tpu.memory_space<vmem>>, vector<16xf32>,
        %add3A_410 = arith.constant 1 : i32
        %add3A_411 = arith.addi %mul3A_187, %add3A_410 : i32
        %get3A_412 = arith.index_cast %add3A_411 : i32 to index
        %get3A_413 = arith.constant 96 : index
        %get3A_414 = tpu.vector_load %arg9[%get3A_412, %get3A_413] {strides = array<i32>} : memref<64x128xf32, #tpu.memory_space<vmem>>, vector<16xf32>,
        %add3A_415 = arith.constant 1 : i32
        %add3A_416 = arith.addi %mul3A_187, %add3A_415 : i32
        %get3A_417 = arith.index_cast %add3A_416 : i32 to index
        %get3A_418 = arith.constant 96 : index
        %get3A_419 = tpu.vector_load %arg11[%get3A_417, %get3A_418] {strides = array<i32>} : memref<64x128xf32, #tpu.memory_space<vmem>>, vector<16xf32>,
        %mul3A_420 = arith.mulf %get3A_414, %get3A_419 : vector<16xf32>
        %add3A_421 = arith.constant 1 : i32
        %add3A_422 = arith.addi %mul3A_187, %add3A_421 : i32
        %swap3A_423 = arith.index_cast %add3A_422 : i32 to index
        %swap3A_424 = arith.constant 96 : index
        %swap3A_425 = tpu.vector_load %arg9[%swap3A_423, %swap3A_424] {strides = array<i32>} : memref<64x128xf32, #tpu.memory_space<vmem>>, vector<16xf32>,
        tpu.vector_store %arg9[%swap3A_423, %swap3A_424], %mul3A_420 {strides = array<i32>} : memref<64x128xf32, #tpu.memory_space<vmem>>, vector<16xf32>,
        %add3A_426 = arith.constant 1 : i32
        %add3A_427 = arith.addi %mul3A_187, %add3A_426 : i32
        %get3A_428 = arith.index_cast %add3A_427 : i32 to index
        %get3A_429 = arith.constant 112 : index
        %get3A_430 = tpu.vector_load %arg9[%get3A_428, %get3A_429] {strides = array<i32>} : memref<64x128xf32, #tpu.memory_space<vmem>>, vector<16xf32>,
        %add3A_431 = arith.constant 1 : i32
        %add3A_432 = arith.addi %mul3A_187, %add3A_431 : i32
        %get3A_433 = arith.index_cast %add3A_432 : i32 to index
        %get3A_434 = arith.constant 112 : index
        %get3A_435 = tpu.vector_load %arg11[%get3A_433, %get3A_434] {strides = array<i32>} : memref<64x128xf32, #tpu.memory_space<vmem>>, vector<16xf32>,
        %mul3A_436 = arith.mulf %get3A_430, %get3A_435 : vector<16xf32>
        %add3A_437 = arith.constant 1 : i32
        %add3A_438 = arith.addi %mul3A_187, %add3A_437 : i32
        %swap3A_439 = arith.index_cast %add3A_438 : i32 to index
        %swap3A_440 = arith.constant 112 : index
        %swap3A_441 = tpu.vector_load %arg9[%swap3A_439, %swap3A_440] {strides = array<i32>} : memref<64x128xf32, #tpu.memory_space<vmem>>, vector<16xf32>,
        tpu.vector_store %arg9[%swap3A_439, %swap3A_440], %mul3A_436 {strides = array<i32>} : memref<64x128xf32, #tpu.memory_space<vmem>>, vector<16xf32>,
        %add3A_442 = arith.constant 2 : i32
        %add3A_443 = arith.addi %mul3A_187, %add3A_442 : i32
        %get3A_444 = arith.index_cast %add3A_443 : i32 to index
        %get3A_445 = arith.constant 0 : index
        %get3A_446 = tpu.vector_load %arg9[%get3A_444, %get3A_445] {strides = array<i32>} : memref<64x128xf32, #tpu.memory_space<vmem>>, vector<16xf32>,
        %add3A_447 = arith.constant 2 : i32
        %add3A_448 = arith.addi %mul3A_187, %add3A_447 : i32
        %get3A_449 = arith.index_cast %add3A_448 : i32 to index
        %get3A_450 = arith.constant 0 : index
        %get3A_451 = tpu.vector_load %arg11[%get3A_449, %get3A_450] {strides = array<i32>} : memref<64x128xf32, #tpu.memory_space<vmem>>, vector<16xf32>,
        %mul3A_452 = arith.mulf %get3A_446, %get3A_451 : vector<16xf32>
        %add3A_453 = arith.constant 2 : i32
        %add3A_454 = arith.addi %mul3A_187, %add3A_453 : i32
        %swap3A_455 = arith.index_cast %add3A_454 : i32 to index
        %swap3A_456 = arith.constant 0 : index
        %swap3A_457 = tpu.vector_load %arg9[%swap3A_455, %swap3A_456] {strides = array<i32>} : memref<64x128xf32, #tpu.memory_space<vmem>>, vector<16xf32>,
        tpu.vector_store %arg9[%swap3A_455, %swap3A_456], %mul3A_452 {strides = array<i32>} : memref<64x128xf32, #tpu.memory_space<vmem>>, vector<16xf32>,
        %add3A_458 = arith.constant 2 : i32
        %add3A_459 = arith.addi %mul3A_187, %add3A_458 : i32
        %get3A_460 = arith.index_cast %add3A_459 : i32 to index
        %get3A_461 = arith.constant 16 : index
        %get3A_462 = tpu.vector_load %arg9[%get3A_460, %get3A_461] {strides = array<i32>} : memref<64x128xf32, #tpu.memory_space<vmem>>, vector<16xf32>,
        %add3A_463 = arith.constant 2 : i32
        %add3A_464 = arith.addi %mul3A_187, %add3A_463 : i32
        %get3A_465 = arith.index_cast %add3A_464 : i32 to index
        %get3A_466 = arith.constant 16 : index
        %get3A_467 = tpu.vector_load %arg11[%get3A_465, %get3A_466] {strides = array<i32>} : memref<64x128xf32, #tpu.memory_space<vmem>>, vector<16xf32>,
        %mul3A_468 = arith.mulf %get3A_462, %get3A_467 : vector<16xf32>
        %add3A_469 = arith.constant 2 : i32
        %add3A_470 = arith.addi %mul3A_187, %add3A_469 : i32
        %swap3A_471 = arith.index_cast %add3A_470 : i32 to index
        %swap3A_472 = arith.constant 16 : index
        %swap3A_473 = tpu.vector_load %arg9[%swap3A_471, %swap3A_472] {strides = array<i32>} : memref<64x128xf32, #tpu.memory_space<vmem>>, vector<16xf32>,
        tpu.vector_store %arg9[%swap3A_471, %swap3A_472], %mul3A_468 {strides = array<i32>} : memref<64x128xf32, #tpu.memory_space<vmem>>, vector<16xf32>,
        %add3A_474 = arith.constant 2 : i32
        %add3A_475 = arith.addi %mul3A_187, %add3A_474 : i32
        %get3A_476 = arith.index_cast %add3A_475 : i32 to index
        %get3A_477 = arith.constant 32 : index
        %get3A_478 = tpu.vector_load %arg9[%get3A_476, %get3A_477] {strides = array<i32>} : memref<64x128xf32, #tpu.memory_space<vmem>>, vector<16xf32>,
        %add3A_479 = arith.constant 2 : i32
        %add3A_480 = arith.addi %mul3A_187, %add3A_479 : i32
        %get3A_481 = arith.index_cast %add3A_480 : i32 to index
        %get3A_482 = arith.constant 32 : index
        %get3A_483 = tpu.vector_load %arg11[%get3A_481, %get3A_482] {strides = array<i32>} : memref<64x128xf32, #tpu.memory_space<vmem>>, vector<16xf32>,
        %mul3A_484 = arith.mulf %get3A_478, %get3A_483 : vector<16xf32>
        %add3A_485 = arith.constant 2 : i32
        %add3A_486 = arith.addi %mul3A_187, %add3A_485 : i32
        %swap3A_487 = arith.index_cast %add3A_486 : i32 to index
        %swap3A_488 = arith.constant 32 : index
        %swap3A_489 = tpu.vector_load %arg9[%swap3A_487, %swap3A_488] {strides = array<i32>} : memref<64x128xf32, #tpu.memory_space<vmem>>, vector<16xf32>,
        tpu.vector_store %arg9[%swap3A_487, %swap3A_488], %mul3A_484 {strides = array<i32>} : memref<64x128xf32, #tpu.memory_space<vmem>>, vector<16xf32>,
        %add3A_490 = arith.constant 2 : i32
        %add3A_491 = arith.addi %mul3A_187, %add3A_490 : i32
        %get3A_492 = arith.index_cast %add3A_491 : i32 to index
        %get3A_493 = arith.constant 48 : index
        %get3A_494 = tpu.vector_load %arg9[%get3A_492, %get3A_493] {strides = array<i32>} : memref<64x128xf32, #tpu.memory_space<vmem>>, vector<16xf32>,
        %add3A_495 = arith.constant 2 : i32
        %add3A_496 = arith.addi %mul3A_187, %add3A_495 : i32
        %get3A_497 = arith.index_cast %add3A_496 : i32 to index
        %get3A_498 = arith.constant 48 : index
        %get3A_499 = tpu.vector_load %arg11[%get3A_497, %get3A_498] {strides = array<i32>} : memref<64x128xf32, #tpu.memory_space<vmem>>, vector<16xf32>,
        %mul3A_500 = arith.mulf %get3A_494, %get3A_499 : vector<16xf32>
        %add3A_501 = arith.constant 2 : i32
        %add3A_502 = arith.addi %mul3A_187, %add3A_501 : i32
        %swap3A_503 = arith.index_cast %add3A_502 : i32 to index
        %swap3A_504 = arith.constant 48 : index
        %swap3A_505 = tpu.vector_load %arg9[%swap3A_503, %swap3A_504] {strides = array<i32>} : memref<64x128xf32, #tpu.memory_space<vmem>>, vector<16xf32>,
        tpu.vector_store %arg9[%swap3A_503, %swap3A_504], %mul3A_500 {strides = array<i32>} : memref<64x128xf32, #tpu.memory_space<vmem>>, vector<16xf32>,
        %add3A_506 = arith.constant 2 : i32
        %add3A_507 = arith.addi %mul3A_187, %add3A_506 : i32
        %get3A_508 = arith.index_cast %add3A_507 : i32 to index
        %get3A_509 = arith.constant 64 : index
        %get3A_510 = tpu.vector_load %arg9[%get3A_508, %get3A_509] {strides = array<i32>} : memref<64x128xf32, #tpu.memory_space<vmem>>, vector<16xf32>,
        %add3A_511 = arith.constant 2 : i32
        %add3A_512 = arith.addi %mul3A_187, %add3A_511 : i32
        %get3A_513 = arith.index_cast %add3A_512 : i32 to index
        %get3A_514 = arith.constant 64 : index
        %get3A_515 = tpu.vector_load %arg11[%get3A_513, %get3A_514] {strides = array<i32>} : memref<64x128xf32, #tpu.memory_space<vmem>>, vector<16xf32>,
        %mul3A_516 = arith.mulf %get3A_510, %get3A_515 : vector<16xf32>
        %add3A_517 = arith.constant 2 : i32
        %add3A_518 = arith.addi %mul3A_187, %add3A_517 : i32
        %swap3A_519 = arith.index_cast %add3A_518 : i32 to index
        %swap3A_520 = arith.constant 64 : index
        %swap3A_521 = tpu.vector_load %arg9[%swap3A_519, %swap3A_520] {strides = array<i32>} : memref<64x128xf32, #tpu.memory_space<vmem>>, vector<16xf32>,
        tpu.vector_store %arg9[%swap3A_519, %swap3A_520], %mul3A_516 {strides = array<i32>} : memref<64x128xf32, #tpu.memory_space<vmem>>, vector<16xf32>,
        %add3A_522 = arith.constant 2 : i32
        %add3A_523 = arith.addi %mul3A_187, %add3A_522 : i32
        %get3A_524 = arith.index_cast %add3A_523 : i32 to index
        %get3A_525 = arith.constant 80 : index
        %get3A_526 = tpu.vector_load %arg9[%get3A_524, %get3A_525] {strides = array<i32>} : memref<64x128xf32, #tpu.memory_space<vmem>>, vector<16xf32>,
        %add3A_527 = arith.constant 2 : i32
        %add3A_528 = arith.addi %mul3A_187, %add3A_527 : i32
        %get3A_529 = arith.index_cast %add3A_528 : i32 to index
        %get3A_530 = arith.constant 80 : index
        %get3A_531 = tpu.vector_load %arg11[%get3A_529, %get3A_530] {strides = array<i32>} : memref<64x128xf32, #tpu.memory_space<vmem>>, vector<16xf32>,
        %mul3A_532 = arith.mulf %get3A_526, %get3A_531 : vector<16xf32>
        %add3A_533 = arith.constant 2 : i32
        %add3A_534 = arith.addi %mul3A_187, %add3A_533 : i32
        %swap3A_535 = arith.index_cast %add3A_534 : i32 to index
        %swap3A_536 = arith.constant 80 : index
        %swap3A_537 = tpu.vector_load %arg9[%swap3A_535, %swap3A_536] {strides = array<i32>} : memref<64x128xf32, #tpu.memory_space<vmem>>, vector<16xf32>,
        tpu.vector_store %arg9[%swap3A_535, %swap3A_536], %mul3A_532 {strides = array<i32>} : memref<64x128xf32, #tpu.memory_space<vmem>>, vector<16xf32>,
        %add3A_538 = arith.constant 2 : i32
        %add3A_539 = arith.addi %mul3A_187, %add3A_538 : i32
        %get3A_540 = arith.index_cast %add3A_539 : i32 to index
        %get3A_541 = arith.constant 96 : index
        %get3A_542 = tpu.vector_load %arg9[%get3A_540, %get3A_541] {strides = array<i32>} : memref<64x128xf32, #tpu.memory_space<vmem>>, vector<16xf32>,
        %add3A_543 = arith.constant 2 : i32
        %add3A_544 = arith.addi %mul3A_187, %add3A_543 : i32
        %get3A_545 = arith.index_cast %add3A_544 : i32 to index
        %get3A_546 = arith.constant 96 : index
        %get3A_547 = tpu.vector_load %arg11[%get3A_545, %get3A_546] {strides = array<i32>} : memref<64x128xf32, #tpu.memory_space<vmem>>, vector<16xf32>,
        %mul3A_548 = arith.mulf %get3A_542, %get3A_547 : vector<16xf32>
        %add3A_549 = arith.constant 2 : i32
        %add3A_550 = arith.addi %mul3A_187, %add3A_549 : i32
        %swap3A_551 = arith.index_cast %add3A_550 : i32 to index
        %swap3A_552 = arith.constant 96 : index
        %swap3A_553 = tpu.vector_load %arg9[%swap3A_551, %swap3A_552] {strides = array<i32>} : memref<64x128xf32, #tpu.memory_space<vmem>>, vector<16xf32>,
        tpu.vector_store %arg9[%swap3A_551, %swap3A_552], %mul3A_548 {strides = array<i32>} : memref<64x128xf32, #tpu.memory_space<vmem>>, vector<16xf32>,
        %add3A_554 = arith.constant 2 : i32
        %add3A_555 = arith.addi %mul3A_187, %add3A_554 : i32
        %get3A_556 = arith.index_cast %add3A_555 : i32 to index
        %get3A_557 = arith.constant 112 : index
        %get3A_558 = tpu.vector_load %arg9[%get3A_556, %get3A_557] {strides = array<i32>} : memref<64x128xf32, #tpu.memory_space<vmem>>, vector<16xf32>,
        %add3A_559 = arith.constant 2 : i32
        %add3A_560 = arith.addi %mul3A_187, %add3A_559 : i32
        %get3A_561 = arith.index_cast %add3A_560 : i32 to index
        %get3A_562 = arith.constant 112 : index
        %get3A_563 = tpu.vector_load %arg11[%get3A_561, %get3A_562] {strides = array<i32>} : memref<64x128xf32, #tpu.memory_space<vmem>>, vector<16xf32>,
        %mul3A_564 = arith.mulf %get3A_558, %get3A_563 : vector<16xf32>
        %add3A_565 = arith.constant 2 : i32
        %add3A_566 = arith.addi %mul3A_187, %add3A_565 : i32
        %swap3A_567 = arith.index_cast %add3A_566 : i32 to index
        %swap3A_568 = arith.constant 112 : index
        %swap3A_569 = tpu.vector_load %arg9[%swap3A_567, %swap3A_568] {strides = array<i32>} : memref<64x128xf32, #tpu.memory_space<vmem>>, vector<16xf32>,
        tpu.vector_store %arg9[%swap3A_567, %swap3A_568], %mul3A_564 {strides = array<i32>} : memref<64x128xf32, #tpu.memory_space<vmem>>, vector<16xf32>,
        %add3A_570 = arith.constant 3 : i32
        %add3A_571 = arith.addi %mul3A_187, %add3A_570 : i32
        %get3A_572 = arith.index_cast %add3A_571 : i32 to index
        %get3A_573 = arith.constant 0 : index
        %get3A_574 = tpu.vector_load %arg9[%get3A_572, %get3A_573] {strides = array<i32>} : memref<64x128xf32, #tpu.memory_space<vmem>>, vector<16xf32>,
        %add3A_575 = arith.constant 3 : i32
        %add3A_576 = arith.addi %mul3A_187, %add3A_575 : i32
        %get3A_577 = arith.index_cast %add3A_576 : i32 to index
        %get3A_578 = arith.constant 0 : index
        %get3A_579 = tpu.vector_load %arg11[%get3A_577, %get3A_578] {strides = array<i32>} : memref<64x128xf32, #tpu.memory_space<vmem>>, vector<16xf32>,
        %mul3A_580 = arith.mulf %get3A_574, %get3A_579 : vector<16xf32>
        %add3A_581 = arith.constant 3 : i32
        %add3A_582 = arith.addi %mul3A_187, %add3A_581 : i32
        %swap3A_583 = arith.index_cast %add3A_582 : i32 to index
        %swap3A_584 = arith.constant 0 : index
        %swap3A_585 = tpu.vector_load %arg9[%swap3A_583, %swap3A_584] {strides = array<i32>} : memref<64x128xf32, #tpu.memory_space<vmem>>, vector<16xf32>,
        tpu.vector_store %arg9[%swap3A_583, %swap3A_584], %mul3A_580 {strides = array<i32>} : memref<64x128xf32, #tpu.memory_space<vmem>>, vector<16xf32>,
        %add3A_586 = arith.constant 3 : i32
        %add3A_587 = arith.addi %mul3A_187, %add3A_586 : i32
        %get3A_588 = arith.index_cast %add3A_587 : i32 to index
        %get3A_589 = arith.constant 16 : index
        %get3A_590 = tpu.vector_load %arg9[%get3A_588, %get3A_589] {strides = array<i32>} : memref<64x128xf32, #tpu.memory_space<vmem>>, vector<16xf32>,
        %add3A_591 = arith.constant 3 : i32
        %add3A_592 = arith.addi %mul3A_187, %add3A_591 : i32
        %get3A_593 = arith.index_cast %add3A_592 : i32 to index
        %get3A_594 = arith.constant 16 : index
        %get3A_595 = tpu.vector_load %arg11[%get3A_593, %get3A_594] {strides = array<i32>} : memref<64x128xf32, #tpu.memory_space<vmem>>, vector<16xf32>,
        %mul3A_596 = arith.mulf %get3A_590, %get3A_595 : vector<16xf32>
        %add3A_597 = arith.constant 3 : i32
        %add3A_598 = arith.addi %mul3A_187, %add3A_597 : i32
        %swap3A_599 = arith.index_cast %add3A_598 : i32 to index
        %swap3A_600 = arith.constant 16 : index
        %swap3A_601 = tpu.vector_load %arg9[%swap3A_599, %swap3A_600] {strides = array<i32>} : memref<64x128xf32, #tpu.memory_space<vmem>>, vector<16xf32>,
        tpu.vector_store %arg9[%swap3A_599, %swap3A_600], %mul3A_596 {strides = array<i32>} : memref<64x128xf32, #tpu.memory_space<vmem>>, vector<16xf32>,
        %add3A_602 = arith.constant 3 : i32
        %add3A_603 = arith.addi %mul3A_187, %add3A_602 : i32
        %get3A_604 = arith.index_cast %add3A_603 : i32 to index
        %get3A_605 = arith.constant 32 : index
        %get3A_606 = tpu.vector_load %arg9[%get3A_604, %get3A_605] {strides = array<i32>} : memref<64x128xf32, #tpu.memory_space<vmem>>, vector<16xf32>,
        %add3A_607 = arith.constant 3 : i32
        %add3A_608 = arith.addi %mul3A_187, %add3A_607 : i32
        %get3A_609 = arith.index_cast %add3A_608 : i32 to index
        %get3A_610 = arith.constant 32 : index
        %get3A_611 = tpu.vector_load %arg11[%get3A_609, %get3A_610] {strides = array<i32>} : memref<64x128xf32, #tpu.memory_space<vmem>>, vector<16xf32>,
        %mul3A_612 = arith.mulf %get3A_606, %get3A_611 : vector<16xf32>
        %add3A_613 = arith.constant 3 : i32
        %add3A_614 = arith.addi %mul3A_187, %add3A_613 : i32
        %swap3A_615 = arith.index_cast %add3A_614 : i32 to index
        %swap3A_616 = arith.constant 32 : index
        %swap3A_617 = tpu.vector_load %arg9[%swap3A_615, %swap3A_616] {strides = array<i32>} : memref<64x128xf32, #tpu.memory_space<vmem>>, vector<16xf32>,
        tpu.vector_store %arg9[%swap3A_615, %swap3A_616], %mul3A_612 {strides = array<i32>} : memref<64x128xf32, #tpu.memory_space<vmem>>, vector<16xf32>,
        %add3A_618 = arith.constant 3 : i32
        %add3A_619 = arith.addi %mul3A_187, %add3A_618 : i32
        %get3A_620 = arith.index_cast %add3A_619 : i32 to index
        %get3A_621 = arith.constant 48 : index
        %get3A_622 = tpu.vector_load %arg9[%get3A_620, %get3A_621] {strides = array<i32>} : memref<64x128xf32, #tpu.memory_space<vmem>>, vector<16xf32>,
        %add3A_623 = arith.constant 3 : i32
        %add3A_624 = arith.addi %mul3A_187, %add3A_623 : i32
        %get3A_625 = arith.index_cast %add3A_624 : i32 to index
        %get3A_626 = arith.constant 48 : index
        %get3A_627 = tpu.vector_load %arg11[%get3A_625, %get3A_626] {strides = array<i32>} : memref<64x128xf32, #tpu.memory_space<vmem>>, vector<16xf32>,
        %mul3A_628 = arith.mulf %get3A_622, %get3A_627 : vector<16xf32>
        %add3A_629 = arith.constant 3 : i32
        %add3A_630 = arith.addi %mul3A_187, %add3A_629 : i32
        %swap3A_631 = arith.index_cast %add3A_630 : i32 to index
        %swap3A_632 = arith.constant 48 : index
        %swap3A_633 = tpu.vector_load %arg9[%swap3A_631, %swap3A_632] {strides = array<i32>} : memref<64x128xf32, #tpu.memory_space<vmem>>, vector<16xf32>,
        tpu.vector_store %arg9[%swap3A_631, %swap3A_632], %mul3A_628 {strides = array<i32>} : memref<64x128xf32, #tpu.memory_space<vmem>>, vector<16xf32>,
        %add3A_634 = arith.constant 3 : i32
        %add3A_635 = arith.addi %mul3A_187, %add3A_634 : i32
        %get3A_636 = arith.index_cast %add3A_635 : i32 to index
        %get3A_637 = arith.constant 64 : index
        %get3A_638 = tpu.vector_load %arg9[%get3A_636, %get3A_637] {strides = array<i32>} : memref<64x128xf32, #tpu.memory_space<vmem>>, vector<16xf32>,
        %add3A_639 = arith.constant 3 : i32
        %add3A_640 = arith.addi %mul3A_187, %add3A_639 : i32
        %get3A_641 = arith.index_cast %add3A_640 : i32 to index
        %get3A_642 = arith.constant 64 : index
        %get3A_643 = tpu.vector_load %arg11[%get3A_641, %get3A_642] {strides = array<i32>} : memref<64x128xf32, #tpu.memory_space<vmem>>, vector<16xf32>,
        %mul3A_644 = arith.mulf %get3A_638, %get3A_643 : vector<16xf32>
        %add3A_645 = arith.constant 3 : i32
        %add3A_646 = arith.addi %mul3A_187, %add3A_645 : i32
        %swap3A_647 = arith.index_cast %add3A_646 : i32 to index
        %swap3A_648 = arith.constant 64 : index
        %swap3A_649 = tpu.vector_load %arg9[%swap3A_647, %swap3A_648] {strides = array<i32>} : memref<64x128xf32, #tpu.memory_space<vmem>>, vector<16xf32>,
        tpu.vector_store %arg9[%swap3A_647, %swap3A_648], %mul3A_644 {strides = array<i32>} : memref<64x128xf32, #tpu.memory_space<vmem>>, vector<16xf32>,
        %add3A_650 = arith.constant 3 : i32
        %add3A_651 = arith.addi %mul3A_187, %add3A_650 : i32
        %get3A_652 = arith.index_cast %add3A_651 : i32 to index
        %get3A_653 = arith.constant 80 : index
        %get3A_654 = tpu.vector_load %arg9[%get3A_652, %get3A_653] {strides = array<i32>} : memref<64x128xf32, #tpu.memory_space<vmem>>, vector<16xf32>,
        %add3A_655 = arith.constant 3 : i32
        %add3A_656 = arith.addi %mul3A_187, %add3A_655 : i32
        %get3A_657 = arith.index_cast %add3A_656 : i32 to index
        %get3A_658 = arith.constant 80 : index
        %get3A_659 = tpu.vector_load %arg11[%get3A_657, %get3A_658] {strides = array<i32>} : memref<64x128xf32, #tpu.memory_space<vmem>>, vector<16xf32>,
        %mul3A_660 = arith.mulf %get3A_654, %get3A_659 : vector<16xf32>
        %add3A_661 = arith.constant 3 : i32
        %add3A_662 = arith.addi %mul3A_187, %add3A_661 : i32
        %swap3A_663 = arith.index_cast %add3A_662 : i32 to index
        %swap3A_664 = arith.constant 80 : index
        %swap3A_665 = tpu.vector_load %arg9[%swap3A_663, %swap3A_664] {strides = array<i32>} : memref<64x128xf32, #tpu.memory_space<vmem>>, vector<16xf32>,
        tpu.vector_store %arg9[%swap3A_663, %swap3A_664], %mul3A_660 {strides = array<i32>} : memref<64x128xf32, #tpu.memory_space<vmem>>, vector<16xf32>,
        %add3A_666 = arith.constant 3 : i32
        %add3A_667 = arith.addi %mul3A_187, %add3A_666 : i32
        %get3A_668 = arith.index_cast %add3A_667 : i32 to index
        %get3A_669 = arith.constant 96 : index
        %get3A_670 = tpu.vector_load %arg9[%get3A_668, %get3A_669] {strides = array<i32>} : memref<64x128xf32, #tpu.memory_space<vmem>>, vector<16xf32>,
        %add3A_671 = arith.constant 3 : i32
        %add3A_672 = arith.addi %mul3A_187, %add3A_671 : i32
        %get3A_673 = arith.index_cast %add3A_672 : i32 to index
        %get3A_674 = arith.constant 96 : index
        %get3A_675 = tpu.vector_load %arg11[%get3A_673, %get3A_674] {strides = array<i32>} : memref<64x128xf32, #tpu.memory_space<vmem>>, vector<16xf32>,
        %mul3A_676 = arith.mulf %get3A_670, %get3A_675 : vector<16xf32>
        %add3A_677 = arith.constant 3 : i32
        %add3A_678 = arith.addi %mul3A_187, %add3A_677 : i32
        %swap3A_679 = arith.index_cast %add3A_678 : i32 to index
        %swap3A_680 = arith.constant 96 : index
        %swap3A_681 = tpu.vector_load %arg9[%swap3A_679, %swap3A_680] {strides = array<i32>} : memref<64x128xf32, #tpu.memory_space<vmem>>, vector<16xf32>,
        tpu.vector_store %arg9[%swap3A_679, %swap3A_680], %mul3A_676 {strides = array<i32>} : memref<64x128xf32, #tpu.memory_space<vmem>>, vector<16xf32>,
        %add3A_682 = arith.constant 3 : i32
        %add3A_683 = arith.addi %mul3A_187, %add3A_682 : i32
        %get3A_684 = arith.index_cast %add3A_683 : i32 to index
        %get3A_685 = arith.constant 112 : index
        %get3A_686 = tpu.vector_load %arg9[%get3A_684, %get3A_685] {strides = array<i32>} : memref<64x128xf32, #tpu.memory_space<vmem>>, vector<16xf32>,
        %add3A_687 = arith.constant 3 : i32
        %add3A_688 = arith.addi %mul3A_187, %add3A_687 : i32
        %get3A_689 = arith.index_cast %add3A_688 : i32 to index
        %get3A_690 = arith.constant 112 : index
        %get3A_691 = tpu.vector_load %arg11[%get3A_689, %get3A_690] {strides = array<i32>} : memref<64x128xf32, #tpu.memory_space<vmem>>, vector<16xf32>,
        %mul3A_692 = arith.mulf %get3A_686, %get3A_691 : vector<16xf32>
        %add3A_693 = arith.constant 3 : i32
        %add3A_694 = arith.addi %mul3A_187, %add3A_693 : i32
        %swap3A_695 = arith.index_cast %add3A_694 : i32 to index
        %swap3A_696 = arith.constant 112 : index
        %swap3A_697 = tpu.vector_load %arg9[%swap3A_695, %swap3A_696] {strides = array<i32>} : memref<64x128xf32, #tpu.memory_space<vmem>>, vector<16xf32>,
        tpu.vector_store %arg9[%swap3A_695, %swap3A_696], %mul3A_692 {strides = array<i32>} : memref<64x128xf32, #tpu.memory_space<vmem>>, vector<16xf32>,
        %add3A_698 = arith.constant 4 : i32
        %add3A_699 = arith.addi %mul3A_187, %add3A_698 : i32
        %get3A_700 = arith.index_cast %add3A_699 : i32 to index
        %get3A_701 = arith.constant 0 : index
        %get3A_702 = tpu.vector_load %arg9[%get3A_700, %get3A_701] {strides = array<i32>} : memref<64x128xf32, #tpu.memory_space<vmem>>, vector<16xf32>,
        %add3A_703 = arith.constant 4 : i32
        %add3A_704 = arith.addi %mul3A_187, %add3A_703 : i32
        %get3A_705 = arith.index_cast %add3A_704 : i32 to index
        %get3A_706 = arith.constant 0 : index
        %get3A_707 = tpu.vector_load %arg11[%get3A_705, %get3A_706] {strides = array<i32>} : memref<64x128xf32, #tpu.memory_space<vmem>>, vector<16xf32>,
        %mul3A_708 = arith.mulf %get3A_702, %get3A_707 : vector<16xf32>
        %add3A_709 = arith.constant 4 : i32
        %add3A_710 = arith.addi %mul3A_187, %add3A_709 : i32
        %swap3A_711 = arith.index_cast %add3A_710 : i32 to index
        %swap3A_712 = arith.constant 0 : index
        %swap3A_713 = tpu.vector_load %arg9[%swap3A_711, %swap3A_712] {strides = array<i32>} : memref<64x128xf32, #tpu.memory_space<vmem>>, vector<16xf32>,
        tpu.vector_store %arg9[%swap3A_711, %swap3A_712], %mul3A_708 {strides = array<i32>} : memref<64x128xf32, #tpu.memory_space<vmem>>, vector<16xf32>,
        %add3A_714 = arith.constant 4 : i32
        %add3A_715 = arith.addi %mul3A_187, %add3A_714 : i32
        %get3A_716 = arith.index_cast %add3A_715 : i32 to index
        %get3A_717 = arith.constant 16 : index
        %get3A_718 = tpu.vector_load %arg9[%get3A_716, %get3A_717] {strides = array<i32>} : memref<64x128xf32, #tpu.memory_space<vmem>>, vector<16xf32>,
        %add3A_719 = arith.constant 4 : i32
        %add3A_720 = arith.addi %mul3A_187, %add3A_719 : i32
        %get3A_721 = arith.index_cast %add3A_720 : i32 to index
        %get3A_722 = arith.constant 16 : index
        %get3A_723 = tpu.vector_load %arg11[%get3A_721, %get3A_722] {strides = array<i32>} : memref<64x128xf32, #tpu.memory_space<vmem>>, vector<16xf32>,
        %mul3A_724 = arith.mulf %get3A_718, %get3A_723 : vector<16xf32>
        %add3A_725 = arith.constant 4 : i32
        %add3A_726 = arith.addi %mul3A_187, %add3A_725 : i32
        %swap3A_727 = arith.index_cast %add3A_726 : i32 to index
        %swap3A_728 = arith.constant 16 : index
        %swap3A_729 = tpu.vector_load %arg9[%swap3A_727, %swap3A_728] {strides = array<i32>} : memref<64x128xf32, #tpu.memory_space<vmem>>, vector<16xf32>,
        tpu.vector_store %arg9[%swap3A_727, %swap3A_728], %mul3A_724 {strides = array<i32>} : memref<64x128xf32, #tpu.memory_space<vmem>>, vector<16xf32>,
        %add3A_730 = arith.constant 4 : i32
        %add3A_731 = arith.addi %mul3A_187, %add3A_730 : i32
        %get3A_732 = arith.index_cast %add3A_731 : i32 to index
        %get3A_733 = arith.constant 32 : index
        %get3A_734 = tpu.vector_load %arg9[%get3A_732, %get3A_733] {strides = array<i32>} : memref<64x128xf32, #tpu.memory_space<vmem>>, vector<16xf32>,
        %add3A_735 = arith.constant 4 : i32
        %add3A_736 = arith.addi %mul3A_187, %add3A_735 : i32
        %get3A_737 = arith.index_cast %add3A_736 : i32 to index
        %get3A_738 = arith.constant 32 : index
        %get3A_739 = tpu.vector_load %arg11[%get3A_737, %get3A_738] {strides = array<i32>} : memref<64x128xf32, #tpu.memory_space<vmem>>, vector<16xf32>,
        %mul3A_740 = arith.mulf %get3A_734, %get3A_739 : vector<16xf32>
        %add3A_741 = arith.constant 4 : i32
        %add3A_742 = arith.addi %mul3A_187, %add3A_741 : i32
        %swap3A_743 = arith.index_cast %add3A_742 : i32 to index
        %swap3A_744 = arith.constant 32 : index
        %swap3A_745 = tpu.vector_load %arg9[%swap3A_743, %swap3A_744] {strides = array<i32>} : memref<64x128xf32, #tpu.memory_space<vmem>>, vector<16xf32>,
        tpu.vector_store %arg9[%swap3A_743, %swap3A_744], %mul3A_740 {strides = array<i32>} : memref<64x128xf32, #tpu.memory_space<vmem>>, vector<16xf32>,
        %add3A_746 = arith.constant 4 : i32
        %add3A_747 = arith.addi %mul3A_187, %add3A_746 : i32
        %get3A_748 = arith.index_cast %add3A_747 : i32 to index
        %get3A_749 = arith.constant 48 : index
        %get3A_750 = tpu.vector_load %arg9[%get3A_748, %get3A_749] {strides = array<i32>} : memref<64x128xf32, #tpu.memory_space<vmem>>, vector<16xf32>,
        %add3A_751 = arith.constant 4 : i32
        %add3A_752 = arith.addi %mul3A_187, %add3A_751 : i32
        %get3A_753 = arith.index_cast %add3A_752 : i32 to index
        %get3A_754 = arith.constant 48 : index
        %get3A_755 = tpu.vector_load %arg11[%get3A_753, %get3A_754] {strides = array<i32>} : memref<64x128xf32, #tpu.memory_space<vmem>>, vector<16xf32>,
        %mul3A_756 = arith.mulf %get3A_750, %get3A_755 : vector<16xf32>
        %add3A_757 = arith.constant 4 : i32
        %add3A_758 = arith.addi %mul3A_187, %add3A_757 : i32
        %swap3A_759 = arith.index_cast %add3A_758 : i32 to index
        %swap3A_760 = arith.constant 48 : index
        %swap3A_761 = tpu.vector_load %arg9[%swap3A_759, %swap3A_760] {strides = array<i32>} : memref<64x128xf32, #tpu.memory_space<vmem>>, vector<16xf32>,
        tpu.vector_store %arg9[%swap3A_759, %swap3A_760], %mul3A_756 {strides = array<i32>} : memref<64x128xf32, #tpu.memory_space<vmem>>, vector<16xf32>,
        %add3A_762 = arith.constant 4 : i32
        %add3A_763 = arith.addi %mul3A_187, %add3A_762 : i32
        %get3A_764 = arith.index_cast %add3A_763 : i32 to index
        %get3A_765 = arith.constant 64 : index
        %get3A_766 = tpu.vector_load %arg9[%get3A_764, %get3A_765] {strides = array<i32>} : memref<64x128xf32, #tpu.memory_space<vmem>>, vector<16xf32>,
        %add3A_767 = arith.constant 4 : i32
        %add3A_768 = arith.addi %mul3A_187, %add3A_767 : i32
        %get3A_769 = arith.index_cast %add3A_768 : i32 to index
        %get3A_770 = arith.constant 64 : index
        %get3A_771 = tpu.vector_load %arg11[%get3A_769, %get3A_770] {strides = array<i32>} : memref<64x128xf32, #tpu.memory_space<vmem>>, vector<16xf32>,
        %mul3A_772 = arith.mulf %get3A_766, %get3A_771 : vector<16xf32>
        %add3A_773 = arith.constant 4 : i32
        %add3A_774 = arith.addi %mul3A_187, %add3A_773 : i32
        %swap3A_775 = arith.index_cast %add3A_774 : i32 to index
        %swap3A_776 = arith.constant 64 : index
        %swap3A_777 = tpu.vector_load %arg9[%swap3A_775, %swap3A_776] {strides = array<i32>} : memref<64x128xf32, #tpu.memory_space<vmem>>, vector<16xf32>,
        tpu.vector_store %arg9[%swap3A_775, %swap3A_776], %mul3A_772 {strides = array<i32>} : memref<64x128xf32, #tpu.memory_space<vmem>>, vector<16xf32>,
        %add3A_778 = arith.constant 4 : i32
        %add3A_779 = arith.addi %mul3A_187, %add3A_778 : i32
        %get3A_780 = arith.index_cast %add3A_779 : i32 to index
        %get3A_781 = arith.constant 80 : index
        %get3A_782 = tpu.vector_load %arg9[%get3A_780, %get3A_781] {strides = array<i32>} : memref<64x128xf32, #tpu.memory_space<vmem>>, vector<16xf32>,
        %add3A_783 = arith.constant 4 : i32
        %add3A_784 = arith.addi %mul3A_187, %add3A_783 : i32
        %get3A_785 = arith.index_cast %add3A_784 : i32 to index
        %get3A_786 = arith.constant 80 : index
        %get3A_787 = tpu.vector_load %arg11[%get3A_785, %get3A_786] {strides = array<i32>} : memref<64x128xf32, #tpu.memory_space<vmem>>, vector<16xf32>,
        %mul3A_788 = arith.mulf %get3A_782, %get3A_787 : vector<16xf32>
        %add3A_789 = arith.constant 4 : i32
        %add3A_790 = arith.addi %mul3A_187, %add3A_789 : i32
        %swap3A_791 = arith.index_cast %add3A_790 : i32 to index
        %swap3A_792 = arith.constant 80 : index
        %swap3A_793 = tpu.vector_load %arg9[%swap3A_791, %swap3A_792] {strides = array<i32>} : memref<64x128xf32, #tpu.memory_space<vmem>>, vector<16xf32>,
        tpu.vector_store %arg9[%swap3A_791, %swap3A_792], %mul3A_788 {strides = array<i32>} : memref<64x128xf32, #tpu.memory_space<vmem>>, vector<16xf32>,
        %add3A_794 = arith.constant 4 : i32
        %add3A_795 = arith.addi %mul3A_187, %add3A_794 : i32
        %get3A_796 = arith.index_cast %add3A_795 : i32 to index
        %get3A_797 = arith.constant 96 : index
        %get3A_798 = tpu.vector_load %arg9[%get3A_796, %get3A_797] {strides = array<i32>} : memref<64x128xf32, #tpu.memory_space<vmem>>, vector<16xf32>,
        %add3A_799 = arith.constant 4 : i32
        %add3A_800 = arith.addi %mul3A_187, %add3A_799 : i32
        %get3A_801 = arith.index_cast %add3A_800 : i32 to index
        %get3A_802 = arith.constant 96 : index
        %get3A_803 = tpu.vector_load %arg11[%get3A_801, %get3A_802] {strides = array<i32>} : memref<64x128xf32, #tpu.memory_space<vmem>>, vector<16xf32>,
        %mul3A_804 = arith.mulf %get3A_798, %get3A_803 : vector<16xf32>
        %add3A_805 = arith.constant 4 : i32
        %add3A_806 = arith.addi %mul3A_187, %add3A_805 : i32
        %swap3A_807 = arith.index_cast %add3A_806 : i32 to index
        %swap3A_808 = arith.constant 96 : index
        %swap3A_809 = tpu.vector_load %arg9[%swap3A_807, %swap3A_808] {strides = array<i32>} : memref<64x128xf32, #tpu.memory_space<vmem>>, vector<16xf32>,
        tpu.vector_store %arg9[%swap3A_807, %swap3A_808], %mul3A_804 {strides = array<i32>} : memref<64x128xf32, #tpu.memory_space<vmem>>, vector<16xf32>,
        %add3A_810 = arith.constant 4 : i32
        %add3A_811 = arith.addi %mul3A_187, %add3A_810 : i32
        %get3A_812 = arith.index_cast %add3A_811 : i32 to index
        %get3A_813 = arith.constant 112 : index
        %get3A_814 = tpu.vector_load %arg9[%get3A_812, %get3A_813] {strides = array<i32>} : memref<64x128xf32, #tpu.memory_space<vmem>>, vector<16xf32>,
        %add3A_815 = arith.constant 4 : i32
        %add3A_816 = arith.addi %mul3A_187, %add3A_815 : i32
        %get3A_817 = arith.index_cast %add3A_816 : i32 to index
        %get3A_818 = arith.constant 112 : index
        %get3A_819 = tpu.vector_load %arg11[%get3A_817, %get3A_818] {strides = array<i32>} : memref<64x128xf32, #tpu.memory_space<vmem>>, vector<16xf32>,
        %mul3A_820 = arith.mulf %get3A_814, %get3A_819 : vector<16xf32>
        %add3A_821 = arith.constant 4 : i32
        %add3A_822 = arith.addi %mul3A_187, %add3A_821 : i32
        %swap3A_823 = arith.index_cast %add3A_822 : i32 to index
        %swap3A_824 = arith.constant 112 : index
        %swap3A_825 = tpu.vector_load %arg9[%swap3A_823, %swap3A_824] {strides = array<i32>} : memref<64x128xf32, #tpu.memory_space<vmem>>, vector<16xf32>,
        tpu.vector_store %arg9[%swap3A_823, %swap3A_824], %mul3A_820 {strides = array<i32>} : memref<64x128xf32, #tpu.memory_space<vmem>>, vector<16xf32>,
        %add3A_826 = arith.constant 5 : i32
        %add3A_827 = arith.addi %mul3A_187, %add3A_826 : i32
        %get3A_828 = arith.index_cast %add3A_827 : i32 to index
        %get3A_829 = arith.constant 0 : index
        %get3A_830 = tpu.vector_load %arg9[%get3A_828, %get3A_829] {strides = array<i32>} : memref<64x128xf32, #tpu.memory_space<vmem>>, vector<16xf32>,
        %add3A_831 = arith.constant 5 : i32
        %add3A_832 = arith.addi %mul3A_187, %add3A_831 : i32
        %get3A_833 = arith.index_cast %add3A_832 : i32 to index
        %get3A_834 = arith.constant 0 : index
        %get3A_835 = tpu.vector_load %arg11[%get3A_833, %get3A_834] {strides = array<i32>} : memref<64x128xf32, #tpu.memory_space<vmem>>, vector<16xf32>,
        %mul3A_836 = arith.mulf %get3A_830, %get3A_835 : vector<16xf32>
        %add3A_837 = arith.constant 5 : i32
        %add3A_838 = arith.addi %mul3A_187, %add3A_837 : i32
        %swap3A_839 = arith.index_cast %add3A_838 : i32 to index
        %swap3A_840 = arith.constant 0 : index
        %swap3A_841 = tpu.vector_load %arg9[%swap3A_839, %swap3A_840] {strides = array<i32>} : memref<64x128xf32, #tpu.memory_space<vmem>>, vector<16xf32>,
        tpu.vector_store %arg9[%swap3A_839, %swap3A_840], %mul3A_836 {strides = array<i32>} : memref<64x128xf32, #tpu.memory_space<vmem>>, vector<16xf32>,
        %add3A_842 = arith.constant 5 : i32
        %add3A_843 = arith.addi %mul3A_187, %add3A_842 : i32
        %get3A_844 = arith.index_cast %add3A_843 : i32 to index
        %get3A_845 = arith.constant 16 : index
        %get3A_846 = tpu.vector_load %arg9[%get3A_844, %get3A_845] {strides = array<i32>} : memref<64x128xf32, #tpu.memory_space<vmem>>, vector<16xf32>,
        %add3A_847 = arith.constant 5 : i32
        %add3A_848 = arith.addi %mul3A_187, %add3A_847 : i32
        %get3A_849 = arith.index_cast %add3A_848 : i32 to index
        %get3A_850 = arith.constant 16 : index
        %get3A_851 = tpu.vector_load %arg11[%get3A_849, %get3A_850] {strides = array<i32>} : memref<64x128xf32, #tpu.memory_space<vmem>>, vector<16xf32>,
        %mul3A_852 = arith.mulf %get3A_846, %get3A_851 : vector<16xf32>
        %add3A_853 = arith.constant 5 : i32
        %add3A_854 = arith.addi %mul3A_187, %add3A_853 : i32
        %swap3A_855 = arith.index_cast %add3A_854 : i32 to index
        %swap3A_856 = arith.constant 16 : index
        %swap3A_857 = tpu.vector_load %arg9[%swap3A_855, %swap3A_856] {strides = array<i32>} : memref<64x128xf32, #tpu.memory_space<vmem>>, vector<16xf32>,
        tpu.vector_store %arg9[%swap3A_855, %swap3A_856], %mul3A_852 {strides = array<i32>} : memref<64x128xf32, #tpu.memory_space<vmem>>, vector<16xf32>,
        %add3A_858 = arith.constant 5 : i32
        %add3A_859 = arith.addi %mul3A_187, %add3A_858 : i32
        %get3A_860 = arith.index_cast %add3A_859 : i32 to index
        %get3A_861 = arith.constant 32 : index
        %get3A_862 = tpu.vector_load %arg9[%get3A_860, %get3A_861] {strides = array<i32>} : memref<64x128xf32, #tpu.memory_space<vmem>>, vector<16xf32>,
        %add3A_863 = arith.constant 5 : i32
        %add3A_864 = arith.addi %mul3A_187, %add3A_863 : i32
        %get3A_865 = arith.index_cast %add3A_864 : i32 to index
        %get3A_866 = arith.constant 32 : index
        %get3A_867 = tpu.vector_load %arg11[%get3A_865, %get3A_866] {strides = array<i32>} : memref<64x128xf32, #tpu.memory_space<vmem>>, vector<16xf32>,
        %mul3A_868 = arith.mulf %get3A_862, %get3A_867 : vector<16xf32>
        %add3A_869 = arith.constant 5 : i32
        %add3A_870 = arith.addi %mul3A_187, %add3A_869 : i32
        %swap3A_871 = arith.index_cast %add3A_870 : i32 to index
        %swap3A_872 = arith.constant 32 : index
        %swap3A_873 = tpu.vector_load %arg9[%swap3A_871, %swap3A_872] {strides = array<i32>} : memref<64x128xf32, #tpu.memory_space<vmem>>, vector<16xf32>,
        tpu.vector_store %arg9[%swap3A_871, %swap3A_872], %mul3A_868 {strides = array<i32>} : memref<64x128xf32, #tpu.memory_space<vmem>>, vector<16xf32>,
        %add3A_874 = arith.constant 5 : i32
        %add3A_875 = arith.addi %mul3A_187, %add3A_874 : i32
        %get3A_876 = arith.index_cast %add3A_875 : i32 to index
        %get3A_877 = arith.constant 48 : index
        %get3A_878 = tpu.vector_load %arg9[%get3A_876, %get3A_877] {strides = array<i32>} : memref<64x128xf32, #tpu.memory_space<vmem>>, vector<16xf32>,
        %add3A_879 = arith.constant 5 : i32
        %add3A_880 = arith.addi %mul3A_187, %add3A_879 : i32
        %get3A_881 = arith.index_cast %add3A_880 : i32 to index
        %get3A_882 = arith.constant 48 : index
        %get3A_883 = tpu.vector_load %arg11[%get3A_881, %get3A_882] {strides = array<i32>} : memref<64x128xf32, #tpu.memory_space<vmem>>, vector<16xf32>,
        %mul3A_884 = arith.mulf %get3A_878, %get3A_883 : vector<16xf32>
        %add3A_885 = arith.constant 5 : i32
        %add3A_886 = arith.addi %mul3A_187, %add3A_885 : i32
        %swap3A_887 = arith.index_cast %add3A_886 : i32 to index
        %swap3A_888 = arith.constant 48 : index
        %swap3A_889 = tpu.vector_load %arg9[%swap3A_887, %swap3A_888] {strides = array<i32>} : memref<64x128xf32, #tpu.memory_space<vmem>>, vector<16xf32>,
        tpu.vector_store %arg9[%swap3A_887, %swap3A_888], %mul3A_884 {strides = array<i32>} : memref<64x128xf32, #tpu.memory_space<vmem>>, vector<16xf32>,
        %add3A_890 = arith.constant 5 : i32
        %add3A_891 = arith.addi %mul3A_187, %add3A_890 : i32
        %get3A_892 = arith.index_cast %add3A_891 : i32 to index
        %get3A_893 = arith.constant 64 : index
        %get3A_894 = tpu.vector_load %arg9[%get3A_892, %get3A_893] {strides = array<i32>} : memref<64x128xf32, #tpu.memory_space<vmem>>, vector<16xf32>,
        %add3A_895 = arith.constant 5 : i32
        %add3A_896 = arith.addi %mul3A_187, %add3A_895 : i32
        %get3A_897 = arith.index_cast %add3A_896 : i32 to index
        %get3A_898 = arith.constant 64 : index
        %get3A_899 = tpu.vector_load %arg11[%get3A_897, %get3A_898] {strides = array<i32>} : memref<64x128xf32, #tpu.memory_space<vmem>>, vector<16xf32>,
        %mul3A_900 = arith.mulf %get3A_894, %get3A_899 : vector<16xf32>
        %add3A_901 = arith.constant 5 : i32
        %add3A_902 = arith.addi %mul3A_187, %add3A_901 : i32
        %swap3A_903 = arith.index_cast %add3A_902 : i32 to index
        %swap3A_904 = arith.constant 64 : index
        %swap3A_905 = tpu.vector_load %arg9[%swap3A_903, %swap3A_904] {strides = array<i32>} : memref<64x128xf32, #tpu.memory_space<vmem>>, vector<16xf32>,
        tpu.vector_store %arg9[%swap3A_903, %swap3A_904], %mul3A_900 {strides = array<i32>} : memref<64x128xf32, #tpu.memory_space<vmem>>, vector<16xf32>,
        %add3A_906 = arith.constant 5 : i32
        %add3A_907 = arith.addi %mul3A_187, %add3A_906 : i32
        %get3A_908 = arith.index_cast %add3A_907 : i32 to index
        %get3A_909 = arith.constant 80 : index
        %get3A_910 = tpu.vector_load %arg9[%get3A_908, %get3A_909] {strides = array<i32>} : memref<64x128xf32, #tpu.memory_space<vmem>>, vector<16xf32>,
        %add3A_911 = arith.constant 5 : i32
        %add3A_912 = arith.addi %mul3A_187, %add3A_911 : i32
        %get3A_913 = arith.index_cast %add3A_912 : i32 to index
        %get3A_914 = arith.constant 80 : index
        %get3A_915 = tpu.vector_load %arg11[%get3A_913, %get3A_914] {strides = array<i32>} : memref<64x128xf32, #tpu.memory_space<vmem>>, vector<16xf32>,
        %mul3A_916 = arith.mulf %get3A_910, %get3A_915 : vector<16xf32>
        %add3A_917 = arith.constant 5 : i32
        %add3A_918 = arith.addi %mul3A_187, %add3A_917 : i32
        %swap3A_919 = arith.index_cast %add3A_918 : i32 to index
        %swap3A_920 = arith.constant 80 : index
        %swap3A_921 = tpu.vector_load %arg9[%swap3A_919, %swap3A_920] {strides = array<i32>} : memref<64x128xf32, #tpu.memory_space<vmem>>, vector<16xf32>,
        tpu.vector_store %arg9[%swap3A_919, %swap3A_920], %mul3A_916 {strides = array<i32>} : memref<64x128xf32, #tpu.memory_space<vmem>>, vector<16xf32>,
        %add3A_922 = arith.constant 5 : i32
        %add3A_923 = arith.addi %mul3A_187, %add3A_922 : i32
        %get3A_924 = arith.index_cast %add3A_923 : i32 to index
        %get3A_925 = arith.constant 96 : index
        %get3A_926 = tpu.vector_load %arg9[%get3A_924, %get3A_925] {strides = array<i32>} : memref<64x128xf32, #tpu.memory_space<vmem>>, vector<16xf32>,
        %add3A_927 = arith.constant 5 : i32
        %add3A_928 = arith.addi %mul3A_187, %add3A_927 : i32
        %get3A_929 = arith.index_cast %add3A_928 : i32 to index
        %get3A_930 = arith.constant 96 : index
        %get3A_931 = tpu.vector_load %arg11[%get3A_929, %get3A_930] {strides = array<i32>} : memref<64x128xf32, #tpu.memory_space<vmem>>, vector<16xf32>,
        %mul3A_932 = arith.mulf %get3A_926, %get3A_931 : vector<16xf32>
        %add3A_933 = arith.constant 5 : i32
        %add3A_934 = arith.addi %mul3A_187, %add3A_933 : i32
        %swap3A_935 = arith.index_cast %add3A_934 : i32 to index
        %swap3A_936 = arith.constant 96 : index
        %swap3A_937 = tpu.vector_load %arg9[%swap3A_935, %swap3A_936] {strides = array<i32>} : memref<64x128xf32, #tpu.memory_space<vmem>>, vector<16xf32>,
        tpu.vector_store %arg9[%swap3A_935, %swap3A_936], %mul3A_932 {strides = array<i32>} : memref<64x128xf32, #tpu.memory_space<vmem>>, vector<16xf32>,
        %add3A_938 = arith.constant 5 : i32
        %add3A_939 = arith.addi %mul3A_187, %add3A_938 : i32
        %get3A_940 = arith.index_cast %add3A_939 : i32 to index
        %get3A_941 = arith.constant 112 : index
        %get3A_942 = tpu.vector_load %arg9[%get3A_940, %get3A_941] {strides = array<i32>} : memref<64x128xf32, #tpu.memory_space<vmem>>, vector<16xf32>,
        %add3A_943 = arith.constant 5 : i32
        %add3A_944 = arith.addi %mul3A_187, %add3A_943 : i32
        %get3A_945 = arith.index_cast %add3A_944 : i32 to index
        %get3A_946 = arith.constant 112 : index
        %get3A_947 = tpu.vector_load %arg11[%get3A_945, %get3A_946] {strides = array<i32>} : memref<64x128xf32, #tpu.memory_space<vmem>>, vector<16xf32>,
        %mul3A_948 = arith.mulf %get3A_942, %get3A_947 : vector<16xf32>
        %add3A_949 = arith.constant 5 : i32
        %add3A_950 = arith.addi %mul3A_187, %add3A_949 : i32
        %swap3A_951 = arith.index_cast %add3A_950 : i32 to index
        %swap3A_952 = arith.constant 112 : index
        %swap3A_953 = tpu.vector_load %arg9[%swap3A_951, %swap3A_952] {strides = array<i32>} : memref<64x128xf32, #tpu.memory_space<vmem>>, vector<16xf32>,
        tpu.vector_store %arg9[%swap3A_951, %swap3A_952], %mul3A_948 {strides = array<i32>} : memref<64x128xf32, #tpu.memory_space<vmem>>, vector<16xf32>,
        %add3A_954 = arith.constant 6 : i32
        %add3A_955 = arith.addi %mul3A_187, %add3A_954 : i32
        %get3A_956 = arith.index_cast %add3A_955 : i32 to index
        %get3A_957 = arith.constant 0 : index
        %get3A_958 = tpu.vector_load %arg9[%get3A_956, %get3A_957] {strides = array<i32>} : memref<64x128xf32, #tpu.memory_space<vmem>>, vector<16xf32>,
        %add3A_959 = arith.constant 6 : i32
        %add3A_960 = arith.addi %mul3A_187, %add3A_959 : i32
        %get3A_961 = arith.index_cast %add3A_960 : i32 to index
        %get3A_962 = arith.constant 0 : index
        %get3A_963 = tpu.vector_load %arg11[%get3A_961, %get3A_962] {strides = array<i32>} : memref<64x128xf32, #tpu.memory_space<vmem>>, vector<16xf32>,
        %mul3A_964 = arith.mulf %get3A_958, %get3A_963 : vector<16xf32>
        %add3A_965 = arith.constant 6 : i32
        %add3A_966 = arith.addi %mul3A_187, %add3A_965 : i32
        %swap3A_967 = arith.index_cast %add3A_966 : i32 to index
        %swap3A_968 = arith.constant 0 : index
        %swap3A_969 = tpu.vector_load %arg9[%swap3A_967, %swap3A_968] {strides = array<i32>} : memref<64x128xf32, #tpu.memory_space<vmem>>, vector<16xf32>,
        tpu.vector_store %arg9[%swap3A_967, %swap3A_968], %mul3A_964 {strides = array<i32>} : memref<64x128xf32, #tpu.memory_space<vmem>>, vector<16xf32>,
        %add3A_970 = arith.constant 6 : i32
        %add3A_971 = arith.addi %mul3A_187, %add3A_970 : i32
        %get3A_972 = arith.index_cast %add3A_971 : i32 to index
        %get3A_973 = arith.constant 16 : index
        %get3A_974 = tpu.vector_load %arg9[%get3A_972, %get3A_973] {strides = array<i32>} : memref<64x128xf32, #tpu.memory_space<vmem>>, vector<16xf32>,
        %add3A_975 = arith.constant 6 : i32
        %add3A_976 = arith.addi %mul3A_187, %add3A_975 : i32
        %get3A_977 = arith.index_cast %add3A_976 : i32 to index
        %get3A_978 = arith.constant 16 : index
        %get3A_979 = tpu.vector_load %arg11[%get3A_977, %get3A_978] {strides = array<i32>} : memref<64x128xf32, #tpu.memory_space<vmem>>, vector<16xf32>,
        %mul3A_980 = arith.mulf %get3A_974, %get3A_979 : vector<16xf32>
        %add3A_981 = arith.constant 6 : i32
        %add3A_982 = arith.addi %mul3A_187, %add3A_981 : i32
        %swap3A_983 = arith.index_cast %add3A_982 : i32 to index
        %swap3A_984 = arith.constant 16 : index
        %swap3A_985 = tpu.vector_load %arg9[%swap3A_983, %swap3A_984] {strides = array<i32>} : memref<64x128xf32, #tpu.memory_space<vmem>>, vector<16xf32>,
        tpu.vector_store %arg9[%swap3A_983, %swap3A_984], %mul3A_980 {strides = array<i32>} : memref<64x128xf32, #tpu.memory_space<vmem>>, vector<16xf32>,
        %add3A_986 = arith.constant 6 : i32
        %add3A_987 = arith.addi %mul3A_187, %add3A_986 : i32
        %get3A_988 = arith.index_cast %add3A_987 : i32 to index
        %get3A_989 = arith.constant 32 : index
        %get3A_990 = tpu.vector_load %arg9[%get3A_988, %get3A_989] {strides = array<i32>} : memref<64x128xf32, #tpu.memory_space<vmem>>, vector<16xf32>,
        %add3A_991 = arith.constant 6 : i32
        %add3A_992 = arith.addi %mul3A_187, %add3A_991 : i32
        %get3A_993 = arith.index_cast %add3A_992 : i32 to index
        %get3A_994 = arith.constant 32 : index
        %get3A_995 = tpu.vector_load %arg11[%get3A_993, %get3A_994] {strides = array<i32>} : memref<64x128xf32, #tpu.memory_space<vmem>>, vector<16xf32>,
        %mul3A_996 = arith.mulf %get3A_990, %get3A_995 : vector<16xf32>
        %add3A_997 = arith.constant 6 : i32
        %add3A_998 = arith.addi %mul3A_187, %add3A_997 : i32
        %swap3A_999 = arith.index_cast %add3A_998 : i32 to index
        %swap3A_1000 = arith.constant 32 : index
        %swap3A_1001 = tpu.vector_load %arg9[%swap3A_999, %swap3A_1000] {strides = array<i32>} : memref<64x128xf32, #tpu.memory_space<vmem>>, vector<16xf32>,
        tpu.vector_store %arg9[%swap3A_999, %swap3A_1000], %mul3A_996 {strides = array<i32>} : memref<64x128xf32, #tpu.memory_space<vmem>>, vector<16xf32>,
        %add3A_1002 = arith.constant 6 : i32
        %add3A_1003 = arith.addi %mul3A_187, %add3A_1002 : i32
        %get3A_1004 = arith.index_cast %add3A_1003 : i32 to index
        %get3A_1005 = arith.constant 48 : index
        %get3A_1006 = tpu.vector_load %arg9[%get3A_1004, %get3A_1005] {strides = array<i32>} : memref<64x128xf32, #tpu.memory_space<vmem>>, vector<16xf32>,
        %add3A_1007 = arith.constant 6 : i32
        %add3A_1008 = arith.addi %mul3A_187, %add3A_1007 : i32
        %get3A_1009 = arith.index_cast %add3A_1008 : i32 to index
        %get3A_1010 = arith.constant 48 : index
        %get3A_1011 = tpu.vector_load %arg11[%get3A_1009, %get3A_1010] {strides = array<i32>} : memref<64x128xf32, #tpu.memory_space<vmem>>, vector<16xf32>,
        %mul3A_1012 = arith.mulf %get3A_1006, %get3A_1011 : vector<16xf32>
        %add3A_1013 = arith.constant 6 : i32
        %add3A_1014 = arith.addi %mul3A_187, %add3A_1013 : i32
        %swap3A_1015 = arith.index_cast %add3A_1014 : i32 to index
        %swap3A_1016 = arith.constant 48 : index
        %swap3A_1017 = tpu.vector_load %arg9[%swap3A_1015, %swap3A_1016] {strides = array<i32>} : memref<64x128xf32, #tpu.memory_space<vmem>>, vector<16xf32>,
        tpu.vector_store %arg9[%swap3A_1015, %swap3A_1016], %mul3A_1012 {strides = array<i32>} : memref<64x128xf32, #tpu.memory_space<vmem>>, vector<16xf32>,
        %add3A_1018 = arith.constant 6 : i32
        %add3A_1019 = arith.addi %mul3A_187, %add3A_1018 : i32
        %get3A_1020 = arith.index_cast %add3A_1019 : i32 to index
        %get3A_1021 = arith.constant 64 : index
        %get3A_1022 = tpu.vector_load %arg9[%get3A_1020, %get3A_1021] {strides = array<i32>} : memref<64x128xf32, #tpu.memory_space<vmem>>, vector<16xf32>,
        %add3A_1023 = arith.constant 6 : i32
        %add3A_1024 = arith.addi %mul3A_187, %add3A_1023 : i32
        %get3A_1025 = arith.index_cast %add3A_1024 : i32 to index
        %get3A_1026 = arith.constant 64 : index
        %get3A_1027 = tpu.vector_load %arg11[%get3A_1025, %get3A_1026] {strides = array<i32>} : memref<64x128xf32, #tpu.memory_space<vmem>>, vector<16xf32>,
        %mul3A_1028 = arith.mulf %get3A_1022, %get3A_1027 : vector<16xf32>
        %add3A_1029 = arith.constant 6 : i32
        %add3A_1030 = arith.addi %mul3A_187, %add3A_1029 : i32
        %swap3A_1031 = arith.index_cast %add3A_1030 : i32 to index
        %swap3A_1032 = arith.constant 64 : index
        %swap3A_1033 = tpu.vector_load %arg9[%swap3A_1031, %swap3A_1032] {strides = array<i32>} : memref<64x128xf32, #tpu.memory_space<vmem>>, vector<16xf32>,
        tpu.vector_store %arg9[%swap3A_1031, %swap3A_1032], %mul3A_1028 {strides = array<i32>} : memref<64x128xf32, #tpu.memory_space<vmem>>, vector<16xf32>,
        %add3A_1034 = arith.constant 6 : i32
        %add3A_1035 = arith.addi %mul3A_187, %add3A_1034 : i32
        %get3A_1036 = arith.index_cast %add3A_1035 : i32 to index
        %get3A_1037 = arith.constant 80 : index
        %get3A_1038 = tpu.vector_load %arg9[%get3A_1036, %get3A_1037] {strides = array<i32>} : memref<64x128xf32, #tpu.memory_space<vmem>>, vector<16xf32>,
        %add3A_1039 = arith.constant 6 : i32
        %add3A_1040 = arith.addi %mul3A_187, %add3A_1039 : i32
        %get3A_1041 = arith.index_cast %add3A_1040 : i32 to index
        %get3A_1042 = arith.constant 80 : index
        %get3A_1043 = tpu.vector_load %arg11[%get3A_1041, %get3A_1042] {strides = array<i32>} : memref<64x128xf32, #tpu.memory_space<vmem>>, vector<16xf32>,
        %mul3A_1044 = arith.mulf %get3A_1038, %get3A_1043 : vector<16xf32>
        %add3A_1045 = arith.constant 6 : i32
        %add3A_1046 = arith.addi %mul3A_187, %add3A_1045 : i32
        %swap3A_1047 = arith.index_cast %add3A_1046 : i32 to index
        %swap3A_1048 = arith.constant 80 : index
        %swap3A_1049 = tpu.vector_load %arg9[%swap3A_1047, %swap3A_1048] {strides = array<i32>} : memref<64x128xf32, #tpu.memory_space<vmem>>, vector<16xf32>,
        tpu.vector_store %arg9[%swap3A_1047, %swap3A_1048], %mul3A_1044 {strides = array<i32>} : memref<64x128xf32, #tpu.memory_space<vmem>>, vector<16xf32>,
        %add3A_1050 = arith.constant 6 : i32
        %add3A_1051 = arith.addi %mul3A_187, %add3A_1050 : i32
        %get3A_1052 = arith.index_cast %add3A_1051 : i32 to index
        %get3A_1053 = arith.constant 96 : index
        %get3A_1054 = tpu.vector_load %arg9[%get3A_1052, %get3A_1053] {strides = array<i32>} : memref<64x128xf32, #tpu.memory_space<vmem>>, vector<16xf32>,
        %add3A_1055 = arith.constant 6 : i32
        %add3A_1056 = arith.addi %mul3A_187, %add3A_1055 : i32
        %get3A_1057 = arith.index_cast %add3A_1056 : i32 to index
        %get3A_1058 = arith.constant 96 : index
        %get3A_1059 = tpu.vector_load %arg11[%get3A_1057, %get3A_1058] {strides = array<i32>} : memref<64x128xf32, #tpu.memory_space<vmem>>, vector<16xf32>,
        %mul3A_1060 = arith.mulf %get3A_1054, %get3A_1059 : vector<16xf32>
        %add3A_1061 = arith.constant 6 : i32
        %add3A_1062 = arith.addi %mul3A_187, %add3A_1061 : i32
        %swap3A_1063 = arith.index_cast %add3A_1062 : i32 to index
        %swap3A_1064 = arith.constant 96 : index
        %swap3A_1065 = tpu.vector_load %arg9[%swap3A_1063, %swap3A_1064] {strides = array<i32>} : memref<64x128xf32, #tpu.memory_space<vmem>>, vector<16xf32>,
        tpu.vector_store %arg9[%swap3A_1063, %swap3A_1064], %mul3A_1060 {strides = array<i32>} : memref<64x128xf32, #tpu.memory_space<vmem>>, vector<16xf32>,
        %add3A_1066 = arith.constant 6 : i32
        %add3A_1067 = arith.addi %mul3A_187, %add3A_1066 : i32
        %get3A_1068 = arith.index_cast %add3A_1067 : i32 to index
        %get3A_1069 = arith.constant 112 : index
        %get3A_1070 = tpu.vector_load %arg9[%get3A_1068, %get3A_1069] {strides = array<i32>} : memref<64x128xf32, #tpu.memory_space<vmem>>, vector<16xf32>,
        %add3A_1071 = arith.constant 6 : i32
        %add3A_1072 = arith.addi %mul3A_187, %add3A_1071 : i32
        %get3A_1073 = arith.index_cast %add3A_1072 : i32 to index
        %get3A_1074 = arith.constant 112 : index
        %get3A_1075 = tpu.vector_load %arg11[%get3A_1073, %get3A_1074] {strides = array<i32>} : memref<64x128xf32, #tpu.memory_space<vmem>>, vector<16xf32>,
        %mul3A_1076 = arith.mulf %get3A_1070, %get3A_1075 : vector<16xf32>
        %add3A_1077 = arith.constant 6 : i32
        %add3A_1078 = arith.addi %mul3A_187, %add3A_1077 : i32
        %swap3A_1079 = arith.index_cast %add3A_1078 : i32 to index
        %swap3A_1080 = arith.constant 112 : index
        %swap3A_1081 = tpu.vector_load %arg9[%swap3A_1079, %swap3A_1080] {strides = array<i32>} : memref<64x128xf32, #tpu.memory_space<vmem>>, vector<16xf32>,
        tpu.vector_store %arg9[%swap3A_1079, %swap3A_1080], %mul3A_1076 {strides = array<i32>} : memref<64x128xf32, #tpu.memory_space<vmem>>, vector<16xf32>,
        %add3A_1082 = arith.constant 7 : i32
        %add3A_1083 = arith.addi %mul3A_187, %add3A_1082 : i32
        %get3A_1084 = arith.index_cast %add3A_1083 : i32 to index
        %get3A_1085 = arith.constant 0 : index
        %get3A_1086 = tpu.vector_load %arg9[%get3A_1084, %get3A_1085] {strides = array<i32>} : memref<64x128xf32, #tpu.memory_space<vmem>>, vector<16xf32>,
        %add3A_1087 = arith.constant 7 : i32
        %add3A_1088 = arith.addi %mul3A_187, %add3A_1087 : i32
        %get3A_1089 = arith.index_cast %add3A_1088 : i32 to index
        %get3A_1090 = arith.constant 0 : index
        %get3A_1091 = tpu.vector_load %arg11[%get3A_1089, %get3A_1090] {strides = array<i32>} : memref<64x128xf32, #tpu.memory_space<vmem>>, vector<16xf32>,
        %mul3A_1092 = arith.mulf %get3A_1086, %get3A_1091 : vector<16xf32>
        %add3A_1093 = arith.constant 7 : i32
        %add3A_1094 = arith.addi %mul3A_187, %add3A_1093 : i32
        %swap3A_1095 = arith.index_cast %add3A_1094 : i32 to index
        %swap3A_1096 = arith.constant 0 : index
        %swap3A_1097 = tpu.vector_load %arg9[%swap3A_1095, %swap3A_1096] {strides = array<i32>} : memref<64x128xf32, #tpu.memory_space<vmem>>, vector<16xf32>,
        tpu.vector_store %arg9[%swap3A_1095, %swap3A_1096], %mul3A_1092 {strides = array<i32>} : memref<64x128xf32, #tpu.memory_space<vmem>>, vector<16xf32>,
        %add3A_1098 = arith.constant 7 : i32
        %add3A_1099 = arith.addi %mul3A_187, %add3A_1098 : i32
        %get3A_1100 = arith.index_cast %add3A_1099 : i32 to index
        %get3A_1101 = arith.constant 16 : index
        %get3A_1102 = tpu.vector_load %arg9[%get3A_1100, %get3A_1101] {strides = array<i32>} : memref<64x128xf32, #tpu.memory_space<vmem>>, vector<16xf32>,
        %add3A_1103 = arith.constant 7 : i32
        %add3A_1104 = arith.addi %mul3A_187, %add3A_1103 : i32
        %get3A_1105 = arith.index_cast %add3A_1104 : i32 to index
        %get3A_1106 = arith.constant 16 : index
        %get3A_1107 = tpu.vector_load %arg11[%get3A_1105, %get3A_1106] {strides = array<i32>} : memref<64x128xf32, #tpu.memory_space<vmem>>, vector<16xf32>,
        %mul3A_1108 = arith.mulf %get3A_1102, %get3A_1107 : vector<16xf32>
        %add3A_1109 = arith.constant 7 : i32
        %add3A_1110 = arith.addi %mul3A_187, %add3A_1109 : i32
        %swap3A_1111 = arith.index_cast %add3A_1110 : i32 to index
        %swap3A_1112 = arith.constant 16 : index
        %swap3A_1113 = tpu.vector_load %arg9[%swap3A_1111, %swap3A_1112] {strides = array<i32>} : memref<64x128xf32, #tpu.memory_space<vmem>>, vector<16xf32>,
        tpu.vector_store %arg9[%swap3A_1111, %swap3A_1112], %mul3A_1108 {strides = array<i32>} : memref<64x128xf32, #tpu.memory_space<vmem>>, vector<16xf32>,
        %add3A_1114 = arith.constant 7 : i32
        %add3A_1115 = arith.addi %mul3A_187, %add3A_1114 : i32
        %get3A_1116 = arith.index_cast %add3A_1115 : i32 to index
        %get3A_1117 = arith.constant 32 : index
        %get3A_1118 = tpu.vector_load %arg9[%get3A_1116, %get3A_1117] {strides = array<i32>} : memref<64x128xf32, #tpu.memory_space<vmem>>, vector<16xf32>,
        %add3A_1119 = arith.constant 7 : i32
        %add3A_1120 = arith.addi %mul3A_187, %add3A_1119 : i32
        %get3A_1121 = arith.index_cast %add3A_1120 : i32 to index
        %get3A_1122 = arith.constant 32 : index
        %get3A_1123 = tpu.vector_load %arg11[%get3A_1121, %get3A_1122] {strides = array<i32>} : memref<64x128xf32, #tpu.memory_space<vmem>>, vector<16xf32>,
        %mul3A_1124 = arith.mulf %get3A_1118, %get3A_1123 : vector<16xf32>
        %add3A_1125 = arith.constant 7 : i32
        %add3A_1126 = arith.addi %mul3A_187, %add3A_1125 : i32
        %swap3A_1127 = arith.index_cast %add3A_1126 : i32 to index
        %swap3A_1128 = arith.constant 32 : index
        %swap3A_1129 = tpu.vector_load %arg9[%swap3A_1127, %swap3A_1128] {strides = array<i32>} : memref<64x128xf32, #tpu.memory_space<vmem>>, vector<16xf32>,
        tpu.vector_store %arg9[%swap3A_1127, %swap3A_1128], %mul3A_1124 {strides = array<i32>} : memref<64x128xf32, #tpu.memory_space<vmem>>, vector<16xf32>,
        %add3A_1130 = arith.constant 7 : i32
        %add3A_1131 = arith.addi %mul3A_187, %add3A_1130 : i32
        %get3A_1132 = arith.index_cast %add3A_1131 : i32 to index
        %get3A_1133 = arith.constant 48 : index
        %get3A_1134 = tpu.vector_load %arg9[%get3A_1132, %get3A_1133] {strides = array<i32>} : memref<64x128xf32, #tpu.memory_space<vmem>>, vector<16xf32>,
        %add3A_1135 = arith.constant 7 : i32
        %add3A_1136 = arith.addi %mul3A_187, %add3A_1135 : i32
        %get3A_1137 = arith.index_cast %add3A_1136 : i32 to index
        %get3A_1138 = arith.constant 48 : index
        %get3A_1139 = tpu.vector_load %arg11[%get3A_1137, %get3A_1138] {strides = array<i32>} : memref<64x128xf32, #tpu.memory_space<vmem>>, vector<16xf32>,
        %mul3A_1140 = arith.mulf %get3A_1134, %get3A_1139 : vector<16xf32>
        %add3A_1141 = arith.constant 7 : i32
        %add3A_1142 = arith.addi %mul3A_187, %add3A_1141 : i32
        %swap3A_1143 = arith.index_cast %add3A_1142 : i32 to index
        %swap3A_1144 = arith.constant 48 : index
        %swap3A_1145 = tpu.vector_load %arg9[%swap3A_1143, %swap3A_1144] {strides = array<i32>} : memref<64x128xf32, #tpu.memory_space<vmem>>, vector<16xf32>,
        tpu.vector_store %arg9[%swap3A_1143, %swap3A_1144], %mul3A_1140 {strides = array<i32>} : memref<64x128xf32, #tpu.memory_space<vmem>>, vector<16xf32>,
        %add3A_1146 = arith.constant 7 : i32
        %add3A_1147 = arith.addi %mul3A_187, %add3A_1146 : i32
        %get3A_1148 = arith.index_cast %add3A_1147 : i32 to index
        %get3A_1149 = arith.constant 64 : index
        %get3A_1150 = tpu.vector_load %arg9[%get3A_1148, %get3A_1149] {strides = array<i32>} : memref<64x128xf32, #tpu.memory_space<vmem>>, vector<16xf32>,
        %add3A_1151 = arith.constant 7 : i32
        %add3A_1152 = arith.addi %mul3A_187, %add3A_1151 : i32
        %get3A_1153 = arith.index_cast %add3A_1152 : i32 to index
        %get3A_1154 = arith.constant 64 : index
        %get3A_1155 = tpu.vector_load %arg11[%get3A_1153, %get3A_1154] {strides = array<i32>} : memref<64x128xf32, #tpu.memory_space<vmem>>, vector<16xf32>,
        %mul3A_1156 = arith.mulf %get3A_1150, %get3A_1155 : vector<16xf32>
        %add3A_1157 = arith.constant 7 : i32
        %add3A_1158 = arith.addi %mul3A_187, %add3A_1157 : i32
        %swap3A_1159 = arith.index_cast %add3A_1158 : i32 to index
        %swap3A_1160 = arith.constant 64 : index
        %swap3A_1161 = tpu.vector_load %arg9[%swap3A_1159, %swap3A_1160] {strides = array<i32>} : memref<64x128xf32, #tpu.memory_space<vmem>>, vector<16xf32>,
        tpu.vector_store %arg9[%swap3A_1159, %swap3A_1160], %mul3A_1156 {strides = array<i32>} : memref<64x128xf32, #tpu.memory_space<vmem>>, vector<16xf32>,
        %add3A_1162 = arith.constant 7 : i32
        %add3A_1163 = arith.addi %mul3A_187, %add3A_1162 : i32
        %get3A_1164 = arith.index_cast %add3A_1163 : i32 to index
        %get3A_1165 = arith.constant 80 : index
        %get3A_1166 = tpu.vector_load %arg9[%get3A_1164, %get3A_1165] {strides = array<i32>} : memref<64x128xf32, #tpu.memory_space<vmem>>, vector<16xf32>,
        %add3A_1167 = arith.constant 7 : i32
        %add3A_1168 = arith.addi %mul3A_187, %add3A_1167 : i32
        %get3A_1169 = arith.index_cast %add3A_1168 : i32 to index
        %get3A_1170 = arith.constant 80 : index
        %get3A_1171 = tpu.vector_load %arg11[%get3A_1169, %get3A_1170] {strides = array<i32>} : memref<64x128xf32, #tpu.memory_space<vmem>>, vector<16xf32>,
        %mul3A_1172 = arith.mulf %get3A_1166, %get3A_1171 : vector<16xf32>
        %add3A_1173 = arith.constant 7 : i32
        %add3A_1174 = arith.addi %mul3A_187, %add3A_1173 : i32
        %swap3A_1175 = arith.index_cast %add3A_1174 : i32 to index
        %swap3A_1176 = arith.constant 80 : index
        %swap3A_1177 = tpu.vector_load %arg9[%swap3A_1175, %swap3A_1176] {strides = array<i32>} : memref<64x128xf32, #tpu.memory_space<vmem>>, vector<16xf32>,
        tpu.vector_store %arg9[%swap3A_1175, %swap3A_1176], %mul3A_1172 {strides = array<i32>} : memref<64x128xf32, #tpu.memory_space<vmem>>, vector<16xf32>,
        %add3A_1178 = arith.constant 7 : i32
        %add3A_1179 = arith.addi %mul3A_187, %add3A_1178 : i32
        %get3A_1180 = arith.index_cast %add3A_1179 : i32 to index
        %get3A_1181 = arith.constant 96 : index
        %get3A_1182 = tpu.vector_load %arg9[%get3A_1180, %get3A_1181] {strides = array<i32>} : memref<64x128xf32, #tpu.memory_space<vmem>>, vector<16xf32>,
        %add3A_1183 = arith.constant 7 : i32
        %add3A_1184 = arith.addi %mul3A_187, %add3A_1183 : i32
        %get3A_1185 = arith.index_cast %add3A_1184 : i32 to index
        %get3A_1186 = arith.constant 96 : index
        %get3A_1187 = tpu.vector_load %arg11[%get3A_1185, %get3A_1186] {strides = array<i32>} : memref<64x128xf32, #tpu.memory_space<vmem>>, vector<16xf32>,
        %mul3A_1188 = arith.mulf %get3A_1182, %get3A_1187 : vector<16xf32>
        %add3A_1189 = arith.constant 7 : i32
        %add3A_1190 = arith.addi %mul3A_187, %add3A_1189 : i32
        %swap3A_1191 = arith.index_cast %add3A_1190 : i32 to index
        %swap3A_1192 = arith.constant 96 : index
        %swap3A_1193 = tpu.vector_load %arg9[%swap3A_1191, %swap3A_1192] {strides = array<i32>} : memref<64x128xf32, #tpu.memory_space<vmem>>, vector<16xf32>,
        tpu.vector_store %arg9[%swap3A_1191, %swap3A_1192], %mul3A_1188 {strides = array<i32>} : memref<64x128xf32, #tpu.memory_space<vmem>>, vector<16xf32>,
        %add3A_1194 = arith.constant 7 : i32
        %add3A_1195 = arith.addi %mul3A_187, %add3A_1194 : i32
        %get3A_1196 = arith.index_cast %add3A_1195 : i32 to index
        %get3A_1197 = arith.constant 112 : index
        %get3A_1198 = tpu.vector_load %arg9[%get3A_1196, %get3A_1197] {strides = array<i32>} : memref<64x128xf32, #tpu.memory_space<vmem>>, vector<16xf32>,
        %add3A_1199 = arith.constant 7 : i32
        %add3A_1200 = arith.addi %mul3A_187, %add3A_1199 : i32
        %get3A_1201 = arith.index_cast %add3A_1200 : i32 to index
        %get3A_1202 = arith.constant 112 : index
        %get3A_1203 = tpu.vector_load %arg11[%get3A_1201, %get3A_1202] {strides = array<i32>} : memref<64x128xf32, #tpu.memory_space<vmem>>, vector<16xf32>,
        %mul3A_1204 = arith.mulf %get3A_1198, %get3A_1203 : vector<16xf32>
        %add3A_1205 = arith.constant 7 : i32
        %add3A_1206 = arith.addi %mul3A_187, %add3A_1205 : i32
        %swap3A_1207 = arith.index_cast %add3A_1206 : i32 to index
        %swap3A_1208 = arith.constant 112 : index
        %swap3A_1209 = tpu.vector_load %arg9[%swap3A_1207, %swap3A_1208] {strides = array<i32>} : memref<64x128xf32, #tpu.memory_space<vmem>>, vector<16xf32>,
        tpu.vector_store %arg9[%swap3A_1207, %swap3A_1208], %mul3A_1204 {strides = array<i32>} : memref<64x128xf32, #tpu.memory_space<vmem>>, vector<16xf32>,
        %scan3A_1210 = arith.constant 0 : i32
        scf.yield %scan3A_1210 : i32
      }
      %scan3A_168 = arith.constant 8 : i32
      %dma_start3A_169 = arith.constant 2 : i32
      %dma_start3A_170 = arith.constant 0 : i32
      %dma_start3A_171 = tpu.memref_slice %arg7[%dma_start3A_169, %dma_start3A_170] : memref<3x64xi32, #tpu.memory_space<vmem>> -> memref<1x64xi32, #tpu.memory_space<vmem>>
      %dma_start3A_172 = tpu.memref_squeeze %dma_start3A_171 : memref<1x64xi32, #tpu.memory_space<vmem>> -> memref<64xi32, #tpu.memory_space<vmem>>
      %dma_start3A_173 = arith.constant 0 : i32
      %dma_start3A_174 = arith.constant 0 : i32
      %dma_start3A_175 = tpu.memref_slice %arg13[%dma_start3A_173, %dma_start3A_174] : memref<10112x128xf32, #tpu.memory_space<vmem_shared>> -> memref<10112x128xf32, #tpu.memory_space<vmem_shared>>
      tpu.enqueue_indirect_dma source(%arg9 : memref<64x128xf32, #tpu.memory_space<vmem>>) target(%dma_start3A_175 : memref<10112x128xf32, #tpu.memory_space<vmem_shared>>) offsets(%dma_start3A_172 : memref<64xi32, #tpu.memory_space<vmem>>) semaphore(%arg19 : memref<!tpu.dma_semaphore, #tpu.memory_space<semaphore_mem>>) {add = true}
      %scan3A_176 = arith.constant 0 : i32
      %scan3A_177 = arith.constant 0 : i32
      %scan3A_178 = arith.constant 4 : i32
      %scan3A_179 = arith.addi %scan3A_177, %scan3A_178 : i32
      %scan3A_180 = arith.constant 1 : i32
      %scan3A_181 = scf.for %scan3A_184 = %scan3A_177 to %scan3A_179 step %scan3A_180 iter_args(%scan3A_185 = %scan3A_176) -> (i32)  : i32 {
        %mul3A_186 = arith.constant 16 : i32
        %mul3A_187 = arith.muli %scan3A_184, %mul3A_186 : i32
        %get3A = arith.constant 2 : i32
        %get3A_188 = arith.index_cast %get3A : i32 to index
        %get3A_189 = arith.index_cast %mul3A_187 : i32 to index
        %get3A_190 = tpu.vector_load %arg7[%get3A_188, %get3A_189] {strides = array<i32>} : memref<3x64xi32, #tpu.memory_space<vmem>>, vector<16xi32>,
        %broadcast_in_dim3A_191 = arith.constant true
        %broadcast_in_dim3A_192 = vector.broadcast %broadcast_in_dim3A_191 : i1 to vector<16xi1>
        %unique3A, %unique3A_193 = tpu.scan_count mask(%broadcast_in_dim3A_192 : vector<16xi1>) value(%get3A_190 : vector<16xi32>) : vector<16xi1>, vector<16xi32>
        %shift_right_logical3A = arith.constant 7 : i32
        %shift_right_logical3A_194 = vector.broadcast %shift_right_logical3A : i32 to vector<16xi32>
        %shift_right_logical3A_195 = arith.shrui %get3A_190, %shift_right_logical3A_194 : vector<16xi32>
        %and3A = arith.constant 127 : i32
        %and3A_196 = vector.broadcast %and3A : i32 to vector<16xi32>
        %and3A_197 = arith.andi %get3A_190, %and3A_196 : vector<16xi32>
        %convert_element_type3A_198 = arith.sitofp %unique3A_193 : vector<16xi32> to vector<16xf32>
        tpu.vector_store_idx %arg12[%shift_right_logical3A_195, %and3A_197], %convert_element_type3A_198 masked %unique3A {add = true} : memref<80x128xf32, #tpu.memory_space<vmem>>[vector<16xi32>, vector<16xi32>], vector<16xf32>, vector<16xi1>
        %scan3A_199 = arith.constant 0 : i32
        scf.yield %scan3A_199 : i32
      }
      %scan3A_182 = arith.constant 4 : i32
      %while3A_183 = arith.constant 0 : i32
      scf.yield %while3A_183 : i32
    }
    %dma_wait3A = arith.constant 2 : i32
    %dma_wait3A_76 = arith.constant 0 : i32
    %dma_wait3A_77 = tpu.memref_slice %arg7[%dma_wait3A, %dma_wait3A_76] : memref<3x64xi32, #tpu.memory_space<vmem>> -> memref<1x64xi32, #tpu.memory_space<vmem>>
    %dma_wait3A_78 = tpu.memref_squeeze %dma_wait3A_77 : memref<1x64xi32, #tpu.memory_space<vmem>> -> memref<64xi32, #tpu.memory_space<vmem>>
    %dma_wait3A_79 = arith.constant 0 : i32
    %dma_wait3A_80 = arith.constant 0 : i32
    %dma_wait3A_81 = tpu.memref_slice %arg13[%dma_wait3A_79, %dma_wait3A_80] : memref<10112x128xf32, #tpu.memory_space<vmem_shared>> -> memref<10112x128xf32, #tpu.memory_space<vmem_shared>>
    tpu.wait_indirect_dma semaphore(%arg19 : memref<!tpu.dma_semaphore, #tpu.memory_space<semaphore_mem>>) src(%arg9 : memref<64x128xf32, #tpu.memory_space<vmem>>) dst(%dma_wait3A_81 : memref<10112x128xf32, #tpu.memory_space<vmem_shared>>)
    %barrier3A_82 = arith.constant 0 : index
    tpu.barrier barrier_id(%barrier3A_82)
    "tpu.region"() ({
      %run_scoped3A = tpu.sem_alloc : memref<!tpu.dma_semaphore, #tpu.memory_space<semaphore_mem>>
      %dma_start3A_88 = arith.constant 0 : i32
      %dma_start3A_89 = tpu.memref_slice %arg5[%arg0, %mul3A_9, %dma_start3A_88] : memref<2x11392x128xf32, #tpu.memory_space<hbm>> -> memref<1x632x128xf32, #tpu.memory_space<hbm>>
      %dma_start3A_90 = tpu.memref_squeeze %dma_start3A_89 : memref<1x632x128xf32, #tpu.memory_space<hbm>> -> memref<632x128xf32, #tpu.memory_space<hbm>>
      %dma_start3A_91 = arith.constant 0 : i32
      %dma_start3A_92 = tpu.memref_slice %arg13[%mul3A_9, %dma_start3A_91] : memref<10112x128xf32, #tpu.memory_space<vmem_shared>> -> memref<632x128xf32, #tpu.memory_space<vmem_shared>>
      tpu.enqueue_dma source(%dma_start3A_92 : memref<632x128xf32, #tpu.memory_space<vmem_shared>>) target(%dma_start3A_90 : memref<632x128xf32, #tpu.memory_space<hbm>>) target_semaphore(%run_scoped3A : memref<!tpu.dma_semaphore, #tpu.memory_space<semaphore_mem>>)
      %dma_wait3A_93 = arith.constant 0 : i32
      %dma_wait3A_94 = tpu.memref_slice %arg5[%arg0, %mul3A_9, %dma_wait3A_93] : memref<2x11392x128xf32, #tpu.memory_space<hbm>> -> memref<1x632x128xf32, #tpu.memory_space<hbm>>
      %dma_wait3A_95 = tpu.memref_squeeze %dma_wait3A_94 : memref<1x632x128xf32, #tpu.memory_space<hbm>> -> memref<632x128xf32, #tpu.memory_space<hbm>>
      %dma_wait3A_96 = arith.constant 0 : i32
      %dma_wait3A_97 = tpu.memref_slice %arg13[%mul3A_9, %dma_wait3A_96] : memref<10112x128xf32, #tpu.memory_space<vmem_shared>> -> memref<632x128xf32, #tpu.memory_space<vmem_shared>>
      tpu.wait_dma2 semaphore(%run_scoped3A : memref<!tpu.dma_semaphore, #tpu.memory_space<semaphore_mem>>) src(%dma_wait3A_97 : memref<632x128xf32, #tpu.memory_space<vmem_shared>>) dst(%dma_wait3A_95 : memref<632x128xf32, #tpu.memory_space<hbm>>)
      tpu.yield
    }) : () -> ()
    %barrier3A_83 = arith.constant 0 : index
    tpu.barrier barrier_id(%barrier3A_83)
    %mul3A_84 = arith.constant 80 : i32
    %mul3A_85 = arith.muli %arg1, %mul3A_84 : i32
    "tpu.region"() ({
      %run_scoped3A = tpu.sem_alloc : memref<!tpu.dma_semaphore, #tpu.memory_space<semaphore_mem>>
      %dma_start3A_88 = arith.constant 0 : i32
      %dma_start3A_89 = tpu.memref_slice %arg13[%mul3A_85, %dma_start3A_88] : memref<10112x128xf32, #tpu.memory_space<vmem_shared>> -> memref<80x128xf32, #tpu.memory_space<vmem_shared>>
      %dma_start3A_90 = arith.constant 0 : i32
      %dma_start3A_91 = tpu.memref_slice %arg13[%mul3A_85, %dma_start3A_90] : memref<10112x128xf32, #tpu.memory_space<vmem_shared>> -> memref<80x128xf32, #tpu.memory_space<vmem_shared>>
      tpu.enqueue_dma source(%arg12 : memref<80x128xf32, #tpu.memory_space<vmem>>) target(%dma_start3A_91 : memref<80x128xf32, #tpu.memory_space<vmem_shared>>) target_semaphore(%run_scoped3A : memref<!tpu.dma_semaphore, #tpu.memory_space<semaphore_mem>>)
      %dma_wait3A_92 = arith.constant 0 : i32
      %dma_wait3A_93 = tpu.memref_slice %arg13[%mul3A_85, %dma_wait3A_92] : memref<10112x128xf32, #tpu.memory_space<vmem_shared>> -> memref<80x128xf32, #tpu.memory_space<vmem_shared>>
      %dma_wait3A_94 = arith.constant 0 : i32
      %dma_wait3A_95 = tpu.memref_slice %arg13[%mul3A_85, %dma_wait3A_94] : memref<10112x128xf32, #tpu.memory_space<vmem_shared>> -> memref<80x128xf32, #tpu.memory_space<vmem_shared>>
      tpu.wait_dma2 semaphore(%run_scoped3A : memref<!tpu.dma_semaphore, #tpu.memory_space<semaphore_mem>>) src(%arg12 : memref<80x128xf32, #tpu.memory_space<vmem>>) dst(%dma_wait3A_95 : memref<80x128xf32, #tpu.memory_space<vmem_shared>>)
      tpu.yield
    }) : () -> ()
    %add3A_86 = arith.constant 10112 : i32
    %add3A_87 = arith.addi %add3A_86, %mul3A_85 : i32
    "tpu.region"() ({
      %run_scoped3A = tpu.sem_alloc : memref<!tpu.dma_semaphore, #tpu.memory_space<semaphore_mem>>
      %dma_start3A_88 = arith.constant 0 : i32
      %dma_start3A_89 = tpu.memref_slice %arg5[%arg0, %add3A_87, %dma_start3A_88] : memref<2x11392x128xf32, #tpu.memory_space<hbm>> -> memref<1x80x128xf32, #tpu.memory_space<hbm>>
      %dma_start3A_90 = tpu.memref_squeeze %dma_start3A_89 : memref<1x80x128xf32, #tpu.memory_space<hbm>> -> memref<80x128xf32, #tpu.memory_space<hbm>>
      %dma_start3A_91 = arith.constant 0 : i32
      %dma_start3A_92 = tpu.memref_slice %arg13[%mul3A_85, %dma_start3A_91] : memref<10112x128xf32, #tpu.memory_space<vmem_shared>> -> memref<80x128xf32, #tpu.memory_space<vmem_shared>>
      tpu.enqueue_dma source(%dma_start3A_92 : memref<80x128xf32, #tpu.memory_space<vmem_shared>>) target(%dma_start3A_90 : memref<80x128xf32, #tpu.memory_space<hbm>>) target_semaphore(%run_scoped3A : memref<!tpu.dma_semaphore, #tpu.memory_space<semaphore_mem>>)
      %dma_wait3A_93 = arith.constant 0 : i32
      %dma_wait3A_94 = tpu.memref_slice %arg5[%arg0, %add3A_87, %dma_wait3A_93] : memref<2x11392x128xf32, #tpu.memory_space<hbm>> -> memref<1x80x128xf32, #tpu.memory_space<hbm>>
      %dma_wait3A_95 = tpu.memref_squeeze %dma_wait3A_94 : memref<1x80x128xf32, #tpu.memory_space<hbm>> -> memref<80x128xf32, #tpu.memory_space<hbm>>
      %dma_wait3A_96 = arith.constant 0 : i32
      %dma_wait3A_97 = tpu.memref_slice %arg13[%mul3A_85, %dma_wait3A_96] : memref<10112x128xf32, #tpu.memory_space<vmem_shared>> -> memref<80x128xf32, #tpu.memory_space<vmem_shared>>
      tpu.wait_dma2 semaphore(%run_scoped3A : memref<!tpu.dma_semaphore, #tpu.memory_space<semaphore_mem>>) src(%dma_wait3A_97 : memref<80x128xf32, #tpu.memory_space<vmem_shared>>) dst(%dma_wait3A_95 : memref<80x128xf32, #tpu.memory_space<hbm>>)
      tpu.yield
    }) : () -> ()
    return
  }
}

module attributes {stable_mosaic.version = 14 : i64} {
  func.func @_tc_body(%arg0: memref<2x10112x128xf32, #tpu.memory_space<vmem>>, %arg1: memref<10240x32xf32, #tpu.memory_space<vmem>>, %arg2: memref<128x128xf32, #tpu.memory_space<vmem>>, %arg3: memref<1x128xf32, #tpu.memory_space<vmem>>, %arg4: memref<128x128xf32, #tpu.memory_space<vmem>>, %arg5: memref<1x128xf32, #tpu.memory_space<vmem>>, %arg6: memref<1x128xf32, #tpu.memory_space<vmem>>, %arg7: memref<1x128xf32, #tpu.memory_space<vmem>>, %arg8: memref<128x128xf32, #tpu.memory_space<vmem>>, %arg9: memref<1x128xf32, #tpu.memory_space<vmem>>, %arg10: memref<10000x128xf32, #tpu.memory_space<vmem>>) attributes {dimension_semantics = [], scalar_prefetch = 0 : i64, scratch_operands = 0 : i64, tpu.core_type = #tpu.core_type<tc>} {
    %get3A = arith.constant 0 : index
    %get3A_0 = arith.constant 0 : index
    %get3A_1 = arith.constant 0 : index
    %get3A_2 = vector.load %arg0[%get3A, %get3A_0, %get3A_1] : memref<2x10112x128xf32, #tpu.memory_space<vmem>>, vector<1x10000x128xf32>
    %get3A_3 = vector.shape_cast %get3A_2 : vector<1x10000x128xf32> to vector<10000x128xf32>
    %get3A_4 = arith.constant 1 : index
    %get3A_5 = arith.constant 0 : index
    %get3A_6 = arith.constant 0 : index
    %get3A_7 = vector.load %arg0[%get3A_4, %get3A_5, %get3A_6] : memref<2x10112x128xf32, #tpu.memory_space<vmem>>, vector<1x10000x128xf32>
    %get3A_8 = vector.shape_cast %get3A_7 : vector<1x10000x128xf32> to vector<10000x128xf32>
    %add3A = arith.addf %get3A_3, %get3A_8 : vector<10000x128xf32>
    %get3A_9 = arith.constant 0 : index
    %get3A_10 = arith.constant 0 : index
    %get3A_11 = vector.load %arg1[%get3A_9, %get3A_10] : memref<10240x32xf32, #tpu.memory_space<vmem>>, vector<10240x32xf32>
    %reduce_sum3A = arith.constant dense<0.000000e+00> : vector<10240xf32>
    %reduce_sum3A_12 = vector.multi_reduction <add>, %get3A_11, %reduce_sum3A [1] : vector<10240x32xf32> to vector<10240xf32>
    %broadcast_in_dim3A = vector.shape_cast %reduce_sum3A_12 : vector<10240xf32> to vector<10240x1xf32>
    %slice3A = vector.extract_strided_slice %broadcast_in_dim3A {offsets = [0, 0], sizes = [10000, 1], strides = [1, 1]} : vector<10240x1xf32> to vector<10000x1xf32>
    %max3A = arith.constant 1.000000e+00 : f32
    %max3A_13 = vector.broadcast %max3A : f32 to vector<10000x1xf32>
    %max3A_14 = arith.maximumf %slice3A, %max3A_13 : vector<10000x1xf32>
    %div3A = vector.broadcast %max3A_14 : vector<10000x1xf32> to vector<10000x128xf32>
    %div3A_15 = arith.divf %add3A, %div3A : vector<10000x128xf32>
    %get3A_16 = arith.constant 0 : index
    %get3A_17 = arith.constant 0 : index
    %get3A_18 = vector.load %arg2[%get3A_16, %get3A_17] : memref<128x128xf32, #tpu.memory_space<vmem>>, vector<128x128xf32>
    %dot_general3A = arith.constant dense<0.000000e+00> : vector<10000x128xf32>
    %dot_general3A_19 = tpu.matmul %div3A_15, %get3A_18, %dot_general3A {dimension_numbers = #tpu.dot_dimension_numbers<[1], [0], [0], [1], [0, 0, 1, 1], [], []>, precision = #tpu.contract_precision<fp32>, transpose_lhs_hint = false} : vector<10000x128xf32>, vector<128x128xf32>, vector<10000x128xf32> -> vector<10000x128xf32>
    %get3A_20 = arith.constant 0 : index
    %get3A_21 = arith.constant 0 : index
    %get3A_22 = vector.load %arg3[%get3A_20, %get3A_21] : memref<1x128xf32, #tpu.memory_space<vmem>>, vector<1x128xf32>
    %add3A_23 = vector.broadcast %get3A_22 : vector<1x128xf32> to vector<10000x128xf32>
    %add3A_24 = arith.addf %dot_general3A_19, %add3A_23 : vector<10000x128xf32>
    %get3A_25 = arith.constant 0 : index
    %get3A_26 = arith.constant 0 : index
    %get3A_27 = vector.load %arg4[%get3A_25, %get3A_26] : memref<128x128xf32, #tpu.memory_space<vmem>>, vector<128x128xf32>
    %dot_general3A_28 = arith.constant dense<0.000000e+00> : vector<10000x128xf32>
    %dot_general3A_29 = tpu.matmul %add3A_24, %get3A_27, %dot_general3A_28 {dimension_numbers = #tpu.dot_dimension_numbers<[1], [0], [0], [1], [0, 0, 1, 1], [], []>, precision = #tpu.contract_precision<fp32>, transpose_lhs_hint = false} : vector<10000x128xf32>, vector<128x128xf32>, vector<10000x128xf32> -> vector<10000x128xf32>
    %get3A_30 = arith.constant 0 : index
    %get3A_31 = arith.constant 0 : index
    %get3A_32 = vector.load %arg5[%get3A_30, %get3A_31] : memref<1x128xf32, #tpu.memory_space<vmem>>, vector<1x128xf32>
    %add3A_33 = vector.broadcast %get3A_32 : vector<1x128xf32> to vector<10000x128xf32>
    %add3A_34 = arith.addf %dot_general3A_29, %add3A_33 : vector<10000x128xf32>
    %reduce_sum3A_35 = arith.constant dense<0.000000e+00> : vector<128xf32>
    %reduce_sum3A_36 = vector.multi_reduction <add>, %add3A_34, %reduce_sum3A_35 [0] : vector<10000x128xf32> to vector<128xf32>
    %broadcast_in_dim3A_37 = vector.shape_cast %reduce_sum3A_36 : vector<128xf32> to vector<1x128xf32>
    %div3A_38 = arith.constant 1.000000e+04 : f32
    %div3A_39 = vector.broadcast %div3A_38 : f32 to vector<1x128xf32>
    %div3A_40 = arith.divf %broadcast_in_dim3A_37, %div3A_39 : vector<1x128xf32>
    %sub3A = vector.broadcast %div3A_40 : vector<1x128xf32> to vector<10000x128xf32>
    %sub3A_41 = arith.subf %add3A_34, %sub3A : vector<10000x128xf32>
    %square3A = arith.mulf %sub3A_41, %sub3A_41 : vector<10000x128xf32>
    %reduce_sum3A_42 = arith.constant dense<0.000000e+00> : vector<128xf32>
    %reduce_sum3A_43 = vector.multi_reduction <add>, %square3A, %reduce_sum3A_42 [0] : vector<10000x128xf32> to vector<128xf32>
    %broadcast_in_dim3A_44 = vector.shape_cast %reduce_sum3A_43 : vector<128xf32> to vector<1x128xf32>
    %div3A_45 = arith.constant 1.000000e+04 : f32
    %div3A_46 = vector.broadcast %div3A_45 : f32 to vector<1x128xf32>
    %div3A_47 = arith.divf %broadcast_in_dim3A_44, %div3A_46 : vector<1x128xf32>
    %get3A_48 = arith.constant 0 : index
    %get3A_49 = arith.constant 0 : index
    %get3A_50 = vector.load %arg6[%get3A_48, %get3A_49] : memref<1x128xf32, #tpu.memory_space<vmem>>, vector<1x128xf32>
    %sub3A_51 = vector.broadcast %div3A_40 : vector<1x128xf32> to vector<10000x128xf32>
    %sub3A_52 = arith.subf %add3A_34, %sub3A_51 : vector<10000x128xf32>
    %mul3A = vector.broadcast %get3A_50 : vector<1x128xf32> to vector<10000x128xf32>
    %mul3A_53 = arith.mulf %mul3A, %sub3A_52 : vector<10000x128xf32>
    %add3A_54 = arith.constant 9.99999974E-6 : f32
    %add3A_55 = vector.broadcast %add3A_54 : f32 to vector<1x128xf32>
    %add3A_56 = arith.addf %div3A_47, %add3A_55 : vector<1x128xf32>
    %sqrt3A = math.sqrt %add3A_56 : vector<1x128xf32>
    %div3A_57 = vector.broadcast %sqrt3A : vector<1x128xf32> to vector<10000x128xf32>
    %div3A_58 = arith.divf %mul3A_53, %div3A_57 : vector<10000x128xf32>
    %get3A_59 = arith.constant 0 : index
    %get3A_60 = arith.constant 0 : index
    %get3A_61 = vector.load %arg7[%get3A_59, %get3A_60] : memref<1x128xf32, #tpu.memory_space<vmem>>, vector<1x128xf32>
    %add3A_62 = vector.broadcast %get3A_61 : vector<1x128xf32> to vector<10000x128xf32>
    %add3A_63 = arith.addf %div3A_58, %add3A_62 : vector<10000x128xf32>
    %max3A_64 = arith.constant 0.000000e+00 : f32
    %max3A_65 = vector.broadcast %max3A_64 : f32 to vector<10000x128xf32>
    %max3A_66 = arith.maximumf %add3A_63, %max3A_65 : vector<10000x128xf32>
    %get3A_67 = arith.constant 0 : index
    %get3A_68 = arith.constant 0 : index
    %get3A_69 = vector.load %arg8[%get3A_67, %get3A_68] : memref<128x128xf32, #tpu.memory_space<vmem>>, vector<128x128xf32>
    %dot_general3A_70 = arith.constant dense<0.000000e+00> : vector<10000x128xf32>
    %dot_general3A_71 = tpu.matmul %max3A_66, %get3A_69, %dot_general3A_70 {dimension_numbers = #tpu.dot_dimension_numbers<[1], [0], [0], [1], [0, 0, 1, 1], [], []>, precision = #tpu.contract_precision<fp32>, transpose_lhs_hint = false} : vector<10000x128xf32>, vector<128x128xf32>, vector<10000x128xf32> -> vector<10000x128xf32>
    %get3A_72 = arith.constant 0 : index
    %get3A_73 = arith.constant 0 : index
    %get3A_74 = vector.load %arg9[%get3A_72, %get3A_73] : memref<1x128xf32, #tpu.memory_space<vmem>>, vector<1x128xf32>
    %add3A_75 = vector.broadcast %get3A_74 : vector<1x128xf32> to vector<10000x128xf32>
    %add3A_76 = arith.addf %dot_general3A_71, %add3A_75 : vector<10000x128xf32>
    %swap3A = arith.constant 0 : index
    %swap3A_77 = arith.constant 0 : index
    %swap3A_78 = vector.load %arg10[%swap3A, %swap3A_77] : memref<10000x128xf32, #tpu.memory_space<vmem>>, vector<10000x128xf32>
    tpu.vector_store %arg10[%swap3A, %swap3A_77], %add3A_76 {strides = array<i32>} : memref<10000x128xf32, #tpu.memory_space<vmem>>, vector<10000x128xf32>,
    return
  }
}

</mosaic_0001>

<sc_bundles>
// kernel: kernel.4.cloned.1.call-start
scs
__scs_entry_jumppad:
0x0: {  	(pc) =	sbr.rel $0x88, $3  }
0x1: {  	(tag) =	ssettag $0x0;
	lr =	simm.s32 $0x1  }
0x2: {  	[smem:$0x3F95] =	sst lr;
	_ =	strace $0xD0000000  }
0x3: {  	_ = 	snop  }
0x4: {  	_ = 	snop  }
0x5: {  	_ = 	snop  }
0x6: {  	_ = 	snop  }
0x7: {  	_ = 	snop  }
__scs_overlays_trampoline_lowered:
0x8: {  	[smem:$0x3FA4] =	sst s0  }
0x9: {  	[smem:$0x3FA5] =	sst s1  }
0xa: {  	[smem:$0x3FA6] =	sst s2  }
0xb: {  	[smem:$0x3FA7] =	sst s3  }
0xc: {  	[smem:$0x3FA8] =	sst s4  }
0xd: {  	[smem:$0x3FA9] =	sst s5  }
0xe: {  	[smem:$0x3FAA] =	sst s6  }
0xf: {  	[smem:$0x3FAB] =	sst s7  }
0x10: {  	[smem:$0x3FAC] =	sst s8  }
0x11: {  	[smem:$0x3FAD] =	sst s9;
	s0 =	simm.s32 @!p0 $0x0  }
0x12: {  	s1 =	sld [smem:$0x3F93];
	s0 =	simm.s32 @p0 $0x1  }
0x13: {  	[smem:$0x3FAE] =	sst s0;
	s0 =	simm.s32 @!p1 $0x0  }
0x14: {  	s2 =	sld [smem:$0x3F92];
	s0 =	simm.s32 @p1 $0x1  }
0x15: {  	[smem:$0x3FAF] =	sst s0;
	s0 =	simm.s32 @!p2 $0x0  }
0x16: {  	s3 =	sld [smem:$0x3FDB];
	s0 =	simm.s32 @p2 $0x1  }
0x17: {  	s4 =	simm.s32 $0x1BF5;
	[smem:$0x3FB1] =	sst s0  }
0x18: {  	s0 =	sld [smem:$0x3F94];
	_ =	swait.ge [sflag:s4], $0x0  }
0x19: {  	s7 =	sld [smem:$0x3F95]  }
0x1a: {  	s8 =	sadd.s32 $0xFFFFE003, lr  }
0x1b: {  	s9 =	sadd.s32 $0xFFFFFEF7, lr;
	s5 =	simm.s32 $0xFFFFFFFF;
	p2 =	slt.u32 s8, $0xFFFFF086  }
0x1c: {  	p1 =	slt.u32 s9, $0xF7A;
	s5 =	simm.s32 @!p2 $0x0  }
0x1d: {  	s5 =	simm.s32 @p1 $0x1;
	p0 =	seq.s32 s7, s2  }
0x1e: {  	s7 =	smul.u32 @!p0 $0xF7A, s2;
	p2 =	seq.s32 @!p0 s5, $0x0  }
0x1f: {  	s9 =	smul.u32 $0xF7A, s1;
	s8 =	simm.s32 @!p0 $0x1BF5;
	p2 =	por !p2, p0  }
0x20: {  	[sflag:s8] =	ssyncset.s32 @!p0 $0xFFFFF086;
	s6 =	sadd.s32 @!p0 s3, s7;
	s7 =	simm.s32 @!p0 $0x108  }
0x21: {  	s3 =	sadd.s32 s3, s9;
	s6 =	sadd.s32 @!p0 $0x88, s6;
	s7 =	simm.s32 @p2 $0x1082  }
0x22: {  	[simem:s7], [sflag:s8] =	dma.local @!p0 [hbm:s6], $0xF7A  }
0x23: {  	s9 =	sor.u32 $0xD0000000, s2;
	s6 =	simm.s32 $0x108;
	_ =	swait.ge @!p0 [sflag:s8], $0x0  }
0x24: {  	s3 =	sadd.s32 $0x88, s3;
	s6 =	simm.s32 @!p1 $0x1082;
	[sflag:s4] =	ssyncset.s32 $0xFFFFF086  }
0x25: {  	[simem:s6], [sflag:s4] =	dma.local [hbm:s3], $0xF7A  }
0x26: {  	[smem:$0x3F95] =	sst s1;
	(tag) =	ssettag s2;
	_ =	strace s9  }
0x27: {  	s1 =	sld [smem:$0x3FA5]  }
0x28: {  	s2 =	sld [smem:$0x3FA6]  }
0x29: {  	s4 =	sld [smem:$0x3FA8]  }
0x2a: {  	p0 =	seq.s32 s5, $0x0;
	s5 =	sld [smem:$0x3FA9]  }
0x2b: {  	s6 =	sld [smem:$0x3FAA]  }
0x2c: {  	s7 =	sld [smem:$0x3FAB]  }
0x2d: {  	s3 =	simm.s32 $0x108;
	s8 =	sld [smem:$0x3FAC]  }
0x2e: {  	s3 =	simm.s32 @!p0 $0x1082;
	s9 =	sld [smem:$0x3FAD]  }
0x2f: {  	lr =	sadd.s32 s0, s3;
	s0 =	sld [smem:$0x3FA4]  }
0x30: {  	s3 =	sld [smem:$0x3FA7]  }
0x31: {  	[smem:$0x3FB0] =	sst s10  }
0x32: {  	s10 =	sld [smem:$0x3FAE];
	_ =	sdelay $0x3  }
0x33: {  	p0 =	seq.s32 s10, $0x1;
	s10 =	sld [smem:$0x3FB0];
	_ =	sdelay $0x3  }
0x34: {  	[smem:$0x3FB0] =	sst s10  }
0x35: {  	s10 =	sld [smem:$0x3FAF];
	_ =	sdelay $0x3  }
0x36: {  	p1 =	seq.s32 s10, $0x1;
	s10 =	sld [smem:$0x3FB0];
	_ =	sdelay $0x3  }
0x37: {  	[smem:$0x3FB0] =	sst s10  }
0x38: {  	s10 =	sld [smem:$0x3FB1]  }
0x39: {  	_ = 	snop;
	(pc) =	sbr.ind lr, $3  }
0x3a: {  	_ = 	snop  }
0x3b: {  	_ = 	snop  }
0x3c: {  	p2 =	seq.s32 s10, $0x1;
	s10 =	sld [smem:$0x3FB0]  }
0x3d: {  	_ =	shalt  }
0x3e: {  	_ =	shalt  }
0x3f: {  	_ =	shalt  }
0x40: {  	_ =	shalt  }
0x41: {  	_ =	shalt  }
0x42: {  	_ =	shalt  }
0x43: {  	_ =	shalt  }
0x44: {  	_ =	shalt  }
0x45: {  	_ =	shalt  }
0x46: {  	_ =	shalt  }
0x47: {  	_ =	shalt  }
0x48: {  	_ =	shalt  }
0x49: {  	_ =	shalt  }
0x4a: {  	_ =	shalt  }
0x4b: {  	_ =	shalt  }
0x4c: {  	_ =	shalt  }
0x4d: {  	_ =	shalt  }
0x4e: {  	_ =	shalt  }
0x4f: {  	_ =	shalt  }
0x50: {  	_ =	shalt  }
0x51: {  	_ =	shalt  }
0x52: {  	_ =	shalt  }
0x53: {  	_ =	shalt  }
0x54: {  	_ =	shalt  }
0x55: {  	_ =	shalt  }
0x56: {  	_ =	shalt  }
0x57: {  	_ =	shalt  }
0x58: {  	_ =	shalt  }
0x59: {  	_ =	shalt  }
0x5a: {  	_ =	shalt  }
0x5b: {  	_ =	shalt  }
0x5c: {  	_ =	shalt  }
0x5d: {  	_ =	shalt  }
0x5e: {  	_ =	shalt  }
0x5f: {  	_ =	shalt  }
0x60: {  	_ =	shalt  }
0x61: {  	_ =	shalt  }
0x62: {  	_ =	shalt  }
0x63: {  	_ =	shalt  }
0x64: {  	_ =	shalt  }
0x65: {  	_ =	shalt  }
0x66: {  	_ =	shalt  }
0x67: {  	_ =	shalt  }
0x68: {  	_ =	shalt  }
0x69: {  	_ =	shalt  }
0x6a: {  	_ =	shalt  }
0x6b: {  	_ =	shalt  }
0x6c: {  	_ =	shalt  }
0x6d: {  	_ =	shalt  }
0x6e: {  	_ =	shalt  }
0x6f: {  	_ =	shalt  }
0x70: {  	_ =	shalt  }
0x71: {  	_ =	shalt  }
0x72: {  	_ =	shalt  }
0x73: {  	_ =	shalt  }
0x74: {  	_ =	shalt  }
0x75: {  	_ =	shalt  }
0x76: {  	_ =	shalt  }
0x77: {  	_ =	shalt  }
0x78: {  	_ =	shalt  }
0x79: {  	_ =	shalt  }
0x7a: {  	_ =	shalt  }
0x7b: {  	_ =	shalt  }
0x7c: {  	_ =	shalt  }
0x7d: {  	_ =	shalt  }
0x7e: {  	_ =	shalt  }
0x7f: {  	_ =	shalt  }
0x80: {  	_ =	shalt  }
0x81: {  	_ =	shalt  }
0x82: {  	_ =	shalt  }
0x83: {  	_ =	shalt  }
0x84: {  	_ =	shalt  }
0x85: {  	_ =	shalt  }
0x86: {  	_ =	shalt  }
0x87: {  	_ =	shalt  }
.Lfunc_end0:
.L_simem_size_0:
called_computation_lowered:
.L_overlay_start_0:
0x88: {  	s2 =	sld [smem:$0x3FD9]  }
0x89: {  	s3 =	sld [smem:$0x3FFE];
	_ =	sdelay $0x1  }
0x8a: {  	s1 =	srdreg.scid  }
0x8b: {  	s0 =	sand.u32 $0x1, s1  }
0x8c: {  	s17 =	sshll.u32 s0, $0xA;
	s2 =	sadd.s32 s3, s2  }
0x8d: {  	s2 =	sadd.s32 s2, s17  }
0x8e: {  	[smem:$0x3FBC] =	sst s2  }
0x8f: {  	_ = 	snop  }
0x90: {  	s2 =	sld [smem:$0x3FC9]  }
0x91: {  	s18 =	sld [smem:$0x3FC8];
	(tm) =	ssettm $0x1  }
0x92: {  	s4 =	sld [smem:$0x3FFB];
	_ =	sdelay $0x3  }
0x93: {  	_ =	strace s4  }
0x94: {  	s4 =	sld [smem:$0x3FFC];
	_ =	sdelay $0x3  }
0x95: {  	_ =	strace s4  }
0x96: {  	s4 =	sld [smem:$0x3FFD];
	_ =	sdelay $0x3  }
0x97: {  	_ =	strace s4  }
0x98: {  	_ =	strace $0x8FFFFFFF  }
0x99: {  	s19 =	sld [smem:$0x3FDB];
	_ =	sdelay $0x1  }
0x9a: {  	s5 =	simm.s32 $_scs_section_size  }
0x9b: {  	s6 =	simm.s32 $_size__tile_overlayer_lowered;
	s7 =	simm.s32 $_tile_overlayer_lowered  }
0x9c: {  	s22 =	simm.s32 $0x1BFF;
	s21 =	sshll.u32 s7, $0x1;
	s4 =	sadd.s32 s5, s19  }
0x9d: {  	s8 =	simm.s32 $0x0;
	s20 =	sshll.u32 s6, $0x1;
	s6 =	sadd.s32 s21, s4  }
0x9e: {  	[timem:s8], [sflag:s22] =	dma.local [hbm:s6], s20  }
0x9f: {  	_ =	swait.ge [sflag:s22], s20  }
0xa0: {  	s5 =	ssub.s32 $0x0, s20;
	[sflag:s22] =	ssyncset.done $0x0  }
0xa1: {  	[sflag:s22] =	ssyncadd.s32 s5;
	_ =	sdelay $0x1  }
0xa2: {  	s23 =	simm.s32 $0x1B8B  }
0xa3: {  	_ =	swait.ge [sflag:s23], $0x1  }
0xa4: {  	[sflag:s23] =	ssyncset.done $0x0  }
0xa5: {  	s25 =	simm.s32 $0x1B8E;
	s24 =	sld [smem:$0x3FFE];
	[sflag:s23] =	ssyncadd.s32 $0xFFFFFFFF  }
0xa6: {  	s26 =	simm.s32 $execute0_lowered;
	[smem:$0x3FD2] =	sst s25  }
0xa7: {  	s6 =	sshll.u32 s26, $0x1;
	_ =	strace $0x80000046;
	[dreg:$0x1] =	wrdreg $0xFFFFFFFF  }
0xa8: {  	s28 =	simm.s32 $_size_execute0_lowered;
	s4 =	sadd.s32 s4, s6;
	[dreg:$0x0] =	wrdreg $0x0  }
0xa9: {  	s6 =	sshll.u32 s28, $0x1;
	[dreg:$0x2] =	wrdreg s4  }
0xaa: {  	[dreg:$0x3] =	wrdreg s6  }
0xab: {  	[dreg:$0x4] =	wrdreg $0xC0  }
0xac: {  	_ =	task [dreg:s8], $0x5FFFF  }
0xad: {  	[dreg:$0x1] =	wrdreg $0xFFFFFFFF  }
0xae: {  	[dreg:$0x0] =	wrdreg $0x60  }
0xaf: {  	[dreg:$0x2] =	wrdreg s24  }
0xb0: {  	[dreg:$0x3] =	wrdreg s2  }
0xb1: {  	[dreg:$0x4] =	wrdreg s18  }
0xb2: {  	[dreg:$0x5] =	wrdreg $0xAC000  }
0xb3: {  	[dreg:$0x6] =	wrdreg $0x9  }
0xb4: {  	_ =	task.clear_ibuf [dreg:s8], $0x7FFFF;
	_ =	strace $0x90000046  }
0xb5: {  	s29 =	simm.s32 $0x9;
	_ =	strace $0x80000048  }
0xb6: {  	_ =	swait.ge [sflag:s29], $0x1  }
0xb7: {  	[sflag:s29] =	ssyncadd.s32 $0xFFFFFFFF  }
0xb8: {  	_ =	strace $0x90000048  }
0xb9: {  	_ =	sfence  }
0xba: {  	s30 =	sld [smem:$0x0];
	_ =	sdelay $0x2  }
0xbb: {  	s31 =	sshll.u32 s1, $0xD;
	s1 =	sshrl.u32 s1, $0x2  }
0xbc: {  	s3 =	sand.u32 $0x4000, s31;
	s1 =	sadd.s32 s1, s30  }
0xbd: {  	s0 =	sor.u32 s3, s0;
	s1 =	sshll.u32 s1, $0x11  }
0xbe: {  	s0 =	sor.u32 s1, s0  }
0xbf: {  	s0 =	sadd.s32 $0x8F2B, s0  }
0xc0: {  	[sflag:s0] =	ssyncadd.remote.s32 $0x1  }
0xc1: {  	_ =	sfence.sel $0xFFFF  }
0xc2: {  	[dreg:$0x0] =	wrdreg $0xFFFFFFFF;
	(pc) =	sbr.abs _section_cstart, $3  }
0xc3: {  	[dreg:$0x1] =	wrdreg $0xFFFFFFFF  }
0xc4: {  	_ =	task.clear_ibuf [dreg:s8], $0x2FFFF;
	_ =	strace $0x9FFFFFFF  }
0xc5: {  	(tm) =	ssettm $0x7FFFFFFF  }
tec
execute0_lowered:
.L_overlay_start_1:
0x0: {  	(tag) =	ssettag $0x1  }
0x1: {  	s0 =	rddreg [dreg:$0x0]  }
0x2: {  	s2 =	rddreg [dreg:$0x1]  }
0x3: {  	s3 =	rddreg [dreg:$0x2]  }
0x4: {  	s4 =	rddreg [dreg:$0x3];
	s14 =	stileid.u32  }
0x5: {  	s5 =	simm.s32 $0x0;
	s1 =	srdreg.scid;
	s6 =	smul.u32 $0x4F000, s14  }
0x6: {  	s11 =	simm.s32 $0xC4;
	s28 =	simm.s32 $0x400;
	s21 =	smul.u32 $0x78, s14  }
0x7: {  	s29 =	simm.s32 $0x7;
	s30 =	simm.s32 $0x40;
	s23 =	smul.u32 $0x13C00, s14  }
0x8: {  	s31 =	simm.s32 $0x1;
	[smem:$0x7FF] =	sst s5;
	s13 =	smul.u32 $0x2800, s14  }
0x9: {  	s1 =	sand.u32 $0x1, s1;
	s24 =	smul.u32 $0xA000, s14;
	_ =	strace $0x80000047  }
0xa: {  	s8 =	ssub.s32 $0x2, s1;
	p0 =	seq.s32 s1, $0x0;
	s7 =	sshrl.u32 s6, $0x2  }
0xb: {  	s1 =	smul.u32 $0x164000, s1;
	s6 =	sadd.s32 $0x1200, s0;
	s7 =	sadd.s32 s7, s4  }
0xc: {  	s9 =	sshrl.u32 s8, $0x1;
	s0 =	sadd.s32 $0x50200, s0;
	s15 =	sadd.s32 $0x2000, s7  }
0xd: {  	s11 =	simm.s32 @!p0 $0x78;
	s16 =	sadd.s32 $0x4000, s7;
	[dreg:$0x5] =	wrdreg s15  }
0xe: {  	s25 =	sshrl.u32 s24, $0x2;
	s17 =	sadd.s32 $0x6000, s7;
	[dreg:$0x6] =	wrdreg s16  }
0xf: {  	s8 =	ssub.s32 s8, s9;
	s18 =	sadd.s32 $0x8000, s7;
	[dreg:$0x7] =	wrdreg s17  }
0x10: {  	s9 =	sadd.s32 $0xC40, s21;
	s19 =	sadd.s32 $0xA000, s7;
	[dreg:$0x8] =	wrdreg s18  }
0x11: {  	s21 =	sadd.s32 $0xFFFFFFFE, s11;
	s20 =	sadd.s32 $0xC000, s7;
	[dreg:$0x9] =	wrdreg s19  }
0x12: {  	s10 =	sadd.s32 $0xE000, s7;
	s22 =	sadd.s32 $0x10000, s7;
	[dreg:$0xa] =	wrdreg s20  }
0x13: {  	s26 =	smax.u32 s8, $0x1;
	s8 =	simm.s32 $0x8400;
	[dreg:$0xb] =	wrdreg s10  }
0x14: {  	[dreg:$0xc] =	wrdreg s22;
	s10 =	smul.u32 $0xC4, s14;
	s17 =	sshrl.u32 s11, $0x1  }
0x15: {  	s18 =	sadd.s32 $0xFFFFFFFF, s11;
	[dreg:$0x10] =	wrdreg s26;
	s26 =	sadd.s32 $0x12000, s7  }
0x16: {  	s11 =	simm.s32 $0x4;
	s14 =	simm.s32 $0x6;
	s9 =	smov.u32 @p0 s10  }
0x17: {  	s10 =	sadd.s32 s23, s1;
	s1 =	sadd.s32 s1, s13;
	s23 =	sadd.s32 s25, s4  }
0x18: {  	s13 =	simm.s32 $0x2400;
	s12 =	sshll.u32 s9, $0x6;
	s10 =	sshrl.u32 s10, $0x3  }
0x19: {  	s1 =	sshrl.u32 s1, $0x3;
	s20 =	sor.u32 $0x1, s9;
	s22 =	sor.u32 $0x2, s9  }
0x1a: {  	s9 =	simm.s32 $0x5;
	s12 =	sadd.s32 s6, s12;
	s10 =	sadd.s32 s0, s10  }
0x1b: {  	s0 =	sadd.s32 s0, s1;
	s1 =	simm.s32 $0x100;
	[dreg:$0xd] =	wrdreg s12  }
0x1c: {  	[dreg:$0xe] =	wrdreg s10;
	s0 =	sadd.s32 $0x27800, s0;
	s10 =	simm.s32 $0x2  }
0x1d: {  	v0 =	vimm.f32 $0.0e+00;
	s12 =	simm.s32 $0x300;
	[dreg:$0xf] =	wrdreg s0;
	s0 =	simm.s32 $0x3  }
.LBB2_1:
0x1e: {  	s15 =	simm.s32 $0x0;
	s16 =	simm.s32 $0x200  }
.LBB2_2:
0x1f: {  	p0 =	sne.s32 s16, $0x7E00;
	[tilespmem:s15+$0x470] =	vst v0  }
0x20: {  	[tilespmem:s15+$0x400] =	vst v0  }
0x21: {  	[tilespmem:s15+$0x410] =	vst v0  }
.Ltmp0:
0x22: {  	[tilespmem:s15+$0x420] =	vst v0;
	(pc) =	sbr.rel @p0 .LBB2_2-.Ltmp0, $4  }
0x23: {  	[tilespmem:s15+$0x430] =	vst v0  }
0x24: {  	[tilespmem:s15+$0x440] =	vst v0  }
0x25: {  	[tilespmem:s15+$0x450] =	vst v0  }
0x26: {  	[tilespmem:s15+$0x460] =	vst v0;
	s15 =	sshra.s32 s16, $0x2;
	s16 =	sadd.s32 $0x200, s16  }
0x27: {  	[tilespmem:s15+$0x470] =	vst v0  }
0x28: {  	[tilespmem:s15+$0x400] =	vst v0  }
0x29: {  	[tilespmem:s15+$0x410] =	vst v0  }
0x2a: {  	[tilespmem:s15+$0x420] =	vst v0  }
0x2b: {  	[tilespmem:s15+$0x430] =	vst v0  }
0x2c: {  	[tilespmem:s15+$0x440] =	vst v0  }
0x2d: {  	[tilespmem:s15+$0x450] =	vst v0  }
0x2e: {  	[tilespmem:s15+$0x460] =	vst v0  }
0x2f: {  	[spmem:s7] =	stream.linear.scatter [tilespmem:s28], [sflag:$0x7], $0x2000, $0x38;
	[tilespmem:$0x1E800] =	vst v63  }
0x30: {  	_ =	swait.ge [sflag:s29], $0x2000  }
0x31: {  	[sflag:s29] =	ssyncset.done $0x0  }
0x32: {  	s16 =	rddreg [dreg:$0x5];
	[sflag:s29] =	ssyncadd.s32 $0xFFFFE000  }
0x33: {  	[spmem:s16] =	stream.linear.scatter [tilespmem:s28], [sflag:$0x7], $0x2000, $0x38;
	[tilespmem:$0x1E800] =	vst v63  }
0x34: {  	_ =	swait.ge [sflag:s29], $0x2000  }
0x35: {  	[sflag:s29] =	ssyncset.done $0x0  }
0x36: {  	s19 =	rddreg [dreg:$0x6];
	[sflag:s29] =	ssyncadd.s32 $0xFFFFE000  }
0x37: {  	[spmem:s19] =	stream.linear.scatter [tilespmem:s28], [sflag:$0x7], $0x2000, $0x38;
	[tilespmem:$0x1E800] =	vst v63  }
0x38: {  	_ =	swait.ge [sflag:s29], $0x2000  }
0x39: {  	[sflag:s29] =	ssyncset.done $0x0  }
0x3a: {  	s24 =	rddreg [dreg:$0x7];
	[sflag:s29] =	ssyncadd.s32 $0xFFFFE000  }
0x3b: {  	[spmem:s24] =	stream.linear.scatter [tilespmem:s28], [sflag:$0x7], $0x2000, $0x38;
	[tilespmem:$0x1E800] =	vst v63  }
0x3c: {  	_ =	swait.ge [sflag:s29], $0x2000  }
0x3d: {  	[sflag:s29] =	ssyncset.done $0x0  }
0x3e: {  	s25 =	rddreg [dreg:$0x8];
	[sflag:s29] =	ssyncadd.s32 $0xFFFFE000  }
0x3f: {  	[spmem:s25] =	stream.linear.scatter [tilespmem:s28], [sflag:$0x7], $0x2000, $0x38;
	[tilespmem:$0x1E800] =	vst v63  }
0x40: {  	_ =	swait.ge [sflag:s29], $0x2000  }
0x41: {  	[sflag:s29] =	ssyncset.done $0x0  }
0x42: {  	s16 =	rddreg [dreg:$0x9];
	[sflag:s29] =	ssyncadd.s32 $0xFFFFE000  }
0x43: {  	[spmem:s16] =	stream.linear.scatter [tilespmem:s28], [sflag:$0x7], $0x2000, $0x38;
	[tilespmem:$0x1E800] =	vst v63  }
0x44: {  	_ =	swait.ge [sflag:s29], $0x2000  }
0x45: {  	[sflag:s29] =	ssyncset.done $0x0  }
0x46: {  	s19 =	rddreg [dreg:$0xa];
	[sflag:s29] =	ssyncadd.s32 $0xFFFFE000  }
0x47: {  	[spmem:s19] =	stream.linear.scatter [tilespmem:s28], [sflag:$0x7], $0x2000, $0x38;
	[tilespmem:$0x1E800] =	vst v63  }
0x48: {  	_ =	swait.ge [sflag:s29], $0x2000  }
0x49: {  	[sflag:s29] =	ssyncset.done $0x0  }
0x4a: {  	s24 =	rddreg [dreg:$0xb];
	[sflag:s29] =	ssyncadd.s32 $0xFFFFE000  }
0x4b: {  	[spmem:s24] =	stream.linear.scatter [tilespmem:s28], [sflag:$0x7], $0x2000, $0x38;
	[tilespmem:$0x1E800] =	vst v63  }
0x4c: {  	_ =	swait.ge [sflag:s29], $0x2000  }
0x4d: {  	[sflag:s29] =	ssyncset.done $0x0  }
0x4e: {  	s25 =	rddreg [dreg:$0xc];
	[sflag:s29] =	ssyncadd.s32 $0xFFFFE000  }
0x4f: {  	[spmem:s25] =	stream.linear.scatter [tilespmem:s28], [sflag:$0x7], $0x2000, $0x38;
	[tilespmem:$0x1E800] =	vst v63  }
0x50: {  	_ =	swait.ge [sflag:s29], $0x2000  }
0x51: {  	[sflag:s29] =	ssyncset.done $0x0  }
0x52: {  	[sflag:s29] =	ssyncadd.s32 $0xFFFFE000  }
0x53: {  	[spmem:s26] =	stream.linear.scatter [tilespmem:s28], [sflag:$0x7], $0x1C00, $0x38;
	[tilespmem:$0x1E800] =	vst v63  }
0x54: {  	_ =	swait.ge [sflag:s29], $0x1C00  }
0x55: {  	[sflag:s29] =	ssyncset.done $0x0  }
0x56: {  	s15 =	simm.s32 $0x0;
	s16 =	simm.s32 $0x200;
	[sflag:s29] =	ssyncadd.s32 $0xFFFFE400  }
.LBB2_4:
0x57: {  	p0 =	sne.s32 s16, $0x9E00;
	[tilespmem:s15+$0x8470] =	vst v0  }
0x58: {  	[tilespmem:s15+$0x8400] =	vst v0  }
0x59: {  	[tilespmem:s15+$0x8410] =	vst v0  }
.Ltmp1:
0x5a: {  	[tilespmem:s15+$0x8420] =	vst v0;
	(pc) =	sbr.rel @p0 .LBB2_4-.Ltmp1, $4  }
0x5b: {  	[tilespmem:s15+$0x8430] =	vst v0  }
0x5c: {  	[tilespmem:s15+$0x8440] =	vst v0  }
0x5d: {  	[tilespmem:s15+$0x8450] =	vst v0  }
0x5e: {  	[tilespmem:s15+$0x8460] =	vst v0;
	s15 =	sshra.s32 s16, $0x2;
	s16 =	sadd.s32 $0x200, s16  }
0x5f: {  	[tilespmem:s15+$0x8470] =	vst v0  }
0x60: {  	[tilespmem:s15+$0x8400] =	vst v0  }
0x61: {  	[tilespmem:s15+$0x8410] =	vst v0  }
0x62: {  	[tilespmem:s15+$0x8420] =	vst v0  }
0x63: {  	[tilespmem:s15+$0x8430] =	vst v0  }
0x64: {  	[tilespmem:s15+$0x8440] =	vst v0  }
0x65: {  	[tilespmem:s15+$0x8450] =	vst v0  }
0x66: {  	[tilespmem:s15+$0x8460] =	vst v0  }
0x67: {  	[bflag:$0x0] =	sbarrier.arrive $0xFFFF  }
0x68: {  	s15 =	simm.s32 $0x0;
	s16 =	rddreg [dreg:$0xd]  }
0x69: {  	[tilespmem:s15], [sflag:$0x7] =	stream.linear.gather [hbm4b:s16+s15], $0x180, $0x38;
	[tilespmem:$0x1E800] =	vst v63  }
0x6a: {  	_ =	swait.ge [sflag:s29], $0x180  }
0x6b: {  	[sflag:s29] =	ssyncset.done $0x0  }
0x6c: {  	[sflag:s29] =	ssyncadd.s32 $0xFFFFFE80  }
0x6d: {  	[tilespmem:s28], [sflag:$0x1] =	stream.indirect.gather [hbm4b:s2+s30], $0x80, s15, s30, $0xb8;
	[tilespmem:$0x1E800] =	vst v63  }
0x6e: {  	s25 =	simm.s32 $0x80;
	s19 =	simm.s32 $0x4400  }
0x6f: {  	[tilespmem:s19], [sflag:$0x3] =	stream.indirect.gather [hbm4b:s3+s30], $0x80, s25, s30, $0xb8;
	[tilespmem:$0x1E800] =	vst v63  }
.LBB2_6:
0x70: {  	p1 =	seq.s32 s15, $0x0  }
0x71: {  	s16 =	sshll.u32 s15, $0x1;
	s19 =	simm.s32 @!p1 $0x6  }
0x72: {  	p0 =	sge.u32 s16, s18;
	_ =	swait.ge @!p1 [sflag:s19], $0x2000  }
0x73: {  	s24 =	sadd.s32 @!p0 s16, s20;
	[sflag:s19] =	ssyncset.done @!p1 $0x0  }
0x74: {  	[sflag:s19] =	ssyncadd.s32 @!p1 $0xFFFFE000;
	s19 =	sshll.u32 @!p0 s24, $0x6  }
0x75: {  	s25 =	simm.s32 @!p0 $0x200;
	s24 =	simm.s32 @!p0 $0x0;
	s19 =	sadd.s32 @!p0 s6, s19  }
0x76: {  	[tilespmem:s25], [sflag:$0x7] =	stream.linear.gather @!p0 [hbm4b:s19+s24], $0x180, $0x38;
	[tilespmem:$0x1E800] =	vst v63  }
0x77: {  	s19 =	simm.s32 @!p0 $0x7  }
0x78: {  	_ =	swait.ge @!p0 [sflag:s19], $0x180  }
0x79: {  	[sflag:s19] =	ssyncset.done @!p0 $0x0  }
0x7a: {  	s24 =	simm.s32 @!p0 $0x2400;
	[sflag:s19] =	ssyncadd.s32 @!p0 $0xFFFFFE80;
	s19 =	simm.s32 @!p0 $0x40  }
0x7b: {  	[tilespmem:s24], [sflag:$0x2] =	stream.indirect.gather @!p0 [hbm4b:s2+s19], $0x80, s25, s19, $0xb8;
	[tilespmem:$0x1E800] =	vst v63  }
0x7c: {  	s24 =	simm.s32 @!p0 $0x280;
	s25 =	simm.s32 @!p0 $0x6400  }
0x7d: {  	[tilespmem:s25], [sflag:$0x4] =	stream.indirect.gather @!p0 [hbm4b:s3+s19], $0x80, s24, s19, $0xb8;
	[tilespmem:$0x1E800] =	vst v63  }
0x7e: {  	_ =	swait.ge [sflag:s31], $0x2000  }
0x7f: {  	[sflag:s31] =	ssyncset.done $0x0  }
0x80: {  	[sflag:s31] =	ssyncadd.s32 $0xFFFFE000  }
0x81: {  	_ =	swait.ge [sflag:s0], $0x2000  }
0x82: {  	[sflag:s0] =	ssyncset.done $0x0  }
0x83: {  	s19 =	simm.s32 $0x0;
	[sflag:s0] =	ssyncadd.s32 $0xFFFFE000  }
0x84: {  	v34 =	vld [tilespmem:s19+$0x4400]  }
0x85: {  	v35 =	vld [tilespmem:s19+$0x4410]  }
0x86: {  	v36 =	vld [tilespmem:s19+$0x4420]  }
0x87: {  	v37 =	vld [tilespmem:s19+$0x4430]  }
0x88: {  	v38 =	vld [tilespmem:s19+$0x4440]  }
0x89: {  	v39 =	vld [tilespmem:s19+$0x4450]  }
0x8a: {  	v40 =	vld [tilespmem:s19+$0x4460]  }
0x8b: {  	v41 =	vld [tilespmem:s19+$0x4470]  }
0x8c: {  	v42 =	vld [tilespmem:s19+$0x4480]  }
0x8d: {  	v43 =	vld [tilespmem:s19+$0x4490]  }
0x8e: {  	v44 =	vld [tilespmem:s19+$0x44A0]  }
0x8f: {  	v45 =	vld [tilespmem:s19+$0x44B0]  }
0x90: {  	v46 =	vld [tilespmem:s19+$0x44C0]  }
0x91: {  	v47 =	vld [tilespmem:s19+$0x44D0]  }
0x92: {  	v48 =	vld [tilespmem:s19+$0x44E0]  }
0x93: {  	v49 =	vld [tilespmem:s19+$0x44F0]  }
0x94: {  	v50 =	vld [tilespmem:s19+$0x4500]  }
0x95: {  	v51 =	vld [tilespmem:s19+$0x4510]  }
0x96: {  	v52 =	vld [tilespmem:s19+$0x4520]  }
0x97: {  	v53 =	vld [tilespmem:s19+$0x4530]  }
0x98: {  	v54 =	vld [tilespmem:s19+$0x4540]  }
0x99: {  	v0 =	vld [tilespmem:s19+$0x4740]  }
0x9a: {  	v55 =	vld [tilespmem:s19+$0x4550]  }
0x9b: {  	v56 =	vld [tilespmem:s19+$0x4560]  }
0x9c: {  	v57 =	vld [tilespmem:s19+$0x4570]  }
0x9d: {  	v58 =	vld [tilespmem:s19+$0x4580]  }
0x9e: {  	[tilespmem:$0x1FFA0] =	vst v0;
	v0 =	vld [tilespmem:s19+$0x4750]  }
0x9f: {  	v59 =	vld [tilespmem:s19+$0x4590]  }
0xa0: {  	v60 =	vld [tilespmem:s19+$0x45A0]  }
0xa1: {  	v61 =	vld [tilespmem:s19+$0x45B0]  }
0xa2: {  	v62 =	vld [tilespmem:s19+$0x45C0]  }
0xa3: {  	[tilespmem:$0x1FFB0] =	vst v0;
	v0 =	vld [tilespmem:s19+$0x4760]  }
0xa4: {  	v63 =	vld [tilespmem:s19+$0x45D0]  }
0xa5: {  	v33 =	vld [tilespmem:s19+$0x45E0]  }
0xa6: {  	v32 =	vld [tilespmem:s19+$0x45F0]  }
0xa7: {  	v31 =	vld [tilespmem:s19+$0x4600]  }
0xa8: {  	[tilespmem:$0x1FFC0] =	vst v0;
	v0 =	vld [tilespmem:s19+$0x4770]  }
0xa9: {  	v30 =	vld [tilespmem:s19+$0x4610]  }
0xaa: {  	v29 =	vld [tilespmem:s19+$0x4620]  }
0xab: {  	v28 =	vld [tilespmem:s19+$0x4630]  }
0xac: {  	v27 =	vld [tilespmem:s19+$0x4640]  }
0xad: {  	[tilespmem:$0x1FFD0] =	vst v0;
	v0 =	vld [tilespmem:s19+$0x4780]  }
0xae: {  	v26 =	vld [tilespmem:s19+$0x4650]  }
0xaf: {  	v25 =	vld [tilespmem:s19+$0x4660]  }
0xb0: {  	v24 =	vld [tilespmem:s19+$0x4670]  }
0xb1: {  	v12 =	vld [tilespmem:s19+$0x4680]  }
0xb2: {  	[tilespmem:$0x1FFE0] =	vst v0;
	v0 =	vld [tilespmem:s19+$0x4790]  }
0xb3: {  	v23 =	vld [tilespmem:s19+$0x4690]  }
0xb4: {  	v22 =	vld [tilespmem:s19+$0x46A0]  }
0xb5: {  	v21 =	vld [tilespmem:s19+$0x46B0]  }
0xb6: {  	v20 =	vld [tilespmem:s19+$0x46C0]  }
0xb7: {  	[tilespmem:$0x1FFF0] =	vst v0;
	v0 =	vld [tilespmem:s19+$0x400]  }
0xb8: {  	v19 =	vld [tilespmem:s19+$0x46D0]  }
0xb9: {  	v8 =	vld [tilespmem:s19+$0x420]  }
0xba: {  	v18 =	vld [tilespmem:s19+$0x46E0]  }
0xbb: {  	v16 =	vld [tilespmem:s19+$0x46F0]  }
0xbc: {  	v15 =	vld [tilespmem:s19+$0x4700];
	v0 =	vmul.f32 v34, v0  }
0xbd: {  	v9 =	vld [tilespmem:s19+$0x430]  }
0xbe: {  	v8 =	vmul.f32 v36, v8;
	[tilespmem:s19+$0x400] =	vst v0;
	v0 =	vld [tilespmem:s19+$0x470]  }
0xbf: {  	v14 =	vld [tilespmem:s19+$0x4710]  }
0xc0: {  	[tilespmem:s19+$0x420] =	vst v8;
	v8 =	vld [tilespmem:s19+$0x490]  }
0xc1: {  	v13 =	vld [tilespmem:s19+$0x4720]  }
0xc2: {  	v1 =	vld [tilespmem:s19+$0x4730];
	v9 =	vmul.f32 v37, v9  }
0xc3: {  	v11 =	vld [tilespmem:s19+$0x460];
	v0 =	vmul.f32 v41, v0  }
0xc4: {  	[tilespmem:s19+$0x430] =	vst v9;
	v9 =	vld [tilespmem:s19+$0x4A0]  }
0xc5: {  	v8 =	vmul.f32 v43, v8;
	[tilespmem:s19+$0x470] =	vst v0;
	v0 =	vld [tilespmem:s19+$0x4E0]  }
0xc6: {  	v7 =	vld [tilespmem:s19+$0x410]  }
0xc7: {  	[tilespmem:s19+$0x490] =	vst v8;
	v8 =	vld [tilespmem:s19+$0x500]  }
0xc8: {  	v6 =	vld [tilespmem:s19+$0x47A0];
	v11 =	vmul.f32 v40, v11  }
0xc9: {  	v10 =	vld [tilespmem:s19+$0x440];
	v9 =	vmul.f32 v44, v9  }
0xca: {  	[tilespmem:s19+$0x460] =	vst v11;
	v11 =	vld [tilespmem:s19+$0x4D0];
	v0 =	vmul.f32 v48, v0  }
0xcb: {  	v7 =	vmul.f32 v35, v7;
	[tilespmem:s19+$0x4A0] =	vst v9;
	v9 =	vld [tilespmem:s19+$0x510]  }
0xcc: {  	v8 =	vmul.f32 v50, v8;
	[tilespmem:s19+$0x4E0] =	vst v0;
	v0 =	vld [tilespmem:s19+$0x550]  }
0xcd: {  	[tilespmem:s19+$0x410] =	vst v7;
	v7 =	vld [tilespmem:s19+$0x480]  }
0xce: {  	v10 =	vmul.f32 v38, v10;
	[tilespmem:s19+$0x500] =	vst v8;
	v8 =	vld [tilespmem:s19+$0x570]  }
0xcf: {  	v5 =	vld [tilespmem:s19+$0x47B0];
	v11 =	vmul.f32 v47, v11  }
0xd0: {  	[tilespmem:s19+$0x440] =	vst v10;
	v10 =	vld [tilespmem:s19+$0x4B0];
	v9 =	vmul.f32 v51, v9  }
0xd1: {  	[tilespmem:s19+$0x4D0] =	vst v11;
	v11 =	vld [tilespmem:s19+$0x540];
	v0 =	vmul.f32 v55, v0  }
0xd2: {  	v7 =	vmul.f32 v42, v7;
	[tilespmem:s19+$0x510] =	vst v9;
	v9 =	vld [tilespmem:s19+$0x580]  }
0xd3: {  	v8 =	vmul.f32 v57, v8;
	[tilespmem:s19+$0x550] =	vst v0;
	v0 =	vld [tilespmem:s19+$0x5C0]  }
0xd4: {  	[tilespmem:s19+$0x480] =	vst v7;
	v7 =	vld [tilespmem:s19+$0x4F0]  }
0xd5: {  	v10 =	vmul.f32 v45, v10;
	[tilespmem:s19+$0x570] =	vst v8;
	v8 =	vld [tilespmem:s19+$0x5E0]  }
0xd6: {  	v4 =	vld [tilespmem:s19+$0x47C0];
	v11 =	vmul.f32 v54, v11  }
0xd7: {  	[tilespmem:s19+$0x4B0] =	vst v10;
	v10 =	vld [tilespmem:s19+$0x520];
	v9 =	vmul.f32 v58, v9  }
0xd8: {  	[tilespmem:s19+$0x540] =	vst v11;
	v11 =	vld [tilespmem:s19+$0x5B0];
	v0 =	vmul.f32 v62, v0  }
0xd9: {  	v7 =	vmul.f32 v49, v7;
	[tilespmem:s19+$0x580] =	vst v9;
	v9 =	vld [tilespmem:s19+$0x5F0]  }
0xda: {  	v8 =	vmul.f32 v33, v8;
	[tilespmem:s19+$0x5C0] =	vst v0;
	v0 =	vld [tilespmem:s19+$0x630]  }
0xdb: {  	[tilespmem:s19+$0x4F0] =	vst v7;
	v7 =	vld [tilespmem:s19+$0x560]  }
0xdc: {  	v10 =	vmul.f32 v52, v10;
	[tilespmem:s19+$0x5E0] =	vst v8;
	v8 =	vld [tilespmem:s19+$0x650]  }
0xdd: {  	v3 =	vld [tilespmem:s19+$0x47D0];
	v11 =	vmul.f32 v61, v11  }
0xde: {  	[tilespmem:s19+$0x520] =	vst v10;
	v10 =	vld [tilespmem:s19+$0x590];
	v9 =	vmul.f32 v32, v9  }
0xdf: {  	[tilespmem:s19+$0x5B0] =	vst v11;
	v11 =	vld [tilespmem:s19+$0x620];
	v0 =	vmul.f32 v28, v0  }
0xe0: {  	v7 =	vmul.f32 v56, v7;
	[tilespmem:s19+$0x5F0] =	vst v9;
	v9 =	vld [tilespmem:s19+$0x660]  }
0xe1: {  	v8 =	vmul.f32 v26, v8;
	[tilespmem:s19+$0x630] =	vst v0;
	v0 =	vld [tilespmem:s19+$0x6A0]  }
0xe2: {  	[tilespmem:s19+$0x560] =	vst v7;
	v7 =	vld [tilespmem:s19+$0x5D0]  }
0xe3: {  	v10 =	vmul.f32 v59, v10;
	[tilespmem:s19+$0x650] =	vst v8;
	v8 =	vld [tilespmem:s19+$0x6C0]  }
0xe4: {  	v2 =	vld [tilespmem:s19+$0x47E0];
	v11 =	vmul.f32 v29, v11  }
0xe5: {  	[tilespmem:s19+$0x590] =	vst v10;
	v10 =	vld [tilespmem:s19+$0x600];
	v9 =	vmul.f32 v25, v9  }
0xe6: {  	[tilespmem:s19+$0x620] =	vst v11;
	v11 =	vld [tilespmem:s19+$0x690];
	v0 =	vmul.f32 v22, v0  }
0xe7: {  	v7 =	vmul.f32 v63, v7;
	[tilespmem:s19+$0x660] =	vst v9;
	v9 =	vld [tilespmem:s19+$0x6D0]  }
0xe8: {  	v8 =	vmul.f32 v20, v8;
	[tilespmem:s19+$0x6A0] =	vst v0;
	v0 =	vld [tilespmem:s19+$0x710]  }
0xe9: {  	[tilespmem:s19+$0x5D0] =	vst v7;
	v7 =	vld [tilespmem:s19+$0x640]  }
0xea: {  	v10 =	vmul.f32 v31, v10;
	[tilespmem:s19+$0x6C0] =	vst v8;
	v8 =	vld [tilespmem:s19+$0x730]  }
0xeb: {  	v40 =	vld [tilespmem:s19+$0x4C0];
	v11 =	vmul.f32 v23, v11  }
0xec: {  	[tilespmem:s19+$0x600] =	vst v10;
	v10 =	vld [tilespmem:s19+$0x670];
	v9 =	vmul.f32 v19, v9  }
0xed: {  	[tilespmem:s19+$0x690] =	vst v11;
	v11 =	vld [tilespmem:s19+$0x700];
	v0 =	vmul.f32 v14, v0  }
0xee: {  	v7 =	vmul.f32 v27, v7;
	[tilespmem:s19+$0x6D0] =	vst v9;
	v9 =	vld [tilespmem:s19+$0x740]  }
0xef: {  	[tilespmem:s19+$0x710] =	vst v0;
	v0 =	vmul.f32 v1, v8;
	v1 =	vld [tilespmem:$0x1FFA0]  }
0xf0: {  	[tilespmem:s19+$0x640] =	vst v7;
	v7 =	vld [tilespmem:s19+$0x6B0]  }
0xf1: {  	v47 =	vld [tilespmem:s19+$0x530]  }
0xf2: {  	v63 =	vld [tilespmem:s19+$0x680]  }
0xf3: {  	v11 =	vmul.f32 v15, v11;
	v15 =	vld [tilespmem:s19+$0x760]  }
0xf4: {  	v10 =	vmul.f32 v24, v10;
	v8 =	vmul.f32 v1, v9;
	v1 =	vld [tilespmem:$0x1FFC0]  }
0xf5: {  	v34 =	vld [tilespmem:s19+$0x450];
	v7 =	vmul.f32 v21, v7  }
0xf6: {  	[tilespmem:s19+$0x670] =	vst v10;
	v10 =	vld [tilespmem:s19+$0x6E0]  }
0xf7: {  	[tilespmem:s19+$0x6B0] =	vst v7;
	v7 =	vld [tilespmem:s19+$0x720]  }
0xf8: {  	[tilespmem:s19+$0x700] =	vst v11;
	v11 =	vld [tilespmem:s19+$0x770]  }
0xf9: {  	v12 =	vmul.f32 v12, v63;
	[tilespmem:s19+$0x740] =	vst v8;
	v8 =	vmul.f32 v1, v15;
	v1 =	vld [tilespmem:$0x1FFD0]  }
0xfa: {  	v54 =	vld [tilespmem:s19+$0x5A0];
	v34 =	vmul.f32 v39, v34  }
0xfb: {  	v61 =	vld [tilespmem:s19+$0x610];
	[tilespmem:s19+$0x680] =	vst v12  }
0xfc: {  	v12 =	vld [tilespmem:s19+$0x6F0];
	[tilespmem:s19+$0x450] =	vst v34;
	v34 =	vmul.f32 v46, v40  }
0xfd: {  	v10 =	vmul.f32 v18, v10;
	v7 =	vmul.f32 v13, v7;
	v13 =	vld [tilespmem:s19+$0x780]  }
0xfe: {  	[tilespmem:s19+$0x4C0] =	vst v34;
	v11 =	vmul.f32 v1, v11;
	v1 =	vld [tilespmem:$0x1FFE0]  }
0xff: {  	v34 =	vmul.f32 v53, v47;
	[tilespmem:s19+$0x6E0] =	vst v10;
	v10 =	vld [tilespmem:s19+$0x750]  }
0x100: {  	[tilespmem:s19+$0x730] =	vst v0;
	v0 =	vld [tilespmem:$0x1FFB0]  }
0x101: {  	v17 =	vld [tilespmem:s19+$0x47F0];
	[tilespmem:s19+$0x530] =	vst v34  }
0x102: {  	v12 =	vmul.f32 v16, v12;
	[tilespmem:s19+$0x720] =	vst v7;
	v7 =	vld [tilespmem:s19+$0x790]  }
0x103: {  	v30 =	vmul.f32 v30, v61;
	[tilespmem:s19+$0x770] =	vst v11;
	v11 =	vmul.f32 v1, v13;
	v1 =	vld [tilespmem:$0x1FFF0]  }
0x104: {  	v34 =	vmul.f32 v60, v54;
	[tilespmem:s19+$0x6F0] =	vst v12;
	v12 =	vld [tilespmem:s19+$0x7A0]  }
0x105: {  	[tilespmem:s19+$0x610] =	vst v30;
	v9 =	vmul.f32 v0, v10;
	v0 =	vld [tilespmem:s19+$0x7B0]  }
0x106: {  	[tilespmem:s19+$0x5A0] =	vst v34;
	v10 =	vld [tilespmem:s19+$0x7C0]  }
0x107: {  	[tilespmem:s19+$0x750] =	vst v9;
	v9 =	vld [tilespmem:s19+$0x7D0]  }
0x108: {  	s24 =	simm.s32 $0x1000;
	[tilespmem:s19+$0x760] =	vst v8;
	v8 =	vmul.f32 v1, v7;
	v7 =	vld [tilespmem:s19+$0x7E0]  }
.LBB2_7:
0x109: {  	_ = 	snop  }
0x10a: {  	s25 =	sshra.s32 s24, $0x2;
	[tilespmem:s19+$0x780] =	vst v11;
	v11 =	vld [tilespmem:s19+$0x7F0];
	v6 =	vmul.f32 v6, v12  }
0x10b: {  	v57 =	vld [tilespmem:s25+$0x4400];
	[tilespmem:s19+$0x790] =	vst v8;
	v0 =	vmul.f32 v5, v0  }
0x10c: {  	v60 =	vld [tilespmem:s25+$0x4410];
	v4 =	vmul.f32 v4, v10;
	[tilespmem:s19+$0x7A0] =	vst v6  }
0x10d: {  	v61 =	vld [tilespmem:s25+$0x4420];
	[tilespmem:s19+$0x7B0] =	vst v0;
	v0 =	vmul.f32 v3, v9  }
0x10e: {  	v2 =	vmul.f32 v2, v7;
	v62 =	vld [tilespmem:s25+$0x4430];
	[tilespmem:s19+$0x7C0] =	vst v4  }
0x10f: {  	v1 =	vmul.f32 v17, v11;
	v63 =	vld [tilespmem:s25+$0x4440];
	[tilespmem:s19+$0x7D0] =	vst v0  }
0x110: {  	v0 =	vld [tilespmem:s25+$0x4450];
	[tilespmem:s19+$0x7E0] =	vst v2  }
0x111: {  	v58 =	vld [tilespmem:s25+$0x4460];
	[tilespmem:s19+$0x7F0] =	vst v1;
	s19 =	smov.u32 s25  }
0x112: {  	v59 =	vld [tilespmem:s19+$0x4470]  }
0x113: {  	v56 =	vld [tilespmem:s19+$0x4480]  }
0x114: {  	v55 =	vld [tilespmem:s19+$0x4490]  }
0x115: {  	v54 =	vld [tilespmem:s19+$0x44A0]  }
0x116: {  	v53 =	vld [tilespmem:s19+$0x44B0]  }
0x117: {  	v52 =	vld [tilespmem:s19+$0x44C0]  }
0x118: {  	v51 =	vld [tilespmem:s19+$0x44D0]  }
0x119: {  	v50 =	vld [tilespmem:s19+$0x44E0]  }
0x11a: {  	v49 =	vld [tilespmem:s19+$0x44F0]  }
0x11b: {  	v48 =	vld [tilespmem:s19+$0x4500]  }
0x11c: {  	v47 =	vld [tilespmem:s19+$0x4510]  }
0x11d: {  	v46 =	vld [tilespmem:s19+$0x4520]  }
0x11e: {  	v45 =	vld [tilespmem:s19+$0x4530]  }
0x11f: {  	v44 =	vld [tilespmem:s19+$0x4540]  }
0x120: {  	v43 =	vld [tilespmem:s19+$0x4550]  }
0x121: {  	v42 =	vld [tilespmem:s19+$0x4560]  }
0x122: {  	v41 =	vld [tilespmem:s19+$0x4570]  }
0x123: {  	v40 =	vld [tilespmem:s19+$0x4580]  }
0x124: {  	v39 =	vld [tilespmem:s19+$0x4590]  }
0x125: {  	v38 =	vld [tilespmem:s19+$0x45A0]  }
0x126: {  	v37 =	vld [tilespmem:s19+$0x45B0]  }
0x127: {  	v36 =	vld [tilespmem:s19+$0x45C0]  }
0x128: {  	v1 =	vld [tilespmem:s19+$0x4750]  }
0x129: {  	v35 =	vld [tilespmem:s19+$0x45D0]  }
0x12a: {  	v34 =	vld [tilespmem:s19+$0x45E0]  }
0x12b: {  	v33 =	vld [tilespmem:s19+$0x45F0]  }
0x12c: {  	v32 =	vld [tilespmem:s19+$0x4600]  }
0x12d: {  	[tilespmem:$0x1FF50] =	vst v1;
	v1 =	vld [tilespmem:s19+$0x4760]  }
0x12e: {  	v31 =	vld [tilespmem:s19+$0x4610]  }
0x12f: {  	v30 =	vld [tilespmem:s19+$0x4620]  }
0x130: {  	v29 =	vld [tilespmem:s19+$0x4630]  }
0x131: {  	v28 =	vld [tilespmem:s19+$0x4640]  }
0x132: {  	[tilespmem:$0x1FF60] =	vst v1;
	v1 =	vld [tilespmem:s19+$0x4770]  }
0x133: {  	v27 =	vld [tilespmem:s19+$0x4650]  }
0x134: {  	v26 =	vld [tilespmem:s19+$0x4660]  }
0x135: {  	v25 =	vld [tilespmem:s19+$0x4670]  }
0x136: {  	v24 =	vld [tilespmem:s19+$0x4680]  }
0x137: {  	[tilespmem:$0x1FF70] =	vst v1;
	v1 =	vld [tilespmem:s19+$0x4780]  }
0x138: {  	v23 =	vld [tilespmem:s19+$0x4690]  }
0x139: {  	v22 =	vld [tilespmem:s19+$0x46A0]  }
0x13a: {  	v21 =	vld [tilespmem:s19+$0x46B0]  }
0x13b: {  	v20 =	vld [tilespmem:s19+$0x46C0]  }
0x13c: {  	[tilespmem:$0x1FF80] =	vst v1;
	v1 =	vld [tilespmem:s19+$0x4790]  }
0x13d: {  	v19 =	vld [tilespmem:s19+$0x46D0]  }
0x13e: {  	v18 =	vld [tilespmem:s19+$0x46E0]  }
0x13f: {  	v7 =	vld [tilespmem:s19+$0x46F0]  }
0x140: {  	v8 =	vld [tilespmem:s19+$0x4700]  }
0x141: {  	[tilespmem:$0x1FF90] =	vst v1;
	v1 =	vld [tilespmem:s19+$0x400]  }
0x142: {  	v13 =	vld [tilespmem:s19+$0x410]  }
0x143: {  	v14 =	vld [tilespmem:s19+$0x420]  }
0x144: {  	v15 =	vld [tilespmem:s19+$0x430]  }
0x145: {  	v16 =	vld [tilespmem:s19+$0x440]  }
0x146: {  	v1 =	vmul.f32 v57, v1;
	v57 =	vld [tilespmem:s19+$0x450]  }
0x147: {  	v13 =	vmul.f32 v60, v13;
	v60 =	vld [tilespmem:s19+$0x460]  }
0x148: {  	[tilespmem:s19+$0x400] =	vst v1;
	v1 =	vmul.f32 v61, v14;
	v14 =	vld [tilespmem:s19+$0x470]  }
0x149: {  	[tilespmem:s19+$0x410] =	vst v13;
	v13 =	vmul.f32 v62, v15;
	v15 =	vld [tilespmem:s19+$0x480]  }
0x14a: {  	[tilespmem:s19+$0x420] =	vst v1;
	v1 =	vmul.f32 v63, v16;
	v16 =	vld [tilespmem:s19+$0x490]  }
0x14b: {  	[tilespmem:s19+$0x430] =	vst v13;
	v13 =	vld [tilespmem:s19+$0x4A0];
	v0 =	vmul.f32 v0, v57  }
0x14c: {  	v63 =	vld [tilespmem:s19+$0x4B0];
	[tilespmem:s19+$0x440] =	vst v1;
	v1 =	vmul.f32 v58, v60  }
0x14d: {  	[tilespmem:s19+$0x450] =	vst v0;
	v0 =	vmul.f32 v59, v14;
	v14 =	vld [tilespmem:s19+$0x4C0]  }
0x14e: {  	[tilespmem:s19+$0x460] =	vst v1;
	v1 =	vmul.f32 v56, v15;
	v15 =	vld [tilespmem:s19+$0x4D0]  }
0x14f: {  	[tilespmem:s19+$0x470] =	vst v0;
	v0 =	vmul.f32 v55, v16;
	v16 =	vld [tilespmem:s19+$0x4E0]  }
0x150: {  	[tilespmem:s19+$0x480] =	vst v1;
	v1 =	vmul.f32 v54, v13;
	v13 =	vld [tilespmem:s19+$0x4F0]  }
0x151: {  	v57 =	vld [tilespmem:s19+$0x500];
	[tilespmem:s19+$0x490] =	vst v0;
	v0 =	vmul.f32 v53, v63  }
0x152: {  	[tilespmem:s19+$0x4A0] =	vst v1;
	v1 =	vmul.f32 v52, v14;
	v14 =	vld [tilespmem:s19+$0x510]  }
0x153: {  	[tilespmem:s19+$0x4B0] =	vst v0;
	v0 =	vmul.f32 v51, v15;
	v15 =	vld [tilespmem:s19+$0x520]  }
0x154: {  	[tilespmem:s19+$0x4C0] =	vst v1;
	v1 =	vmul.f32 v50, v16;
	v16 =	vld [tilespmem:s19+$0x530]  }
0x155: {  	[tilespmem:s19+$0x4D0] =	vst v0;
	v0 =	vmul.f32 v49, v13;
	v13 =	vld [tilespmem:s19+$0x540]  }
0x156: {  	v58 =	vld [tilespmem:s19+$0x550];
	[tilespmem:s19+$0x4E0] =	vst v1;
	v1 =	vmul.f32 v48, v57  }
0x157: {  	[tilespmem:s19+$0x4F0] =	vst v0;
	v0 =	vmul.f32 v47, v14;
	v14 =	vld [tilespmem:s19+$0x560]  }
0x158: {  	[tilespmem:s19+$0x500] =	vst v1;
	v1 =	vmul.f32 v46, v15;
	v15 =	vld [tilespmem:s19+$0x570]  }
0x159: {  	[tilespmem:s19+$0x510] =	vst v0;
	v0 =	vmul.f32 v45, v16;
	v16 =	vld [tilespmem:s19+$0x580]  }
0x15a: {  	[tilespmem:s19+$0x520] =	vst v1;
	v1 =	vmul.f32 v44, v13;
	v13 =	vld [tilespmem:s19+$0x590]  }
0x15b: {  	v59 =	vld [tilespmem:s19+$0x5A0];
	[tilespmem:s19+$0x530] =	vst v0;
	v0 =	vmul.f32 v43, v58  }
0x15c: {  	[tilespmem:s19+$0x540] =	vst v1;
	v1 =	vmul.f32 v42, v14;
	v14 =	vld [tilespmem:s19+$0x5B0]  }
0x15d: {  	[tilespmem:s19+$0x550] =	vst v0;
	v0 =	vmul.f32 v41, v15;
	v15 =	vld [tilespmem:s19+$0x5C0]  }
0x15e: {  	[tilespmem:s19+$0x560] =	vst v1;
	v1 =	vmul.f32 v40, v16;
	v16 =	vld [tilespmem:s19+$0x5D0]  }
0x15f: {  	[tilespmem:s19+$0x570] =	vst v0;
	v0 =	vmul.f32 v39, v13;
	v13 =	vld [tilespmem:s19+$0x5E0]  }
0x160: {  	v60 =	vld [tilespmem:s19+$0x5F0];
	[tilespmem:s19+$0x580] =	vst v1;
	v1 =	vmul.f32 v38, v59  }
0x161: {  	[tilespmem:s19+$0x590] =	vst v0;
	v0 =	vmul.f32 v37, v14;
	v14 =	vld [tilespmem:s19+$0x600]  }
0x162: {  	[tilespmem:s19+$0x5A0] =	vst v1;
	v1 =	vmul.f32 v36, v15;
	v15 =	vld [tilespmem:s19+$0x610]  }
0x163: {  	[tilespmem:s19+$0x5B0] =	vst v0;
	v0 =	vmul.f32 v35, v16;
	v16 =	vld [tilespmem:s19+$0x620]  }
0x164: {  	[tilespmem:s19+$0x5C0] =	vst v1;
	v1 =	vmul.f32 v34, v13;
	v13 =	vld [tilespmem:s19+$0x630]  }
0x165: {  	v61 =	vld [tilespmem:s19+$0x640];
	[tilespmem:s19+$0x5D0] =	vst v0;
	v0 =	vmul.f32 v33, v60  }
0x166: {  	[tilespmem:s19+$0x5E0] =	vst v1;
	v1 =	vmul.f32 v32, v14;
	v14 =	vld [tilespmem:s19+$0x650]  }
0x167: {  	[tilespmem:s19+$0x5F0] =	vst v0;
	v0 =	vmul.f32 v31, v15;
	v15 =	vld [tilespmem:s19+$0x660]  }
0x168: {  	[tilespmem:s19+$0x600] =	vst v1;
	v1 =	vmul.f32 v30, v16;
	v16 =	vld [tilespmem:s19+$0x670]  }
0x169: {  	[tilespmem:s19+$0x610] =	vst v0;
	v0 =	vmul.f32 v29, v13;
	v13 =	vld [tilespmem:s19+$0x680]  }
0x16a: {  	v62 =	vld [tilespmem:s19+$0x690];
	[tilespmem:s19+$0x620] =	vst v1;
	v1 =	vmul.f32 v28, v61  }
0x16b: {  	[tilespmem:s19+$0x630] =	vst v0;
	v0 =	vmul.f32 v27, v14;
	v14 =	vld [tilespmem:s19+$0x6A0]  }
0x16c: {  	[tilespmem:s19+$0x640] =	vst v1;
	v1 =	vmul.f32 v26, v15;
	v15 =	vld [tilespmem:s19+$0x6B0]  }
0x16d: {  	[tilespmem:s19+$0x650] =	vst v0;
	v0 =	vmul.f32 v25, v16;
	v16 =	vld [tilespmem:s19+$0x6C0]  }
0x16e: {  	[tilespmem:s19+$0x660] =	vst v1;
	v1 =	vmul.f32 v24, v13;
	v13 =	vld [tilespmem:s19+$0x6D0]  }
0x16f: {  	v63 =	vld [tilespmem:s19+$0x6E0];
	[tilespmem:s19+$0x670] =	vst v0;
	v0 =	vmul.f32 v23, v62  }
0x170: {  	[tilespmem:s19+$0x680] =	vst v1;
	v1 =	vmul.f32 v22, v14;
	v14 =	vld [tilespmem:s19+$0x6F0]  }
0x171: {  	v9 =	vld [tilespmem:s19+$0x4710];
	[tilespmem:s19+$0x690] =	vst v0;
	v0 =	vmul.f32 v21, v15  }
0x172: {  	[tilespmem:s19+$0x6A0] =	vst v1;
	v1 =	vmul.f32 v20, v16;
	v16 =	vld [tilespmem:s19+$0x710]  }
0x173: {  	v11 =	vld [tilespmem:s19+$0x4730];
	[tilespmem:s19+$0x6B0] =	vst v0;
	v0 =	vmul.f32 v19, v13  }
0x174: {  	[tilespmem:s19+$0x6C0] =	vst v1;
	v1 =	vmul.f32 v18, v63;
	v18 =	vld [tilespmem:s19+$0x730]  }
0x175: {  	v15 =	vld [tilespmem:s19+$0x700];
	[tilespmem:s19+$0x6D0] =	vst v0;
	v0 =	vmul.f32 v7, v14;
	_ =	sdelay $0x1  }
0x176: {  	[tilespmem:s19+$0x6F0] =	vst v0;
	v0 =	vmul.f32 v9, v16;
	_ =	sdelay $0x1  }
0x177: {  	v10 =	vld [tilespmem:s19+$0x4720];
	[tilespmem:s19+$0x710] =	vst v0;
	v0 =	vmul.f32 v11, v18  }
0x178: {  	[tilespmem:s19+$0x6E0] =	vst v1;
	v1 =	vmul.f32 v8, v15;
	v8 =	vld [tilespmem:s19+$0x750]  }
0x179: {  	[tilespmem:s19+$0x730] =	vst v0;
	v0 =	vld [tilespmem:$0x1FF50]  }
0x17a: {  	v13 =	vld [tilespmem:s19+$0x720]  }
0x17b: {  	v12 =	vld [tilespmem:s19+$0x4740]  }
0x17c: {  	v7 =	vld [tilespmem:s19+$0x740]  }
0x17d: {  	v9 =	vld [tilespmem:s19+$0x760]  }
0x17e: {  	v8 =	vmul.f32 v0, v8;
	v0 =	vld [tilespmem:$0x1FF60]  }
0x17f: {  	v6 =	vld [tilespmem:s19+$0x47A0];
	[tilespmem:s19+$0x700] =	vst v1;
	v1 =	vmul.f32 v10, v13  }
0x180: {  	v5 =	vld [tilespmem:s19+$0x47B0]  }
0x181: {  	v4 =	vld [tilespmem:s19+$0x47C0];
	[tilespmem:s19+$0x720] =	vst v1;
	v1 =	vmul.f32 v12, v7  }
0x182: {  	v3 =	vld [tilespmem:s19+$0x47D0]  }
0x183: {  	v2 =	vld [tilespmem:s19+$0x47E0];
	[tilespmem:s19+$0x740] =	vst v1;
	v1 =	vmul.f32 v0, v9  }
0x184: {  	v11 =	vld [tilespmem:s19+$0x780]  }
0x185: {  	[tilespmem:s19+$0x760] =	vst v1;
	v1 =	vld [tilespmem:$0x1FF80]  }
0x186: {  	v17 =	vld [tilespmem:s19+$0x47F0]  }
0x187: {  	v10 =	vld [tilespmem:s19+$0x770]  }
0x188: {  	[tilespmem:s19+$0x750] =	vst v8;
	v8 =	vld [tilespmem:$0x1FF70]  }
0x189: {  	v7 =	vld [tilespmem:s19+$0x790]  }
0x18a: {  	p0 =	sne.s32 s24, $0x7000;
	v11 =	vmul.f32 v1, v11;
	v1 =	vld [tilespmem:$0x1FF90]  }
.Ltmp2:
0x18b: {  	v12 =	vld [tilespmem:s19+$0x7A0];
	(pc) =	sbr.rel @p0 .LBB2_7-.Ltmp2, $4  }
0x18c: {  	v0 =	vld [tilespmem:s19+$0x7B0]  }
0x18d: {  	v9 =	vld [tilespmem:s19+$0x7D0];
	v8 =	vmul.f32 v8, v10  }
0x18e: {  	v10 =	vld [tilespmem:s19+$0x7C0]  }
0x18f: {  	s24 =	sadd.s32 $0x1000, s24;
	[tilespmem:s19+$0x770] =	vst v8;
	v8 =	vmul.f32 v1, v7;
	v7 =	vld [tilespmem:s19+$0x7E0]  }
0x190: {  	_ = 	snop  }
0x191: {  	[tilespmem:s19+$0x780] =	vst v11;
	v1 =	vmul.f32 v6, v12;
	v6 =	vld [tilespmem:s19+$0x7F0]  }
0x192: {  	[tilespmem:s19+$0x790] =	vst v8;
	v0 =	vmul.f32 v5, v0  }
0x193: {  	[tilespmem:s19+$0x7A0] =	vst v1;
	v1 =	vmul.f32 v4, v10  }
0x194: {  	[tilespmem:s19+$0x7B0] =	vst v0;
	v0 =	vmul.f32 v3, v9  }
0x195: {  	[tilespmem:s19+$0x7C0] =	vst v1;
	v1 =	vmul.f32 v2, v7  }
0x196: {  	[tilespmem:s19+$0x7D0] =	vst v0;
	v0 =	vmul.f32 v17, v6  }
0x197: {  	[tilespmem:s19+$0x7E0] =	vst v1  }
0x198: {  	[tilespmem:s19+$0x7F0] =	vst v0  }
0x199: {  	[spmem:s4] =	stream.indirect.scatter.add.f32 [tilespmem:s28], [sflag:$0x5], $0x80, s1, s30, $0xb8;
	[tilespmem:$0x1E800] =	vst v63  }
0x19a: {  	v0 =	vld [tilespmem:$0x100];
	_ =	sdelay $0x4  }
0x19b: {  	(xrf1) =	vunique.msk.u32 $0xffff, v0;
	_ =	sdelay $0xd  }
0x19c: {  	_, v1, vm0 =	vpop (xrf1);
	_ =	sdelay $0x3  }
0x19d: {  	v1 =	vcvt.s32.f32 v1;
	_ =	sdelay $0x1  }
0x19e: {  	[tilespmem:v0+s8+$0x0] =	vst.idx.add.f32.msk vm0, v1  }
0x19f: {  	v0 =	vld [tilespmem:$0x110];
	_ =	sdelay $0x4  }
0x1a0: {  	(xrf1) =	vunique.msk.u32 $0xffff, v0;
	_ =	sdelay $0xd  }
0x1a1: {  	_, v1, vm0 =	vpop (xrf1);
	_ =	sdelay $0x3  }
0x1a2: {  	v1 =	vcvt.s32.f32 v1;
	_ =	sdelay $0x1  }
0x1a3: {  	[tilespmem:v0+s8+$0x0] =	vst.idx.add.f32.msk vm0, v1  }
0x1a4: {  	v0 =	vld [tilespmem:$0x120];
	_ =	sdelay $0x4  }
0x1a5: {  	(xrf1) =	vunique.msk.u32 $0xffff, v0;
	_ =	sdelay $0xd  }
0x1a6: {  	_, v1, vm0 =	vpop (xrf1);
	_ =	sdelay $0x3  }
0x1a7: {  	v1 =	vcvt.s32.f32 v1;
	_ =	sdelay $0x1  }
0x1a8: {  	[tilespmem:v0+s8+$0x0] =	vst.idx.add.f32.msk vm0, v1  }
0x1a9: {  	v0 =	vld [tilespmem:$0x130];
	_ =	sdelay $0x4  }
0x1aa: {  	(xrf1) =	vunique.msk.u32 $0xffff, v0;
	_ =	sdelay $0xd  }
0x1ab: {  	_, v1, vm0 =	vpop (xrf1);
	_ =	sdelay $0x3  }
0x1ac: {  	v1 =	vcvt.s32.f32 v1;
	_ =	sdelay $0x1  }
0x1ad: {  	p0 =	sge.u32 s16, s21;
	[tilespmem:v0+s8+$0x0] =	vst.idx.add.f32.msk vm0, v1  }
0x1ae: {  	s16 =	sadd.s32 @!p0 s16, s22;
	_ =	swait.ge [sflag:s9], $0x2000  }
0x1af: {  	s16 =	sshll.u32 @!p0 s16, $0x6;
	[sflag:s9] =	ssyncset.done $0x0  }
0x1b0: {  	s16 =	sadd.s32 @!p0 s6, s16;
	s19 =	simm.s32 @!p0 $0x0;
	[sflag:s9] =	ssyncadd.s32 $0xFFFFE000  }
0x1b1: {  	[tilespmem:s19], [sflag:$0x7] =	stream.linear.gather @!p0 [hbm4b:s16+s19], $0x180, $0x38;
	[tilespmem:$0x1E800] =	vst v63  }
0x1b2: {  	s16 =	simm.s32 @!p0 $0x7  }
0x1b3: {  	_ =	swait.ge @!p0 [sflag:s16], $0x180  }
0x1b4: {  	[sflag:s16] =	ssyncset.done @!p0 $0x0  }
0x1b5: {  	s24 =	simm.s32 @!p0 $0x400;
	[sflag:s16] =	ssyncadd.s32 @!p0 $0xFFFFFE80;
	s16 =	simm.s32 @!p0 $0x40  }
0x1b6: {  	[tilespmem:s24], [sflag:$0x1] =	stream.indirect.gather @!p0 [hbm4b:s2+s16], $0x80, s19, s16, $0xb8;
	[tilespmem:$0x1E800] =	vst v63  }
0x1b7: {  	s19 =	simm.s32 @!p0 $0x80;
	s24 =	simm.s32 @!p0 $0x4400  }
0x1b8: {  	[tilespmem:s24], [sflag:$0x3] =	stream.indirect.gather @!p0 [hbm4b:s3+s16], $0x80, s19, s16, $0xb8;
	[tilespmem:$0x1E800] =	vst v63  }
0x1b9: {  	_ =	swait.ge [sflag:s10], $0x2000  }
0x1ba: {  	[sflag:s10] =	ssyncset.done $0x0  }
0x1bb: {  	[sflag:s10] =	ssyncadd.s32 $0xFFFFE000  }
0x1bc: {  	_ =	swait.ge [sflag:s11], $0x2000  }
0x1bd: {  	[sflag:s11] =	ssyncset.done $0x0  }
0x1be: {  	s16 =	simm.s32 $0x0;
	[sflag:s11] =	ssyncadd.s32 $0xFFFFE000  }
0x1bf: {  	v34 =	vld [tilespmem:s16+$0x6400]  }
0x1c0: {  	v35 =	vld [tilespmem:s16+$0x6410]  }
0x1c1: {  	v36 =	vld [tilespmem:s16+$0x6420]  }
0x1c2: {  	v37 =	vld [tilespmem:s16+$0x6430]  }
0x1c3: {  	v38 =	vld [tilespmem:s16+$0x6440]  }
0x1c4: {  	v39 =	vld [tilespmem:s16+$0x6450]  }
0x1c5: {  	v40 =	vld [tilespmem:s16+$0x6460]  }
0x1c6: {  	v41 =	vld [tilespmem:s16+$0x6470]  }
0x1c7: {  	v42 =	vld [tilespmem:s16+$0x6480]  }
0x1c8: {  	v43 =	vld [tilespmem:s16+$0x6490]  }
0x1c9: {  	v44 =	vld [tilespmem:s16+$0x64A0]  }
0x1ca: {  	v45 =	vld [tilespmem:s16+$0x64B0]  }
0x1cb: {  	v46 =	vld [tilespmem:s16+$0x64C0]  }
0x1cc: {  	v47 =	vld [tilespmem:s16+$0x64D0]  }
0x1cd: {  	v48 =	vld [tilespmem:s16+$0x64E0]  }
0x1ce: {  	v49 =	vld [tilespmem:s16+$0x64F0]  }
0x1cf: {  	v50 =	vld [tilespmem:s16+$0x6500]  }
0x1d0: {  	v51 =	vld [tilespmem:s16+$0x6510]  }
0x1d1: {  	v52 =	vld [tilespmem:s16+$0x6520]  }
0x1d2: {  	v53 =	vld [tilespmem:s16+$0x6530]  }
0x1d3: {  	v54 =	vld [tilespmem:s16+$0x6540]  }
0x1d4: {  	v0 =	vld [tilespmem:s16+$0x6740]  }
0x1d5: {  	v55 =	vld [tilespmem:s16+$0x6550]  }
0x1d6: {  	v56 =	vld [tilespmem:s16+$0x6560]  }
0x1d7: {  	v57 =	vld [tilespmem:s16+$0x6570]  }
0x1d8: {  	v58 =	vld [tilespmem:s16+$0x6580]  }
0x1d9: {  	[tilespmem:$0x1FEF0] =	vst v0;
	v0 =	vld [tilespmem:s16+$0x6750]  }
0x1da: {  	v59 =	vld [tilespmem:s16+$0x6590]  }
0x1db: {  	v60 =	vld [tilespmem:s16+$0x65A0]  }
0x1dc: {  	v61 =	vld [tilespmem:s16+$0x65B0]  }
0x1dd: {  	v62 =	vld [tilespmem:s16+$0x65C0]  }
0x1de: {  	[tilespmem:$0x1FF00] =	vst v0;
	v0 =	vld [tilespmem:s16+$0x6760]  }
0x1df: {  	v63 =	vld [tilespmem:s16+$0x65D0]  }
0x1e0: {  	v33 =	vld [tilespmem:s16+$0x65E0]  }
0x1e1: {  	v32 =	vld [tilespmem:s16+$0x65F0]  }
0x1e2: {  	v31 =	vld [tilespmem:s16+$0x6600]  }
0x1e3: {  	[tilespmem:$0x1FF10] =	vst v0;
	v0 =	vld [tilespmem:s16+$0x6770]  }
0x1e4: {  	v30 =	vld [tilespmem:s16+$0x6610]  }
0x1e5: {  	v29 =	vld [tilespmem:s16+$0x6620]  }
0x1e6: {  	v28 =	vld [tilespmem:s16+$0x6630]  }
0x1e7: {  	v27 =	vld [tilespmem:s16+$0x6640]  }
0x1e8: {  	[tilespmem:$0x1FF20] =	vst v0;
	v0 =	vld [tilespmem:s16+$0x6780]  }
0x1e9: {  	v26 =	vld [tilespmem:s16+$0x6650]  }
0x1ea: {  	v25 =	vld [tilespmem:s16+$0x6660]  }
0x1eb: {  	v24 =	vld [tilespmem:s16+$0x6670]  }
0x1ec: {  	v12 =	vld [tilespmem:s16+$0x6680]  }
0x1ed: {  	[tilespmem:$0x1FF30] =	vst v0;
	v0 =	vld [tilespmem:s16+$0x6790]  }
0x1ee: {  	v23 =	vld [tilespmem:s16+$0x6690]  }
0x1ef: {  	v22 =	vld [tilespmem:s16+$0x66A0]  }
0x1f0: {  	v21 =	vld [tilespmem:s16+$0x66B0]  }
0x1f1: {  	v20 =	vld [tilespmem:s16+$0x66C0]  }
0x1f2: {  	[tilespmem:$0x1FF40] =	vst v0;
	v0 =	vld [tilespmem:s16+$0x2400]  }
0x1f3: {  	v19 =	vld [tilespmem:s16+$0x66D0]  }
0x1f4: {  	v8 =	vld [tilespmem:s16+$0x2420]  }
0x1f5: {  	v18 =	vld [tilespmem:s16+$0x66E0]  }
0x1f6: {  	v16 =	vld [tilespmem:s16+$0x66F0]  }
0x1f7: {  	v15 =	vld [tilespmem:s16+$0x6700];
	v0 =	vmul.f32 v34, v0  }
0x1f8: {  	v9 =	vld [tilespmem:s16+$0x2430]  }
0x1f9: {  	v8 =	vmul.f32 v36, v8;
	[tilespmem:s16+$0x2400] =	vst v0;
	v0 =	vld [tilespmem:s16+$0x2470]  }
0x1fa: {  	v14 =	vld [tilespmem:s16+$0x6710]  }
0x1fb: {  	[tilespmem:s16+$0x2420] =	vst v8;
	v8 =	vld [tilespmem:s16+$0x2490]  }
0x1fc: {  	v13 =	vld [tilespmem:s16+$0x6720]  }
0x1fd: {  	v1 =	vld [tilespmem:s16+$0x6730];
	v9 =	vmul.f32 v37, v9  }
0x1fe: {  	v11 =	vld [tilespmem:s16+$0x2460];
	v0 =	vmul.f32 v41, v0  }
0x1ff: {  	[tilespmem:s16+$0x2430] =	vst v9;
	v9 =	vld [tilespmem:s16+$0x24A0]  }
0x200: {  	v8 =	vmul.f32 v43, v8;
	[tilespmem:s16+$0x2470] =	vst v0;
	v0 =	vld [tilespmem:s16+$0x24E0]  }
0x201: {  	v7 =	vld [tilespmem:s16+$0x2410]  }
0x202: {  	[tilespmem:s16+$0x2490] =	vst v8;
	v8 =	vld [tilespmem:s16+$0x2500]  }
0x203: {  	v6 =	vld [tilespmem:s16+$0x67A0];
	v11 =	vmul.f32 v40, v11  }
0x204: {  	v10 =	vld [tilespmem:s16+$0x2440];
	v9 =	vmul.f32 v44, v9  }
0x205: {  	[tilespmem:s16+$0x2460] =	vst v11;
	v11 =	vld [tilespmem:s16+$0x24D0];
	v0 =	vmul.f32 v48, v0  }
0x206: {  	v7 =	vmul.f32 v35, v7;
	[tilespmem:s16+$0x24A0] =	vst v9;
	v9 =	vld [tilespmem:s16+$0x2510]  }
0x207: {  	v8 =	vmul.f32 v50, v8;
	[tilespmem:s16+$0x24E0] =	vst v0;
	v0 =	vld [tilespmem:s16+$0x2550]  }
0x208: {  	[tilespmem:s16+$0x2410] =	vst v7;
	v7 =	vld [tilespmem:s16+$0x2480]  }
0x209: {  	v10 =	vmul.f32 v38, v10;
	[tilespmem:s16+$0x2500] =	vst v8;
	v8 =	vld [tilespmem:s16+$0x2570]  }
0x20a: {  	v5 =	vld [tilespmem:s16+$0x67B0];
	v11 =	vmul.f32 v47, v11  }
0x20b: {  	[tilespmem:s16+$0x2440] =	vst v10;
	v10 =	vld [tilespmem:s16+$0x24B0];
	v9 =	vmul.f32 v51, v9  }
0x20c: {  	[tilespmem:s16+$0x24D0] =	vst v11;
	v11 =	vld [tilespmem:s16+$0x2540];
	v0 =	vmul.f32 v55, v0  }
0x20d: {  	v7 =	vmul.f32 v42, v7;
	[tilespmem:s16+$0x2510] =	vst v9;
	v9 =	vld [tilespmem:s16+$0x2580]  }
0x20e: {  	v8 =	vmul.f32 v57, v8;
	[tilespmem:s16+$0x2550] =	vst v0;
	v0 =	vld [tilespmem:s16+$0x25C0]  }
0x20f: {  	[tilespmem:s16+$0x2480] =	vst v7;
	v7 =	vld [tilespmem:s16+$0x24F0]  }
0x210: {  	v10 =	vmul.f32 v45, v10;
	[tilespmem:s16+$0x2570] =	vst v8;
	v8 =	vld [tilespmem:s16+$0x25E0]  }
0x211: {  	v4 =	vld [tilespmem:s16+$0x67C0];
	v11 =	vmul.f32 v54, v11  }
0x212: {  	[tilespmem:s16+$0x24B0] =	vst v10;
	v10 =	vld [tilespmem:s16+$0x2520];
	v9 =	vmul.f32 v58, v9  }
0x213: {  	[tilespmem:s16+$0x2540] =	vst v11;
	v11 =	vld [tilespmem:s16+$0x25B0];
	v0 =	vmul.f32 v62, v0  }
0x214: {  	v7 =	vmul.f32 v49, v7;
	[tilespmem:s16+$0x2580] =	vst v9;
	v9 =	vld [tilespmem:s16+$0x25F0]  }
0x215: {  	v8 =	vmul.f32 v33, v8;
	[tilespmem:s16+$0x25C0] =	vst v0;
	v0 =	vld [tilespmem:s16+$0x2630]  }
0x216: {  	[tilespmem:s16+$0x24F0] =	vst v7;
	v7 =	vld [tilespmem:s16+$0x2560]  }
0x217: {  	v10 =	vmul.f32 v52, v10;
	[tilespmem:s16+$0x25E0] =	vst v8;
	v8 =	vld [tilespmem:s16+$0x2650]  }
0x218: {  	v3 =	vld [tilespmem:s16+$0x67D0];
	v11 =	vmul.f32 v61, v11  }
0x219: {  	[tilespmem:s16+$0x2520] =	vst v10;
	v10 =	vld [tilespmem:s16+$0x2590];
	v9 =	vmul.f32 v32, v9  }
0x21a: {  	[tilespmem:s16+$0x25B0] =	vst v11;
	v11 =	vld [tilespmem:s16+$0x2620];
	v0 =	vmul.f32 v28, v0  }
0x21b: {  	v7 =	vmul.f32 v56, v7;
	[tilespmem:s16+$0x25F0] =	vst v9;
	v9 =	vld [tilespmem:s16+$0x2660]  }
0x21c: {  	v8 =	vmul.f32 v26, v8;
	[tilespmem:s16+$0x2630] =	vst v0;
	v0 =	vld [tilespmem:s16+$0x26A0]  }
0x21d: {  	[tilespmem:s16+$0x2560] =	vst v7;
	v7 =	vld [tilespmem:s16+$0x25D0]  }
0x21e: {  	v10 =	vmul.f32 v59, v10;
	[tilespmem:s16+$0x2650] =	vst v8;
	v8 =	vld [tilespmem:s16+$0x26C0]  }
0x21f: {  	v2 =	vld [tilespmem:s16+$0x67E0];
	v11 =	vmul.f32 v29, v11  }
0x220: {  	[tilespmem:s16+$0x2590] =	vst v10;
	v10 =	vld [tilespmem:s16+$0x2600];
	v9 =	vmul.f32 v25, v9  }
0x221: {  	[tilespmem:s16+$0x2620] =	vst v11;
	v11 =	vld [tilespmem:s16+$0x2690];
	v0 =	vmul.f32 v22, v0  }
0x222: {  	v7 =	vmul.f32 v63, v7;
	[tilespmem:s16+$0x2660] =	vst v9;
	v9 =	vld [tilespmem:s16+$0x26D0]  }
0x223: {  	v8 =	vmul.f32 v20, v8;
	[tilespmem:s16+$0x26A0] =	vst v0;
	v0 =	vld [tilespmem:s16+$0x2710]  }
0x224: {  	[tilespmem:s16+$0x25D0] =	vst v7;
	v7 =	vld [tilespmem:s16+$0x2640]  }
0x225: {  	v10 =	vmul.f32 v31, v10;
	[tilespmem:s16+$0x26C0] =	vst v8;
	v8 =	vld [tilespmem:s16+$0x2730]  }
0x226: {  	v40 =	vld [tilespmem:s16+$0x24C0];
	v11 =	vmul.f32 v23, v11  }
0x227: {  	[tilespmem:s16+$0x2600] =	vst v10;
	v10 =	vld [tilespmem:s16+$0x2670];
	v9 =	vmul.f32 v19, v9  }
0x228: {  	[tilespmem:s16+$0x2690] =	vst v11;
	v11 =	vld [tilespmem:s16+$0x2700];
	v0 =	vmul.f32 v14, v0  }
0x229: {  	v7 =	vmul.f32 v27, v7;
	[tilespmem:s16+$0x26D0] =	vst v9;
	v9 =	vld [tilespmem:s16+$0x2740]  }
0x22a: {  	[tilespmem:s16+$0x2710] =	vst v0;
	v0 =	vmul.f32 v1, v8;
	v1 =	vld [tilespmem:$0x1FEF0]  }
0x22b: {  	[tilespmem:s16+$0x2640] =	vst v7;
	v7 =	vld [tilespmem:s16+$0x26B0]  }
0x22c: {  	v47 =	vld [tilespmem:s16+$0x2530]  }
0x22d: {  	v63 =	vld [tilespmem:s16+$0x2680]  }
0x22e: {  	v11 =	vmul.f32 v15, v11;
	v15 =	vld [tilespmem:s16+$0x2760]  }
0x22f: {  	v10 =	vmul.f32 v24, v10;
	v8 =	vmul.f32 v1, v9;
	v1 =	vld [tilespmem:$0x1FF10]  }
0x230: {  	v34 =	vld [tilespmem:s16+$0x2450];
	v7 =	vmul.f32 v21, v7  }
0x231: {  	[tilespmem:s16+$0x2670] =	vst v10;
	v10 =	vld [tilespmem:s16+$0x26E0]  }
0x232: {  	[tilespmem:s16+$0x26B0] =	vst v7;
	v7 =	vld [tilespmem:s16+$0x2720]  }
0x233: {  	[tilespmem:s16+$0x2700] =	vst v11;
	v11 =	vld [tilespmem:s16+$0x2770]  }
0x234: {  	v12 =	vmul.f32 v12, v63;
	[tilespmem:s16+$0x2740] =	vst v8;
	v8 =	vmul.f32 v1, v15;
	v1 =	vld [tilespmem:$0x1FF20]  }
0x235: {  	v54 =	vld [tilespmem:s16+$0x25A0];
	v34 =	vmul.f32 v39, v34  }
0x236: {  	v61 =	vld [tilespmem:s16+$0x2610];
	[tilespmem:s16+$0x2680] =	vst v12  }
0x237: {  	v12 =	vld [tilespmem:s16+$0x26F0];
	[tilespmem:s16+$0x2450] =	vst v34;
	v34 =	vmul.f32 v46, v40  }
0x238: {  	v10 =	vmul.f32 v18, v10;
	v7 =	vmul.f32 v13, v7;
	v13 =	vld [tilespmem:s16+$0x2780]  }
0x239: {  	[tilespmem:s16+$0x24C0] =	vst v34;
	v11 =	vmul.f32 v1, v11;
	v1 =	vld [tilespmem:$0x1FF30]  }
0x23a: {  	v34 =	vmul.f32 v53, v47;
	[tilespmem:s16+$0x26E0] =	vst v10;
	v10 =	vld [tilespmem:s16+$0x2750]  }
0x23b: {  	[tilespmem:s16+$0x2730] =	vst v0;
	v0 =	vld [tilespmem:$0x1FF00]  }
0x23c: {  	v17 =	vld [tilespmem:s16+$0x67F0];
	[tilespmem:s16+$0x2530] =	vst v34  }
0x23d: {  	v12 =	vmul.f32 v16, v12;
	[tilespmem:s16+$0x2720] =	vst v7;
	v7 =	vld [tilespmem:s16+$0x2790]  }
0x23e: {  	v30 =	vmul.f32 v30, v61;
	[tilespmem:s16+$0x2770] =	vst v11;
	v11 =	vmul.f32 v1, v13;
	v1 =	vld [tilespmem:$0x1FF40]  }
0x23f: {  	v34 =	vmul.f32 v60, v54;
	[tilespmem:s16+$0x26F0] =	vst v12;
	v12 =	vld [tilespmem:s16+$0x27A0]  }
0x240: {  	[tilespmem:s16+$0x2610] =	vst v30;
	v9 =	vmul.f32 v0, v10;
	v0 =	vld [tilespmem:s16+$0x27B0]  }
0x241: {  	[tilespmem:s16+$0x25A0] =	vst v34;
	v10 =	vld [tilespmem:s16+$0x27C0]  }
0x242: {  	[tilespmem:s16+$0x2750] =	vst v9;
	v9 =	vld [tilespmem:s16+$0x27D0]  }
0x243: {  	s19 =	simm.s32 $0x1000;
	[tilespmem:s16+$0x2760] =	vst v8;
	v8 =	vmul.f32 v1, v7;
	v7 =	vld [tilespmem:s16+$0x27E0]  }
.LBB2_9:
0x244: {  	_ = 	snop  }
0x245: {  	s24 =	sshra.s32 s19, $0x2;
	[tilespmem:s16+$0x2780] =	vst v11;
	v11 =	vld [tilespmem:s16+$0x27F0];
	v6 =	vmul.f32 v6, v12  }
0x246: {  	v57 =	vld [tilespmem:s24+$0x6400];
	[tilespmem:s16+$0x2790] =	vst v8;
	v5 =	vmul.f32 v5, v0  }
0x247: {  	v0 =	vld [tilespmem:s24+$0x6410];
	v4 =	vmul.f32 v4, v10;
	[tilespmem:s16+$0x27A0] =	vst v6  }
0x248: {  	v3 =	vmul.f32 v3, v9;
	v60 =	vld [tilespmem:s24+$0x6420];
	[tilespmem:s16+$0x27B0] =	vst v5  }
0x249: {  	v2 =	vmul.f32 v2, v7;
	v61 =	vld [tilespmem:s24+$0x6430];
	[tilespmem:s16+$0x27C0] =	vst v4  }
0x24a: {  	v1 =	vmul.f32 v17, v11;
	v62 =	vld [tilespmem:s24+$0x6440];
	[tilespmem:s16+$0x27D0] =	vst v3  }
0x24b: {  	v63 =	vld [tilespmem:s24+$0x6450];
	[tilespmem:s16+$0x27E0] =	vst v2  }
0x24c: {  	v58 =	vld [tilespmem:s24+$0x6460];
	[tilespmem:s16+$0x27F0] =	vst v1;
	s16 =	smov.u32 s24  }
0x24d: {  	v59 =	vld [tilespmem:s16+$0x6470]  }
0x24e: {  	v56 =	vld [tilespmem:s16+$0x6480]  }
0x24f: {  	v55 =	vld [tilespmem:s16+$0x6490]  }
0x250: {  	v54 =	vld [tilespmem:s16+$0x64A0]  }
0x251: {  	v53 =	vld [tilespmem:s16+$0x64B0]  }
0x252: {  	v52 =	vld [tilespmem:s16+$0x64C0]  }
0x253: {  	v51 =	vld [tilespmem:s16+$0x64D0]  }
0x254: {  	v50 =	vld [tilespmem:s16+$0x64E0]  }
0x255: {  	v49 =	vld [tilespmem:s16+$0x64F0]  }
0x256: {  	v48 =	vld [tilespmem:s16+$0x6500]  }
0x257: {  	v47 =	vld [tilespmem:s16+$0x6510]  }
0x258: {  	v46 =	vld [tilespmem:s16+$0x6520]  }
0x259: {  	v45 =	vld [tilespmem:s16+$0x6530]  }
0x25a: {  	v44 =	vld [tilespmem:s16+$0x6540]  }
0x25b: {  	v43 =	vld [tilespmem:s16+$0x6550]  }
0x25c: {  	v42 =	vld [tilespmem:s16+$0x6560]  }
0x25d: {  	v41 =	vld [tilespmem:s16+$0x6570]  }
0x25e: {  	v40 =	vld [tilespmem:s16+$0x6580]  }
0x25f: {  	v39 =	vld [tilespmem:s16+$0x6590]  }
0x260: {  	v38 =	vld [tilespmem:s16+$0x65A0]  }
0x261: {  	v37 =	vld [tilespmem:s16+$0x65B0]  }
0x262: {  	v36 =	vld [tilespmem:s16+$0x65C0]  }
0x263: {  	v1 =	vld [tilespmem:s16+$0x6750]  }
0x264: {  	v35 =	vld [tilespmem:s16+$0x65D0]  }
0x265: {  	v34 =	vld [tilespmem:s16+$0x65E0]  }
0x266: {  	v33 =	vld [tilespmem:s16+$0x65F0]  }
0x267: {  	v32 =	vld [tilespmem:s16+$0x6600]  }
0x268: {  	[tilespmem:$0x1FEA0] =	vst v1;
	v1 =	vld [tilespmem:s16+$0x6760]  }
0x269: {  	v31 =	vld [tilespmem:s16+$0x6610]  }
0x26a: {  	v30 =	vld [tilespmem:s16+$0x6620]  }
0x26b: {  	v29 =	vld [tilespmem:s16+$0x6630]  }
0x26c: {  	v28 =	vld [tilespmem:s16+$0x6640]  }
0x26d: {  	[tilespmem:$0x1FEB0] =	vst v1;
	v1 =	vld [tilespmem:s16+$0x6770]  }
0x26e: {  	v27 =	vld [tilespmem:s16+$0x6650]  }
0x26f: {  	v26 =	vld [tilespmem:s16+$0x6660]  }
0x270: {  	v25 =	vld [tilespmem:s16+$0x6670]  }
0x271: {  	v24 =	vld [tilespmem:s16+$0x6680]  }
0x272: {  	[tilespmem:$0x1FEC0] =	vst v1;
	v1 =	vld [tilespmem:s16+$0x6780]  }
0x273: {  	v23 =	vld [tilespmem:s16+$0x6690]  }
0x274: {  	v22 =	vld [tilespmem:s16+$0x66A0]  }
0x275: {  	v21 =	vld [tilespmem:s16+$0x66B0]  }
0x276: {  	v20 =	vld [tilespmem:s16+$0x66C0]  }
0x277: {  	[tilespmem:$0x1FED0] =	vst v1;
	v1 =	vld [tilespmem:s16+$0x6790]  }
0x278: {  	v19 =	vld [tilespmem:s16+$0x66D0]  }
0x279: {  	v18 =	vld [tilespmem:s16+$0x66E0]  }
0x27a: {  	v7 =	vld [tilespmem:s16+$0x66F0]  }
0x27b: {  	v8 =	vld [tilespmem:s16+$0x6700]  }
0x27c: {  	[tilespmem:$0x1FEE0] =	vst v1;
	v1 =	vld [tilespmem:s16+$0x2400]  }
0x27d: {  	v13 =	vld [tilespmem:s16+$0x2410]  }
0x27e: {  	v14 =	vld [tilespmem:s16+$0x2420]  }
0x27f: {  	v15 =	vld [tilespmem:s16+$0x2430]  }
0x280: {  	v16 =	vld [tilespmem:s16+$0x2440]  }
0x281: {  	v1 =	vmul.f32 v57, v1;
	v57 =	vld [tilespmem:s16+$0x2450]  }
0x282: {  	v0 =	vmul.f32 v0, v13;
	v13 =	vld [tilespmem:s16+$0x2460]  }
0x283: {  	[tilespmem:s16+$0x2400] =	vst v1;
	v1 =	vmul.f32 v60, v14;
	v14 =	vld [tilespmem:s16+$0x2470]  }
0x284: {  	[tilespmem:s16+$0x2410] =	vst v0;
	v0 =	vmul.f32 v61, v15;
	v15 =	vld [tilespmem:s16+$0x2480]  }
0x285: {  	[tilespmem:s16+$0x2420] =	vst v1;
	v1 =	vmul.f32 v62, v16;
	v16 =	vld [tilespmem:s16+$0x2490]  }
0x286: {  	[tilespmem:s16+$0x2430] =	vst v0;
	v0 =	vmul.f32 v63, v57;
	v63 =	vld [tilespmem:s16+$0x24A0]  }
0x287: {  	[tilespmem:s16+$0x2440] =	vst v1;
	v1 =	vmul.f32 v58, v13;
	v13 =	vld [tilespmem:s16+$0x24B0]  }
0x288: {  	[tilespmem:s16+$0x2450] =	vst v0;
	v0 =	vmul.f32 v59, v14;
	v14 =	vld [tilespmem:s16+$0x24C0]  }
0x289: {  	[tilespmem:s16+$0x2460] =	vst v1;
	v1 =	vmul.f32 v56, v15;
	v15 =	vld [tilespmem:s16+$0x24D0]  }
0x28a: {  	[tilespmem:s16+$0x2470] =	vst v0;
	v0 =	vmul.f32 v55, v16;
	v16 =	vld [tilespmem:s16+$0x24E0]  }
0x28b: {  	v57 =	vld [tilespmem:s16+$0x24F0];
	[tilespmem:s16+$0x2480] =	vst v1;
	v1 =	vmul.f32 v54, v63  }
0x28c: {  	[tilespmem:s16+$0x2490] =	vst v0;
	v0 =	vmul.f32 v53, v13;
	v13 =	vld [tilespmem:s16+$0x2500]  }
0x28d: {  	[tilespmem:s16+$0x24A0] =	vst v1;
	v1 =	vmul.f32 v52, v14;
	v14 =	vld [tilespmem:s16+$0x2510]  }
0x28e: {  	[tilespmem:s16+$0x24B0] =	vst v0;
	v0 =	vmul.f32 v51, v15;
	v15 =	vld [tilespmem:s16+$0x2520]  }
0x28f: {  	[tilespmem:s16+$0x24C0] =	vst v1;
	v1 =	vmul.f32 v50, v16;
	v16 =	vld [tilespmem:s16+$0x2530]  }
0x290: {  	v58 =	vld [tilespmem:s16+$0x2540];
	[tilespmem:s16+$0x24D0] =	vst v0;
	v0 =	vmul.f32 v49, v57  }
0x291: {  	[tilespmem:s16+$0x24E0] =	vst v1;
	v1 =	vmul.f32 v48, v13;
	v13 =	vld [tilespmem:s16+$0x2550]  }
0x292: {  	[tilespmem:s16+$0x24F0] =	vst v0;
	v0 =	vmul.f32 v47, v14;
	v14 =	vld [tilespmem:s16+$0x2560]  }
0x293: {  	[tilespmem:s16+$0x2500] =	vst v1;
	v1 =	vmul.f32 v46, v15;
	v15 =	vld [tilespmem:s16+$0x2570]  }
0x294: {  	[tilespmem:s16+$0x2510] =	vst v0;
	v0 =	vmul.f32 v45, v16;
	v16 =	vld [tilespmem:s16+$0x2580]  }
0x295: {  	v59 =	vld [tilespmem:s16+$0x2590];
	[tilespmem:s16+$0x2520] =	vst v1;
	v1 =	vmul.f32 v44, v58  }
0x296: {  	[tilespmem:s16+$0x2530] =	vst v0;
	v0 =	vmul.f32 v43, v13;
	v13 =	vld [tilespmem:s16+$0x25A0]  }
0x297: {  	[tilespmem:s16+$0x2540] =	vst v1;
	v1 =	vmul.f32 v42, v14;
	v14 =	vld [tilespmem:s16+$0x25B0]  }
0x298: {  	[tilespmem:s16+$0x2550] =	vst v0;
	v0 =	vmul.f32 v41, v15;
	v15 =	vld [tilespmem:s16+$0x25C0]  }
0x299: {  	[tilespmem:s16+$0x2560] =	vst v1;
	v1 =	vmul.f32 v40, v16;
	v16 =	vld [tilespmem:s16+$0x25D0]  }
0x29a: {  	v60 =	vld [tilespmem:s16+$0x25E0];
	[tilespmem:s16+$0x2570] =	vst v0;
	v0 =	vmul.f32 v39, v59  }
0x29b: {  	[tilespmem:s16+$0x2580] =	vst v1;
	v1 =	vmul.f32 v38, v13;
	v13 =	vld [tilespmem:s16+$0x25F0]  }
0x29c: {  	[tilespmem:s16+$0x2590] =	vst v0;
	v0 =	vmul.f32 v37, v14;
	v14 =	vld [tilespmem:s16+$0x2600]  }
0x29d: {  	[tilespmem:s16+$0x25A0] =	vst v1;
	v1 =	vmul.f32 v36, v15;
	v15 =	vld [tilespmem:s16+$0x2610]  }
0x29e: {  	[tilespmem:s16+$0x25B0] =	vst v0;
	v0 =	vmul.f32 v35, v16;
	v16 =	vld [tilespmem:s16+$0x2620]  }
0x29f: {  	v61 =	vld [tilespmem:s16+$0x2630];
	[tilespmem:s16+$0x25C0] =	vst v1;
	v1 =	vmul.f32 v34, v60  }
0x2a0: {  	[tilespmem:s16+$0x25D0] =	vst v0;
	v0 =	vmul.f32 v33, v13;
	v13 =	vld [tilespmem:s16+$0x2640]  }
0x2a1: {  	[tilespmem:s16+$0x25E0] =	vst v1;
	v1 =	vmul.f32 v32, v14;
	v14 =	vld [tilespmem:s16+$0x2650]  }
0x2a2: {  	[tilespmem:s16+$0x25F0] =	vst v0;
	v0 =	vmul.f32 v31, v15;
	v15 =	vld [tilespmem:s16+$0x2660]  }
0x2a3: {  	[tilespmem:s16+$0x2600] =	vst v1;
	v1 =	vmul.f32 v30, v16;
	v16 =	vld [tilespmem:s16+$0x2670]  }
0x2a4: {  	v62 =	vld [tilespmem:s16+$0x2680];
	[tilespmem:s16+$0x2610] =	vst v0;
	v0 =	vmul.f32 v29, v61  }
0x2a5: {  	[tilespmem:s16+$0x2620] =	vst v1;
	v1 =	vmul.f32 v28, v13;
	v13 =	vld [tilespmem:s16+$0x2690]  }
0x2a6: {  	[tilespmem:s16+$0x2630] =	vst v0;
	v0 =	vmul.f32 v27, v14;
	v14 =	vld [tilespmem:s16+$0x26A0]  }
0x2a7: {  	[tilespmem:s16+$0x2640] =	vst v1;
	v1 =	vmul.f32 v26, v15;
	v15 =	vld [tilespmem:s16+$0x26B0]  }
0x2a8: {  	[tilespmem:s16+$0x2650] =	vst v0;
	v0 =	vmul.f32 v25, v16;
	v16 =	vld [tilespmem:s16+$0x26C0]  }
0x2a9: {  	v63 =	vld [tilespmem:s16+$0x26D0];
	[tilespmem:s16+$0x2660] =	vst v1;
	v1 =	vmul.f32 v24, v62  }
0x2aa: {  	[tilespmem:s16+$0x2670] =	vst v0;
	v0 =	vmul.f32 v23, v13;
	v13 =	vld [tilespmem:s16+$0x26E0]  }
0x2ab: {  	[tilespmem:s16+$0x2680] =	vst v1;
	v1 =	vmul.f32 v22, v14;
	v14 =	vld [tilespmem:s16+$0x26F0]  }
0x2ac: {  	v9 =	vld [tilespmem:s16+$0x6710];
	[tilespmem:s16+$0x2690] =	vst v0;
	v0 =	vmul.f32 v21, v15  }
0x2ad: {  	[tilespmem:s16+$0x26A0] =	vst v1;
	v1 =	vmul.f32 v20, v16;
	v16 =	vld [tilespmem:s16+$0x2710]  }
0x2ae: {  	v11 =	vld [tilespmem:s16+$0x6730];
	[tilespmem:s16+$0x26B0] =	vst v0;
	v0 =	vmul.f32 v19, v63  }
0x2af: {  	[tilespmem:s16+$0x26C0] =	vst v1;
	v1 =	vmul.f32 v18, v13;
	v13 =	vld [tilespmem:s16+$0x2730]  }
0x2b0: {  	v15 =	vld [tilespmem:s16+$0x2700];
	[tilespmem:s16+$0x26D0] =	vst v0;
	v0 =	vmul.f32 v7, v14;
	_ =	sdelay $0x1  }
0x2b1: {  	[tilespmem:s16+$0x26F0] =	vst v0;
	v0 =	vmul.f32 v9, v16;
	_ =	sdelay $0x1  }
0x2b2: {  	v10 =	vld [tilespmem:s16+$0x6720];
	[tilespmem:s16+$0x2710] =	vst v0;
	v0 =	vmul.f32 v11, v13  }
0x2b3: {  	[tilespmem:s16+$0x26E0] =	vst v1;
	v1 =	vmul.f32 v8, v15;
	v8 =	vld [tilespmem:s16+$0x2750]  }
0x2b4: {  	[tilespmem:s16+$0x2730] =	vst v0;
	v0 =	vld [tilespmem:$0x1FEA0]  }
0x2b5: {  	v19 =	vld [tilespmem:s16+$0x2720]  }
0x2b6: {  	v12 =	vld [tilespmem:s16+$0x6740]  }
0x2b7: {  	v7 =	vld [tilespmem:s16+$0x2740]  }
0x2b8: {  	v9 =	vld [tilespmem:s16+$0x2760]  }
0x2b9: {  	v8 =	vmul.f32 v0, v8;
	v0 =	vld [tilespmem:$0x1FEB0]  }
0x2ba: {  	v6 =	vld [tilespmem:s16+$0x67A0];
	[tilespmem:s16+$0x2700] =	vst v1;
	v1 =	vmul.f32 v10, v19  }
0x2bb: {  	v5 =	vld [tilespmem:s16+$0x67B0]  }
0x2bc: {  	v4 =	vld [tilespmem:s16+$0x67C0];
	[tilespmem:s16+$0x2720] =	vst v1;
	v1 =	vmul.f32 v12, v7  }
0x2bd: {  	v3 =	vld [tilespmem:s16+$0x67D0]  }
0x2be: {  	v2 =	vld [tilespmem:s16+$0x67E0];
	[tilespmem:s16+$0x2740] =	vst v1;
	v1 =	vmul.f32 v0, v9  }
0x2bf: {  	v11 =	vld [tilespmem:s16+$0x2780]  }
0x2c0: {  	[tilespmem:s16+$0x2760] =	vst v1;
	v1 =	vld [tilespmem:$0x1FED0]  }
0x2c1: {  	v17 =	vld [tilespmem:s16+$0x67F0]  }
0x2c2: {  	v10 =	vld [tilespmem:s16+$0x2770]  }
0x2c3: {  	[tilespmem:s16+$0x2750] =	vst v8;
	v8 =	vld [tilespmem:$0x1FEC0]  }
0x2c4: {  	v7 =	vld [tilespmem:s16+$0x2790]  }
0x2c5: {  	p0 =	sne.s32 s19, $0x7000;
	v11 =	vmul.f32 v1, v11;
	v1 =	vld [tilespmem:$0x1FEE0]  }
.Ltmp3:
0x2c6: {  	v12 =	vld [tilespmem:s16+$0x27A0];
	(pc) =	sbr.rel @p0 .LBB2_9-.Ltmp3, $4  }
0x2c7: {  	v0 =	vld [tilespmem:s16+$0x27B0]  }
0x2c8: {  	v9 =	vld [tilespmem:s16+$0x27D0];
	v8 =	vmul.f32 v8, v10  }
0x2c9: {  	v10 =	vld [tilespmem:s16+$0x27C0]  }
0x2ca: {  	s19 =	sadd.s32 $0x1000, s19;
	[tilespmem:s16+$0x2770] =	vst v8;
	v8 =	vmul.f32 v1, v7;
	v7 =	vld [tilespmem:s16+$0x27E0]  }
0x2cb: {  	[tilespmem:s16+$0x2780] =	vst v11;
	v1 =	vmul.f32 v6, v12;
	v58 =	vld [tilespmem:s16+$0x27F0]  }
0x2cc: {  	[tilespmem:s16+$0x2790] =	vst v8;
	v0 =	vmul.f32 v5, v0  }
0x2cd: {  	[tilespmem:s16+$0x27A0] =	vst v1;
	v60 =	vmul.f32 v3, v9  }
0x2ce: {  	v59 =	vmul.f32 v4, v10;
	[tilespmem:s16+$0x27B0] =	vst v0  }
0x2cf: {  	v61 =	vmul.f32 v2, v7;
	[tilespmem:s16+$0x27D0] =	vst v60  }
0x2d0: {  	[tilespmem:s16+$0x27C0] =	vst v59;
	v62 =	vmul.f32 v17, v58  }
0x2d1: {  	[tilespmem:s16+$0x27E0] =	vst v61  }
0x2d2: {  	[tilespmem:s16+$0x27F0] =	vst v62  }
0x2d3: {  	[spmem:s4] =	stream.indirect.scatter.add.f32 [tilespmem:s13], [sflag:$0x6], $0x80, s12, s30, $0xb8;
	[tilespmem:$0x1E800] =	vst v63  }
0x2d4: {  	v0 =	vld [tilespmem:$0x300];
	_ =	sdelay $0x4  }
0x2d5: {  	(xrf1) =	vunique.msk.u32 $0xffff, v0;
	_ =	sdelay $0xd  }
0x2d6: {  	_, v63, vm0 =	vpop (xrf1);
	_ =	sdelay $0x3  }
0x2d7: {  	v1 =	vcvt.s32.f32 v63;
	_ =	sdelay $0x1  }
0x2d8: {  	[tilespmem:v0+s8+$0x0] =	vst.idx.add.f32.msk vm0, v1  }
0x2d9: {  	v0 =	vld [tilespmem:$0x310];
	_ =	sdelay $0x4  }
0x2da: {  	(xrf1) =	vunique.msk.u32 $0xffff, v0;
	_ =	sdelay $0xd  }
0x2db: {  	_, v1, vm0 =	vpop (xrf1);
	_ =	sdelay $0x3  }
0x2dc: {  	v1 =	vcvt.s32.f32 v1;
	_ =	sdelay $0x1  }
0x2dd: {  	[tilespmem:v0+s8+$0x0] =	vst.idx.add.f32.msk vm0, v1  }
0x2de: {  	v0 =	vld [tilespmem:$0x320];
	_ =	sdelay $0x4  }
0x2df: {  	(xrf1) =	vunique.msk.u32 $0xffff, v0;
	_ =	sdelay $0xd  }
0x2e0: {  	_, v1, vm0 =	vpop (xrf1);
	_ =	sdelay $0x3  }
0x2e1: {  	v1 =	vcvt.s32.f32 v1;
	_ =	sdelay $0x1  }
0x2e2: {  	[tilespmem:v0+s8+$0x0] =	vst.idx.add.f32.msk vm0, v1  }
0x2e3: {  	v0 =	vld [tilespmem:$0x330];
	_ =	sdelay $0x4  }
0x2e4: {  	(xrf1) =	vunique.msk.u32 $0xffff, v0;
	_ =	sdelay $0xd  }
0x2e5: {  	s15 =	sadd.s32 $0x1, s15;
	_, v1, vm0 =	vpop (xrf1)  }
0x2e6: {  	p0 =	sne.s32 s15, s17  }
.Ltmp4:
0x2e7: {  	_ = 	snop;
	(pc) =	sbr.rel @p0 .LBB2_6-.Ltmp4, $3  }
0x2e8: {  	_ = 	snop  }
0x2e9: {  	v1 =	vcvt.s32.f32 v1;
	_ =	sdelay $0x1  }
0x2ea: {  	[tilespmem:v0+s8+$0x0] =	vst.idx.add.f32.msk vm0, v1  }
0x2eb: {  	_ =	swait.ge [sflag:s14], $0x2000  }
0x2ec: {  	[sflag:s14] =	ssyncset.done $0x0  }
0x2ed: {  	s15 =	stileid.u32;
	[sflag:s14] =	ssyncadd.s32 $0xFFFFE000  }
0x2ee: {  	s15 =	sshll.u32 s15, $0x6;
	[bflag:$0x0] =	sbarrier.arrive $0xFFFF  }
0x2ef: {  	s16 =	sshrl.u32 s7, $0x3;
	s15 =	sor.u32 $0x1C07, s15;
	s19 =	rddreg [dreg:$0xe]  }
0x2f0: {  	[hbm:s19], [sflag:s15] =	dma.local [spmem:s16], $0x2780  }
0x2f1: {  	_ =	swait.ge [sflag:s29], $0x2780  }
0x2f2: {  	[sflag:s29] =	ssyncset.done $0x0  }
0x2f3: {  	[sflag:s29] =	ssyncadd.s32 $0xFFFFD880  }
0x2f4: {  	[bflag:$0x0] =	sbarrier.arrive $0xFFFF  }
0x2f5: {  	[spmem:s23] =	stream.linear.scatter [tilespmem:s8], [sflag:$0x7], $0x2800, $0x38;
	[tilespmem:$0x1E800] =	vst v63  }
0x2f6: {  	_ =	swait.ge [sflag:s29], $0x2800  }
0x2f7: {  	[sflag:s29] =	ssyncset.done $0x0  }
0x2f8: {  	s19 =	sshrl.u32 s23, $0x3;
	s24 =	rddreg [dreg:$0xf];
	[sflag:s29] =	ssyncadd.s32 $0xFFFFD800  }
0x2f9: {  	[hbm:s24], [sflag:s15] =	dma.local [spmem:s19], $0x500  }
0x2fa: {  	_ =	swait.ge [sflag:s29], $0x500  }
0x2fb: {  	s5 =	sadd.s32 $0x1, s5;
	s25 =	rddreg [dreg:$0x10]  }
0x2fc: {  	p0 =	sne.s32 s5, s25  }
.Ltmp5:
0x2fd: {  	_ = 	snop;
	(pc) =	sbr.rel @p0 .LBB2_1-.Ltmp5, $3  }
0x2fe: {  	_ =	sdelay $0x1  }
0x2ff: {  	[sflag:s29] =	ssyncset.done $0x0  }
0x300: {  	v0 =	vimm.f32 $0.0e+00;
	[sflag:s29] =	ssyncadd.s32 $0xFFFFFB00  }
0x301: {  	_ =	sfence.sel $0x180000  }
0x302: {  	[bflag:$0x0] =	sbarrier.arrive $0xFFFF  }
0x303: {  	_ =	strace $0x90000047  }
0x304: {  	s0 =	stileid.u32;
	[bflag:$0x2] =	sbarrier.arrive $0xFFFF  }
0x305: {  	p0 =	sne.s32 s0, $0x0;
	s0 =	rddreg [dreg:$0x4]  }
0x306: {  	s0 =	sadd.s32 @!p0 $0x100000, s0  }
0x307: {  	[sflag:s0] =	ssyncadd.tile.s32 @!p0 $0x1;
	_ =	shalt  }
.Lfunc_end2:
_tile_overlayer_lowered:
.L_overlay_start_2:
0x308: {  	(tag) =	ssettag $0x2  }
0x309: {  	s0 =	rddreg [dreg:$0x0];
	s2 =	stileid.u32  }
0x30a: {  	s1 =	rddreg [dreg:$0x1];
	p0 =	sne.s32 s2, $0x0  }
0x30b: {  	s3 =	rddreg [dreg:$0x2];
	[bflag:$0x3] =	sbarrier.arrive $0xFFFF;
	s2 =	simm.s32 @!p0 $0x1C07  }
0x30c: {  	[timem:s3], [sflag:s2] =	dma.local @!p0 [hbm:s0], s1  }
0x30d: {  	s0 =	simm.s32 @!p0 $0x7  }
0x30e: {  	_ =	swait.ge @!p0 [sflag:s0], s1  }
0x30f: {  	s1 =	ssub.s32 @!p0 $0x0, s1;
	[sflag:s0] =	ssyncset.done @!p0 $0x0  }
0x310: {  	[sflag:s0] =	ssyncadd.s32 @!p0 s1  }
0x311: {  	[bflag:$0x3] =	sbarrier.arrive $0xFFFF  }
0x312: {  	_ =	shalt  }

</sc_bundles>
